<compile_context>
chip_gen: v7x
topology: tpu7x:2x2x1
jax: 0.10.2.dev20260603
libtpu: 0.0.44.dev20260713+nightly
codegen_flags: <defaults>
</compile_context>

<pallas_src>
import functools

import jax
import jax.numpy as jnp
from jax import lax
from jax.experimental import pallas as pl
from jax.experimental.pallas import tpu as pltpu
from jax.experimental.pallas import tpu_sc as plsc

NC, NS, L = 2, 16, 16
NW = NC * NS
F32 = jnp.float32


def _sc_mesh():
    return plsc.VectorSubcoreMesh(
        core_axis_name="c", subcore_axis_name="s", num_cores=NC, num_subcores=NS
    )


_SC_PARAMS = pltpu.CompilerParams(needs_layout_passes=False)


def _sc_deg(dst, n_pad):
    E = dst.shape[0]
    nw = NC * NS
    ept = E // nw
    assert ept * nw == E
    nfull = ept // L
    rem = ept - nfull * L
    nit = nfull + (1 if rem else 0)
    buf_len = nit * L

    @functools.partial(
        pl.kernel,
        mesh=_sc_mesh(),
        out_type=jax.ShapeDtypeStruct((nw, n_pad), F32),
        compiler_params=_SC_PARAMS,
        scratch_types=[
            pltpu.VMEM((buf_len,), jnp.int32),
            pltpu.VMEM((n_pad,), F32),
        ],
    )
    def body(dst_hbm, part_hbm, dstb, degloc):
        cid = lax.axis_index("c")
        sid = lax.axis_index("s")
        wid = cid * NS + sid
        base = wid * ept

        def zrow(r, carry):
            degloc[pl.ds(r * L, L)] = jnp.zeros((L,), F32)
            return carry

        lax.fori_loop(0, n_pad // L, zrow, 0)
        if rem:
            dstb[pl.ds(nfull * L, L)] = jnp.zeros((L,), jnp.int32)
        pltpu.sync_copy(dst_hbm.at[pl.ds(base, ept)], dstb.at[pl.ds(0, ept)])

        ones = jnp.ones((L,), F32)

        def hist(j, carry):
            v = dstb[pl.ds(j * L, L)]
            plsc.addupdate_scatter(degloc, [v], ones)
            return carry

        lax.fori_loop(0, nfull, hist, 0)
        if rem:
            v = dstb[pl.ds(nfull * L, L)]
            m = lax.iota(jnp.int32, L) < rem
            plsc.addupdate_scatter(degloc, [v], ones, mask=m)

        pltpu.sync_copy(degloc, part_hbm.at[wid])

    return body(dst)


def _sc_agg(xs, src, dst, nch, n):
    E = src.shape[0]
    C = xs.shape[1]
    ch_per_core = nch // NC
    assert ch_per_core * NC == nch
    tps = E // NS
    assert tps * NS == E
    K = 80
    assert K % L == 0
    nblk = tps // K
    assert nblk * K == tps
    NI = 8
    NR = 4
    GROUP = 8
    MAXOFS = 4
    ngrp = (nblk + MAXOFS + GROUP - 1) // GROUP
    rpt = next(c for c in range(8, n + 1, 8) if n % c == 0 and n // c <= NS)
    nti = n // rpt

    @functools.partial(
        pl.kernel,
        mesh=_sc_mesh(),
        out_type=jax.ShapeDtypeStruct((nch * n, C), F32),
        compiler_params=_SC_PARAMS,
        scratch_types=(
            [pltpu.VMEM_SHARED((n, C), F32)]
            + [pltpu.VMEM((K,), jnp.int32) for _ in range(2 * NI)]
            + [pltpu.VMEM((K, C), F32) for _ in range(NR)]
            + [pltpu.SemaphoreType.DMA for _ in range(2 * NI + 2 * NR)]
        ),
    )
    def body(xs_hbm, src_hbm, dst_hbm, out_hbm, acc_sp, *bufs):
        idxb = bufs[0:NI]
        dstb = bufs[NI:2 * NI]
        rowsb = bufs[2 * NI:2 * NI + NR]
        o = 2 * NI + NR
        sem_i = bufs[o:o + 2 * NI]
        sem_g = bufs[o + 2 * NI:o + 2 * NI + NR]
        sem_s = bufs[o + 2 * NI + NR:o + 2 * NI + 2 * NR]
        cid = lax.axis_index("c")
        sid = lax.axis_index("s")
        ebase = sid * tps

        def issue(b, pi, pr):
            sl = pl.ds(ebase + b * K, K)
            pltpu.make_async_copy(src_hbm.at[sl], idxb[pi], sem_i[pi]).start()
            pltpu.make_async_copy(dst_hbm.at[sl], dstb[pi], sem_i[NI + pi]).start()

        def gath(b, pi, pr, off):
            sl = pl.ds(ebase + b * K, K)
            pltpu.make_async_copy(src_hbm.at[sl], idxb[pi], sem_i[pi]).wait()
            for j in range(K // L):
                vsl = pl.ds(j * L, L)
                idxb[pi][vsl] = idxb[pi][vsl] + off
            pltpu.make_async_copy(xs_hbm.at[idxb[pi]], rowsb[pr], sem_g[pr]).start()

        def scat(b, pi, pr):
            sl = pl.ds(ebase + b * K, K)
            pltpu.make_async_copy(xs_hbm.at[idxb[pi]], rowsb[pr], sem_g[pr]).wait()
            pltpu.make_async_copy(dst_hbm.at[sl], dstb[pi], sem_i[NI + pi]).wait()
            pltpu.async_copy(rowsb[pr], acc_sp.at[dstb[pi]], sem_s[pr], add=True)

        def fin(b, pi, pr):
            pltpu.make_async_copy(rowsb[pr], acc_sp.at[dstb[pi]], sem_s[pr]).wait()

        stages = ((fin, 4), (issue, 0), (gath, 1), (scat, 3))


        for k in range(ch_per_core):
            off = (cid * ch_per_core + k) * n

            @pl.when(sid < nti)
            def _():
                pltpu.sync_copy(
                    xs_hbm.at[pl.ds(off + sid * rpt, rpt)],
                    acc_sp.at[pl.ds(sid * rpt, rpt)],
                )

            plsc.subcore_barrier()

            def grp(g, carry):
                for p in range(GROUP):
                    for fn, ofs in stages:
                        b = g * GROUP + p - ofs
                        pi = (p - ofs) % NI
                        pr = (p - ofs) % NR

                        @pl.when(jnp.logical_and(b >= 0, b < nblk))
                        def _(fn=fn, b=b, pi=pi, pr=pr):
                            if fn is gath:
                                fn(b, pi, pr, off)
                            else:
                                fn(b, pi, pr)

                return carry

            lax.fori_loop(0, ngrp, grp, 0)
            plsc.subcore_barrier()

            @pl.when(sid < nti)
            def _():
                pltpu.sync_copy(
                    acc_sp.at[pl.ds(sid * rpt, rpt)],
                    out_hbm.at[pl.ds(off + sid * rpt, rpt)],
                )

    return body(xs, src, dst)


def _tc_m1(x, w1, parr, bm):
    n, din = x.shape
    dout = w1.shape[1]
    nch = dout // 128
    nbi = n // bm

    def m1_body(x_ref, w_ref, p_ref, o_ref):
        p = p_ref[0]
        dis = lax.rsqrt(jnp.sum(p, axis=0) + 1.0)
        xw = jnp.dot(x_ref[...], w_ref[...], preferred_element_type=F32)
        xs = xw * dis[:, None]
        for c in range(nch):
            o_ref[c] = xs[:, c * 128:(c + 1) * 128]

    return pl.pallas_call(
        m1_body,
        grid=(nbi,),
        in_specs=[
            pl.BlockSpec((bm, din), lambda i: (i, 0)),
            pl.BlockSpec((din, dout), lambda i: (0, 0)),
            pl.BlockSpec((1, NW, bm), lambda i: (i, 0, 0)),
        ],
        out_specs=pl.BlockSpec((nch, bm, 128), lambda i: (0, i, 0)),
        out_shape=jax.ShapeDtypeStruct((nch, n, 128), F32),
    )(x, w1, parr)


def _tc_m2(acc1, parr, b1r, w2, n, bm):
    nch_in = b1r.shape[0]
    d_out = w2.shape[1]
    nch_out = d_out // 128
    nbi = n // bm

    def m2_body(a_ref, p_ref, b_ref, w_ref, o_ref, yacc):
        c = pl.program_id(1)
        p = p_ref[0]
        dis = lax.rsqrt(jnp.sum(p, axis=0) + 1.0)
        h = jnp.maximum(a_ref[0] * dis[:, None] + b_ref[0, 0], 0.0)
        y = jnp.dot(h, w_ref[...], preferred_element_type=F32)

        @pl.when(c == 0)
        def _():
            yacc[...] = jnp.zeros_like(yacc)

        yacc[...] += y

        @pl.when(c == nch_in - 1)
        def _():
            ys = yacc[...] * dis[:, None]
            for c2 in range(nch_out):
                o_ref[c2] = ys[:, c2 * 128:(c2 + 1) * 128]

    return pl.pallas_call(
        m2_body,
        grid=(nbi, nch_in),
        in_specs=[
            pl.BlockSpec((1, bm, 128), lambda i, c: (c, i, 0)),
            pl.BlockSpec((1, NW, bm), lambda i, c: (i, 0, 0)),
            pl.BlockSpec((1, 1, 128), lambda i, c: (c, 0, 0)),
            pl.BlockSpec((128, d_out), lambda i, c: (c, 0)),
        ],
        out_specs=pl.BlockSpec((nch_out, bm, 128), lambda i, c: (0, i, 0)),
        out_shape=jax.ShapeDtypeStruct((nch_out, n, 128), F32),
        scratch_shapes=[pltpu.VMEM((bm, d_out), F32)],
    )(acc1, parr, b1r, w2)


def _tc_f(acc2, parr, b2r, n, bm):
    nch = b2r.shape[0]
    nbi = n // bm

    def f_body(a_ref, p_ref, b_ref, o_ref):
        p = p_ref[0]
        dis = lax.rsqrt(jnp.sum(p, axis=0) + 1.0)
        for c2 in range(nch):
            o_ref[:, c2 * 128:(c2 + 1) * 128] = (
                a_ref[c2] * dis[:, None] + b_ref[c2, 0]
            )

    return pl.pallas_call(
        f_body,
        grid=(nbi,),
        in_specs=[
            pl.BlockSpec((nch, bm, 128), lambda i: (0, i, 0)),
            pl.BlockSpec((1, NW, bm), lambda i: (i, 0, 0)),
            pl.BlockSpec((nch, 1, 128), lambda i: (0, 0, 0)),
        ],
        out_specs=pl.BlockSpec((bm, nch * 128), lambda i: (i, 0)),
        out_shape=jax.ShapeDtypeStruct((n, nch * 128), F32),
    )(acc2, parr, b2r)


def kernel(x, edge_index, W1, b1, W2, b2):
    n, din = x.shape
    d_hid = W1.shape[1]
    d_out = W2.shape[1]
    nch1 = d_hid // 128
    nch2 = d_out // 128
    assert nch1 * 128 == d_hid and nch2 * 128 == d_out

    src = edge_index[0].astype(jnp.int32)
    dst = edge_index[1].astype(jnp.int32)

    n_pad = ((n + 2047) // 2048) * 2048
    partial = _sc_deg(dst, n_pad)

    bm = 5000
    nbi = n // bm
    assert nbi * bm == n
    p2 = partial[:, :n]
    parr = p2.reshape(NW, nbi, bm).transpose(1, 0, 2)

    xs1 = _tc_m1(x, W1, parr, bm)
    acc1 = _sc_agg(xs1.reshape(nch1 * n, 128), src, dst, nch1, n)

    xs2 = _tc_m2(
        acc1.reshape(nch1, n, 128), parr, b1.reshape(nch1, 1, 128), W2, n, bm
    )
    acc2 = _sc_agg(xs2.reshape(nch2 * n, 128), src, dst, nch2, n)

    return _tc_f(acc2.reshape(nch2, n, 128), parr, b2.reshape(nch2, 1, 128), n, bm)

# --- scband reference (transcript-rebuilt; emitter-appended) ---
"""Pipeline reference for scband-gcnencoder-16801912062629 (READ-ONLY COPY).

The authoritative reference and input builder live on the scoring server;
editing this copy changes nothing except your own understanding.
"""

import jax, jax.numpy as jnp
import numpy as np


def gcn_conv(x, edge_index, W, b):
    # Faithful GCNConv: add self-loops, x @ W, symmetric D^{-1/2} A D^{-1/2} aggregation, + bias
    N = x.shape[0]
    loop = jnp.arange(N, dtype=edge_index.dtype)
    src = jnp.concatenate([edge_index[0], loop])
    dst = jnp.concatenate([edge_index[1], loop])
    xw = x @ W
    ones = jnp.ones(src.shape[0], dtype=x.dtype)
    deg = jnp.zeros(N, dtype=x.dtype).at[dst].add(ones)
    deg_inv_sqrt = jnp.where(deg > 0, jax.lax.rsqrt(jnp.maximum(deg, 1e-12)), 0.0)
    norm = deg_inv_sqrt[src] * deg_inv_sqrt[dst]
    msgs = xw[src] * norm[:, None]
    out = jnp.zeros((N, W.shape[1]), dtype=x.dtype).at[dst].add(msgs)
    return out + b


def setup_inputs(seed: int = 0) -> dict:
    key = jax.random.key(seed)
    k1, k2, k3, k4 = jax.random.split(key, 4)
    N, E = 10000, 160000
    d_in, d_out = 256, 256
    d_hid = 2 * d_out  # GCNEncoder uses 2*out_channels hidden width
    x = jax.random.normal(k1, (N, d_in), dtype=jnp.float32)
    edge_index = jax.random.randint(k2, (2, E), 0, N)
    # glorot-style init for GCNConv weights
    W1 = jax.random.normal(k3, (d_in, d_hid), dtype=jnp.float32) * np.sqrt(2.0 / (d_in + d_hid))
    b1 = jnp.zeros((d_hid,), dtype=jnp.float32)
    W2 = jax.random.normal(k4, (d_hid, d_out), dtype=jnp.float32) * np.sqrt(2.0 / (d_hid + d_out))
    b2 = jnp.zeros((d_out,), dtype=jnp.float32)
    return {"x": x, "edge_index": edge_index, "W1": W1, "b1": b1, "W2": W2, "b2": b2}


def reference(x, edge_index, W1, b1, W2, b2):
    h = jax.nn.relu(gcn_conv(x, edge_index, W1, b1))
    return gcn_conv(h, edge_index, W2, b2)

if __name__ == "__main__":
    import jax
    _d = setup_inputs()
    print(jax.jit(kernel)(*tuple(_d.values())))

</pallas_src>

<mosaic_0001>
#map = affine_map<(d0, d1) -> (0, 0)>
#map1 = affine_map<(d0, d1) -> (0)>
module attributes {stable_mosaic.version = 14 : i64} {
  func.func @body(%arg0: i32, %arg1: i32, %arg2: memref<20000x128xf32, #tpu.memory_space<hbm>>, %arg3: memref<160000xi32, #tpu.memory_space<hbm>>, %arg4: memref<160000xi32, #tpu.memory_space<hbm>>, %arg5: memref<20000x128xf32, #tpu.memory_space<hbm>>, %arg6: memref<10000x128xf32, #tpu.memory_space<vmem_shared>>, %arg7: memref<80xi32, #tpu.memory_space<vmem>>, %arg8: memref<80xi32, #tpu.memory_space<vmem>>, %arg9: memref<80xi32, #tpu.memory_space<vmem>>, %arg10: memref<80xi32, #tpu.memory_space<vmem>>, %arg11: memref<80xi32, #tpu.memory_space<vmem>>, %arg12: memref<80xi32, #tpu.memory_space<vmem>>, %arg13: memref<80xi32, #tpu.memory_space<vmem>>, %arg14: memref<80xi32, #tpu.memory_space<vmem>>, %arg15: memref<80xi32, #tpu.memory_space<vmem>>, %arg16: memref<80xi32, #tpu.memory_space<vmem>>, %arg17: memref<80xi32, #tpu.memory_space<vmem>>, %arg18: memref<80xi32, #tpu.memory_space<vmem>>, %arg19: memref<80xi32, #tpu.memory_space<vmem>>, %arg20: memref<80xi32, #tpu.memory_space<vmem>>, %arg21: memref<80xi32, #tpu.memory_space<vmem>>, %arg22: memref<80xi32, #tpu.memory_space<vmem>>, %arg23: memref<80x128xf32, #tpu.memory_space<vmem>>, %arg24: memref<80x128xf32, #tpu.memory_space<vmem>>, %arg25: memref<80x128xf32, #tpu.memory_space<vmem>>, %arg26: memref<80x128xf32, #tpu.memory_space<vmem>>, %arg27: memref<!tpu.dma_semaphore, #tpu.memory_space<semaphore_mem>>, %arg28: memref<!tpu.dma_semaphore, #tpu.memory_space<semaphore_mem>>, %arg29: memref<!tpu.dma_semaphore, #tpu.memory_space<semaphore_mem>>, %arg30: memref<!tpu.dma_semaphore, #tpu.memory_space<semaphore_mem>>, %arg31: memref<!tpu.dma_semaphore, #tpu.memory_space<semaphore_mem>>, %arg32: memref<!tpu.dma_semaphore, #tpu.memory_space<semaphore_mem>>, %arg33: memref<!tpu.dma_semaphore, #tpu.memory_space<semaphore_mem>>, %arg34: memref<!tpu.dma_semaphore, #tpu.memory_space<semaphore_mem>>, %arg35: memref<!tpu.dma_semaphore, #tpu.memory_space<semaphore_mem>>, %arg36: memref<!tpu.dma_semaphore, #tpu.memory_space<semaphore_mem>>, %arg37: memref<!tpu.dma_semaphore, #tpu.memory_space<semaphore_mem>>, %arg38: memref<!tpu.dma_semaphore, #tpu.memory_space<semaphore_mem>>, %arg39: memref<!tpu.dma_semaphore, #tpu.memory_space<semaphore_mem>>, %arg40: memref<!tpu.dma_semaphore, #tpu.memory_space<semaphore_mem>>, %arg41: memref<!tpu.dma_semaphore, #tpu.memory_space<semaphore_mem>>, %arg42: memref<!tpu.dma_semaphore, #tpu.memory_space<semaphore_mem>>, %arg43: memref<!tpu.dma_semaphore, #tpu.memory_space<semaphore_mem>>, %arg44: memref<!tpu.dma_semaphore, #tpu.memory_space<semaphore_mem>>, %arg45: memref<!tpu.dma_semaphore, #tpu.memory_space<semaphore_mem>>, %arg46: memref<!tpu.dma_semaphore, #tpu.memory_space<semaphore_mem>>, %arg47: memref<!tpu.dma_semaphore, #tpu.memory_space<semaphore_mem>>, %arg48: memref<!tpu.dma_semaphore, #tpu.memory_space<semaphore_mem>>, %arg49: memref<!tpu.dma_semaphore, #tpu.memory_space<semaphore_mem>>, %arg50: memref<!tpu.dma_semaphore, #tpu.memory_space<semaphore_mem>>) attributes {dimension_semantics = [#tpu.dimension_semantics<core_parallel>, #tpu.dimension_semantics<subcore_parallel>], iteration_bounds = array<i64: 2, 16>, scalar_prefetch = 0 : i64, scratch_operands = 45 : i64, tpu.core_type = #tpu.core_type<sc_vector_subcore>, window_params = [{transform_indices = #map}, {transform_indices = #map1}, {transform_indices = #map1}, {transform_indices = #map}]} {
    %mul3A = arith.constant 10000 : i32
    %mul3A_0 = arith.muli %arg1, %mul3A : i32
    %mul3A_1 = arith.constant 1 : i32
    %mul3A_2 = arith.muli %arg0, %mul3A_1 : i32
    %add3A = arith.constant 0 : i32
    %add3A_3 = arith.addi %mul3A_2, %add3A : i32
    %mul3A_4 = arith.constant 10000 : i32
    %mul3A_5 = arith.muli %add3A_3, %mul3A_4 : i32
    %lt3A = arith.constant 10 : i32
    %lt3A_6 = arith.cmpi slt, %arg1, %lt3A : i32
    %convert_element_type3A = arith.extui %lt3A_6 : i1 to i32
    %cond3A = arith.constant 0 : i32
    %cond3A_7 = arith.cmpi ne, %convert_element_type3A, %cond3A : i32
    scf.if %cond3A_7 {
      %mul3A_19 = arith.constant 1000 : i32
      %mul3A_20 = arith.muli %arg1, %mul3A_19 : i32
      %add3A_21 = arith.addi %mul3A_5, %mul3A_20 : i32
      %mul3A_22 = arith.constant 1000 : i32
      %mul3A_23 = arith.muli %arg1, %mul3A_22 : i32
      "tpu.region"() ({
        %run_scoped3A = tpu.sem_alloc : memref<!tpu.dma_semaphore, #tpu.memory_space<semaphore_mem>>
        %dma_start3A = arith.constant 0 : i32
        %dma_start3A_24 = tpu.memref_slice %arg6[%mul3A_23, %dma_start3A] : memref<10000x128xf32, #tpu.memory_space<vmem_shared>> -> memref<1000x128xf32, #tpu.memory_space<vmem_shared>>
        %dma_start3A_25 = arith.constant 0 : i32
        %dma_start3A_26 = tpu.memref_slice %arg2[%add3A_21, %dma_start3A_25] : memref<20000x128xf32, #tpu.memory_space<hbm>> -> memref<1000x128xf32, #tpu.memory_space<hbm>>
        tpu.enqueue_dma source(%dma_start3A_26 : memref<1000x128xf32, #tpu.memory_space<hbm>>) target(%dma_start3A_24 : memref<1000x128xf32, #tpu.memory_space<vmem_shared>>) target_semaphore(%run_scoped3A : memref<!tpu.dma_semaphore, #tpu.memory_space<semaphore_mem>>)
        %dma_wait3A = arith.constant 0 : i32
        %dma_wait3A_27 = tpu.memref_slice %arg6[%mul3A_23, %dma_wait3A] : memref<10000x128xf32, #tpu.memory_space<vmem_shared>> -> memref<1000x128xf32, #tpu.memory_space<vmem_shared>>
        %dma_wait3A_28 = arith.constant 0 : i32
        %dma_wait3A_29 = tpu.memref_slice %arg2[%add3A_21, %dma_wait3A_28] : memref<20000x128xf32, #tpu.memory_space<hbm>> -> memref<1000x128xf32, #tpu.memory_space<hbm>>
        tpu.wait_dma2 semaphore(%run_scoped3A : memref<!tpu.dma_semaphore, #tpu.memory_space<semaphore_mem>>) src(%dma_wait3A_29 : memref<1000x128xf32, #tpu.memory_space<hbm>>) dst(%dma_wait3A_27 : memref<1000x128xf32, #tpu.memory_space<vmem_shared>>)
        tpu.yield
      }) : () -> ()
    } else {
    }
    %barrier3A = arith.constant 0 : index
    tpu.barrier barrier_id(%barrier3A)
    %scan3A = arith.constant 0 : i32
    %scan3A_8 = arith.constant 0 : i32
    %scan3A_9 = arith.constant 17 : i32
    %scan3A_10 = arith.addi %scan3A_8, %scan3A_9 : i32
    %scan3A_11 = arith.constant 1 : i32
    scf.for %scan3A_19 = %scan3A_8 to %scan3A_10 step %scan3A_11  : i32 {
      %mul3A_20 = arith.constant 8 : i32
      %mul3A_21 = arith.muli %scan3A_19, %mul3A_20 : i32
      %add3A_22 = arith.constant 0 : i32
      %add3A_23 = arith.addi %mul3A_21, %add3A_22 : i32
      %sub3A = arith.constant 4 : i32
      %sub3A_24 = arith.subi %add3A_23, %sub3A : i32
      %ge3A = arith.constant 0 : i32
      %ge3A_25 = arith.cmpi sge, %sub3A_24, %ge3A : i32
      %lt3A_26 = arith.constant 125 : i32
      %lt3A_27 = arith.cmpi slt, %sub3A_24, %lt3A_26 : i32
      %and3A = arith.andi %ge3A_25, %lt3A_27 : i1
      %convert_element_type3A_28 = arith.extui %and3A : i1 to i32
      %cond3A_29 = arith.constant 0 : i32
      %cond3A_30 = arith.cmpi ne, %convert_element_type3A_28, %cond3A_29 : i32
      scf.if %cond3A_30 {
        %dma_wait3A = arith.constant 0 : i32
        %dma_wait3A_465 = arith.constant 0 : i32
        %dma_wait3A_466 = tpu.memref_slice %arg6[%dma_wait3A, %dma_wait3A_465] : memref<10000x128xf32, #tpu.memory_space<vmem_shared>> -> memref<10000x128xf32, #tpu.memory_space<vmem_shared>>
        tpu.wait_indirect_dma semaphore(%arg47 : memref<!tpu.dma_semaphore, #tpu.memory_space<semaphore_mem>>) src(%arg23 : memref<80x128xf32, #tpu.memory_space<vmem>>) dst(%dma_wait3A_466 : memref<10000x128xf32, #tpu.memory_space<vmem_shared>>)
      } else {
      }
      %mul3A_31 = arith.constant 8 : i32
      %mul3A_32 = arith.muli %scan3A_19, %mul3A_31 : i32
      %add3A_33 = arith.constant 0 : i32
      %add3A_34 = arith.addi %mul3A_32, %add3A_33 : i32
      %sub3A_35 = arith.constant 0 : i32
      %sub3A_36 = arith.subi %add3A_34, %sub3A_35 : i32
      %ge3A_37 = arith.constant 0 : i32
      %ge3A_38 = arith.cmpi sge, %sub3A_36, %ge3A_37 : i32
      %lt3A_39 = arith.constant 125 : i32
      %lt3A_40 = arith.cmpi slt, %sub3A_36, %lt3A_39 : i32
      %and3A_41 = arith.andi %ge3A_38, %lt3A_40 : i1
      %convert_element_type3A_42 = arith.extui %and3A_41 : i1 to i32
      %cond3A_43 = arith.constant 0 : i32
      %cond3A_44 = arith.cmpi ne, %convert_element_type3A_42, %cond3A_43 : i32
      scf.if %cond3A_44 {
        %mul3A_465 = arith.constant 80 : i32
        %mul3A_466 = arith.muli %sub3A_36, %mul3A_465 : i32
        %add3A_467 = arith.addi %mul3A_0, %mul3A_466 : i32
        %dma_start3A = tpu.memref_slice %arg3[%add3A_467] : memref<160000xi32, #tpu.memory_space<hbm>> -> memref<80xi32, #tpu.memory_space<hbm>>
        %dma_start3A_468 = tpu.memref_slice %arg3[%add3A_467] : memref<160000xi32, #tpu.memory_space<hbm>> -> memref<80xi32, #tpu.memory_space<hbm>>
        tpu.enqueue_dma source(%dma_start3A_468 : memref<80xi32, #tpu.memory_space<hbm>>) target(%arg7 : memref<80xi32, #tpu.memory_space<vmem>>) target_semaphore(%arg27 : memref<!tpu.dma_semaphore, #tpu.memory_space<semaphore_mem>>)
        %dma_start3A_469 = tpu.memref_slice %arg4[%add3A_467] : memref<160000xi32, #tpu.memory_space<hbm>> -> memref<80xi32, #tpu.memory_space<hbm>>
        %dma_start3A_470 = tpu.memref_slice %arg4[%add3A_467] : memref<160000xi32, #tpu.memory_space<hbm>> -> memref<80xi32, #tpu.memory_space<hbm>>
        tpu.enqueue_dma source(%dma_start3A_470 : memref<80xi32, #tpu.memory_space<hbm>>) target(%arg15 : memref<80xi32, #tpu.memory_space<vmem>>) target_semaphore(%arg35 : memref<!tpu.dma_semaphore, #tpu.memory_space<semaphore_mem>>)
      } else {
      }
      %mul3A_45 = arith.constant 8 : i32
      %mul3A_46 = arith.muli %scan3A_19, %mul3A_45 : i32
      %add3A_47 = arith.constant 0 : i32
      %add3A_48 = arith.addi %mul3A_46, %add3A_47 : i32
      %sub3A_49 = arith.constant 1 : i32
      %sub3A_50 = arith.subi %add3A_48, %sub3A_49 : i32
      %ge3A_51 = arith.constant 0 : i32
      %ge3A_52 = arith.cmpi sge, %sub3A_50, %ge3A_51 : i32
      %lt3A_53 = arith.constant 125 : i32
      %lt3A_54 = arith.cmpi slt, %sub3A_50, %lt3A_53 : i32
      %and3A_55 = arith.andi %ge3A_52, %lt3A_54 : i1
      %convert_element_type3A_56 = arith.extui %and3A_55 : i1 to i32
      %cond3A_57 = arith.constant 0 : i32
      %cond3A_58 = arith.cmpi ne, %convert_element_type3A_56, %cond3A_57 : i32
      scf.if %cond3A_58 {
        %mul3A_465 = arith.constant 80 : i32
        %mul3A_466 = arith.muli %sub3A_50, %mul3A_465 : i32
        %add3A_467 = arith.addi %mul3A_0, %mul3A_466 : i32
        %dma_wait3A = tpu.memref_slice %arg3[%add3A_467] : memref<160000xi32, #tpu.memory_space<hbm>> -> memref<80xi32, #tpu.memory_space<hbm>>
        %dma_wait3A_468 = tpu.memref_slice %arg3[%add3A_467] : memref<160000xi32, #tpu.memory_space<hbm>> -> memref<80xi32, #tpu.memory_space<hbm>>
        tpu.wait_dma2 semaphore(%arg34 : memref<!tpu.dma_semaphore, #tpu.memory_space<semaphore_mem>>) src(%dma_wait3A_468 : memref<80xi32, #tpu.memory_space<hbm>>) dst(%arg14 : memref<80xi32, #tpu.memory_space<vmem>>)
        %get3A = arith.constant 0 : index
        %get3A_469 = tpu.vector_load %arg14[%get3A] {strides = array<i32>} : memref<80xi32, #tpu.memory_space<vmem>>, vector<16xi32>,
        %add3A_470 = vector.broadcast %mul3A_5 : i32 to vector<16xi32>
        %add3A_471 = arith.addi %get3A_469, %add3A_470 : vector<16xi32>
        %swap3A = arith.constant 0 : index
        %swap3A_472 = tpu.vector_load %arg14[%swap3A] {strides = array<i32>} : memref<80xi32, #tpu.memory_space<vmem>>, vector<16xi32>,
        tpu.vector_store %arg14[%swap3A], %add3A_471 {strides = array<i32>} : memref<80xi32, #tpu.memory_space<vmem>>, vector<16xi32>,
        %get3A_473 = arith.constant 16 : index
        %get3A_474 = tpu.vector_load %arg14[%get3A_473] {strides = array<i32>} : memref<80xi32, #tpu.memory_space<vmem>>, vector<16xi32>,
        %add3A_475 = vector.broadcast %mul3A_5 : i32 to vector<16xi32>
        %add3A_476 = arith.addi %get3A_474, %add3A_475 : vector<16xi32>
        %swap3A_477 = arith.constant 16 : index
        %swap3A_478 = tpu.vector_load %arg14[%swap3A_477] {strides = array<i32>} : memref<80xi32, #tpu.memory_space<vmem>>, vector<16xi32>,
        tpu.vector_store %arg14[%swap3A_477], %add3A_476 {strides = array<i32>} : memref<80xi32, #tpu.memory_space<vmem>>, vector<16xi32>,
        %get3A_479 = arith.constant 32 : index
        %get3A_480 = tpu.vector_load %arg14[%get3A_479] {strides = array<i32>} : memref<80xi32, #tpu.memory_space<vmem>>, vector<16xi32>,
        %add3A_481 = vector.broadcast %mul3A_5 : i32 to vector<16xi32>
        %add3A_482 = arith.addi %get3A_480, %add3A_481 : vector<16xi32>
        %swap3A_483 = arith.constant 32 : index
        %swap3A_484 = tpu.vector_load %arg14[%swap3A_483] {strides = array<i32>} : memref<80xi32, #tpu.memory_space<vmem>>, vector<16xi32>,
        tpu.vector_store %arg14[%swap3A_483], %add3A_482 {strides = array<i32>} : memref<80xi32, #tpu.memory_space<vmem>>, vector<16xi32>,
        %get3A_485 = arith.constant 48 : index
        %get3A_486 = tpu.vector_load %arg14[%get3A_485] {strides = array<i32>} : memref<80xi32, #tpu.memory_space<vmem>>, vector<16xi32>,
        %add3A_487 = vector.broadcast %mul3A_5 : i32 to vector<16xi32>
        %add3A_488 = arith.addi %get3A_486, %add3A_487 : vector<16xi32>
        %swap3A_489 = arith.constant 48 : index
        %swap3A_490 = tpu.vector_load %arg14[%swap3A_489] {strides = array<i32>} : memref<80xi32, #tpu.memory_space<vmem>>, vector<16xi32>,
        tpu.vector_store %arg14[%swap3A_489], %add3A_488 {strides = array<i32>} : memref<80xi32, #tpu.memory_space<vmem>>, vector<16xi32>,
        %get3A_491 = arith.constant 64 : index
        %get3A_492 = tpu.vector_load %arg14[%get3A_491] {strides = array<i32>} : memref<80xi32, #tpu.memory_space<vmem>>, vector<16xi32>,
        %add3A_493 = vector.broadcast %mul3A_5 : i32 to vector<16xi32>
        %add3A_494 = arith.addi %get3A_492, %add3A_493 : vector<16xi32>
        %swap3A_495 = arith.constant 64 : index
        %swap3A_496 = tpu.vector_load %arg14[%swap3A_495] {strides = array<i32>} : memref<80xi32, #tpu.memory_space<vmem>>, vector<16xi32>,
        tpu.vector_store %arg14[%swap3A_495], %add3A_494 {strides = array<i32>} : memref<80xi32, #tpu.memory_space<vmem>>, vector<16xi32>,
        %dma_start3A = arith.constant 0 : i32
        %dma_start3A_497 = arith.constant 0 : i32
        %dma_start3A_498 = tpu.memref_slice %arg2[%dma_start3A, %dma_start3A_497] : memref<20000x128xf32, #tpu.memory_space<hbm>> -> memref<20000x128xf32, #tpu.memory_space<hbm>>
        tpu.enqueue_indirect_dma source(%dma_start3A_498 : memref<20000x128xf32, #tpu.memory_space<hbm>>) target(%arg26 : memref<80x128xf32, #tpu.memory_space<vmem>>) offsets(%arg14 : memref<80xi32, #tpu.memory_space<vmem>>) semaphore(%arg46 : memref<!tpu.dma_semaphore, #tpu.memory_space<semaphore_mem>>)
      } else {
      }
      %mul3A_59 = arith.constant 8 : i32
      %mul3A_60 = arith.muli %scan3A_19, %mul3A_59 : i32
      %add3A_61 = arith.constant 0 : i32
      %add3A_62 = arith.addi %mul3A_60, %add3A_61 : i32
      %sub3A_63 = arith.constant 3 : i32
      %sub3A_64 = arith.subi %add3A_62, %sub3A_63 : i32
      %ge3A_65 = arith.constant 0 : i32
      %ge3A_66 = arith.cmpi sge, %sub3A_64, %ge3A_65 : i32
      %lt3A_67 = arith.constant 125 : i32
      %lt3A_68 = arith.cmpi slt, %sub3A_64, %lt3A_67 : i32
      %and3A_69 = arith.andi %ge3A_66, %lt3A_68 : i1
      %convert_element_type3A_70 = arith.extui %and3A_69 : i1 to i32
      %cond3A_71 = arith.constant 0 : i32
      %cond3A_72 = arith.cmpi ne, %convert_element_type3A_70, %cond3A_71 : i32
      scf.if %cond3A_72 {
        %mul3A_465 = arith.constant 80 : i32
        %mul3A_466 = arith.muli %sub3A_64, %mul3A_465 : i32
        %add3A_467 = arith.addi %mul3A_0, %mul3A_466 : i32
        %dma_wait3A = arith.constant 0 : i32
        %dma_wait3A_468 = arith.constant 0 : i32
        %dma_wait3A_469 = tpu.memref_slice %arg2[%dma_wait3A, %dma_wait3A_468] : memref<20000x128xf32, #tpu.memory_space<hbm>> -> memref<20000x128xf32, #tpu.memory_space<hbm>>
        tpu.wait_indirect_dma semaphore(%arg44 : memref<!tpu.dma_semaphore, #tpu.memory_space<semaphore_mem>>) src(%dma_wait3A_469 : memref<20000x128xf32, #tpu.memory_space<hbm>>) dst(%arg24 : memref<80x128xf32, #tpu.memory_space<vmem>>)
        %dma_wait3A_470 = tpu.memref_slice %arg4[%add3A_467] : memref<160000xi32, #tpu.memory_space<hbm>> -> memref<80xi32, #tpu.memory_space<hbm>>
        %dma_wait3A_471 = tpu.memref_slice %arg4[%add3A_467] : memref<160000xi32, #tpu.memory_space<hbm>> -> memref<80xi32, #tpu.memory_space<hbm>>
        tpu.wait_dma2 semaphore(%arg40 : memref<!tpu.dma_semaphore, #tpu.memory_space<semaphore_mem>>) src(%dma_wait3A_471 : memref<80xi32, #tpu.memory_space<hbm>>) dst(%arg20 : memref<80xi32, #tpu.memory_space<vmem>>)
        %dma_start3A = arith.constant 0 : i32
        %dma_start3A_472 = arith.constant 0 : i32
        %dma_start3A_473 = tpu.memref_slice %arg6[%dma_start3A, %dma_start3A_472] : memref<10000x128xf32, #tpu.memory_space<vmem_shared>> -> memref<10000x128xf32, #tpu.memory_space<vmem_shared>>
        tpu.enqueue_indirect_dma source(%arg24 : memref<80x128xf32, #tpu.memory_space<vmem>>) target(%dma_start3A_473 : memref<10000x128xf32, #tpu.memory_space<vmem_shared>>) offsets(%arg20 : memref<80xi32, #tpu.memory_space<vmem>>) semaphore(%arg48 : memref<!tpu.dma_semaphore, #tpu.memory_space<semaphore_mem>>) {add = true}
      } else {
      }
      %mul3A_73 = arith.constant 8 : i32
      %mul3A_74 = arith.muli %scan3A_19, %mul3A_73 : i32
      %add3A_75 = arith.constant 1 : i32
      %add3A_76 = arith.addi %mul3A_74, %add3A_75 : i32
      %sub3A_77 = arith.constant 4 : i32
      %sub3A_78 = arith.subi %add3A_76, %sub3A_77 : i32
      %ge3A_79 = arith.constant 0 : i32
      %ge3A_80 = arith.cmpi sge, %sub3A_78, %ge3A_79 : i32
      %lt3A_81 = arith.constant 125 : i32
      %lt3A_82 = arith.cmpi slt, %sub3A_78, %lt3A_81 : i32
      %and3A_83 = arith.andi %ge3A_80, %lt3A_82 : i1
      %convert_element_type3A_84 = arith.extui %and3A_83 : i1 to i32
      %cond3A_85 = arith.constant 0 : i32
      %cond3A_86 = arith.cmpi ne, %convert_element_type3A_84, %cond3A_85 : i32
      scf.if %cond3A_86 {
        %dma_wait3A = arith.constant 0 : i32
        %dma_wait3A_465 = arith.constant 0 : i32
        %dma_wait3A_466 = tpu.memref_slice %arg6[%dma_wait3A, %dma_wait3A_465] : memref<10000x128xf32, #tpu.memory_space<vmem_shared>> -> memref<10000x128xf32, #tpu.memory_space<vmem_shared>>
        tpu.wait_indirect_dma semaphore(%arg48 : memref<!tpu.dma_semaphore, #tpu.memory_space<semaphore_mem>>) src(%arg24 : memref<80x128xf32, #tpu.memory_space<vmem>>) dst(%dma_wait3A_466 : memref<10000x128xf32, #tpu.memory_space<vmem_shared>>)
      } else {
      }
      %mul3A_87 = arith.constant 8 : i32
      %mul3A_88 = arith.muli %scan3A_19, %mul3A_87 : i32
      %add3A_89 = arith.constant 1 : i32
      %add3A_90 = arith.addi %mul3A_88, %add3A_89 : i32
      %sub3A_91 = arith.constant 0 : i32
      %sub3A_92 = arith.subi %add3A_90, %sub3A_91 : i32
      %ge3A_93 = arith.constant 0 : i32
      %ge3A_94 = arith.cmpi sge, %sub3A_92, %ge3A_93 : i32
      %lt3A_95 = arith.constant 125 : i32
      %lt3A_96 = arith.cmpi slt, %sub3A_92, %lt3A_95 : i32
      %and3A_97 = arith.andi %ge3A_94, %lt3A_96 : i1
      %convert_element_type3A_98 = arith.extui %and3A_97 : i1 to i32
      %cond3A_99 = arith.constant 0 : i32
      %cond3A_100 = arith.cmpi ne, %convert_element_type3A_98, %cond3A_99 : i32
      scf.if %cond3A_100 {
        %mul3A_465 = arith.constant 80 : i32
        %mul3A_466 = arith.muli %sub3A_92, %mul3A_465 : i32
        %add3A_467 = arith.addi %mul3A_0, %mul3A_466 : i32
        %dma_start3A = tpu.memref_slice %arg3[%add3A_467] : memref<160000xi32, #tpu.memory_space<hbm>> -> memref<80xi32, #tpu.memory_space<hbm>>
        %dma_start3A_468 = tpu.memref_slice %arg3[%add3A_467] : memref<160000xi32, #tpu.memory_space<hbm>> -> memref<80xi32, #tpu.memory_space<hbm>>
        tpu.enqueue_dma source(%dma_start3A_468 : memref<80xi32, #tpu.memory_space<hbm>>) target(%arg8 : memref<80xi32, #tpu.memory_space<vmem>>) target_semaphore(%arg28 : memref<!tpu.dma_semaphore, #tpu.memory_space<semaphore_mem>>)
        %dma_start3A_469 = tpu.memref_slice %arg4[%add3A_467] : memref<160000xi32, #tpu.memory_space<hbm>> -> memref<80xi32, #tpu.memory_space<hbm>>
        %dma_start3A_470 = tpu.memref_slice %arg4[%add3A_467] : memref<160000xi32, #tpu.memory_space<hbm>> -> memref<80xi32, #tpu.memory_space<hbm>>
        tpu.enqueue_dma source(%dma_start3A_470 : memref<80xi32, #tpu.memory_space<hbm>>) target(%arg16 : memref<80xi32, #tpu.memory_space<vmem>>) target_semaphore(%arg36 : memref<!tpu.dma_semaphore, #tpu.memory_space<semaphore_mem>>)
      } else {
      }
      %mul3A_101 = arith.constant 8 : i32
      %mul3A_102 = arith.muli %scan3A_19, %mul3A_101 : i32
      %add3A_103 = arith.constant 1 : i32
      %add3A_104 = arith.addi %mul3A_102, %add3A_103 : i32
      %sub3A_105 = arith.constant 1 : i32
      %sub3A_106 = arith.subi %add3A_104, %sub3A_105 : i32
      %ge3A_107 = arith.constant 0 : i32
      %ge3A_108 = arith.cmpi sge, %sub3A_106, %ge3A_107 : i32
      %lt3A_109 = arith.constant 125 : i32
      %lt3A_110 = arith.cmpi slt, %sub3A_106, %lt3A_109 : i32
      %and3A_111 = arith.andi %ge3A_108, %lt3A_110 : i1
      %convert_element_type3A_112 = arith.extui %and3A_111 : i1 to i32
      %cond3A_113 = arith.constant 0 : i32
      %cond3A_114 = arith.cmpi ne, %convert_element_type3A_112, %cond3A_113 : i32
      scf.if %cond3A_114 {
        %mul3A_465 = arith.constant 80 : i32
        %mul3A_466 = arith.muli %sub3A_106, %mul3A_465 : i32
        %add3A_467 = arith.addi %mul3A_0, %mul3A_466 : i32
        %dma_wait3A = tpu.memref_slice %arg3[%add3A_467] : memref<160000xi32, #tpu.memory_space<hbm>> -> memref<80xi32, #tpu.memory_space<hbm>>
        %dma_wait3A_468 = tpu.memref_slice %arg3[%add3A_467] : memref<160000xi32, #tpu.memory_space<hbm>> -> memref<80xi32, #tpu.memory_space<hbm>>
        tpu.wait_dma2 semaphore(%arg27 : memref<!tpu.dma_semaphore, #tpu.memory_space<semaphore_mem>>) src(%dma_wait3A_468 : memref<80xi32, #tpu.memory_space<hbm>>) dst(%arg7 : memref<80xi32, #tpu.memory_space<vmem>>)
        %get3A = arith.constant 0 : index
        %get3A_469 = tpu.vector_load %arg7[%get3A] {strides = array<i32>} : memref<80xi32, #tpu.memory_space<vmem>>, vector<16xi32>,
        %add3A_470 = vector.broadcast %mul3A_5 : i32 to vector<16xi32>
        %add3A_471 = arith.addi %get3A_469, %add3A_470 : vector<16xi32>
        %swap3A = arith.constant 0 : index
        %swap3A_472 = tpu.vector_load %arg7[%swap3A] {strides = array<i32>} : memref<80xi32, #tpu.memory_space<vmem>>, vector<16xi32>,
        tpu.vector_store %arg7[%swap3A], %add3A_471 {strides = array<i32>} : memref<80xi32, #tpu.memory_space<vmem>>, vector<16xi32>,
        %get3A_473 = arith.constant 16 : index
        %get3A_474 = tpu.vector_load %arg7[%get3A_473] {strides = array<i32>} : memref<80xi32, #tpu.memory_space<vmem>>, vector<16xi32>,
        %add3A_475 = vector.broadcast %mul3A_5 : i32 to vector<16xi32>
        %add3A_476 = arith.addi %get3A_474, %add3A_475 : vector<16xi32>
        %swap3A_477 = arith.constant 16 : index
        %swap3A_478 = tpu.vector_load %arg7[%swap3A_477] {strides = array<i32>} : memref<80xi32, #tpu.memory_space<vmem>>, vector<16xi32>,
        tpu.vector_store %arg7[%swap3A_477], %add3A_476 {strides = array<i32>} : memref<80xi32, #tpu.memory_space<vmem>>, vector<16xi32>,
        %get3A_479 = arith.constant 32 : index
        %get3A_480 = tpu.vector_load %arg7[%get3A_479] {strides = array<i32>} : memref<80xi32, #tpu.memory_space<vmem>>, vector<16xi32>,
        %add3A_481 = vector.broadcast %mul3A_5 : i32 to vector<16xi32>
        %add3A_482 = arith.addi %get3A_480, %add3A_481 : vector<16xi32>
        %swap3A_483 = arith.constant 32 : index
        %swap3A_484 = tpu.vector_load %arg7[%swap3A_483] {strides = array<i32>} : memref<80xi32, #tpu.memory_space<vmem>>, vector<16xi32>,
        tpu.vector_store %arg7[%swap3A_483], %add3A_482 {strides = array<i32>} : memref<80xi32, #tpu.memory_space<vmem>>, vector<16xi32>,
        %get3A_485 = arith.constant 48 : index
        %get3A_486 = tpu.vector_load %arg7[%get3A_485] {strides = array<i32>} : memref<80xi32, #tpu.memory_space<vmem>>, vector<16xi32>,
        %add3A_487 = vector.broadcast %mul3A_5 : i32 to vector<16xi32>
        %add3A_488 = arith.addi %get3A_486, %add3A_487 : vector<16xi32>
        %swap3A_489 = arith.constant 48 : index
        %swap3A_490 = tpu.vector_load %arg7[%swap3A_489] {strides = array<i32>} : memref<80xi32, #tpu.memory_space<vmem>>, vector<16xi32>,
        tpu.vector_store %arg7[%swap3A_489], %add3A_488 {strides = array<i32>} : memref<80xi32, #tpu.memory_space<vmem>>, vector<16xi32>,
        %get3A_491 = arith.constant 64 : index
        %get3A_492 = tpu.vector_load %arg7[%get3A_491] {strides = array<i32>} : memref<80xi32, #tpu.memory_space<vmem>>, vector<16xi32>,
        %add3A_493 = vector.broadcast %mul3A_5 : i32 to vector<16xi32>
        %add3A_494 = arith.addi %get3A_492, %add3A_493 : vector<16xi32>
        %swap3A_495 = arith.constant 64 : index
        %swap3A_496 = tpu.vector_load %arg7[%swap3A_495] {strides = array<i32>} : memref<80xi32, #tpu.memory_space<vmem>>, vector<16xi32>,
        tpu.vector_store %arg7[%swap3A_495], %add3A_494 {strides = array<i32>} : memref<80xi32, #tpu.memory_space<vmem>>, vector<16xi32>,
        %dma_start3A = arith.constant 0 : i32
        %dma_start3A_497 = arith.constant 0 : i32
        %dma_start3A_498 = tpu.memref_slice %arg2[%dma_start3A, %dma_start3A_497] : memref<20000x128xf32, #tpu.memory_space<hbm>> -> memref<20000x128xf32, #tpu.memory_space<hbm>>
        tpu.enqueue_indirect_dma source(%dma_start3A_498 : memref<20000x128xf32, #tpu.memory_space<hbm>>) target(%arg23 : memref<80x128xf32, #tpu.memory_space<vmem>>) offsets(%arg7 : memref<80xi32, #tpu.memory_space<vmem>>) semaphore(%arg43 : memref<!tpu.dma_semaphore, #tpu.memory_space<semaphore_mem>>)
      } else {
      }
      %mul3A_115 = arith.constant 8 : i32
      %mul3A_116 = arith.muli %scan3A_19, %mul3A_115 : i32
      %add3A_117 = arith.constant 1 : i32
      %add3A_118 = arith.addi %mul3A_116, %add3A_117 : i32
      %sub3A_119 = arith.constant 3 : i32
      %sub3A_120 = arith.subi %add3A_118, %sub3A_119 : i32
      %ge3A_121 = arith.constant 0 : i32
      %ge3A_122 = arith.cmpi sge, %sub3A_120, %ge3A_121 : i32
      %lt3A_123 = arith.constant 125 : i32
      %lt3A_124 = arith.cmpi slt, %sub3A_120, %lt3A_123 : i32
      %and3A_125 = arith.andi %ge3A_122, %lt3A_124 : i1
      %convert_element_type3A_126 = arith.extui %and3A_125 : i1 to i32
      %cond3A_127 = arith.constant 0 : i32
      %cond3A_128 = arith.cmpi ne, %convert_element_type3A_126, %cond3A_127 : i32
      scf.if %cond3A_128 {
        %mul3A_465 = arith.constant 80 : i32
        %mul3A_466 = arith.muli %sub3A_120, %mul3A_465 : i32
        %add3A_467 = arith.addi %mul3A_0, %mul3A_466 : i32
        %dma_wait3A = arith.constant 0 : i32
        %dma_wait3A_468 = arith.constant 0 : i32
        %dma_wait3A_469 = tpu.memref_slice %arg2[%dma_wait3A, %dma_wait3A_468] : memref<20000x128xf32, #tpu.memory_space<hbm>> -> memref<20000x128xf32, #tpu.memory_space<hbm>>
        tpu.wait_indirect_dma semaphore(%arg45 : memref<!tpu.dma_semaphore, #tpu.memory_space<semaphore_mem>>) src(%dma_wait3A_469 : memref<20000x128xf32, #tpu.memory_space<hbm>>) dst(%arg25 : memref<80x128xf32, #tpu.memory_space<vmem>>)
        %dma_wait3A_470 = tpu.memref_slice %arg4[%add3A_467] : memref<160000xi32, #tpu.memory_space<hbm>> -> memref<80xi32, #tpu.memory_space<hbm>>
        %dma_wait3A_471 = tpu.memref_slice %arg4[%add3A_467] : memref<160000xi32, #tpu.memory_space<hbm>> -> memref<80xi32, #tpu.memory_space<hbm>>
        tpu.wait_dma2 semaphore(%arg41 : memref<!tpu.dma_semaphore, #tpu.memory_space<semaphore_mem>>) src(%dma_wait3A_471 : memref<80xi32, #tpu.memory_space<hbm>>) dst(%arg21 : memref<80xi32, #tpu.memory_space<vmem>>)
        %dma_start3A = arith.constant 0 : i32
        %dma_start3A_472 = arith.constant 0 : i32
        %dma_start3A_473 = tpu.memref_slice %arg6[%dma_start3A, %dma_start3A_472] : memref<10000x128xf32, #tpu.memory_space<vmem_shared>> -> memref<10000x128xf32, #tpu.memory_space<vmem_shared>>
        tpu.enqueue_indirect_dma source(%arg25 : memref<80x128xf32, #tpu.memory_space<vmem>>) target(%dma_start3A_473 : memref<10000x128xf32, #tpu.memory_space<vmem_shared>>) offsets(%arg21 : memref<80xi32, #tpu.memory_space<vmem>>) semaphore(%arg49 : memref<!tpu.dma_semaphore, #tpu.memory_space<semaphore_mem>>) {add = true}
      } else {
      }
      %mul3A_129 = arith.constant 8 : i32
      %mul3A_130 = arith.muli %scan3A_19, %mul3A_129 : i32
      %add3A_131 = arith.constant 2 : i32
      %add3A_132 = arith.addi %mul3A_130, %add3A_131 : i32
      %sub3A_133 = arith.constant 4 : i32
      %sub3A_134 = arith.subi %add3A_132, %sub3A_133 : i32
      %ge3A_135 = arith.constant 0 : i32
      %ge3A_136 = arith.cmpi sge, %sub3A_134, %ge3A_135 : i32
      %lt3A_137 = arith.constant 125 : i32
      %lt3A_138 = arith.cmpi slt, %sub3A_134, %lt3A_137 : i32
      %and3A_139 = arith.andi %ge3A_136, %lt3A_138 : i1
      %convert_element_type3A_140 = arith.extui %and3A_139 : i1 to i32
      %cond3A_141 = arith.constant 0 : i32
      %cond3A_142 = arith.cmpi ne, %convert_element_type3A_140, %cond3A_141 : i32
      scf.if %cond3A_142 {
        %dma_wait3A = arith.constant 0 : i32
        %dma_wait3A_465 = arith.constant 0 : i32
        %dma_wait3A_466 = tpu.memref_slice %arg6[%dma_wait3A, %dma_wait3A_465] : memref<10000x128xf32, #tpu.memory_space<vmem_shared>> -> memref<10000x128xf32, #tpu.memory_space<vmem_shared>>
        tpu.wait_indirect_dma semaphore(%arg49 : memref<!tpu.dma_semaphore, #tpu.memory_space<semaphore_mem>>) src(%arg25 : memref<80x128xf32, #tpu.memory_space<vmem>>) dst(%dma_wait3A_466 : memref<10000x128xf32, #tpu.memory_space<vmem_shared>>)
      } else {
      }
      %mul3A_143 = arith.constant 8 : i32
      %mul3A_144 = arith.muli %scan3A_19, %mul3A_143 : i32
      %add3A_145 = arith.constant 2 : i32
      %add3A_146 = arith.addi %mul3A_144, %add3A_145 : i32
      %sub3A_147 = arith.constant 0 : i32
      %sub3A_148 = arith.subi %add3A_146, %sub3A_147 : i32
      %ge3A_149 = arith.constant 0 : i32
      %ge3A_150 = arith.cmpi sge, %sub3A_148, %ge3A_149 : i32
      %lt3A_151 = arith.constant 125 : i32
      %lt3A_152 = arith.cmpi slt, %sub3A_148, %lt3A_151 : i32
      %and3A_153 = arith.andi %ge3A_150, %lt3A_152 : i1
      %convert_element_type3A_154 = arith.extui %and3A_153 : i1 to i32
      %cond3A_155 = arith.constant 0 : i32
      %cond3A_156 = arith.cmpi ne, %convert_element_type3A_154, %cond3A_155 : i32
      scf.if %cond3A_156 {
        %mul3A_465 = arith.constant 80 : i32
        %mul3A_466 = arith.muli %sub3A_148, %mul3A_465 : i32
        %add3A_467 = arith.addi %mul3A_0, %mul3A_466 : i32
        %dma_start3A = tpu.memref_slice %arg3[%add3A_467] : memref<160000xi32, #tpu.memory_space<hbm>> -> memref<80xi32, #tpu.memory_space<hbm>>
        %dma_start3A_468 = tpu.memref_slice %arg3[%add3A_467] : memref<160000xi32, #tpu.memory_space<hbm>> -> memref<80xi32, #tpu.memory_space<hbm>>
        tpu.enqueue_dma source(%dma_start3A_468 : memref<80xi32, #tpu.memory_space<hbm>>) target(%arg9 : memref<80xi32, #tpu.memory_space<vmem>>) target_semaphore(%arg29 : memref<!tpu.dma_semaphore, #tpu.memory_space<semaphore_mem>>)
        %dma_start3A_469 = tpu.memref_slice %arg4[%add3A_467] : memref<160000xi32, #tpu.memory_space<hbm>> -> memref<80xi32, #tpu.memory_space<hbm>>
        %dma_start3A_470 = tpu.memref_slice %arg4[%add3A_467] : memref<160000xi32, #tpu.memory_space<hbm>> -> memref<80xi32, #tpu.memory_space<hbm>>
        tpu.enqueue_dma source(%dma_start3A_470 : memref<80xi32, #tpu.memory_space<hbm>>) target(%arg17 : memref<80xi32, #tpu.memory_space<vmem>>) target_semaphore(%arg37 : memref<!tpu.dma_semaphore, #tpu.memory_space<semaphore_mem>>)
      } else {
      }
      %mul3A_157 = arith.constant 8 : i32
      %mul3A_158 = arith.muli %scan3A_19, %mul3A_157 : i32
      %add3A_159 = arith.constant 2 : i32
      %add3A_160 = arith.addi %mul3A_158, %add3A_159 : i32
      %sub3A_161 = arith.constant 1 : i32
      %sub3A_162 = arith.subi %add3A_160, %sub3A_161 : i32
      %ge3A_163 = arith.constant 0 : i32
      %ge3A_164 = arith.cmpi sge, %sub3A_162, %ge3A_163 : i32
      %lt3A_165 = arith.constant 125 : i32
      %lt3A_166 = arith.cmpi slt, %sub3A_162, %lt3A_165 : i32
      %and3A_167 = arith.andi %ge3A_164, %lt3A_166 : i1
      %convert_element_type3A_168 = arith.extui %and3A_167 : i1 to i32
      %cond3A_169 = arith.constant 0 : i32
      %cond3A_170 = arith.cmpi ne, %convert_element_type3A_168, %cond3A_169 : i32
      scf.if %cond3A_170 {
        %mul3A_465 = arith.constant 80 : i32
        %mul3A_466 = arith.muli %sub3A_162, %mul3A_465 : i32
        %add3A_467 = arith.addi %mul3A_0, %mul3A_466 : i32
        %dma_wait3A = tpu.memref_slice %arg3[%add3A_467] : memref<160000xi32, #tpu.memory_space<hbm>> -> memref<80xi32, #tpu.memory_space<hbm>>
        %dma_wait3A_468 = tpu.memref_slice %arg3[%add3A_467] : memref<160000xi32, #tpu.memory_space<hbm>> -> memref<80xi32, #tpu.memory_space<hbm>>
        tpu.wait_dma2 semaphore(%arg28 : memref<!tpu.dma_semaphore, #tpu.memory_space<semaphore_mem>>) src(%dma_wait3A_468 : memref<80xi32, #tpu.memory_space<hbm>>) dst(%arg8 : memref<80xi32, #tpu.memory_space<vmem>>)
        %get3A = arith.constant 0 : index
        %get3A_469 = tpu.vector_load %arg8[%get3A] {strides = array<i32>} : memref<80xi32, #tpu.memory_space<vmem>>, vector<16xi32>,
        %add3A_470 = vector.broadcast %mul3A_5 : i32 to vector<16xi32>
        %add3A_471 = arith.addi %get3A_469, %add3A_470 : vector<16xi32>
        %swap3A = arith.constant 0 : index
        %swap3A_472 = tpu.vector_load %arg8[%swap3A] {strides = array<i32>} : memref<80xi32, #tpu.memory_space<vmem>>, vector<16xi32>,
        tpu.vector_store %arg8[%swap3A], %add3A_471 {strides = array<i32>} : memref<80xi32, #tpu.memory_space<vmem>>, vector<16xi32>,
        %get3A_473 = arith.constant 16 : index
        %get3A_474 = tpu.vector_load %arg8[%get3A_473] {strides = array<i32>} : memref<80xi32, #tpu.memory_space<vmem>>, vector<16xi32>,
        %add3A_475 = vector.broadcast %mul3A_5 : i32 to vector<16xi32>
        %add3A_476 = arith.addi %get3A_474, %add3A_475 : vector<16xi32>
        %swap3A_477 = arith.constant 16 : index
        %swap3A_478 = tpu.vector_load %arg8[%swap3A_477] {strides = array<i32>} : memref<80xi32, #tpu.memory_space<vmem>>, vector<16xi32>,
        tpu.vector_store %arg8[%swap3A_477], %add3A_476 {strides = array<i32>} : memref<80xi32, #tpu.memory_space<vmem>>, vector<16xi32>,
        %get3A_479 = arith.constant 32 : index
        %get3A_480 = tpu.vector_load %arg8[%get3A_479] {strides = array<i32>} : memref<80xi32, #tpu.memory_space<vmem>>, vector<16xi32>,
        %add3A_481 = vector.broadcast %mul3A_5 : i32 to vector<16xi32>
        %add3A_482 = arith.addi %get3A_480, %add3A_481 : vector<16xi32>
        %swap3A_483 = arith.constant 32 : index
        %swap3A_484 = tpu.vector_load %arg8[%swap3A_483] {strides = array<i32>} : memref<80xi32, #tpu.memory_space<vmem>>, vector<16xi32>,
        tpu.vector_store %arg8[%swap3A_483], %add3A_482 {strides = array<i32>} : memref<80xi32, #tpu.memory_space<vmem>>, vector<16xi32>,
        %get3A_485 = arith.constant 48 : index
        %get3A_486 = tpu.vector_load %arg8[%get3A_485] {strides = array<i32>} : memref<80xi32, #tpu.memory_space<vmem>>, vector<16xi32>,
        %add3A_487 = vector.broadcast %mul3A_5 : i32 to vector<16xi32>
        %add3A_488 = arith.addi %get3A_486, %add3A_487 : vector<16xi32>
        %swap3A_489 = arith.constant 48 : index
        %swap3A_490 = tpu.vector_load %arg8[%swap3A_489] {strides = array<i32>} : memref<80xi32, #tpu.memory_space<vmem>>, vector<16xi32>,
        tpu.vector_store %arg8[%swap3A_489], %add3A_488 {strides = array<i32>} : memref<80xi32, #tpu.memory_space<vmem>>, vector<16xi32>,
        %get3A_491 = arith.constant 64 : index
        %get3A_492 = tpu.vector_load %arg8[%get3A_491] {strides = array<i32>} : memref<80xi32, #tpu.memory_space<vmem>>, vector<16xi32>,
        %add3A_493 = vector.broadcast %mul3A_5 : i32 to vector<16xi32>
        %add3A_494 = arith.addi %get3A_492, %add3A_493 : vector<16xi32>
        %swap3A_495 = arith.constant 64 : index
        %swap3A_496 = tpu.vector_load %arg8[%swap3A_495] {strides = array<i32>} : memref<80xi32, #tpu.memory_space<vmem>>, vector<16xi32>,
        tpu.vector_store %arg8[%swap3A_495], %add3A_494 {strides = array<i32>} : memref<80xi32, #tpu.memory_space<vmem>>, vector<16xi32>,
        %dma_start3A = arith.constant 0 : i32
        %dma_start3A_497 = arith.constant 0 : i32
        %dma_start3A_498 = tpu.memref_slice %arg2[%dma_start3A, %dma_start3A_497] : memref<20000x128xf32, #tpu.memory_space<hbm>> -> memref<20000x128xf32, #tpu.memory_space<hbm>>
        tpu.enqueue_indirect_dma source(%dma_start3A_498 : memref<20000x128xf32, #tpu.memory_space<hbm>>) target(%arg24 : memref<80x128xf32, #tpu.memory_space<vmem>>) offsets(%arg8 : memref<80xi32, #tpu.memory_space<vmem>>) semaphore(%arg44 : memref<!tpu.dma_semaphore, #tpu.memory_space<semaphore_mem>>)
      } else {
      }
      %mul3A_171 = arith.constant 8 : i32
      %mul3A_172 = arith.muli %scan3A_19, %mul3A_171 : i32
      %add3A_173 = arith.constant 2 : i32
      %add3A_174 = arith.addi %mul3A_172, %add3A_173 : i32
      %sub3A_175 = arith.constant 3 : i32
      %sub3A_176 = arith.subi %add3A_174, %sub3A_175 : i32
      %ge3A_177 = arith.constant 0 : i32
      %ge3A_178 = arith.cmpi sge, %sub3A_176, %ge3A_177 : i32
      %lt3A_179 = arith.constant 125 : i32
      %lt3A_180 = arith.cmpi slt, %sub3A_176, %lt3A_179 : i32
      %and3A_181 = arith.andi %ge3A_178, %lt3A_180 : i1
      %convert_element_type3A_182 = arith.extui %and3A_181 : i1 to i32
      %cond3A_183 = arith.constant 0 : i32
      %cond3A_184 = arith.cmpi ne, %convert_element_type3A_182, %cond3A_183 : i32
      scf.if %cond3A_184 {
        %mul3A_465 = arith.constant 80 : i32
        %mul3A_466 = arith.muli %sub3A_176, %mul3A_465 : i32
        %add3A_467 = arith.addi %mul3A_0, %mul3A_466 : i32
        %dma_wait3A = arith.constant 0 : i32
        %dma_wait3A_468 = arith.constant 0 : i32
        %dma_wait3A_469 = tpu.memref_slice %arg2[%dma_wait3A, %dma_wait3A_468] : memref<20000x128xf32, #tpu.memory_space<hbm>> -> memref<20000x128xf32, #tpu.memory_space<hbm>>
        tpu.wait_indirect_dma semaphore(%arg46 : memref<!tpu.dma_semaphore, #tpu.memory_space<semaphore_mem>>) src(%dma_wait3A_469 : memref<20000x128xf32, #tpu.memory_space<hbm>>) dst(%arg26 : memref<80x128xf32, #tpu.memory_space<vmem>>)
        %dma_wait3A_470 = tpu.memref_slice %arg4[%add3A_467] : memref<160000xi32, #tpu.memory_space<hbm>> -> memref<80xi32, #tpu.memory_space<hbm>>
        %dma_wait3A_471 = tpu.memref_slice %arg4[%add3A_467] : memref<160000xi32, #tpu.memory_space<hbm>> -> memref<80xi32, #tpu.memory_space<hbm>>
        tpu.wait_dma2 semaphore(%arg42 : memref<!tpu.dma_semaphore, #tpu.memory_space<semaphore_mem>>) src(%dma_wait3A_471 : memref<80xi32, #tpu.memory_space<hbm>>) dst(%arg22 : memref<80xi32, #tpu.memory_space<vmem>>)
        %dma_start3A = arith.constant 0 : i32
        %dma_start3A_472 = arith.constant 0 : i32
        %dma_start3A_473 = tpu.memref_slice %arg6[%dma_start3A, %dma_start3A_472] : memref<10000x128xf32, #tpu.memory_space<vmem_shared>> -> memref<10000x128xf32, #tpu.memory_space<vmem_shared>>
        tpu.enqueue_indirect_dma source(%arg26 : memref<80x128xf32, #tpu.memory_space<vmem>>) target(%dma_start3A_473 : memref<10000x128xf32, #tpu.memory_space<vmem_shared>>) offsets(%arg22 : memref<80xi32, #tpu.memory_space<vmem>>) semaphore(%arg50 : memref<!tpu.dma_semaphore, #tpu.memory_space<semaphore_mem>>) {add = true}
      } else {
      }
      %mul3A_185 = arith.constant 8 : i32
      %mul3A_186 = arith.muli %scan3A_19, %mul3A_185 : i32
      %add3A_187 = arith.constant 3 : i32
      %add3A_188 = arith.addi %mul3A_186, %add3A_187 : i32
      %sub3A_189 = arith.constant 4 : i32
      %sub3A_190 = arith.subi %add3A_188, %sub3A_189 : i32
      %ge3A_191 = arith.constant 0 : i32
      %ge3A_192 = arith.cmpi sge, %sub3A_190, %ge3A_191 : i32
      %lt3A_193 = arith.constant 125 : i32
      %lt3A_194 = arith.cmpi slt, %sub3A_190, %lt3A_193 : i32
      %and3A_195 = arith.andi %ge3A_192, %lt3A_194 : i1
      %convert_element_type3A_196 = arith.extui %and3A_195 : i1 to i32
      %cond3A_197 = arith.constant 0 : i32
      %cond3A_198 = arith.cmpi ne, %convert_element_type3A_196, %cond3A_197 : i32
      scf.if %cond3A_198 {
        %dma_wait3A = arith.constant 0 : i32
        %dma_wait3A_465 = arith.constant 0 : i32
        %dma_wait3A_466 = tpu.memref_slice %arg6[%dma_wait3A, %dma_wait3A_465] : memref<10000x128xf32, #tpu.memory_space<vmem_shared>> -> memref<10000x128xf32, #tpu.memory_space<vmem_shared>>
        tpu.wait_indirect_dma semaphore(%arg50 : memref<!tpu.dma_semaphore, #tpu.memory_space<semaphore_mem>>) src(%arg26 : memref<80x128xf32, #tpu.memory_space<vmem>>) dst(%dma_wait3A_466 : memref<10000x128xf32, #tpu.memory_space<vmem_shared>>)
      } else {
      }
      %mul3A_199 = arith.constant 8 : i32
      %mul3A_200 = arith.muli %scan3A_19, %mul3A_199 : i32
      %add3A_201 = arith.constant 3 : i32
      %add3A_202 = arith.addi %mul3A_200, %add3A_201 : i32
      %sub3A_203 = arith.constant 0 : i32
      %sub3A_204 = arith.subi %add3A_202, %sub3A_203 : i32
      %ge3A_205 = arith.constant 0 : i32
      %ge3A_206 = arith.cmpi sge, %sub3A_204, %ge3A_205 : i32
      %lt3A_207 = arith.constant 125 : i32
      %lt3A_208 = arith.cmpi slt, %sub3A_204, %lt3A_207 : i32
      %and3A_209 = arith.andi %ge3A_206, %lt3A_208 : i1
      %convert_element_type3A_210 = arith.extui %and3A_209 : i1 to i32
      %cond3A_211 = arith.constant 0 : i32
      %cond3A_212 = arith.cmpi ne, %convert_element_type3A_210, %cond3A_211 : i32
      scf.if %cond3A_212 {
        %mul3A_465 = arith.constant 80 : i32
        %mul3A_466 = arith.muli %sub3A_204, %mul3A_465 : i32
        %add3A_467 = arith.addi %mul3A_0, %mul3A_466 : i32
        %dma_start3A = tpu.memref_slice %arg3[%add3A_467] : memref<160000xi32, #tpu.memory_space<hbm>> -> memref<80xi32, #tpu.memory_space<hbm>>
        %dma_start3A_468 = tpu.memref_slice %arg3[%add3A_467] : memref<160000xi32, #tpu.memory_space<hbm>> -> memref<80xi32, #tpu.memory_space<hbm>>
        tpu.enqueue_dma source(%dma_start3A_468 : memref<80xi32, #tpu.memory_space<hbm>>) target(%arg10 : memref<80xi32, #tpu.memory_space<vmem>>) target_semaphore(%arg30 : memref<!tpu.dma_semaphore, #tpu.memory_space<semaphore_mem>>)
        %dma_start3A_469 = tpu.memref_slice %arg4[%add3A_467] : memref<160000xi32, #tpu.memory_space<hbm>> -> memref<80xi32, #tpu.memory_space<hbm>>
        %dma_start3A_470 = tpu.memref_slice %arg4[%add3A_467] : memref<160000xi32, #tpu.memory_space<hbm>> -> memref<80xi32, #tpu.memory_space<hbm>>
        tpu.enqueue_dma source(%dma_start3A_470 : memref<80xi32, #tpu.memory_space<hbm>>) target(%arg18 : memref<80xi32, #tpu.memory_space<vmem>>) target_semaphore(%arg38 : memref<!tpu.dma_semaphore, #tpu.memory_space<semaphore_mem>>)
      } else {
      }
      %mul3A_213 = arith.constant 8 : i32
      %mul3A_214 = arith.muli %scan3A_19, %mul3A_213 : i32
      %add3A_215 = arith.constant 3 : i32
      %add3A_216 = arith.addi %mul3A_214, %add3A_215 : i32
      %sub3A_217 = arith.constant 1 : i32
      %sub3A_218 = arith.subi %add3A_216, %sub3A_217 : i32
      %ge3A_219 = arith.constant 0 : i32
      %ge3A_220 = arith.cmpi sge, %sub3A_218, %ge3A_219 : i32
      %lt3A_221 = arith.constant 125 : i32
      %lt3A_222 = arith.cmpi slt, %sub3A_218, %lt3A_221 : i32
      %and3A_223 = arith.andi %ge3A_220, %lt3A_222 : i1
      %convert_element_type3A_224 = arith.extui %and3A_223 : i1 to i32
      %cond3A_225 = arith.constant 0 : i32
      %cond3A_226 = arith.cmpi ne, %convert_element_type3A_224, %cond3A_225 : i32
      scf.if %cond3A_226 {
        %mul3A_465 = arith.constant 80 : i32
        %mul3A_466 = arith.muli %sub3A_218, %mul3A_465 : i32
        %add3A_467 = arith.addi %mul3A_0, %mul3A_466 : i32
        %dma_wait3A = tpu.memref_slice %arg3[%add3A_467] : memref<160000xi32, #tpu.memory_space<hbm>> -> memref<80xi32, #tpu.memory_space<hbm>>
        %dma_wait3A_468 = tpu.memref_slice %arg3[%add3A_467] : memref<160000xi32, #tpu.memory_space<hbm>> -> memref<80xi32, #tpu.memory_space<hbm>>
        tpu.wait_dma2 semaphore(%arg29 : memref<!tpu.dma_semaphore, #tpu.memory_space<semaphore_mem>>) src(%dma_wait3A_468 : memref<80xi32, #tpu.memory_space<hbm>>) dst(%arg9 : memref<80xi32, #tpu.memory_space<vmem>>)
        %get3A = arith.constant 0 : index
        %get3A_469 = tpu.vector_load %arg9[%get3A] {strides = array<i32>} : memref<80xi32, #tpu.memory_space<vmem>>, vector<16xi32>,
        %add3A_470 = vector.broadcast %mul3A_5 : i32 to vector<16xi32>
        %add3A_471 = arith.addi %get3A_469, %add3A_470 : vector<16xi32>
        %swap3A = arith.constant 0 : index
        %swap3A_472 = tpu.vector_load %arg9[%swap3A] {strides = array<i32>} : memref<80xi32, #tpu.memory_space<vmem>>, vector<16xi32>,
        tpu.vector_store %arg9[%swap3A], %add3A_471 {strides = array<i32>} : memref<80xi32, #tpu.memory_space<vmem>>, vector<16xi32>,
        %get3A_473 = arith.constant 16 : index
        %get3A_474 = tpu.vector_load %arg9[%get3A_473] {strides = array<i32>} : memref<80xi32, #tpu.memory_space<vmem>>, vector<16xi32>,
        %add3A_475 = vector.broadcast %mul3A_5 : i32 to vector<16xi32>
        %add3A_476 = arith.addi %get3A_474, %add3A_475 : vector<16xi32>
        %swap3A_477 = arith.constant 16 : index
        %swap3A_478 = tpu.vector_load %arg9[%swap3A_477] {strides = array<i32>} : memref<80xi32, #tpu.memory_space<vmem>>, vector<16xi32>,
        tpu.vector_store %arg9[%swap3A_477], %add3A_476 {strides = array<i32>} : memref<80xi32, #tpu.memory_space<vmem>>, vector<16xi32>,
        %get3A_479 = arith.constant 32 : index
        %get3A_480 = tpu.vector_load %arg9[%get3A_479] {strides = array<i32>} : memref<80xi32, #tpu.memory_space<vmem>>, vector<16xi32>,
        %add3A_481 = vector.broadcast %mul3A_5 : i32 to vector<16xi32>
        %add3A_482 = arith.addi %get3A_480, %add3A_481 : vector<16xi32>
        %swap3A_483 = arith.constant 32 : index
        %swap3A_484 = tpu.vector_load %arg9[%swap3A_483] {strides = array<i32>} : memref<80xi32, #tpu.memory_space<vmem>>, vector<16xi32>,
        tpu.vector_store %arg9[%swap3A_483], %add3A_482 {strides = array<i32>} : memref<80xi32, #tpu.memory_space<vmem>>, vector<16xi32>,
        %get3A_485 = arith.constant 48 : index
        %get3A_486 = tpu.vector_load %arg9[%get3A_485] {strides = array<i32>} : memref<80xi32, #tpu.memory_space<vmem>>, vector<16xi32>,
        %add3A_487 = vector.broadcast %mul3A_5 : i32 to vector<16xi32>
        %add3A_488 = arith.addi %get3A_486, %add3A_487 : vector<16xi32>
        %swap3A_489 = arith.constant 48 : index
        %swap3A_490 = tpu.vector_load %arg9[%swap3A_489] {strides = array<i32>} : memref<80xi32, #tpu.memory_space<vmem>>, vector<16xi32>,
        tpu.vector_store %arg9[%swap3A_489], %add3A_488 {strides = array<i32>} : memref<80xi32, #tpu.memory_space<vmem>>, vector<16xi32>,
        %get3A_491 = arith.constant 64 : index
        %get3A_492 = tpu.vector_load %arg9[%get3A_491] {strides = array<i32>} : memref<80xi32, #tpu.memory_space<vmem>>, vector<16xi32>,
        %add3A_493 = vector.broadcast %mul3A_5 : i32 to vector<16xi32>
        %add3A_494 = arith.addi %get3A_492, %add3A_493 : vector<16xi32>
        %swap3A_495 = arith.constant 64 : index
        %swap3A_496 = tpu.vector_load %arg9[%swap3A_495] {strides = array<i32>} : memref<80xi32, #tpu.memory_space<vmem>>, vector<16xi32>,
        tpu.vector_store %arg9[%swap3A_495], %add3A_494 {strides = array<i32>} : memref<80xi32, #tpu.memory_space<vmem>>, vector<16xi32>,
        %dma_start3A = arith.constant 0 : i32
        %dma_start3A_497 = arith.constant 0 : i32
        %dma_start3A_498 = tpu.memref_slice %arg2[%dma_start3A, %dma_start3A_497] : memref<20000x128xf32, #tpu.memory_space<hbm>> -> memref<20000x128xf32, #tpu.memory_space<hbm>>
        tpu.enqueue_indirect_dma source(%dma_start3A_498 : memref<20000x128xf32, #tpu.memory_space<hbm>>) target(%arg25 : memref<80x128xf32, #tpu.memory_space<vmem>>) offsets(%arg9 : memref<80xi32, #tpu.memory_space<vmem>>) semaphore(%arg45 : memref<!tpu.dma_semaphore, #tpu.memory_space<semaphore_mem>>)
      } else {
      }
      %mul3A_227 = arith.constant 8 : i32
      %mul3A_228 = arith.muli %scan3A_19, %mul3A_227 : i32
      %add3A_229 = arith.constant 3 : i32
      %add3A_230 = arith.addi %mul3A_228, %add3A_229 : i32
      %sub3A_231 = arith.constant 3 : i32
      %sub3A_232 = arith.subi %add3A_230, %sub3A_231 : i32
      %ge3A_233 = arith.constant 0 : i32
      %ge3A_234 = arith.cmpi sge, %sub3A_232, %ge3A_233 : i32
      %lt3A_235 = arith.constant 125 : i32
      %lt3A_236 = arith.cmpi slt, %sub3A_232, %lt3A_235 : i32
      %and3A_237 = arith.andi %ge3A_234, %lt3A_236 : i1
      %convert_element_type3A_238 = arith.extui %and3A_237 : i1 to i32
      %cond3A_239 = arith.constant 0 : i32
      %cond3A_240 = arith.cmpi ne, %convert_element_type3A_238, %cond3A_239 : i32
      scf.if %cond3A_240 {
        %mul3A_465 = arith.constant 80 : i32
        %mul3A_466 = arith.muli %sub3A_232, %mul3A_465 : i32
        %add3A_467 = arith.addi %mul3A_0, %mul3A_466 : i32
        %dma_wait3A = arith.constant 0 : i32
        %dma_wait3A_468 = arith.constant 0 : i32
        %dma_wait3A_469 = tpu.memref_slice %arg2[%dma_wait3A, %dma_wait3A_468] : memref<20000x128xf32, #tpu.memory_space<hbm>> -> memref<20000x128xf32, #tpu.memory_space<hbm>>
        tpu.wait_indirect_dma semaphore(%arg43 : memref<!tpu.dma_semaphore, #tpu.memory_space<semaphore_mem>>) src(%dma_wait3A_469 : memref<20000x128xf32, #tpu.memory_space<hbm>>) dst(%arg23 : memref<80x128xf32, #tpu.memory_space<vmem>>)
        %dma_wait3A_470 = tpu.memref_slice %arg4[%add3A_467] : memref<160000xi32, #tpu.memory_space<hbm>> -> memref<80xi32, #tpu.memory_space<hbm>>
        %dma_wait3A_471 = tpu.memref_slice %arg4[%add3A_467] : memref<160000xi32, #tpu.memory_space<hbm>> -> memref<80xi32, #tpu.memory_space<hbm>>
        tpu.wait_dma2 semaphore(%arg35 : memref<!tpu.dma_semaphore, #tpu.memory_space<semaphore_mem>>) src(%dma_wait3A_471 : memref<80xi32, #tpu.memory_space<hbm>>) dst(%arg15 : memref<80xi32, #tpu.memory_space<vmem>>)
        %dma_start3A = arith.constant 0 : i32
        %dma_start3A_472 = arith.constant 0 : i32
        %dma_start3A_473 = tpu.memref_slice %arg6[%dma_start3A, %dma_start3A_472] : memref<10000x128xf32, #tpu.memory_space<vmem_shared>> -> memref<10000x128xf32, #tpu.memory_space<vmem_shared>>
        tpu.enqueue_indirect_dma source(%arg23 : memref<80x128xf32, #tpu.memory_space<vmem>>) target(%dma_start3A_473 : memref<10000x128xf32, #tpu.memory_space<vmem_shared>>) offsets(%arg15 : memref<80xi32, #tpu.memory_space<vmem>>) semaphore(%arg47 : memref<!tpu.dma_semaphore, #tpu.memory_space<semaphore_mem>>) {add = true}
      } else {
      }
      %mul3A_241 = arith.constant 8 : i32
      %mul3A_242 = arith.muli %scan3A_19, %mul3A_241 : i32
      %add3A_243 = arith.constant 4 : i32
      %add3A_244 = arith.addi %mul3A_242, %add3A_243 : i32
      %sub3A_245 = arith.constant 4 : i32
      %sub3A_246 = arith.subi %add3A_244, %sub3A_245 : i32
      %ge3A_247 = arith.constant 0 : i32
      %ge3A_248 = arith.cmpi sge, %sub3A_246, %ge3A_247 : i32
      %lt3A_249 = arith.constant 125 : i32
      %lt3A_250 = arith.cmpi slt, %sub3A_246, %lt3A_249 : i32
      %and3A_251 = arith.andi %ge3A_248, %lt3A_250 : i1
      %convert_element_type3A_252 = arith.extui %and3A_251 : i1 to i32
      %cond3A_253 = arith.constant 0 : i32
      %cond3A_254 = arith.cmpi ne, %convert_element_type3A_252, %cond3A_253 : i32
      scf.if %cond3A_254 {
        %dma_wait3A = arith.constant 0 : i32
        %dma_wait3A_465 = arith.constant 0 : i32
        %dma_wait3A_466 = tpu.memref_slice %arg6[%dma_wait3A, %dma_wait3A_465] : memref<10000x128xf32, #tpu.memory_space<vmem_shared>> -> memref<10000x128xf32, #tpu.memory_space<vmem_shared>>
        tpu.wait_indirect_dma semaphore(%arg47 : memref<!tpu.dma_semaphore, #tpu.memory_space<semaphore_mem>>) src(%arg23 : memref<80x128xf32, #tpu.memory_space<vmem>>) dst(%dma_wait3A_466 : memref<10000x128xf32, #tpu.memory_space<vmem_shared>>)
      } else {
      }
      %mul3A_255 = arith.constant 8 : i32
      %mul3A_256 = arith.muli %scan3A_19, %mul3A_255 : i32
      %add3A_257 = arith.constant 4 : i32
      %add3A_258 = arith.addi %mul3A_256, %add3A_257 : i32
      %sub3A_259 = arith.constant 0 : i32
      %sub3A_260 = arith.subi %add3A_258, %sub3A_259 : i32
      %ge3A_261 = arith.constant 0 : i32
      %ge3A_262 = arith.cmpi sge, %sub3A_260, %ge3A_261 : i32
      %lt3A_263 = arith.constant 125 : i32
      %lt3A_264 = arith.cmpi slt, %sub3A_260, %lt3A_263 : i32
      %and3A_265 = arith.andi %ge3A_262, %lt3A_264 : i1
      %convert_element_type3A_266 = arith.extui %and3A_265 : i1 to i32
      %cond3A_267 = arith.constant 0 : i32
      %cond3A_268 = arith.cmpi ne, %convert_element_type3A_266, %cond3A_267 : i32
      scf.if %cond3A_268 {
        %mul3A_465 = arith.constant 80 : i32
        %mul3A_466 = arith.muli %sub3A_260, %mul3A_465 : i32
        %add3A_467 = arith.addi %mul3A_0, %mul3A_466 : i32
        %dma_start3A = tpu.memref_slice %arg3[%add3A_467] : memref<160000xi32, #tpu.memory_space<hbm>> -> memref<80xi32, #tpu.memory_space<hbm>>
        %dma_start3A_468 = tpu.memref_slice %arg3[%add3A_467] : memref<160000xi32, #tpu.memory_space<hbm>> -> memref<80xi32, #tpu.memory_space<hbm>>
        tpu.enqueue_dma source(%dma_start3A_468 : memref<80xi32, #tpu.memory_space<hbm>>) target(%arg11 : memref<80xi32, #tpu.memory_space<vmem>>) target_semaphore(%arg31 : memref<!tpu.dma_semaphore, #tpu.memory_space<semaphore_mem>>)
        %dma_start3A_469 = tpu.memref_slice %arg4[%add3A_467] : memref<160000xi32, #tpu.memory_space<hbm>> -> memref<80xi32, #tpu.memory_space<hbm>>
        %dma_start3A_470 = tpu.memref_slice %arg4[%add3A_467] : memref<160000xi32, #tpu.memory_space<hbm>> -> memref<80xi32, #tpu.memory_space<hbm>>
        tpu.enqueue_dma source(%dma_start3A_470 : memref<80xi32, #tpu.memory_space<hbm>>) target(%arg19 : memref<80xi32, #tpu.memory_space<vmem>>) target_semaphore(%arg39 : memref<!tpu.dma_semaphore, #tpu.memory_space<semaphore_mem>>)
      } else {
      }
      %mul3A_269 = arith.constant 8 : i32
      %mul3A_270 = arith.muli %scan3A_19, %mul3A_269 : i32
      %add3A_271 = arith.constant 4 : i32
      %add3A_272 = arith.addi %mul3A_270, %add3A_271 : i32
      %sub3A_273 = arith.constant 1 : i32
      %sub3A_274 = arith.subi %add3A_272, %sub3A_273 : i32
      %ge3A_275 = arith.constant 0 : i32
      %ge3A_276 = arith.cmpi sge, %sub3A_274, %ge3A_275 : i32
      %lt3A_277 = arith.constant 125 : i32
      %lt3A_278 = arith.cmpi slt, %sub3A_274, %lt3A_277 : i32
      %and3A_279 = arith.andi %ge3A_276, %lt3A_278 : i1
      %convert_element_type3A_280 = arith.extui %and3A_279 : i1 to i32
      %cond3A_281 = arith.constant 0 : i32
      %cond3A_282 = arith.cmpi ne, %convert_element_type3A_280, %cond3A_281 : i32
      scf.if %cond3A_282 {
        %mul3A_465 = arith.constant 80 : i32
        %mul3A_466 = arith.muli %sub3A_274, %mul3A_465 : i32
        %add3A_467 = arith.addi %mul3A_0, %mul3A_466 : i32
        %dma_wait3A = tpu.memref_slice %arg3[%add3A_467] : memref<160000xi32, #tpu.memory_space<hbm>> -> memref<80xi32, #tpu.memory_space<hbm>>
        %dma_wait3A_468 = tpu.memref_slice %arg3[%add3A_467] : memref<160000xi32, #tpu.memory_space<hbm>> -> memref<80xi32, #tpu.memory_space<hbm>>
        tpu.wait_dma2 semaphore(%arg30 : memref<!tpu.dma_semaphore, #tpu.memory_space<semaphore_mem>>) src(%dma_wait3A_468 : memref<80xi32, #tpu.memory_space<hbm>>) dst(%arg10 : memref<80xi32, #tpu.memory_space<vmem>>)
        %get3A = arith.constant 0 : index
        %get3A_469 = tpu.vector_load %arg10[%get3A] {strides = array<i32>} : memref<80xi32, #tpu.memory_space<vmem>>, vector<16xi32>,
        %add3A_470 = vector.broadcast %mul3A_5 : i32 to vector<16xi32>
        %add3A_471 = arith.addi %get3A_469, %add3A_470 : vector<16xi32>
        %swap3A = arith.constant 0 : index
        %swap3A_472 = tpu.vector_load %arg10[%swap3A] {strides = array<i32>} : memref<80xi32, #tpu.memory_space<vmem>>, vector<16xi32>,
        tpu.vector_store %arg10[%swap3A], %add3A_471 {strides = array<i32>} : memref<80xi32, #tpu.memory_space<vmem>>, vector<16xi32>,
        %get3A_473 = arith.constant 16 : index
        %get3A_474 = tpu.vector_load %arg10[%get3A_473] {strides = array<i32>} : memref<80xi32, #tpu.memory_space<vmem>>, vector<16xi32>,
        %add3A_475 = vector.broadcast %mul3A_5 : i32 to vector<16xi32>
        %add3A_476 = arith.addi %get3A_474, %add3A_475 : vector<16xi32>
        %swap3A_477 = arith.constant 16 : index
        %swap3A_478 = tpu.vector_load %arg10[%swap3A_477] {strides = array<i32>} : memref<80xi32, #tpu.memory_space<vmem>>, vector<16xi32>,
        tpu.vector_store %arg10[%swap3A_477], %add3A_476 {strides = array<i32>} : memref<80xi32, #tpu.memory_space<vmem>>, vector<16xi32>,
        %get3A_479 = arith.constant 32 : index
        %get3A_480 = tpu.vector_load %arg10[%get3A_479] {strides = array<i32>} : memref<80xi32, #tpu.memory_space<vmem>>, vector<16xi32>,
        %add3A_481 = vector.broadcast %mul3A_5 : i32 to vector<16xi32>
        %add3A_482 = arith.addi %get3A_480, %add3A_481 : vector<16xi32>
        %swap3A_483 = arith.constant 32 : index
        %swap3A_484 = tpu.vector_load %arg10[%swap3A_483] {strides = array<i32>} : memref<80xi32, #tpu.memory_space<vmem>>, vector<16xi32>,
        tpu.vector_store %arg10[%swap3A_483], %add3A_482 {strides = array<i32>} : memref<80xi32, #tpu.memory_space<vmem>>, vector<16xi32>,
        %get3A_485 = arith.constant 48 : index
        %get3A_486 = tpu.vector_load %arg10[%get3A_485] {strides = array<i32>} : memref<80xi32, #tpu.memory_space<vmem>>, vector<16xi32>,
        %add3A_487 = vector.broadcast %mul3A_5 : i32 to vector<16xi32>
        %add3A_488 = arith.addi %get3A_486, %add3A_487 : vector<16xi32>
        %swap3A_489 = arith.constant 48 : index
        %swap3A_490 = tpu.vector_load %arg10[%swap3A_489] {strides = array<i32>} : memref<80xi32, #tpu.memory_space<vmem>>, vector<16xi32>,
        tpu.vector_store %arg10[%swap3A_489], %add3A_488 {strides = array<i32>} : memref<80xi32, #tpu.memory_space<vmem>>, vector<16xi32>,
        %get3A_491 = arith.constant 64 : index
        %get3A_492 = tpu.vector_load %arg10[%get3A_491] {strides = array<i32>} : memref<80xi32, #tpu.memory_space<vmem>>, vector<16xi32>,
        %add3A_493 = vector.broadcast %mul3A_5 : i32 to vector<16xi32>
        %add3A_494 = arith.addi %get3A_492, %add3A_493 : vector<16xi32>
        %swap3A_495 = arith.constant 64 : index
        %swap3A_496 = tpu.vector_load %arg10[%swap3A_495] {strides = array<i32>} : memref<80xi32, #tpu.memory_space<vmem>>, vector<16xi32>,
        tpu.vector_store %arg10[%swap3A_495], %add3A_494 {strides = array<i32>} : memref<80xi32, #tpu.memory_space<vmem>>, vector<16xi32>,
        %dma_start3A = arith.constant 0 : i32
        %dma_start3A_497 = arith.constant 0 : i32
        %dma_start3A_498 = tpu.memref_slice %arg2[%dma_start3A, %dma_start3A_497] : memref<20000x128xf32, #tpu.memory_space<hbm>> -> memref<20000x128xf32, #tpu.memory_space<hbm>>
        tpu.enqueue_indirect_dma source(%dma_start3A_498 : memref<20000x128xf32, #tpu.memory_space<hbm>>) target(%arg26 : memref<80x128xf32, #tpu.memory_space<vmem>>) offsets(%arg10 : memref<80xi32, #tpu.memory_space<vmem>>) semaphore(%arg46 : memref<!tpu.dma_semaphore, #tpu.memory_space<semaphore_mem>>)
      } else {
      }
      %mul3A_283 = arith.constant 8 : i32
      %mul3A_284 = arith.muli %scan3A_19, %mul3A_283 : i32
      %add3A_285 = arith.constant 4 : i32
      %add3A_286 = arith.addi %mul3A_284, %add3A_285 : i32
      %sub3A_287 = arith.constant 3 : i32
      %sub3A_288 = arith.subi %add3A_286, %sub3A_287 : i32
      %ge3A_289 = arith.constant 0 : i32
      %ge3A_290 = arith.cmpi sge, %sub3A_288, %ge3A_289 : i32
      %lt3A_291 = arith.constant 125 : i32
      %lt3A_292 = arith.cmpi slt, %sub3A_288, %lt3A_291 : i32
      %and3A_293 = arith.andi %ge3A_290, %lt3A_292 : i1
      %convert_element_type3A_294 = arith.extui %and3A_293 : i1 to i32
      %cond3A_295 = arith.constant 0 : i32
      %cond3A_296 = arith.cmpi ne, %convert_element_type3A_294, %cond3A_295 : i32
      scf.if %cond3A_296 {
        %mul3A_465 = arith.constant 80 : i32
        %mul3A_466 = arith.muli %sub3A_288, %mul3A_465 : i32
        %add3A_467 = arith.addi %mul3A_0, %mul3A_466 : i32
        %dma_wait3A = arith.constant 0 : i32
        %dma_wait3A_468 = arith.constant 0 : i32
        %dma_wait3A_469 = tpu.memref_slice %arg2[%dma_wait3A, %dma_wait3A_468] : memref<20000x128xf32, #tpu.memory_space<hbm>> -> memref<20000x128xf32, #tpu.memory_space<hbm>>
        tpu.wait_indirect_dma semaphore(%arg44 : memref<!tpu.dma_semaphore, #tpu.memory_space<semaphore_mem>>) src(%dma_wait3A_469 : memref<20000x128xf32, #tpu.memory_space<hbm>>) dst(%arg24 : memref<80x128xf32, #tpu.memory_space<vmem>>)
        %dma_wait3A_470 = tpu.memref_slice %arg4[%add3A_467] : memref<160000xi32, #tpu.memory_space<hbm>> -> memref<80xi32, #tpu.memory_space<hbm>>
        %dma_wait3A_471 = tpu.memref_slice %arg4[%add3A_467] : memref<160000xi32, #tpu.memory_space<hbm>> -> memref<80xi32, #tpu.memory_space<hbm>>
        tpu.wait_dma2 semaphore(%arg36 : memref<!tpu.dma_semaphore, #tpu.memory_space<semaphore_mem>>) src(%dma_wait3A_471 : memref<80xi32, #tpu.memory_space<hbm>>) dst(%arg16 : memref<80xi32, #tpu.memory_space<vmem>>)
        %dma_start3A = arith.constant 0 : i32
        %dma_start3A_472 = arith.constant 0 : i32
        %dma_start3A_473 = tpu.memref_slice %arg6[%dma_start3A, %dma_start3A_472] : memref<10000x128xf32, #tpu.memory_space<vmem_shared>> -> memref<10000x128xf32, #tpu.memory_space<vmem_shared>>
        tpu.enqueue_indirect_dma source(%arg24 : memref<80x128xf32, #tpu.memory_space<vmem>>) target(%dma_start3A_473 : memref<10000x128xf32, #tpu.memory_space<vmem_shared>>) offsets(%arg16 : memref<80xi32, #tpu.memory_space<vmem>>) semaphore(%arg48 : memref<!tpu.dma_semaphore, #tpu.memory_space<semaphore_mem>>) {add = true}
      } else {
      }
      %mul3A_297 = arith.constant 8 : i32
      %mul3A_298 = arith.muli %scan3A_19, %mul3A_297 : i32
      %add3A_299 = arith.constant 5 : i32
      %add3A_300 = arith.addi %mul3A_298, %add3A_299 : i32
      %sub3A_301 = arith.constant 4 : i32
      %sub3A_302 = arith.subi %add3A_300, %sub3A_301 : i32
      %ge3A_303 = arith.constant 0 : i32
      %ge3A_304 = arith.cmpi sge, %sub3A_302, %ge3A_303 : i32
      %lt3A_305 = arith.constant 125 : i32
      %lt3A_306 = arith.cmpi slt, %sub3A_302, %lt3A_305 : i32
      %and3A_307 = arith.andi %ge3A_304, %lt3A_306 : i1
      %convert_element_type3A_308 = arith.extui %and3A_307 : i1 to i32
      %cond3A_309 = arith.constant 0 : i32
      %cond3A_310 = arith.cmpi ne, %convert_element_type3A_308, %cond3A_309 : i32
      scf.if %cond3A_310 {
        %dma_wait3A = arith.constant 0 : i32
        %dma_wait3A_465 = arith.constant 0 : i32
        %dma_wait3A_466 = tpu.memref_slice %arg6[%dma_wait3A, %dma_wait3A_465] : memref<10000x128xf32, #tpu.memory_space<vmem_shared>> -> memref<10000x128xf32, #tpu.memory_space<vmem_shared>>
        tpu.wait_indirect_dma semaphore(%arg48 : memref<!tpu.dma_semaphore, #tpu.memory_space<semaphore_mem>>) src(%arg24 : memref<80x128xf32, #tpu.memory_space<vmem>>) dst(%dma_wait3A_466 : memref<10000x128xf32, #tpu.memory_space<vmem_shared>>)
      } else {
      }
      %mul3A_311 = arith.constant 8 : i32
      %mul3A_312 = arith.muli %scan3A_19, %mul3A_311 : i32
      %add3A_313 = arith.constant 5 : i32
      %add3A_314 = arith.addi %mul3A_312, %add3A_313 : i32
      %sub3A_315 = arith.constant 0 : i32
      %sub3A_316 = arith.subi %add3A_314, %sub3A_315 : i32
      %ge3A_317 = arith.constant 0 : i32
      %ge3A_318 = arith.cmpi sge, %sub3A_316, %ge3A_317 : i32
      %lt3A_319 = arith.constant 125 : i32
      %lt3A_320 = arith.cmpi slt, %sub3A_316, %lt3A_319 : i32
      %and3A_321 = arith.andi %ge3A_318, %lt3A_320 : i1
      %convert_element_type3A_322 = arith.extui %and3A_321 : i1 to i32
      %cond3A_323 = arith.constant 0 : i32
      %cond3A_324 = arith.cmpi ne, %convert_element_type3A_322, %cond3A_323 : i32
      scf.if %cond3A_324 {
        %mul3A_465 = arith.constant 80 : i32
        %mul3A_466 = arith.muli %sub3A_316, %mul3A_465 : i32
        %add3A_467 = arith.addi %mul3A_0, %mul3A_466 : i32
        %dma_start3A = tpu.memref_slice %arg3[%add3A_467] : memref<160000xi32, #tpu.memory_space<hbm>> -> memref<80xi32, #tpu.memory_space<hbm>>
        %dma_start3A_468 = tpu.memref_slice %arg3[%add3A_467] : memref<160000xi32, #tpu.memory_space<hbm>> -> memref<80xi32, #tpu.memory_space<hbm>>
        tpu.enqueue_dma source(%dma_start3A_468 : memref<80xi32, #tpu.memory_space<hbm>>) target(%arg12 : memref<80xi32, #tpu.memory_space<vmem>>) target_semaphore(%arg32 : memref<!tpu.dma_semaphore, #tpu.memory_space<semaphore_mem>>)
        %dma_start3A_469 = tpu.memref_slice %arg4[%add3A_467] : memref<160000xi32, #tpu.memory_space<hbm>> -> memref<80xi32, #tpu.memory_space<hbm>>
        %dma_start3A_470 = tpu.memref_slice %arg4[%add3A_467] : memref<160000xi32, #tpu.memory_space<hbm>> -> memref<80xi32, #tpu.memory_space<hbm>>
        tpu.enqueue_dma source(%dma_start3A_470 : memref<80xi32, #tpu.memory_space<hbm>>) target(%arg20 : memref<80xi32, #tpu.memory_space<vmem>>) target_semaphore(%arg40 : memref<!tpu.dma_semaphore, #tpu.memory_space<semaphore_mem>>)
      } else {
      }
      %mul3A_325 = arith.constant 8 : i32
      %mul3A_326 = arith.muli %scan3A_19, %mul3A_325 : i32
      %add3A_327 = arith.constant 5 : i32
      %add3A_328 = arith.addi %mul3A_326, %add3A_327 : i32
      %sub3A_329 = arith.constant 1 : i32
      %sub3A_330 = arith.subi %add3A_328, %sub3A_329 : i32
      %ge3A_331 = arith.constant 0 : i32
      %ge3A_332 = arith.cmpi sge, %sub3A_330, %ge3A_331 : i32
      %lt3A_333 = arith.constant 125 : i32
      %lt3A_334 = arith.cmpi slt, %sub3A_330, %lt3A_333 : i32
      %and3A_335 = arith.andi %ge3A_332, %lt3A_334 : i1
      %convert_element_type3A_336 = arith.extui %and3A_335 : i1 to i32
      %cond3A_337 = arith.constant 0 : i32
      %cond3A_338 = arith.cmpi ne, %convert_element_type3A_336, %cond3A_337 : i32
      scf.if %cond3A_338 {
        %mul3A_465 = arith.constant 80 : i32
        %mul3A_466 = arith.muli %sub3A_330, %mul3A_465 : i32
        %add3A_467 = arith.addi %mul3A_0, %mul3A_466 : i32
        %dma_wait3A = tpu.memref_slice %arg3[%add3A_467] : memref<160000xi32, #tpu.memory_space<hbm>> -> memref<80xi32, #tpu.memory_space<hbm>>
        %dma_wait3A_468 = tpu.memref_slice %arg3[%add3A_467] : memref<160000xi32, #tpu.memory_space<hbm>> -> memref<80xi32, #tpu.memory_space<hbm>>
        tpu.wait_dma2 semaphore(%arg31 : memref<!tpu.dma_semaphore, #tpu.memory_space<semaphore_mem>>) src(%dma_wait3A_468 : memref<80xi32, #tpu.memory_space<hbm>>) dst(%arg11 : memref<80xi32, #tpu.memory_space<vmem>>)
        %get3A = arith.constant 0 : index
        %get3A_469 = tpu.vector_load %arg11[%get3A] {strides = array<i32>} : memref<80xi32, #tpu.memory_space<vmem>>, vector<16xi32>,
        %add3A_470 = vector.broadcast %mul3A_5 : i32 to vector<16xi32>
        %add3A_471 = arith.addi %get3A_469, %add3A_470 : vector<16xi32>
        %swap3A = arith.constant 0 : index
        %swap3A_472 = tpu.vector_load %arg11[%swap3A] {strides = array<i32>} : memref<80xi32, #tpu.memory_space<vmem>>, vector<16xi32>,
        tpu.vector_store %arg11[%swap3A], %add3A_471 {strides = array<i32>} : memref<80xi32, #tpu.memory_space<vmem>>, vector<16xi32>,
        %get3A_473 = arith.constant 16 : index
        %get3A_474 = tpu.vector_load %arg11[%get3A_473] {strides = array<i32>} : memref<80xi32, #tpu.memory_space<vmem>>, vector<16xi32>,
        %add3A_475 = vector.broadcast %mul3A_5 : i32 to vector<16xi32>
        %add3A_476 = arith.addi %get3A_474, %add3A_475 : vector<16xi32>
        %swap3A_477 = arith.constant 16 : index
        %swap3A_478 = tpu.vector_load %arg11[%swap3A_477] {strides = array<i32>} : memref<80xi32, #tpu.memory_space<vmem>>, vector<16xi32>,
        tpu.vector_store %arg11[%swap3A_477], %add3A_476 {strides = array<i32>} : memref<80xi32, #tpu.memory_space<vmem>>, vector<16xi32>,
        %get3A_479 = arith.constant 32 : index
        %get3A_480 = tpu.vector_load %arg11[%get3A_479] {strides = array<i32>} : memref<80xi32, #tpu.memory_space<vmem>>, vector<16xi32>,
        %add3A_481 = vector.broadcast %mul3A_5 : i32 to vector<16xi32>
        %add3A_482 = arith.addi %get3A_480, %add3A_481 : vector<16xi32>
        %swap3A_483 = arith.constant 32 : index
        %swap3A_484 = tpu.vector_load %arg11[%swap3A_483] {strides = array<i32>} : memref<80xi32, #tpu.memory_space<vmem>>, vector<16xi32>,
        tpu.vector_store %arg11[%swap3A_483], %add3A_482 {strides = array<i32>} : memref<80xi32, #tpu.memory_space<vmem>>, vector<16xi32>,
        %get3A_485 = arith.constant 48 : index
        %get3A_486 = tpu.vector_load %arg11[%get3A_485] {strides = array<i32>} : memref<80xi32, #tpu.memory_space<vmem>>, vector<16xi32>,
        %add3A_487 = vector.broadcast %mul3A_5 : i32 to vector<16xi32>
        %add3A_488 = arith.addi %get3A_486, %add3A_487 : vector<16xi32>
        %swap3A_489 = arith.constant 48 : index
        %swap3A_490 = tpu.vector_load %arg11[%swap3A_489] {strides = array<i32>} : memref<80xi32, #tpu.memory_space<vmem>>, vector<16xi32>,
        tpu.vector_store %arg11[%swap3A_489], %add3A_488 {strides = array<i32>} : memref<80xi32, #tpu.memory_space<vmem>>, vector<16xi32>,
        %get3A_491 = arith.constant 64 : index
        %get3A_492 = tpu.vector_load %arg11[%get3A_491] {strides = array<i32>} : memref<80xi32, #tpu.memory_space<vmem>>, vector<16xi32>,
        %add3A_493 = vector.broadcast %mul3A_5 : i32 to vector<16xi32>
        %add3A_494 = arith.addi %get3A_492, %add3A_493 : vector<16xi32>
        %swap3A_495 = arith.constant 64 : index
        %swap3A_496 = tpu.vector_load %arg11[%swap3A_495] {strides = array<i32>} : memref<80xi32, #tpu.memory_space<vmem>>, vector<16xi32>,
        tpu.vector_store %arg11[%swap3A_495], %add3A_494 {strides = array<i32>} : memref<80xi32, #tpu.memory_space<vmem>>, vector<16xi32>,
        %dma_start3A = arith.constant 0 : i32
        %dma_start3A_497 = arith.constant 0 : i32
        %dma_start3A_498 = tpu.memref_slice %arg2[%dma_start3A, %dma_start3A_497] : memref<20000x128xf32, #tpu.memory_space<hbm>> -> memref<20000x128xf32, #tpu.memory_space<hbm>>
        tpu.enqueue_indirect_dma source(%dma_start3A_498 : memref<20000x128xf32, #tpu.memory_space<hbm>>) target(%arg23 : memref<80x128xf32, #tpu.memory_space<vmem>>) offsets(%arg11 : memref<80xi32, #tpu.memory_space<vmem>>) semaphore(%arg43 : memref<!tpu.dma_semaphore, #tpu.memory_space<semaphore_mem>>)
      } else {
      }
      %mul3A_339 = arith.constant 8 : i32
      %mul3A_340 = arith.muli %scan3A_19, %mul3A_339 : i32
      %add3A_341 = arith.constant 5 : i32
      %add3A_342 = arith.addi %mul3A_340, %add3A_341 : i32
      %sub3A_343 = arith.constant 3 : i32
      %sub3A_344 = arith.subi %add3A_342, %sub3A_343 : i32
      %ge3A_345 = arith.constant 0 : i32
      %ge3A_346 = arith.cmpi sge, %sub3A_344, %ge3A_345 : i32
      %lt3A_347 = arith.constant 125 : i32
      %lt3A_348 = arith.cmpi slt, %sub3A_344, %lt3A_347 : i32
      %and3A_349 = arith.andi %ge3A_346, %lt3A_348 : i1
      %convert_element_type3A_350 = arith.extui %and3A_349 : i1 to i32
      %cond3A_351 = arith.constant 0 : i32
      %cond3A_352 = arith.cmpi ne, %convert_element_type3A_350, %cond3A_351 : i32
      scf.if %cond3A_352 {
        %mul3A_465 = arith.constant 80 : i32
        %mul3A_466 = arith.muli %sub3A_344, %mul3A_465 : i32
        %add3A_467 = arith.addi %mul3A_0, %mul3A_466 : i32
        %dma_wait3A = arith.constant 0 : i32
        %dma_wait3A_468 = arith.constant 0 : i32
        %dma_wait3A_469 = tpu.memref_slice %arg2[%dma_wait3A, %dma_wait3A_468] : memref<20000x128xf32, #tpu.memory_space<hbm>> -> memref<20000x128xf32, #tpu.memory_space<hbm>>
        tpu.wait_indirect_dma semaphore(%arg45 : memref<!tpu.dma_semaphore, #tpu.memory_space<semaphore_mem>>) src(%dma_wait3A_469 : memref<20000x128xf32, #tpu.memory_space<hbm>>) dst(%arg25 : memref<80x128xf32, #tpu.memory_space<vmem>>)
        %dma_wait3A_470 = tpu.memref_slice %arg4[%add3A_467] : memref<160000xi32, #tpu.memory_space<hbm>> -> memref<80xi32, #tpu.memory_space<hbm>>
        %dma_wait3A_471 = tpu.memref_slice %arg4[%add3A_467] : memref<160000xi32, #tpu.memory_space<hbm>> -> memref<80xi32, #tpu.memory_space<hbm>>
        tpu.wait_dma2 semaphore(%arg37 : memref<!tpu.dma_semaphore, #tpu.memory_space<semaphore_mem>>) src(%dma_wait3A_471 : memref<80xi32, #tpu.memory_space<hbm>>) dst(%arg17 : memref<80xi32, #tpu.memory_space<vmem>>)
        %dma_start3A = arith.constant 0 : i32
        %dma_start3A_472 = arith.constant 0 : i32
        %dma_start3A_473 = tpu.memref_slice %arg6[%dma_start3A, %dma_start3A_472] : memref<10000x128xf32, #tpu.memory_space<vmem_shared>> -> memref<10000x128xf32, #tpu.memory_space<vmem_shared>>
        tpu.enqueue_indirect_dma source(%arg25 : memref<80x128xf32, #tpu.memory_space<vmem>>) target(%dma_start3A_473 : memref<10000x128xf32, #tpu.memory_space<vmem_shared>>) offsets(%arg17 : memref<80xi32, #tpu.memory_space<vmem>>) semaphore(%arg49 : memref<!tpu.dma_semaphore, #tpu.memory_space<semaphore_mem>>) {add = true}
      } else {
      }
      %mul3A_353 = arith.constant 8 : i32
      %mul3A_354 = arith.muli %scan3A_19, %mul3A_353 : i32
      %add3A_355 = arith.constant 6 : i32
      %add3A_356 = arith.addi %mul3A_354, %add3A_355 : i32
      %sub3A_357 = arith.constant 4 : i32
      %sub3A_358 = arith.subi %add3A_356, %sub3A_357 : i32
      %ge3A_359 = arith.constant 0 : i32
      %ge3A_360 = arith.cmpi sge, %sub3A_358, %ge3A_359 : i32
      %lt3A_361 = arith.constant 125 : i32
      %lt3A_362 = arith.cmpi slt, %sub3A_358, %lt3A_361 : i32
      %and3A_363 = arith.andi %ge3A_360, %lt3A_362 : i1
      %convert_element_type3A_364 = arith.extui %and3A_363 : i1 to i32
      %cond3A_365 = arith.constant 0 : i32
      %cond3A_366 = arith.cmpi ne, %convert_element_type3A_364, %cond3A_365 : i32
      scf.if %cond3A_366 {
        %dma_wait3A = arith.constant 0 : i32
        %dma_wait3A_465 = arith.constant 0 : i32
        %dma_wait3A_466 = tpu.memref_slice %arg6[%dma_wait3A, %dma_wait3A_465] : memref<10000x128xf32, #tpu.memory_space<vmem_shared>> -> memref<10000x128xf32, #tpu.memory_space<vmem_shared>>
        tpu.wait_indirect_dma semaphore(%arg49 : memref<!tpu.dma_semaphore, #tpu.memory_space<semaphore_mem>>) src(%arg25 : memref<80x128xf32, #tpu.memory_space<vmem>>) dst(%dma_wait3A_466 : memref<10000x128xf32, #tpu.memory_space<vmem_shared>>)
      } else {
      }
      %mul3A_367 = arith.constant 8 : i32
      %mul3A_368 = arith.muli %scan3A_19, %mul3A_367 : i32
      %add3A_369 = arith.constant 6 : i32
      %add3A_370 = arith.addi %mul3A_368, %add3A_369 : i32
      %sub3A_371 = arith.constant 0 : i32
      %sub3A_372 = arith.subi %add3A_370, %sub3A_371 : i32
      %ge3A_373 = arith.constant 0 : i32
      %ge3A_374 = arith.cmpi sge, %sub3A_372, %ge3A_373 : i32
      %lt3A_375 = arith.constant 125 : i32
      %lt3A_376 = arith.cmpi slt, %sub3A_372, %lt3A_375 : i32
      %and3A_377 = arith.andi %ge3A_374, %lt3A_376 : i1
      %convert_element_type3A_378 = arith.extui %and3A_377 : i1 to i32
      %cond3A_379 = arith.constant 0 : i32
      %cond3A_380 = arith.cmpi ne, %convert_element_type3A_378, %cond3A_379 : i32
      scf.if %cond3A_380 {
        %mul3A_465 = arith.constant 80 : i32
        %mul3A_466 = arith.muli %sub3A_372, %mul3A_465 : i32
        %add3A_467 = arith.addi %mul3A_0, %mul3A_466 : i32
        %dma_start3A = tpu.memref_slice %arg3[%add3A_467] : memref<160000xi32, #tpu.memory_space<hbm>> -> memref<80xi32, #tpu.memory_space<hbm>>
        %dma_start3A_468 = tpu.memref_slice %arg3[%add3A_467] : memref<160000xi32, #tpu.memory_space<hbm>> -> memref<80xi32, #tpu.memory_space<hbm>>
        tpu.enqueue_dma source(%dma_start3A_468 : memref<80xi32, #tpu.memory_space<hbm>>) target(%arg13 : memref<80xi32, #tpu.memory_space<vmem>>) target_semaphore(%arg33 : memref<!tpu.dma_semaphore, #tpu.memory_space<semaphore_mem>>)
        %dma_start3A_469 = tpu.memref_slice %arg4[%add3A_467] : memref<160000xi32, #tpu.memory_space<hbm>> -> memref<80xi32, #tpu.memory_space<hbm>>
        %dma_start3A_470 = tpu.memref_slice %arg4[%add3A_467] : memref<160000xi32, #tpu.memory_space<hbm>> -> memref<80xi32, #tpu.memory_space<hbm>>
        tpu.enqueue_dma source(%dma_start3A_470 : memref<80xi32, #tpu.memory_space<hbm>>) target(%arg21 : memref<80xi32, #tpu.memory_space<vmem>>) target_semaphore(%arg41 : memref<!tpu.dma_semaphore, #tpu.memory_space<semaphore_mem>>)
      } else {
      }
      %mul3A_381 = arith.constant 8 : i32
      %mul3A_382 = arith.muli %scan3A_19, %mul3A_381 : i32
      %add3A_383 = arith.constant 6 : i32
      %add3A_384 = arith.addi %mul3A_382, %add3A_383 : i32
      %sub3A_385 = arith.constant 1 : i32
      %sub3A_386 = arith.subi %add3A_384, %sub3A_385 : i32
      %ge3A_387 = arith.constant 0 : i32
      %ge3A_388 = arith.cmpi sge, %sub3A_386, %ge3A_387 : i32
      %lt3A_389 = arith.constant 125 : i32
      %lt3A_390 = arith.cmpi slt, %sub3A_386, %lt3A_389 : i32
      %and3A_391 = arith.andi %ge3A_388, %lt3A_390 : i1
      %convert_element_type3A_392 = arith.extui %and3A_391 : i1 to i32
      %cond3A_393 = arith.constant 0 : i32
      %cond3A_394 = arith.cmpi ne, %convert_element_type3A_392, %cond3A_393 : i32
      scf.if %cond3A_394 {
        %mul3A_465 = arith.constant 80 : i32
        %mul3A_466 = arith.muli %sub3A_386, %mul3A_465 : i32
        %add3A_467 = arith.addi %mul3A_0, %mul3A_466 : i32
        %dma_wait3A = tpu.memref_slice %arg3[%add3A_467] : memref<160000xi32, #tpu.memory_space<hbm>> -> memref<80xi32, #tpu.memory_space<hbm>>
        %dma_wait3A_468 = tpu.memref_slice %arg3[%add3A_467] : memref<160000xi32, #tpu.memory_space<hbm>> -> memref<80xi32, #tpu.memory_space<hbm>>
        tpu.wait_dma2 semaphore(%arg32 : memref<!tpu.dma_semaphore, #tpu.memory_space<semaphore_mem>>) src(%dma_wait3A_468 : memref<80xi32, #tpu.memory_space<hbm>>) dst(%arg12 : memref<80xi32, #tpu.memory_space<vmem>>)
        %get3A = arith.constant 0 : index
        %get3A_469 = tpu.vector_load %arg12[%get3A] {strides = array<i32>} : memref<80xi32, #tpu.memory_space<vmem>>, vector<16xi32>,
        %add3A_470 = vector.broadcast %mul3A_5 : i32 to vector<16xi32>
        %add3A_471 = arith.addi %get3A_469, %add3A_470 : vector<16xi32>
        %swap3A = arith.constant 0 : index
        %swap3A_472 = tpu.vector_load %arg12[%swap3A] {strides = array<i32>} : memref<80xi32, #tpu.memory_space<vmem>>, vector<16xi32>,
        tpu.vector_store %arg12[%swap3A], %add3A_471 {strides = array<i32>} : memref<80xi32, #tpu.memory_space<vmem>>, vector<16xi32>,
        %get3A_473 = arith.constant 16 : index
        %get3A_474 = tpu.vector_load %arg12[%get3A_473] {strides = array<i32>} : memref<80xi32, #tpu.memory_space<vmem>>, vector<16xi32>,
        %add3A_475 = vector.broadcast %mul3A_5 : i32 to vector<16xi32>
        %add3A_476 = arith.addi %get3A_474, %add3A_475 : vector<16xi32>
        %swap3A_477 = arith.constant 16 : index
        %swap3A_478 = tpu.vector_load %arg12[%swap3A_477] {strides = array<i32>} : memref<80xi32, #tpu.memory_space<vmem>>, vector<16xi32>,
        tpu.vector_store %arg12[%swap3A_477], %add3A_476 {strides = array<i32>} : memref<80xi32, #tpu.memory_space<vmem>>, vector<16xi32>,
        %get3A_479 = arith.constant 32 : index
        %get3A_480 = tpu.vector_load %arg12[%get3A_479] {strides = array<i32>} : memref<80xi32, #tpu.memory_space<vmem>>, vector<16xi32>,
        %add3A_481 = vector.broadcast %mul3A_5 : i32 to vector<16xi32>
        %add3A_482 = arith.addi %get3A_480, %add3A_481 : vector<16xi32>
        %swap3A_483 = arith.constant 32 : index
        %swap3A_484 = tpu.vector_load %arg12[%swap3A_483] {strides = array<i32>} : memref<80xi32, #tpu.memory_space<vmem>>, vector<16xi32>,
        tpu.vector_store %arg12[%swap3A_483], %add3A_482 {strides = array<i32>} : memref<80xi32, #tpu.memory_space<vmem>>, vector<16xi32>,
        %get3A_485 = arith.constant 48 : index
        %get3A_486 = tpu.vector_load %arg12[%get3A_485] {strides = array<i32>} : memref<80xi32, #tpu.memory_space<vmem>>, vector<16xi32>,
        %add3A_487 = vector.broadcast %mul3A_5 : i32 to vector<16xi32>
        %add3A_488 = arith.addi %get3A_486, %add3A_487 : vector<16xi32>
        %swap3A_489 = arith.constant 48 : index
        %swap3A_490 = tpu.vector_load %arg12[%swap3A_489] {strides = array<i32>} : memref<80xi32, #tpu.memory_space<vmem>>, vector<16xi32>,
        tpu.vector_store %arg12[%swap3A_489], %add3A_488 {strides = array<i32>} : memref<80xi32, #tpu.memory_space<vmem>>, vector<16xi32>,
        %get3A_491 = arith.constant 64 : index
        %get3A_492 = tpu.vector_load %arg12[%get3A_491] {strides = array<i32>} : memref<80xi32, #tpu.memory_space<vmem>>, vector<16xi32>,
        %add3A_493 = vector.broadcast %mul3A_5 : i32 to vector<16xi32>
        %add3A_494 = arith.addi %get3A_492, %add3A_493 : vector<16xi32>
        %swap3A_495 = arith.constant 64 : index
        %swap3A_496 = tpu.vector_load %arg12[%swap3A_495] {strides = array<i32>} : memref<80xi32, #tpu.memory_space<vmem>>, vector<16xi32>,
        tpu.vector_store %arg12[%swap3A_495], %add3A_494 {strides = array<i32>} : memref<80xi32, #tpu.memory_space<vmem>>, vector<16xi32>,
        %dma_start3A = arith.constant 0 : i32
        %dma_start3A_497 = arith.constant 0 : i32
        %dma_start3A_498 = tpu.memref_slice %arg2[%dma_start3A, %dma_start3A_497] : memref<20000x128xf32, #tpu.memory_space<hbm>> -> memref<20000x128xf32, #tpu.memory_space<hbm>>
        tpu.enqueue_indirect_dma source(%dma_start3A_498 : memref<20000x128xf32, #tpu.memory_space<hbm>>) target(%arg24 : memref<80x128xf32, #tpu.memory_space<vmem>>) offsets(%arg12 : memref<80xi32, #tpu.memory_space<vmem>>) semaphore(%arg44 : memref<!tpu.dma_semaphore, #tpu.memory_space<semaphore_mem>>)
      } else {
      }
      %mul3A_395 = arith.constant 8 : i32
      %mul3A_396 = arith.muli %scan3A_19, %mul3A_395 : i32
      %add3A_397 = arith.constant 6 : i32
      %add3A_398 = arith.addi %mul3A_396, %add3A_397 : i32
      %sub3A_399 = arith.constant 3 : i32
      %sub3A_400 = arith.subi %add3A_398, %sub3A_399 : i32
      %ge3A_401 = arith.constant 0 : i32
      %ge3A_402 = arith.cmpi sge, %sub3A_400, %ge3A_401 : i32
      %lt3A_403 = arith.constant 125 : i32
      %lt3A_404 = arith.cmpi slt, %sub3A_400, %lt3A_403 : i32
      %and3A_405 = arith.andi %ge3A_402, %lt3A_404 : i1
      %convert_element_type3A_406 = arith.extui %and3A_405 : i1 to i32
      %cond3A_407 = arith.constant 0 : i32
      %cond3A_408 = arith.cmpi ne, %convert_element_type3A_406, %cond3A_407 : i32
      scf.if %cond3A_408 {
        %mul3A_465 = arith.constant 80 : i32
        %mul3A_466 = arith.muli %sub3A_400, %mul3A_465 : i32
        %add3A_467 = arith.addi %mul3A_0, %mul3A_466 : i32
        %dma_wait3A = arith.constant 0 : i32
        %dma_wait3A_468 = arith.constant 0 : i32
        %dma_wait3A_469 = tpu.memref_slice %arg2[%dma_wait3A, %dma_wait3A_468] : memref<20000x128xf32, #tpu.memory_space<hbm>> -> memref<20000x128xf32, #tpu.memory_space<hbm>>
        tpu.wait_indirect_dma semaphore(%arg46 : memref<!tpu.dma_semaphore, #tpu.memory_space<semaphore_mem>>) src(%dma_wait3A_469 : memref<20000x128xf32, #tpu.memory_space<hbm>>) dst(%arg26 : memref<80x128xf32, #tpu.memory_space<vmem>>)
        %dma_wait3A_470 = tpu.memref_slice %arg4[%add3A_467] : memref<160000xi32, #tpu.memory_space<hbm>> -> memref<80xi32, #tpu.memory_space<hbm>>
        %dma_wait3A_471 = tpu.memref_slice %arg4[%add3A_467] : memref<160000xi32, #tpu.memory_space<hbm>> -> memref<80xi32, #tpu.memory_space<hbm>>
        tpu.wait_dma2 semaphore(%arg38 : memref<!tpu.dma_semaphore, #tpu.memory_space<semaphore_mem>>) src(%dma_wait3A_471 : memref<80xi32, #tpu.memory_space<hbm>>) dst(%arg18 : memref<80xi32, #tpu.memory_space<vmem>>)
        %dma_start3A = arith.constant 0 : i32
        %dma_start3A_472 = arith.constant 0 : i32
        %dma_start3A_473 = tpu.memref_slice %arg6[%dma_start3A, %dma_start3A_472] : memref<10000x128xf32, #tpu.memory_space<vmem_shared>> -> memref<10000x128xf32, #tpu.memory_space<vmem_shared>>
        tpu.enqueue_indirect_dma source(%arg26 : memref<80x128xf32, #tpu.memory_space<vmem>>) target(%dma_start3A_473 : memref<10000x128xf32, #tpu.memory_space<vmem_shared>>) offsets(%arg18 : memref<80xi32, #tpu.memory_space<vmem>>) semaphore(%arg50 : memref<!tpu.dma_semaphore, #tpu.memory_space<semaphore_mem>>) {add = true}
      } else {
      }
      %mul3A_409 = arith.constant 8 : i32
      %mul3A_410 = arith.muli %scan3A_19, %mul3A_409 : i32
      %add3A_411 = arith.constant 7 : i32
      %add3A_412 = arith.addi %mul3A_410, %add3A_411 : i32
      %sub3A_413 = arith.constant 4 : i32
      %sub3A_414 = arith.subi %add3A_412, %sub3A_413 : i32
      %ge3A_415 = arith.constant 0 : i32
      %ge3A_416 = arith.cmpi sge, %sub3A_414, %ge3A_415 : i32
      %lt3A_417 = arith.constant 125 : i32
      %lt3A_418 = arith.cmpi slt, %sub3A_414, %lt3A_417 : i32
      %and3A_419 = arith.andi %ge3A_416, %lt3A_418 : i1
      %convert_element_type3A_420 = arith.extui %and3A_419 : i1 to i32
      %cond3A_421 = arith.constant 0 : i32
      %cond3A_422 = arith.cmpi ne, %convert_element_type3A_420, %cond3A_421 : i32
      scf.if %cond3A_422 {
        %dma_wait3A = arith.constant 0 : i32
        %dma_wait3A_465 = arith.constant 0 : i32
        %dma_wait3A_466 = tpu.memref_slice %arg6[%dma_wait3A, %dma_wait3A_465] : memref<10000x128xf32, #tpu.memory_space<vmem_shared>> -> memref<10000x128xf32, #tpu.memory_space<vmem_shared>>
        tpu.wait_indirect_dma semaphore(%arg50 : memref<!tpu.dma_semaphore, #tpu.memory_space<semaphore_mem>>) src(%arg26 : memref<80x128xf32, #tpu.memory_space<vmem>>) dst(%dma_wait3A_466 : memref<10000x128xf32, #tpu.memory_space<vmem_shared>>)
      } else {
      }
      %mul3A_423 = arith.constant 8 : i32
      %mul3A_424 = arith.muli %scan3A_19, %mul3A_423 : i32
      %add3A_425 = arith.constant 7 : i32
      %add3A_426 = arith.addi %mul3A_424, %add3A_425 : i32
      %sub3A_427 = arith.constant 0 : i32
      %sub3A_428 = arith.subi %add3A_426, %sub3A_427 : i32
      %ge3A_429 = arith.constant 0 : i32
      %ge3A_430 = arith.cmpi sge, %sub3A_428, %ge3A_429 : i32
      %lt3A_431 = arith.constant 125 : i32
      %lt3A_432 = arith.cmpi slt, %sub3A_428, %lt3A_431 : i32
      %and3A_433 = arith.andi %ge3A_430, %lt3A_432 : i1
      %convert_element_type3A_434 = arith.extui %and3A_433 : i1 to i32
      %cond3A_435 = arith.constant 0 : i32
      %cond3A_436 = arith.cmpi ne, %convert_element_type3A_434, %cond3A_435 : i32
      scf.if %cond3A_436 {
        %mul3A_465 = arith.constant 80 : i32
        %mul3A_466 = arith.muli %sub3A_428, %mul3A_465 : i32
        %add3A_467 = arith.addi %mul3A_0, %mul3A_466 : i32
        %dma_start3A = tpu.memref_slice %arg3[%add3A_467] : memref<160000xi32, #tpu.memory_space<hbm>> -> memref<80xi32, #tpu.memory_space<hbm>>
        %dma_start3A_468 = tpu.memref_slice %arg3[%add3A_467] : memref<160000xi32, #tpu.memory_space<hbm>> -> memref<80xi32, #tpu.memory_space<hbm>>
        tpu.enqueue_dma source(%dma_start3A_468 : memref<80xi32, #tpu.memory_space<hbm>>) target(%arg14 : memref<80xi32, #tpu.memory_space<vmem>>) target_semaphore(%arg34 : memref<!tpu.dma_semaphore, #tpu.memory_space<semaphore_mem>>)
        %dma_start3A_469 = tpu.memref_slice %arg4[%add3A_467] : memref<160000xi32, #tpu.memory_space<hbm>> -> memref<80xi32, #tpu.memory_space<hbm>>
        %dma_start3A_470 = tpu.memref_slice %arg4[%add3A_467] : memref<160000xi32, #tpu.memory_space<hbm>> -> memref<80xi32, #tpu.memory_space<hbm>>
        tpu.enqueue_dma source(%dma_start3A_470 : memref<80xi32, #tpu.memory_space<hbm>>) target(%arg22 : memref<80xi32, #tpu.memory_space<vmem>>) target_semaphore(%arg42 : memref<!tpu.dma_semaphore, #tpu.memory_space<semaphore_mem>>)
      } else {
      }
      %mul3A_437 = arith.constant 8 : i32
      %mul3A_438 = arith.muli %scan3A_19, %mul3A_437 : i32
      %add3A_439 = arith.constant 7 : i32
      %add3A_440 = arith.addi %mul3A_438, %add3A_439 : i32
      %sub3A_441 = arith.constant 1 : i32
      %sub3A_442 = arith.subi %add3A_440, %sub3A_441 : i32
      %ge3A_443 = arith.constant 0 : i32
      %ge3A_444 = arith.cmpi sge, %sub3A_442, %ge3A_443 : i32
      %lt3A_445 = arith.constant 125 : i32
      %lt3A_446 = arith.cmpi slt, %sub3A_442, %lt3A_445 : i32
      %and3A_447 = arith.andi %ge3A_444, %lt3A_446 : i1
      %convert_element_type3A_448 = arith.extui %and3A_447 : i1 to i32
      %cond3A_449 = arith.constant 0 : i32
      %cond3A_450 = arith.cmpi ne, %convert_element_type3A_448, %cond3A_449 : i32
      scf.if %cond3A_450 {
        %mul3A_465 = arith.constant 80 : i32
        %mul3A_466 = arith.muli %sub3A_442, %mul3A_465 : i32
        %add3A_467 = arith.addi %mul3A_0, %mul3A_466 : i32
        %dma_wait3A = tpu.memref_slice %arg3[%add3A_467] : memref<160000xi32, #tpu.memory_space<hbm>> -> memref<80xi32, #tpu.memory_space<hbm>>
        %dma_wait3A_468 = tpu.memref_slice %arg3[%add3A_467] : memref<160000xi32, #tpu.memory_space<hbm>> -> memref<80xi32, #tpu.memory_space<hbm>>
        tpu.wait_dma2 semaphore(%arg33 : memref<!tpu.dma_semaphore, #tpu.memory_space<semaphore_mem>>) src(%dma_wait3A_468 : memref<80xi32, #tpu.memory_space<hbm>>) dst(%arg13 : memref<80xi32, #tpu.memory_space<vmem>>)
        %get3A = arith.constant 0 : index
        %get3A_469 = tpu.vector_load %arg13[%get3A] {strides = array<i32>} : memref<80xi32, #tpu.memory_space<vmem>>, vector<16xi32>,
        %add3A_470 = vector.broadcast %mul3A_5 : i32 to vector<16xi32>
        %add3A_471 = arith.addi %get3A_469, %add3A_470 : vector<16xi32>
        %swap3A = arith.constant 0 : index
        %swap3A_472 = tpu.vector_load %arg13[%swap3A] {strides = array<i32>} : memref<80xi32, #tpu.memory_space<vmem>>, vector<16xi32>,
        tpu.vector_store %arg13[%swap3A], %add3A_471 {strides = array<i32>} : memref<80xi32, #tpu.memory_space<vmem>>, vector<16xi32>,
        %get3A_473 = arith.constant 16 : index
        %get3A_474 = tpu.vector_load %arg13[%get3A_473] {strides = array<i32>} : memref<80xi32, #tpu.memory_space<vmem>>, vector<16xi32>,
        %add3A_475 = vector.broadcast %mul3A_5 : i32 to vector<16xi32>
        %add3A_476 = arith.addi %get3A_474, %add3A_475 : vector<16xi32>
        %swap3A_477 = arith.constant 16 : index
        %swap3A_478 = tpu.vector_load %arg13[%swap3A_477] {strides = array<i32>} : memref<80xi32, #tpu.memory_space<vmem>>, vector<16xi32>,
        tpu.vector_store %arg13[%swap3A_477], %add3A_476 {strides = array<i32>} : memref<80xi32, #tpu.memory_space<vmem>>, vector<16xi32>,
        %get3A_479 = arith.constant 32 : index
        %get3A_480 = tpu.vector_load %arg13[%get3A_479] {strides = array<i32>} : memref<80xi32, #tpu.memory_space<vmem>>, vector<16xi32>,
        %add3A_481 = vector.broadcast %mul3A_5 : i32 to vector<16xi32>
        %add3A_482 = arith.addi %get3A_480, %add3A_481 : vector<16xi32>
        %swap3A_483 = arith.constant 32 : index
        %swap3A_484 = tpu.vector_load %arg13[%swap3A_483] {strides = array<i32>} : memref<80xi32, #tpu.memory_space<vmem>>, vector<16xi32>,
        tpu.vector_store %arg13[%swap3A_483], %add3A_482 {strides = array<i32>} : memref<80xi32, #tpu.memory_space<vmem>>, vector<16xi32>,
        %get3A_485 = arith.constant 48 : index
        %get3A_486 = tpu.vector_load %arg13[%get3A_485] {strides = array<i32>} : memref<80xi32, #tpu.memory_space<vmem>>, vector<16xi32>,
        %add3A_487 = vector.broadcast %mul3A_5 : i32 to vector<16xi32>
        %add3A_488 = arith.addi %get3A_486, %add3A_487 : vector<16xi32>
        %swap3A_489 = arith.constant 48 : index
        %swap3A_490 = tpu.vector_load %arg13[%swap3A_489] {strides = array<i32>} : memref<80xi32, #tpu.memory_space<vmem>>, vector<16xi32>,
        tpu.vector_store %arg13[%swap3A_489], %add3A_488 {strides = array<i32>} : memref<80xi32, #tpu.memory_space<vmem>>, vector<16xi32>,
        %get3A_491 = arith.constant 64 : index
        %get3A_492 = tpu.vector_load %arg13[%get3A_491] {strides = array<i32>} : memref<80xi32, #tpu.memory_space<vmem>>, vector<16xi32>,
        %add3A_493 = vector.broadcast %mul3A_5 : i32 to vector<16xi32>
        %add3A_494 = arith.addi %get3A_492, %add3A_493 : vector<16xi32>
        %swap3A_495 = arith.constant 64 : index
        %swap3A_496 = tpu.vector_load %arg13[%swap3A_495] {strides = array<i32>} : memref<80xi32, #tpu.memory_space<vmem>>, vector<16xi32>,
        tpu.vector_store %arg13[%swap3A_495], %add3A_494 {strides = array<i32>} : memref<80xi32, #tpu.memory_space<vmem>>, vector<16xi32>,
        %dma_start3A = arith.constant 0 : i32
        %dma_start3A_497 = arith.constant 0 : i32
        %dma_start3A_498 = tpu.memref_slice %arg2[%dma_start3A, %dma_start3A_497] : memref<20000x128xf32, #tpu.memory_space<hbm>> -> memref<20000x128xf32, #tpu.memory_space<hbm>>
        tpu.enqueue_indirect_dma source(%dma_start3A_498 : memref<20000x128xf32, #tpu.memory_space<hbm>>) target(%arg25 : memref<80x128xf32, #tpu.memory_space<vmem>>) offsets(%arg13 : memref<80xi32, #tpu.memory_space<vmem>>) semaphore(%arg45 : memref<!tpu.dma_semaphore, #tpu.memory_space<semaphore_mem>>)
      } else {
      }
      %mul3A_451 = arith.constant 8 : i32
      %mul3A_452 = arith.muli %scan3A_19, %mul3A_451 : i32
      %add3A_453 = arith.constant 7 : i32
      %add3A_454 = arith.addi %mul3A_452, %add3A_453 : i32
      %sub3A_455 = arith.constant 3 : i32
      %sub3A_456 = arith.subi %add3A_454, %sub3A_455 : i32
      %ge3A_457 = arith.constant 0 : i32
      %ge3A_458 = arith.cmpi sge, %sub3A_456, %ge3A_457 : i32
      %lt3A_459 = arith.constant 125 : i32
      %lt3A_460 = arith.cmpi slt, %sub3A_456, %lt3A_459 : i32
      %and3A_461 = arith.andi %ge3A_458, %lt3A_460 : i1
      %convert_element_type3A_462 = arith.extui %and3A_461 : i1 to i32
      %cond3A_463 = arith.constant 0 : i32
      %cond3A_464 = arith.cmpi ne, %convert_element_type3A_462, %cond3A_463 : i32
      scf.if %cond3A_464 {
        %mul3A_465 = arith.constant 80 : i32
        %mul3A_466 = arith.muli %sub3A_456, %mul3A_465 : i32
        %add3A_467 = arith.addi %mul3A_0, %mul3A_466 : i32
        %dma_wait3A = arith.constant 0 : i32
        %dma_wait3A_468 = arith.constant 0 : i32
        %dma_wait3A_469 = tpu.memref_slice %arg2[%dma_wait3A, %dma_wait3A_468] : memref<20000x128xf32, #tpu.memory_space<hbm>> -> memref<20000x128xf32, #tpu.memory_space<hbm>>
        tpu.wait_indirect_dma semaphore(%arg43 : memref<!tpu.dma_semaphore, #tpu.memory_space<semaphore_mem>>) src(%dma_wait3A_469 : memref<20000x128xf32, #tpu.memory_space<hbm>>) dst(%arg23 : memref<80x128xf32, #tpu.memory_space<vmem>>)
        %dma_wait3A_470 = tpu.memref_slice %arg4[%add3A_467] : memref<160000xi32, #tpu.memory_space<hbm>> -> memref<80xi32, #tpu.memory_space<hbm>>
        %dma_wait3A_471 = tpu.memref_slice %arg4[%add3A_467] : memref<160000xi32, #tpu.memory_space<hbm>> -> memref<80xi32, #tpu.memory_space<hbm>>
        tpu.wait_dma2 semaphore(%arg39 : memref<!tpu.dma_semaphore, #tpu.memory_space<semaphore_mem>>) src(%dma_wait3A_471 : memref<80xi32, #tpu.memory_space<hbm>>) dst(%arg19 : memref<80xi32, #tpu.memory_space<vmem>>)
        %dma_start3A = arith.constant 0 : i32
        %dma_start3A_472 = arith.constant 0 : i32
        %dma_start3A_473 = tpu.memref_slice %arg6[%dma_start3A, %dma_start3A_472] : memref<10000x128xf32, #tpu.memory_space<vmem_shared>> -> memref<10000x128xf32, #tpu.memory_space<vmem_shared>>
        tpu.enqueue_indirect_dma source(%arg23 : memref<80x128xf32, #tpu.memory_space<vmem>>) target(%dma_start3A_473 : memref<10000x128xf32, #tpu.memory_space<vmem_shared>>) offsets(%arg19 : memref<80xi32, #tpu.memory_space<vmem>>) semaphore(%arg47 : memref<!tpu.dma_semaphore, #tpu.memory_space<semaphore_mem>>) {add = true}
      } else {
      }
    }
    %scan3A_12 = arith.constant 17 : i32
    %barrier3A_13 = arith.constant 0 : index
    tpu.barrier barrier_id(%barrier3A_13)
    %lt3A_14 = arith.constant 10 : i32
    %lt3A_15 = arith.cmpi slt, %arg1, %lt3A_14 : i32
    %convert_element_type3A_16 = arith.extui %lt3A_15 : i1 to i32
    %cond3A_17 = arith.constant 0 : i32
    %cond3A_18 = arith.cmpi ne, %convert_element_type3A_16, %cond3A_17 : i32
    scf.if %cond3A_18 {
      %mul3A_19 = arith.constant 1000 : i32
      %mul3A_20 = arith.muli %arg1, %mul3A_19 : i32
      %mul3A_21 = arith.constant 1000 : i32
      %mul3A_22 = arith.muli %arg1, %mul3A_21 : i32
      %add3A_23 = arith.addi %mul3A_5, %mul3A_22 : i32
      "tpu.region"() ({
        %run_scoped3A = tpu.sem_alloc : memref<!tpu.dma_semaphore, #tpu.memory_space<semaphore_mem>>
        %dma_start3A = arith.constant 0 : i32
        %dma_start3A_24 = tpu.memref_slice %arg5[%add3A_23, %dma_start3A] : memref<20000x128xf32, #tpu.memory_space<hbm>> -> memref<1000x128xf32, #tpu.memory_space<hbm>>
        %dma_start3A_25 = arith.constant 0 : i32
        %dma_start3A_26 = tpu.memref_slice %arg6[%mul3A_20, %dma_start3A_25] : memref<10000x128xf32, #tpu.memory_space<vmem_shared>> -> memref<1000x128xf32, #tpu.memory_space<vmem_shared>>
        tpu.enqueue_dma source(%dma_start3A_26 : memref<1000x128xf32, #tpu.memory_space<vmem_shared>>) target(%dma_start3A_24 : memref<1000x128xf32, #tpu.memory_space<hbm>>) target_semaphore(%run_scoped3A : memref<!tpu.dma_semaphore, #tpu.memory_space<semaphore_mem>>)
        %dma_wait3A = arith.constant 0 : i32
        %dma_wait3A_27 = tpu.memref_slice %arg5[%add3A_23, %dma_wait3A] : memref<20000x128xf32, #tpu.memory_space<hbm>> -> memref<1000x128xf32, #tpu.memory_space<hbm>>
        %dma_wait3A_28 = arith.constant 0 : i32
        %dma_wait3A_29 = tpu.memref_slice %arg6[%mul3A_20, %dma_wait3A_28] : memref<10000x128xf32, #tpu.memory_space<vmem_shared>> -> memref<1000x128xf32, #tpu.memory_space<vmem_shared>>
        tpu.wait_dma2 semaphore(%run_scoped3A : memref<!tpu.dma_semaphore, #tpu.memory_space<semaphore_mem>>) src(%dma_wait3A_29 : memref<1000x128xf32, #tpu.memory_space<vmem_shared>>) dst(%dma_wait3A_27 : memref<1000x128xf32, #tpu.memory_space<hbm>>)
        tpu.yield
      }) : () -> ()
    } else {
    }
    return
  }
}

#map = affine_map<(d0, d1) -> (0)>
#map1 = affine_map<(d0, d1) -> (0, 0)>
module attributes {stable_mosaic.version = 14 : i64} {
  func.func @body(%arg0: i32, %arg1: i32, %arg2: memref<160000xi32, #tpu.memory_space<hbm>>, %arg3: memref<32x10240xf32, #tpu.memory_space<hbm>>, %arg4: memref<5008xi32, #tpu.memory_space<vmem>>, %arg5: memref<10240xf32, #tpu.memory_space<vmem>>) attributes {dimension_semantics = [#tpu.dimension_semantics<core_parallel>, #tpu.dimension_semantics<subcore_parallel>], iteration_bounds = array<i64: 2, 16>, scalar_prefetch = 0 : i64, scratch_operands = 2 : i64, tpu.core_type = #tpu.core_type<sc_vector_subcore>, window_params = [{transform_indices = #map}, {transform_indices = #map1}]} {
    %mul3A = arith.constant 16 : i32
    %mul3A_0 = arith.muli %arg0, %mul3A : i32
    %add3A = arith.addi %mul3A_0, %arg1 : i32
    %mul3A_1 = arith.constant 5000 : i32
    %mul3A_2 = arith.muli %add3A, %mul3A_1 : i32
    %scan3A = arith.constant 0 : i32
    %scan3A_3 = arith.constant 0 : i32
    %scan3A_4 = arith.constant 640 : i32
    %scan3A_5 = arith.addi %scan3A_3, %scan3A_4 : i32
    %scan3A_6 = arith.constant 1 : i32
    scf.for %scan3A_21 = %scan3A_3 to %scan3A_5 step %scan3A_6  : i32 {
      %broadcast_in_dim3A_22 = arith.constant 0.000000e+00 : f32
      %broadcast_in_dim3A_23 = vector.broadcast %broadcast_in_dim3A_22 : f32 to vector<16xf32>
      %mul3A_24 = arith.constant 16 : i32
      %mul3A_25 = arith.muli %scan3A_21, %mul3A_24 : i32
      %swap3A_26 = arith.index_cast %mul3A_25 : i32 to index
      %swap3A_27 = tpu.vector_load %arg5[%swap3A_26] {strides = array<i32>} : memref<10240xf32, #tpu.memory_space<vmem>>, vector<16xf32>,
      tpu.vector_store %arg5[%swap3A_26], %broadcast_in_dim3A_23 {strides = array<i32>} : memref<10240xf32, #tpu.memory_space<vmem>>, vector<16xf32>,
    }
    %scan3A_7 = arith.constant 640 : i32
    %broadcast_in_dim3A = arith.constant 0 : i32
    %broadcast_in_dim3A_8 = vector.broadcast %broadcast_in_dim3A : i32 to vector<16xi32>
    %swap3A = arith.constant 4992 : index
    %swap3A_9 = tpu.vector_load %arg4[%swap3A] {strides = array<i32>} : memref<5008xi32, #tpu.memory_space<vmem>>, vector<16xi32>,
    tpu.vector_store %arg4[%swap3A], %broadcast_in_dim3A_8 {strides = array<i32>} : memref<5008xi32, #tpu.memory_space<vmem>>, vector<16xi32>,
    "tpu.region"() ({
      %run_scoped3A = tpu.sem_alloc : memref<!tpu.dma_semaphore, #tpu.memory_space<semaphore_mem>>
      %dma_start3A = arith.constant 0 : i32
      %dma_start3A_21 = tpu.memref_slice %arg4[%dma_start3A] : memref<5008xi32, #tpu.memory_space<vmem>> -> memref<5000xi32, #tpu.memory_space<vmem>>
      %dma_start3A_22 = tpu.memref_slice %arg2[%mul3A_2] : memref<160000xi32, #tpu.memory_space<hbm>> -> memref<5000xi32, #tpu.memory_space<hbm>>
      %dma_start3A_23 = arith.constant 0 : i32
      %dma_start3A_24 = tpu.memref_slice %arg4[%dma_start3A_23] : memref<5008xi32, #tpu.memory_space<vmem>> -> memref<5000xi32, #tpu.memory_space<vmem>>
      %dma_start3A_25 = tpu.memref_slice %arg2[%mul3A_2] : memref<160000xi32, #tpu.memory_space<hbm>> -> memref<5000xi32, #tpu.memory_space<hbm>>
      tpu.enqueue_dma source(%dma_start3A_25 : memref<5000xi32, #tpu.memory_space<hbm>>) target(%dma_start3A_24 : memref<5000xi32, #tpu.memory_space<vmem>>) target_semaphore(%run_scoped3A : memref<!tpu.dma_semaphore, #tpu.memory_space<semaphore_mem>>)
      %dma_wait3A = arith.constant 0 : i32
      %dma_wait3A_26 = tpu.memref_slice %arg4[%dma_wait3A] : memref<5008xi32, #tpu.memory_space<vmem>> -> memref<5000xi32, #tpu.memory_space<vmem>>
      %dma_wait3A_27 = tpu.memref_slice %arg2[%mul3A_2] : memref<160000xi32, #tpu.memory_space<hbm>> -> memref<5000xi32, #tpu.memory_space<hbm>>
      %dma_wait3A_28 = arith.constant 0 : i32
      %dma_wait3A_29 = tpu.memref_slice %arg4[%dma_wait3A_28] : memref<5008xi32, #tpu.memory_space<vmem>> -> memref<5000xi32, #tpu.memory_space<vmem>>
      %dma_wait3A_30 = tpu.memref_slice %arg2[%mul3A_2] : memref<160000xi32, #tpu.memory_space<hbm>> -> memref<5000xi32, #tpu.memory_space<hbm>>
      tpu.wait_dma2 semaphore(%run_scoped3A : memref<!tpu.dma_semaphore, #tpu.memory_space<semaphore_mem>>) src(%dma_wait3A_30 : memref<5000xi32, #tpu.memory_space<hbm>>) dst(%dma_wait3A_29 : memref<5000xi32, #tpu.memory_space<vmem>>)
      tpu.yield
    }) : () -> ()
    %broadcast_in_dim3A_10 = arith.constant 1.000000e+00 : f32
    %broadcast_in_dim3A_11 = vector.broadcast %broadcast_in_dim3A_10 : f32 to vector<16xf32>
    %scan3A_12 = arith.constant 0 : i32
    %scan3A_13 = arith.constant 0 : i32
    %scan3A_14 = arith.constant 312 : i32
    %scan3A_15 = arith.addi %scan3A_13, %scan3A_14 : i32
    %scan3A_16 = arith.constant 1 : i32
    scf.for %scan3A_21 = %scan3A_13 to %scan3A_15 step %scan3A_16  : i32 {
      %mul3A_22 = arith.constant 16 : i32
      %mul3A_23 = arith.muli %scan3A_21, %mul3A_22 : i32
      %get3A_24 = arith.index_cast %mul3A_23 : i32 to index
      %get3A_25 = tpu.vector_load %arg4[%get3A_24] {strides = array<i32>} : memref<5008xi32, #tpu.memory_space<vmem>>, vector<16xi32>,
      tpu.vector_store_idx %arg5[%get3A_25], %broadcast_in_dim3A_11 {add = true} : memref<10240xf32, #tpu.memory_space<vmem>>[vector<16xi32>], vector<16xf32>,
    }
    %scan3A_17 = arith.constant 312 : i32
    %get3A = arith.constant 4992 : index
    %get3A_18 = tpu.vector_load %arg4[%get3A] {strides = array<i32>} : memref<5008xi32, #tpu.memory_space<vmem>>, vector<16xi32>,
    %iota3A = tpu.iota {dimensions = array<i32: 0>} : vector<16xi32>
    %lt3A = arith.constant 8 : i32
    %lt3A_19 = vector.broadcast %lt3A : i32 to vector<16xi32>
    %lt3A_20 = arith.cmpi slt, %iota3A, %lt3A_19 : vector<16xi32>
    tpu.vector_store_idx %arg5[%get3A_18], %broadcast_in_dim3A_11 masked %lt3A_20 {add = true} : memref<10240xf32, #tpu.memory_space<vmem>>[vector<16xi32>], vector<16xf32>, vector<16xi1>
    "tpu.region"() ({
      %run_scoped3A = tpu.sem_alloc : memref<!tpu.dma_semaphore, #tpu.memory_space<semaphore_mem>>
      %dma_start3A = arith.constant 0 : i32
      %dma_start3A_21 = tpu.memref_slice %arg3[%add3A, %dma_start3A] : memref<32x10240xf32, #tpu.memory_space<hbm>> -> memref<1x10240xf32, #tpu.memory_space<hbm>>
      %dma_start3A_22 = tpu.memref_squeeze %dma_start3A_21 : memref<1x10240xf32, #tpu.memory_space<hbm>> -> memref<10240xf32, #tpu.memory_space<hbm>>
      %dma_start3A_23 = arith.constant 0 : i32
      %dma_start3A_24 = tpu.memref_slice %arg3[%add3A, %dma_start3A_23] : memref<32x10240xf32, #tpu.memory_space<hbm>> -> memref<1x10240xf32, #tpu.memory_space<hbm>>
      %dma_start3A_25 = tpu.memref_squeeze %dma_start3A_24 : memref<1x10240xf32, #tpu.memory_space<hbm>> -> memref<10240xf32, #tpu.memory_space<hbm>>
      tpu.enqueue_dma source(%arg5 : memref<10240xf32, #tpu.memory_space<vmem>>) target(%dma_start3A_25 : memref<10240xf32, #tpu.memory_space<hbm>>) target_semaphore(%run_scoped3A : memref<!tpu.dma_semaphore, #tpu.memory_space<semaphore_mem>>)
      %dma_wait3A = arith.constant 0 : i32
      %dma_wait3A_26 = tpu.memref_slice %arg3[%add3A, %dma_wait3A] : memref<32x10240xf32, #tpu.memory_space<hbm>> -> memref<1x10240xf32, #tpu.memory_space<hbm>>
      %dma_wait3A_27 = tpu.memref_squeeze %dma_wait3A_26 : memref<1x10240xf32, #tpu.memory_space<hbm>> -> memref<10240xf32, #tpu.memory_space<hbm>>
      %dma_wait3A_28 = arith.constant 0 : i32
      %dma_wait3A_29 = tpu.memref_slice %arg3[%add3A, %dma_wait3A_28] : memref<32x10240xf32, #tpu.memory_space<hbm>> -> memref<1x10240xf32, #tpu.memory_space<hbm>>
      %dma_wait3A_30 = tpu.memref_squeeze %dma_wait3A_29 : memref<1x10240xf32, #tpu.memory_space<hbm>> -> memref<10240xf32, #tpu.memory_space<hbm>>
      tpu.wait_dma2 semaphore(%run_scoped3A : memref<!tpu.dma_semaphore, #tpu.memory_space<semaphore_mem>>) src(%arg5 : memref<10240xf32, #tpu.memory_space<vmem>>) dst(%dma_wait3A_30 : memref<10240xf32, #tpu.memory_space<hbm>>)
      tpu.yield
    }) : () -> ()
    return
  }
}

#map = affine_map<(d0, d1) -> (0, 0)>
#map1 = affine_map<(d0, d1) -> (0)>
module attributes {stable_mosaic.version = 14 : i64} {
  func.func @body(%arg0: i32, %arg1: i32, %arg2: memref<40000x128xf32, #tpu.memory_space<hbm>>, %arg3: memref<160000xi32, #tpu.memory_space<hbm>>, %arg4: memref<160000xi32, #tpu.memory_space<hbm>>, %arg5: memref<40000x128xf32, #tpu.memory_space<hbm>>, %arg6: memref<10000x128xf32, #tpu.memory_space<vmem_shared>>, %arg7: memref<80xi32, #tpu.memory_space<vmem>>, %arg8: memref<80xi32, #tpu.memory_space<vmem>>, %arg9: memref<80xi32, #tpu.memory_space<vmem>>, %arg10: memref<80xi32, #tpu.memory_space<vmem>>, %arg11: memref<80xi32, #tpu.memory_space<vmem>>, %arg12: memref<80xi32, #tpu.memory_space<vmem>>, %arg13: memref<80xi32, #tpu.memory_space<vmem>>, %arg14: memref<80xi32, #tpu.memory_space<vmem>>, %arg15: memref<80xi32, #tpu.memory_space<vmem>>, %arg16: memref<80xi32, #tpu.memory_space<vmem>>, %arg17: memref<80xi32, #tpu.memory_space<vmem>>, %arg18: memref<80xi32, #tpu.memory_space<vmem>>, %arg19: memref<80xi32, #tpu.memory_space<vmem>>, %arg20: memref<80xi32, #tpu.memory_space<vmem>>, %arg21: memref<80xi32, #tpu.memory_space<vmem>>, %arg22: memref<80xi32, #tpu.memory_space<vmem>>, %arg23: memref<80x128xf32, #tpu.memory_space<vmem>>, %arg24: memref<80x128xf32, #tpu.memory_space<vmem>>, %arg25: memref<80x128xf32, #tpu.memory_space<vmem>>, %arg26: memref<80x128xf32, #tpu.memory_space<vmem>>, %arg27: memref<!tpu.dma_semaphore, #tpu.memory_space<semaphore_mem>>, %arg28: memref<!tpu.dma_semaphore, #tpu.memory_space<semaphore_mem>>, %arg29: memref<!tpu.dma_semaphore, #tpu.memory_space<semaphore_mem>>, %arg30: memref<!tpu.dma_semaphore, #tpu.memory_space<semaphore_mem>>, %arg31: memref<!tpu.dma_semaphore, #tpu.memory_space<semaphore_mem>>, %arg32: memref<!tpu.dma_semaphore, #tpu.memory_space<semaphore_mem>>, %arg33: memref<!tpu.dma_semaphore, #tpu.memory_space<semaphore_mem>>, %arg34: memref<!tpu.dma_semaphore, #tpu.memory_space<semaphore_mem>>, %arg35: memref<!tpu.dma_semaphore, #tpu.memory_space<semaphore_mem>>, %arg36: memref<!tpu.dma_semaphore, #tpu.memory_space<semaphore_mem>>, %arg37: memref<!tpu.dma_semaphore, #tpu.memory_space<semaphore_mem>>, %arg38: memref<!tpu.dma_semaphore, #tpu.memory_space<semaphore_mem>>, %arg39: memref<!tpu.dma_semaphore, #tpu.memory_space<semaphore_mem>>, %arg40: memref<!tpu.dma_semaphore, #tpu.memory_space<semaphore_mem>>, %arg41: memref<!tpu.dma_semaphore, #tpu.memory_space<semaphore_mem>>, %arg42: memref<!tpu.dma_semaphore, #tpu.memory_space<semaphore_mem>>, %arg43: memref<!tpu.dma_semaphore, #tpu.memory_space<semaphore_mem>>, %arg44: memref<!tpu.dma_semaphore, #tpu.memory_space<semaphore_mem>>, %arg45: memref<!tpu.dma_semaphore, #tpu.memory_space<semaphore_mem>>, %arg46: memref<!tpu.dma_semaphore, #tpu.memory_space<semaphore_mem>>, %arg47: memref<!tpu.dma_semaphore, #tpu.memory_space<semaphore_mem>>, %arg48: memref<!tpu.dma_semaphore, #tpu.memory_space<semaphore_mem>>, %arg49: memref<!tpu.dma_semaphore, #tpu.memory_space<semaphore_mem>>, %arg50: memref<!tpu.dma_semaphore, #tpu.memory_space<semaphore_mem>>) attributes {dimension_semantics = [#tpu.dimension_semantics<core_parallel>, #tpu.dimension_semantics<subcore_parallel>], iteration_bounds = array<i64: 2, 16>, scalar_prefetch = 0 : i64, scratch_operands = 45 : i64, tpu.core_type = #tpu.core_type<sc_vector_subcore>, window_params = [{transform_indices = #map}, {transform_indices = #map1}, {transform_indices = #map1}, {transform_indices = #map}]} {
    %mul3A = arith.constant 10000 : i32
    %mul3A_0 = arith.muli %arg1, %mul3A : i32
    %mul3A_1 = arith.constant 2 : i32
    %mul3A_2 = arith.muli %arg0, %mul3A_1 : i32
    %add3A = arith.constant 0 : i32
    %add3A_3 = arith.addi %mul3A_2, %add3A : i32
    %mul3A_4 = arith.constant 10000 : i32
    %mul3A_5 = arith.muli %add3A_3, %mul3A_4 : i32
    %lt3A = arith.constant 10 : i32
    %lt3A_6 = arith.cmpi slt, %arg1, %lt3A : i32
    %convert_element_type3A = arith.extui %lt3A_6 : i1 to i32
    %cond3A = arith.constant 0 : i32
    %cond3A_7 = arith.cmpi ne, %convert_element_type3A, %cond3A : i32
    scf.if %cond3A_7 {
      %mul3A_43 = arith.constant 1000 : i32
      %mul3A_44 = arith.muli %arg1, %mul3A_43 : i32
      %add3A_45 = arith.addi %mul3A_5, %mul3A_44 : i32
      %mul3A_46 = arith.constant 1000 : i32
      %mul3A_47 = arith.muli %arg1, %mul3A_46 : i32
      "tpu.region"() ({
        %run_scoped3A = tpu.sem_alloc : memref<!tpu.dma_semaphore, #tpu.memory_space<semaphore_mem>>
        %dma_start3A = arith.constant 0 : i32
        %dma_start3A_48 = tpu.memref_slice %arg6[%mul3A_47, %dma_start3A] : memref<10000x128xf32, #tpu.memory_space<vmem_shared>> -> memref<1000x128xf32, #tpu.memory_space<vmem_shared>>
        %dma_start3A_49 = arith.constant 0 : i32
        %dma_start3A_50 = tpu.memref_slice %arg2[%add3A_45, %dma_start3A_49] : memref<40000x128xf32, #tpu.memory_space<hbm>> -> memref<1000x128xf32, #tpu.memory_space<hbm>>
        tpu.enqueue_dma source(%dma_start3A_50 : memref<1000x128xf32, #tpu.memory_space<hbm>>) target(%dma_start3A_48 : memref<1000x128xf32, #tpu.memory_space<vmem_shared>>) target_semaphore(%run_scoped3A : memref<!tpu.dma_semaphore, #tpu.memory_space<semaphore_mem>>)
        %dma_wait3A = arith.constant 0 : i32
        %dma_wait3A_51 = tpu.memref_slice %arg6[%mul3A_47, %dma_wait3A] : memref<10000x128xf32, #tpu.memory_space<vmem_shared>> -> memref<1000x128xf32, #tpu.memory_space<vmem_shared>>
        %dma_wait3A_52 = arith.constant 0 : i32
        %dma_wait3A_53 = tpu.memref_slice %arg2[%add3A_45, %dma_wait3A_52] : memref<40000x128xf32, #tpu.memory_space<hbm>> -> memref<1000x128xf32, #tpu.memory_space<hbm>>
        tpu.wait_dma2 semaphore(%run_scoped3A : memref<!tpu.dma_semaphore, #tpu.memory_space<semaphore_mem>>) src(%dma_wait3A_53 : memref<1000x128xf32, #tpu.memory_space<hbm>>) dst(%dma_wait3A_51 : memref<1000x128xf32, #tpu.memory_space<vmem_shared>>)
        tpu.yield
      }) : () -> ()
    } else {
    }
    %barrier3A = arith.constant 0 : index
    tpu.barrier barrier_id(%barrier3A)
    %scan3A = arith.constant 0 : i32
    %scan3A_8 = arith.constant 0 : i32
    %scan3A_9 = arith.constant 17 : i32
    %scan3A_10 = arith.addi %scan3A_8, %scan3A_9 : i32
    %scan3A_11 = arith.constant 1 : i32
    scf.for %scan3A_43 = %scan3A_8 to %scan3A_10 step %scan3A_11  : i32 {
      %mul3A_44 = arith.constant 8 : i32
      %mul3A_45 = arith.muli %scan3A_43, %mul3A_44 : i32
      %add3A_46 = arith.constant 0 : i32
      %add3A_47 = arith.addi %mul3A_45, %add3A_46 : i32
      %sub3A = arith.constant 4 : i32
      %sub3A_48 = arith.subi %add3A_47, %sub3A : i32
      %ge3A = arith.constant 0 : i32
      %ge3A_49 = arith.cmpi sge, %sub3A_48, %ge3A : i32
      %lt3A_50 = arith.constant 125 : i32
      %lt3A_51 = arith.cmpi slt, %sub3A_48, %lt3A_50 : i32
      %and3A = arith.andi %ge3A_49, %lt3A_51 : i1
      %convert_element_type3A_52 = arith.extui %and3A : i1 to i32
      %cond3A_53 = arith.constant 0 : i32
      %cond3A_54 = arith.cmpi ne, %convert_element_type3A_52, %cond3A_53 : i32
      scf.if %cond3A_54 {
        %dma_wait3A = arith.constant 0 : i32
        %dma_wait3A_489 = arith.constant 0 : i32
        %dma_wait3A_490 = tpu.memref_slice %arg6[%dma_wait3A, %dma_wait3A_489] : memref<10000x128xf32, #tpu.memory_space<vmem_shared>> -> memref<10000x128xf32, #tpu.memory_space<vmem_shared>>
        tpu.wait_indirect_dma semaphore(%arg47 : memref<!tpu.dma_semaphore, #tpu.memory_space<semaphore_mem>>) src(%arg23 : memref<80x128xf32, #tpu.memory_space<vmem>>) dst(%dma_wait3A_490 : memref<10000x128xf32, #tpu.memory_space<vmem_shared>>)
      } else {
      }
      %mul3A_55 = arith.constant 8 : i32
      %mul3A_56 = arith.muli %scan3A_43, %mul3A_55 : i32
      %add3A_57 = arith.constant 0 : i32
      %add3A_58 = arith.addi %mul3A_56, %add3A_57 : i32
      %sub3A_59 = arith.constant 0 : i32
      %sub3A_60 = arith.subi %add3A_58, %sub3A_59 : i32
      %ge3A_61 = arith.constant 0 : i32
      %ge3A_62 = arith.cmpi sge, %sub3A_60, %ge3A_61 : i32
      %lt3A_63 = arith.constant 125 : i32
      %lt3A_64 = arith.cmpi slt, %sub3A_60, %lt3A_63 : i32
      %and3A_65 = arith.andi %ge3A_62, %lt3A_64 : i1
      %convert_element_type3A_66 = arith.extui %and3A_65 : i1 to i32
      %cond3A_67 = arith.constant 0 : i32
      %cond3A_68 = arith.cmpi ne, %convert_element_type3A_66, %cond3A_67 : i32
      scf.if %cond3A_68 {
        %mul3A_489 = arith.constant 80 : i32
        %mul3A_490 = arith.muli %sub3A_60, %mul3A_489 : i32
        %add3A_491 = arith.addi %mul3A_0, %mul3A_490 : i32
        %dma_start3A = tpu.memref_slice %arg3[%add3A_491] : memref<160000xi32, #tpu.memory_space<hbm>> -> memref<80xi32, #tpu.memory_space<hbm>>
        %dma_start3A_492 = tpu.memref_slice %arg3[%add3A_491] : memref<160000xi32, #tpu.memory_space<hbm>> -> memref<80xi32, #tpu.memory_space<hbm>>
        tpu.enqueue_dma source(%dma_start3A_492 : memref<80xi32, #tpu.memory_space<hbm>>) target(%arg7 : memref<80xi32, #tpu.memory_space<vmem>>) target_semaphore(%arg27 : memref<!tpu.dma_semaphore, #tpu.memory_space<semaphore_mem>>)
        %dma_start3A_493 = tpu.memref_slice %arg4[%add3A_491] : memref<160000xi32, #tpu.memory_space<hbm>> -> memref<80xi32, #tpu.memory_space<hbm>>
        %dma_start3A_494 = tpu.memref_slice %arg4[%add3A_491] : memref<160000xi32, #tpu.memory_space<hbm>> -> memref<80xi32, #tpu.memory_space<hbm>>
        tpu.enqueue_dma source(%dma_start3A_494 : memref<80xi32, #tpu.memory_space<hbm>>) target(%arg15 : memref<80xi32, #tpu.memory_space<vmem>>) target_semaphore(%arg35 : memref<!tpu.dma_semaphore, #tpu.memory_space<semaphore_mem>>)
      } else {
      }
      %mul3A_69 = arith.constant 8 : i32
      %mul3A_70 = arith.muli %scan3A_43, %mul3A_69 : i32
      %add3A_71 = arith.constant 0 : i32
      %add3A_72 = arith.addi %mul3A_70, %add3A_71 : i32
      %sub3A_73 = arith.constant 1 : i32
      %sub3A_74 = arith.subi %add3A_72, %sub3A_73 : i32
      %ge3A_75 = arith.constant 0 : i32
      %ge3A_76 = arith.cmpi sge, %sub3A_74, %ge3A_75 : i32
      %lt3A_77 = arith.constant 125 : i32
      %lt3A_78 = arith.cmpi slt, %sub3A_74, %lt3A_77 : i32
      %and3A_79 = arith.andi %ge3A_76, %lt3A_78 : i1
      %convert_element_type3A_80 = arith.extui %and3A_79 : i1 to i32
      %cond3A_81 = arith.constant 0 : i32
      %cond3A_82 = arith.cmpi ne, %convert_element_type3A_80, %cond3A_81 : i32
      scf.if %cond3A_82 {
        %mul3A_489 = arith.constant 80 : i32
        %mul3A_490 = arith.muli %sub3A_74, %mul3A_489 : i32
        %add3A_491 = arith.addi %mul3A_0, %mul3A_490 : i32
        %dma_wait3A = tpu.memref_slice %arg3[%add3A_491] : memref<160000xi32, #tpu.memory_space<hbm>> -> memref<80xi32, #tpu.memory_space<hbm>>
        %dma_wait3A_492 = tpu.memref_slice %arg3[%add3A_491] : memref<160000xi32, #tpu.memory_space<hbm>> -> memref<80xi32, #tpu.memory_space<hbm>>
        tpu.wait_dma2 semaphore(%arg34 : memref<!tpu.dma_semaphore, #tpu.memory_space<semaphore_mem>>) src(%dma_wait3A_492 : memref<80xi32, #tpu.memory_space<hbm>>) dst(%arg14 : memref<80xi32, #tpu.memory_space<vmem>>)
        %get3A = arith.constant 0 : index
        %get3A_493 = tpu.vector_load %arg14[%get3A] {strides = array<i32>} : memref<80xi32, #tpu.memory_space<vmem>>, vector<16xi32>,
        %add3A_494 = vector.broadcast %mul3A_5 : i32 to vector<16xi32>
        %add3A_495 = arith.addi %get3A_493, %add3A_494 : vector<16xi32>
        %swap3A = arith.constant 0 : index
        %swap3A_496 = tpu.vector_load %arg14[%swap3A] {strides = array<i32>} : memref<80xi32, #tpu.memory_space<vmem>>, vector<16xi32>,
        tpu.vector_store %arg14[%swap3A], %add3A_495 {strides = array<i32>} : memref<80xi32, #tpu.memory_space<vmem>>, vector<16xi32>,
        %get3A_497 = arith.constant 16 : index
        %get3A_498 = tpu.vector_load %arg14[%get3A_497] {strides = array<i32>} : memref<80xi32, #tpu.memory_space<vmem>>, vector<16xi32>,
        %add3A_499 = vector.broadcast %mul3A_5 : i32 to vector<16xi32>
        %add3A_500 = arith.addi %get3A_498, %add3A_499 : vector<16xi32>
        %swap3A_501 = arith.constant 16 : index
        %swap3A_502 = tpu.vector_load %arg14[%swap3A_501] {strides = array<i32>} : memref<80xi32, #tpu.memory_space<vmem>>, vector<16xi32>,
        tpu.vector_store %arg14[%swap3A_501], %add3A_500 {strides = array<i32>} : memref<80xi32, #tpu.memory_space<vmem>>, vector<16xi32>,
        %get3A_503 = arith.constant 32 : index
        %get3A_504 = tpu.vector_load %arg14[%get3A_503] {strides = array<i32>} : memref<80xi32, #tpu.memory_space<vmem>>, vector<16xi32>,
        %add3A_505 = vector.broadcast %mul3A_5 : i32 to vector<16xi32>
        %add3A_506 = arith.addi %get3A_504, %add3A_505 : vector<16xi32>
        %swap3A_507 = arith.constant 32 : index
        %swap3A_508 = tpu.vector_load %arg14[%swap3A_507] {strides = array<i32>} : memref<80xi32, #tpu.memory_space<vmem>>, vector<16xi32>,
        tpu.vector_store %arg14[%swap3A_507], %add3A_506 {strides = array<i32>} : memref<80xi32, #tpu.memory_space<vmem>>, vector<16xi32>,
        %get3A_509 = arith.constant 48 : index
        %get3A_510 = tpu.vector_load %arg14[%get3A_509] {strides = array<i32>} : memref<80xi32, #tpu.memory_space<vmem>>, vector<16xi32>,
        %add3A_511 = vector.broadcast %mul3A_5 : i32 to vector<16xi32>
        %add3A_512 = arith.addi %get3A_510, %add3A_511 : vector<16xi32>
        %swap3A_513 = arith.constant 48 : index
        %swap3A_514 = tpu.vector_load %arg14[%swap3A_513] {strides = array<i32>} : memref<80xi32, #tpu.memory_space<vmem>>, vector<16xi32>,
        tpu.vector_store %arg14[%swap3A_513], %add3A_512 {strides = array<i32>} : memref<80xi32, #tpu.memory_space<vmem>>, vector<16xi32>,
        %get3A_515 = arith.constant 64 : index
        %get3A_516 = tpu.vector_load %arg14[%get3A_515] {strides = array<i32>} : memref<80xi32, #tpu.memory_space<vmem>>, vector<16xi32>,
        %add3A_517 = vector.broadcast %mul3A_5 : i32 to vector<16xi32>
        %add3A_518 = arith.addi %get3A_516, %add3A_517 : vector<16xi32>
        %swap3A_519 = arith.constant 64 : index
        %swap3A_520 = tpu.vector_load %arg14[%swap3A_519] {strides = array<i32>} : memref<80xi32, #tpu.memory_space<vmem>>, vector<16xi32>,
        tpu.vector_store %arg14[%swap3A_519], %add3A_518 {strides = array<i32>} : memref<80xi32, #tpu.memory_space<vmem>>, vector<16xi32>,
        %dma_start3A = arith.constant 0 : i32
        %dma_start3A_521 = arith.constant 0 : i32
        %dma_start3A_522 = tpu.memref_slice %arg2[%dma_start3A, %dma_start3A_521] : memref<40000x128xf32, #tpu.memory_space<hbm>> -> memref<40000x128xf32, #tpu.memory_space<hbm>>
        tpu.enqueue_indirect_dma source(%dma_start3A_522 : memref<40000x128xf32, #tpu.memory_space<hbm>>) target(%arg26 : memref<80x128xf32, #tpu.memory_space<vmem>>) offsets(%arg14 : memref<80xi32, #tpu.memory_space<vmem>>) semaphore(%arg46 : memref<!tpu.dma_semaphore, #tpu.memory_space<semaphore_mem>>)
      } else {
      }
      %mul3A_83 = arith.constant 8 : i32
      %mul3A_84 = arith.muli %scan3A_43, %mul3A_83 : i32
      %add3A_85 = arith.constant 0 : i32
      %add3A_86 = arith.addi %mul3A_84, %add3A_85 : i32
      %sub3A_87 = arith.constant 3 : i32
      %sub3A_88 = arith.subi %add3A_86, %sub3A_87 : i32
      %ge3A_89 = arith.constant 0 : i32
      %ge3A_90 = arith.cmpi sge, %sub3A_88, %ge3A_89 : i32
      %lt3A_91 = arith.constant 125 : i32
      %lt3A_92 = arith.cmpi slt, %sub3A_88, %lt3A_91 : i32
      %and3A_93 = arith.andi %ge3A_90, %lt3A_92 : i1
      %convert_element_type3A_94 = arith.extui %and3A_93 : i1 to i32
      %cond3A_95 = arith.constant 0 : i32
      %cond3A_96 = arith.cmpi ne, %convert_element_type3A_94, %cond3A_95 : i32
      scf.if %cond3A_96 {
        %mul3A_489 = arith.constant 80 : i32
        %mul3A_490 = arith.muli %sub3A_88, %mul3A_489 : i32
        %add3A_491 = arith.addi %mul3A_0, %mul3A_490 : i32
        %dma_wait3A = arith.constant 0 : i32
        %dma_wait3A_492 = arith.constant 0 : i32
        %dma_wait3A_493 = tpu.memref_slice %arg2[%dma_wait3A, %dma_wait3A_492] : memref<40000x128xf32, #tpu.memory_space<hbm>> -> memref<40000x128xf32, #tpu.memory_space<hbm>>
        tpu.wait_indirect_dma semaphore(%arg44 : memref<!tpu.dma_semaphore, #tpu.memory_space<semaphore_mem>>) src(%dma_wait3A_493 : memref<40000x128xf32, #tpu.memory_space<hbm>>) dst(%arg24 : memref<80x128xf32, #tpu.memory_space<vmem>>)
        %dma_wait3A_494 = tpu.memref_slice %arg4[%add3A_491] : memref<160000xi32, #tpu.memory_space<hbm>> -> memref<80xi32, #tpu.memory_space<hbm>>
        %dma_wait3A_495 = tpu.memref_slice %arg4[%add3A_491] : memref<160000xi32, #tpu.memory_space<hbm>> -> memref<80xi32, #tpu.memory_space<hbm>>
        tpu.wait_dma2 semaphore(%arg40 : memref<!tpu.dma_semaphore, #tpu.memory_space<semaphore_mem>>) src(%dma_wait3A_495 : memref<80xi32, #tpu.memory_space<hbm>>) dst(%arg20 : memref<80xi32, #tpu.memory_space<vmem>>)
        %dma_start3A = arith.constant 0 : i32
        %dma_start3A_496 = arith.constant 0 : i32
        %dma_start3A_497 = tpu.memref_slice %arg6[%dma_start3A, %dma_start3A_496] : memref<10000x128xf32, #tpu.memory_space<vmem_shared>> -> memref<10000x128xf32, #tpu.memory_space<vmem_shared>>
        tpu.enqueue_indirect_dma source(%arg24 : memref<80x128xf32, #tpu.memory_space<vmem>>) target(%dma_start3A_497 : memref<10000x128xf32, #tpu.memory_space<vmem_shared>>) offsets(%arg20 : memref<80xi32, #tpu.memory_space<vmem>>) semaphore(%arg48 : memref<!tpu.dma_semaphore, #tpu.memory_space<semaphore_mem>>) {add = true}
      } else {
      }
      %mul3A_97 = arith.constant 8 : i32
      %mul3A_98 = arith.muli %scan3A_43, %mul3A_97 : i32
      %add3A_99 = arith.constant 1 : i32
      %add3A_100 = arith.addi %mul3A_98, %add3A_99 : i32
      %sub3A_101 = arith.constant 4 : i32
      %sub3A_102 = arith.subi %add3A_100, %sub3A_101 : i32
      %ge3A_103 = arith.constant 0 : i32
      %ge3A_104 = arith.cmpi sge, %sub3A_102, %ge3A_103 : i32
      %lt3A_105 = arith.constant 125 : i32
      %lt3A_106 = arith.cmpi slt, %sub3A_102, %lt3A_105 : i32
      %and3A_107 = arith.andi %ge3A_104, %lt3A_106 : i1
      %convert_element_type3A_108 = arith.extui %and3A_107 : i1 to i32
      %cond3A_109 = arith.constant 0 : i32
      %cond3A_110 = arith.cmpi ne, %convert_element_type3A_108, %cond3A_109 : i32
      scf.if %cond3A_110 {
        %dma_wait3A = arith.constant 0 : i32
        %dma_wait3A_489 = arith.constant 0 : i32
        %dma_wait3A_490 = tpu.memref_slice %arg6[%dma_wait3A, %dma_wait3A_489] : memref<10000x128xf32, #tpu.memory_space<vmem_shared>> -> memref<10000x128xf32, #tpu.memory_space<vmem_shared>>
        tpu.wait_indirect_dma semaphore(%arg48 : memref<!tpu.dma_semaphore, #tpu.memory_space<semaphore_mem>>) src(%arg24 : memref<80x128xf32, #tpu.memory_space<vmem>>) dst(%dma_wait3A_490 : memref<10000x128xf32, #tpu.memory_space<vmem_shared>>)
      } else {
      }
      %mul3A_111 = arith.constant 8 : i32
      %mul3A_112 = arith.muli %scan3A_43, %mul3A_111 : i32
      %add3A_113 = arith.constant 1 : i32
      %add3A_114 = arith.addi %mul3A_112, %add3A_113 : i32
      %sub3A_115 = arith.constant 0 : i32
      %sub3A_116 = arith.subi %add3A_114, %sub3A_115 : i32
      %ge3A_117 = arith.constant 0 : i32
      %ge3A_118 = arith.cmpi sge, %sub3A_116, %ge3A_117 : i32
      %lt3A_119 = arith.constant 125 : i32
      %lt3A_120 = arith.cmpi slt, %sub3A_116, %lt3A_119 : i32
      %and3A_121 = arith.andi %ge3A_118, %lt3A_120 : i1
      %convert_element_type3A_122 = arith.extui %and3A_121 : i1 to i32
      %cond3A_123 = arith.constant 0 : i32
      %cond3A_124 = arith.cmpi ne, %convert_element_type3A_122, %cond3A_123 : i32
      scf.if %cond3A_124 {
        %mul3A_489 = arith.constant 80 : i32
        %mul3A_490 = arith.muli %sub3A_116, %mul3A_489 : i32
        %add3A_491 = arith.addi %mul3A_0, %mul3A_490 : i32
        %dma_start3A = tpu.memref_slice %arg3[%add3A_491] : memref<160000xi32, #tpu.memory_space<hbm>> -> memref<80xi32, #tpu.memory_space<hbm>>
        %dma_start3A_492 = tpu.memref_slice %arg3[%add3A_491] : memref<160000xi32, #tpu.memory_space<hbm>> -> memref<80xi32, #tpu.memory_space<hbm>>
        tpu.enqueue_dma source(%dma_start3A_492 : memref<80xi32, #tpu.memory_space<hbm>>) target(%arg8 : memref<80xi32, #tpu.memory_space<vmem>>) target_semaphore(%arg28 : memref<!tpu.dma_semaphore, #tpu.memory_space<semaphore_mem>>)
        %dma_start3A_493 = tpu.memref_slice %arg4[%add3A_491] : memref<160000xi32, #tpu.memory_space<hbm>> -> memref<80xi32, #tpu.memory_space<hbm>>
        %dma_start3A_494 = tpu.memref_slice %arg4[%add3A_491] : memref<160000xi32, #tpu.memory_space<hbm>> -> memref<80xi32, #tpu.memory_space<hbm>>
        tpu.enqueue_dma source(%dma_start3A_494 : memref<80xi32, #tpu.memory_space<hbm>>) target(%arg16 : memref<80xi32, #tpu.memory_space<vmem>>) target_semaphore(%arg36 : memref<!tpu.dma_semaphore, #tpu.memory_space<semaphore_mem>>)
      } else {
      }
      %mul3A_125 = arith.constant 8 : i32
      %mul3A_126 = arith.muli %scan3A_43, %mul3A_125 : i32
      %add3A_127 = arith.constant 1 : i32
      %add3A_128 = arith.addi %mul3A_126, %add3A_127 : i32
      %sub3A_129 = arith.constant 1 : i32
      %sub3A_130 = arith.subi %add3A_128, %sub3A_129 : i32
      %ge3A_131 = arith.constant 0 : i32
      %ge3A_132 = arith.cmpi sge, %sub3A_130, %ge3A_131 : i32
      %lt3A_133 = arith.constant 125 : i32
      %lt3A_134 = arith.cmpi slt, %sub3A_130, %lt3A_133 : i32
      %and3A_135 = arith.andi %ge3A_132, %lt3A_134 : i1
      %convert_element_type3A_136 = arith.extui %and3A_135 : i1 to i32
      %cond3A_137 = arith.constant 0 : i32
      %cond3A_138 = arith.cmpi ne, %convert_element_type3A_136, %cond3A_137 : i32
      scf.if %cond3A_138 {
        %mul3A_489 = arith.constant 80 : i32
        %mul3A_490 = arith.muli %sub3A_130, %mul3A_489 : i32
        %add3A_491 = arith.addi %mul3A_0, %mul3A_490 : i32
        %dma_wait3A = tpu.memref_slice %arg3[%add3A_491] : memref<160000xi32, #tpu.memory_space<hbm>> -> memref<80xi32, #tpu.memory_space<hbm>>
        %dma_wait3A_492 = tpu.memref_slice %arg3[%add3A_491] : memref<160000xi32, #tpu.memory_space<hbm>> -> memref<80xi32, #tpu.memory_space<hbm>>
        tpu.wait_dma2 semaphore(%arg27 : memref<!tpu.dma_semaphore, #tpu.memory_space<semaphore_mem>>) src(%dma_wait3A_492 : memref<80xi32, #tpu.memory_space<hbm>>) dst(%arg7 : memref<80xi32, #tpu.memory_space<vmem>>)
        %get3A = arith.constant 0 : index
        %get3A_493 = tpu.vector_load %arg7[%get3A] {strides = array<i32>} : memref<80xi32, #tpu.memory_space<vmem>>, vector<16xi32>,
        %add3A_494 = vector.broadcast %mul3A_5 : i32 to vector<16xi32>
        %add3A_495 = arith.addi %get3A_493, %add3A_494 : vector<16xi32>
        %swap3A = arith.constant 0 : index
        %swap3A_496 = tpu.vector_load %arg7[%swap3A] {strides = array<i32>} : memref<80xi32, #tpu.memory_space<vmem>>, vector<16xi32>,
        tpu.vector_store %arg7[%swap3A], %add3A_495 {strides = array<i32>} : memref<80xi32, #tpu.memory_space<vmem>>, vector<16xi32>,
        %get3A_497 = arith.constant 16 : index
        %get3A_498 = tpu.vector_load %arg7[%get3A_497] {strides = array<i32>} : memref<80xi32, #tpu.memory_space<vmem>>, vector<16xi32>,
        %add3A_499 = vector.broadcast %mul3A_5 : i32 to vector<16xi32>
        %add3A_500 = arith.addi %get3A_498, %add3A_499 : vector<16xi32>
        %swap3A_501 = arith.constant 16 : index
        %swap3A_502 = tpu.vector_load %arg7[%swap3A_501] {strides = array<i32>} : memref<80xi32, #tpu.memory_space<vmem>>, vector<16xi32>,
        tpu.vector_store %arg7[%swap3A_501], %add3A_500 {strides = array<i32>} : memref<80xi32, #tpu.memory_space<vmem>>, vector<16xi32>,
        %get3A_503 = arith.constant 32 : index
        %get3A_504 = tpu.vector_load %arg7[%get3A_503] {strides = array<i32>} : memref<80xi32, #tpu.memory_space<vmem>>, vector<16xi32>,
        %add3A_505 = vector.broadcast %mul3A_5 : i32 to vector<16xi32>
        %add3A_506 = arith.addi %get3A_504, %add3A_505 : vector<16xi32>
        %swap3A_507 = arith.constant 32 : index
        %swap3A_508 = tpu.vector_load %arg7[%swap3A_507] {strides = array<i32>} : memref<80xi32, #tpu.memory_space<vmem>>, vector<16xi32>,
        tpu.vector_store %arg7[%swap3A_507], %add3A_506 {strides = array<i32>} : memref<80xi32, #tpu.memory_space<vmem>>, vector<16xi32>,
        %get3A_509 = arith.constant 48 : index
        %get3A_510 = tpu.vector_load %arg7[%get3A_509] {strides = array<i32>} : memref<80xi32, #tpu.memory_space<vmem>>, vector<16xi32>,
        %add3A_511 = vector.broadcast %mul3A_5 : i32 to vector<16xi32>
        %add3A_512 = arith.addi %get3A_510, %add3A_511 : vector<16xi32>
        %swap3A_513 = arith.constant 48 : index
        %swap3A_514 = tpu.vector_load %arg7[%swap3A_513] {strides = array<i32>} : memref<80xi32, #tpu.memory_space<vmem>>, vector<16xi32>,
        tpu.vector_store %arg7[%swap3A_513], %add3A_512 {strides = array<i32>} : memref<80xi32, #tpu.memory_space<vmem>>, vector<16xi32>,
        %get3A_515 = arith.constant 64 : index
        %get3A_516 = tpu.vector_load %arg7[%get3A_515] {strides = array<i32>} : memref<80xi32, #tpu.memory_space<vmem>>, vector<16xi32>,
        %add3A_517 = vector.broadcast %mul3A_5 : i32 to vector<16xi32>
        %add3A_518 = arith.addi %get3A_516, %add3A_517 : vector<16xi32>
        %swap3A_519 = arith.constant 64 : index
        %swap3A_520 = tpu.vector_load %arg7[%swap3A_519] {strides = array<i32>} : memref<80xi32, #tpu.memory_space<vmem>>, vector<16xi32>,
        tpu.vector_store %arg7[%swap3A_519], %add3A_518 {strides = array<i32>} : memref<80xi32, #tpu.memory_space<vmem>>, vector<16xi32>,
        %dma_start3A = arith.constant 0 : i32
        %dma_start3A_521 = arith.constant 0 : i32
        %dma_start3A_522 = tpu.memref_slice %arg2[%dma_start3A, %dma_start3A_521] : memref<40000x128xf32, #tpu.memory_space<hbm>> -> memref<40000x128xf32, #tpu.memory_space<hbm>>
        tpu.enqueue_indirect_dma source(%dma_start3A_522 : memref<40000x128xf32, #tpu.memory_space<hbm>>) target(%arg23 : memref<80x128xf32, #tpu.memory_space<vmem>>) offsets(%arg7 : memref<80xi32, #tpu.memory_space<vmem>>) semaphore(%arg43 : memref<!tpu.dma_semaphore, #tpu.memory_space<semaphore_mem>>)
      } else {
      }
      %mul3A_139 = arith.constant 8 : i32
      %mul3A_140 = arith.muli %scan3A_43, %mul3A_139 : i32
      %add3A_141 = arith.constant 1 : i32
      %add3A_142 = arith.addi %mul3A_140, %add3A_141 : i32
      %sub3A_143 = arith.constant 3 : i32
      %sub3A_144 = arith.subi %add3A_142, %sub3A_143 : i32
      %ge3A_145 = arith.constant 0 : i32
      %ge3A_146 = arith.cmpi sge, %sub3A_144, %ge3A_145 : i32
      %lt3A_147 = arith.constant 125 : i32
      %lt3A_148 = arith.cmpi slt, %sub3A_144, %lt3A_147 : i32
      %and3A_149 = arith.andi %ge3A_146, %lt3A_148 : i1
      %convert_element_type3A_150 = arith.extui %and3A_149 : i1 to i32
      %cond3A_151 = arith.constant 0 : i32
      %cond3A_152 = arith.cmpi ne, %convert_element_type3A_150, %cond3A_151 : i32
      scf.if %cond3A_152 {
        %mul3A_489 = arith.constant 80 : i32
        %mul3A_490 = arith.muli %sub3A_144, %mul3A_489 : i32
        %add3A_491 = arith.addi %mul3A_0, %mul3A_490 : i32
        %dma_wait3A = arith.constant 0 : i32
        %dma_wait3A_492 = arith.constant 0 : i32
        %dma_wait3A_493 = tpu.memref_slice %arg2[%dma_wait3A, %dma_wait3A_492] : memref<40000x128xf32, #tpu.memory_space<hbm>> -> memref<40000x128xf32, #tpu.memory_space<hbm>>
        tpu.wait_indirect_dma semaphore(%arg45 : memref<!tpu.dma_semaphore, #tpu.memory_space<semaphore_mem>>) src(%dma_wait3A_493 : memref<40000x128xf32, #tpu.memory_space<hbm>>) dst(%arg25 : memref<80x128xf32, #tpu.memory_space<vmem>>)
        %dma_wait3A_494 = tpu.memref_slice %arg4[%add3A_491] : memref<160000xi32, #tpu.memory_space<hbm>> -> memref<80xi32, #tpu.memory_space<hbm>>
        %dma_wait3A_495 = tpu.memref_slice %arg4[%add3A_491] : memref<160000xi32, #tpu.memory_space<hbm>> -> memref<80xi32, #tpu.memory_space<hbm>>
        tpu.wait_dma2 semaphore(%arg41 : memref<!tpu.dma_semaphore, #tpu.memory_space<semaphore_mem>>) src(%dma_wait3A_495 : memref<80xi32, #tpu.memory_space<hbm>>) dst(%arg21 : memref<80xi32, #tpu.memory_space<vmem>>)
        %dma_start3A = arith.constant 0 : i32
        %dma_start3A_496 = arith.constant 0 : i32
        %dma_start3A_497 = tpu.memref_slice %arg6[%dma_start3A, %dma_start3A_496] : memref<10000x128xf32, #tpu.memory_space<vmem_shared>> -> memref<10000x128xf32, #tpu.memory_space<vmem_shared>>
        tpu.enqueue_indirect_dma source(%arg25 : memref<80x128xf32, #tpu.memory_space<vmem>>) target(%dma_start3A_497 : memref<10000x128xf32, #tpu.memory_space<vmem_shared>>) offsets(%arg21 : memref<80xi32, #tpu.memory_space<vmem>>) semaphore(%arg49 : memref<!tpu.dma_semaphore, #tpu.memory_space<semaphore_mem>>) {add = true}
      } else {
      }
      %mul3A_153 = arith.constant 8 : i32
      %mul3A_154 = arith.muli %scan3A_43, %mul3A_153 : i32
      %add3A_155 = arith.constant 2 : i32
      %add3A_156 = arith.addi %mul3A_154, %add3A_155 : i32
      %sub3A_157 = arith.constant 4 : i32
      %sub3A_158 = arith.subi %add3A_156, %sub3A_157 : i32
      %ge3A_159 = arith.constant 0 : i32
      %ge3A_160 = arith.cmpi sge, %sub3A_158, %ge3A_159 : i32
      %lt3A_161 = arith.constant 125 : i32
      %lt3A_162 = arith.cmpi slt, %sub3A_158, %lt3A_161 : i32
      %and3A_163 = arith.andi %ge3A_160, %lt3A_162 : i1
      %convert_element_type3A_164 = arith.extui %and3A_163 : i1 to i32
      %cond3A_165 = arith.constant 0 : i32
      %cond3A_166 = arith.cmpi ne, %convert_element_type3A_164, %cond3A_165 : i32
      scf.if %cond3A_166 {
        %dma_wait3A = arith.constant 0 : i32
        %dma_wait3A_489 = arith.constant 0 : i32
        %dma_wait3A_490 = tpu.memref_slice %arg6[%dma_wait3A, %dma_wait3A_489] : memref<10000x128xf32, #tpu.memory_space<vmem_shared>> -> memref<10000x128xf32, #tpu.memory_space<vmem_shared>>
        tpu.wait_indirect_dma semaphore(%arg49 : memref<!tpu.dma_semaphore, #tpu.memory_space<semaphore_mem>>) src(%arg25 : memref<80x128xf32, #tpu.memory_space<vmem>>) dst(%dma_wait3A_490 : memref<10000x128xf32, #tpu.memory_space<vmem_shared>>)
      } else {
      }
      %mul3A_167 = arith.constant 8 : i32
      %mul3A_168 = arith.muli %scan3A_43, %mul3A_167 : i32
      %add3A_169 = arith.constant 2 : i32
      %add3A_170 = arith.addi %mul3A_168, %add3A_169 : i32
      %sub3A_171 = arith.constant 0 : i32
      %sub3A_172 = arith.subi %add3A_170, %sub3A_171 : i32
      %ge3A_173 = arith.constant 0 : i32
      %ge3A_174 = arith.cmpi sge, %sub3A_172, %ge3A_173 : i32
      %lt3A_175 = arith.constant 125 : i32
      %lt3A_176 = arith.cmpi slt, %sub3A_172, %lt3A_175 : i32
      %and3A_177 = arith.andi %ge3A_174, %lt3A_176 : i1
      %convert_element_type3A_178 = arith.extui %and3A_177 : i1 to i32
      %cond3A_179 = arith.constant 0 : i32
      %cond3A_180 = arith.cmpi ne, %convert_element_type3A_178, %cond3A_179 : i32
      scf.if %cond3A_180 {
        %mul3A_489 = arith.constant 80 : i32
        %mul3A_490 = arith.muli %sub3A_172, %mul3A_489 : i32
        %add3A_491 = arith.addi %mul3A_0, %mul3A_490 : i32
        %dma_start3A = tpu.memref_slice %arg3[%add3A_491] : memref<160000xi32, #tpu.memory_space<hbm>> -> memref<80xi32, #tpu.memory_space<hbm>>
        %dma_start3A_492 = tpu.memref_slice %arg3[%add3A_491] : memref<160000xi32, #tpu.memory_space<hbm>> -> memref<80xi32, #tpu.memory_space<hbm>>
        tpu.enqueue_dma source(%dma_start3A_492 : memref<80xi32, #tpu.memory_space<hbm>>) target(%arg9 : memref<80xi32, #tpu.memory_space<vmem>>) target_semaphore(%arg29 : memref<!tpu.dma_semaphore, #tpu.memory_space<semaphore_mem>>)
        %dma_start3A_493 = tpu.memref_slice %arg4[%add3A_491] : memref<160000xi32, #tpu.memory_space<hbm>> -> memref<80xi32, #tpu.memory_space<hbm>>
        %dma_start3A_494 = tpu.memref_slice %arg4[%add3A_491] : memref<160000xi32, #tpu.memory_space<hbm>> -> memref<80xi32, #tpu.memory_space<hbm>>
        tpu.enqueue_dma source(%dma_start3A_494 : memref<80xi32, #tpu.memory_space<hbm>>) target(%arg17 : memref<80xi32, #tpu.memory_space<vmem>>) target_semaphore(%arg37 : memref<!tpu.dma_semaphore, #tpu.memory_space<semaphore_mem>>)
      } else {
      }
      %mul3A_181 = arith.constant 8 : i32
      %mul3A_182 = arith.muli %scan3A_43, %mul3A_181 : i32
      %add3A_183 = arith.constant 2 : i32
      %add3A_184 = arith.addi %mul3A_182, %add3A_183 : i32
      %sub3A_185 = arith.constant 1 : i32
      %sub3A_186 = arith.subi %add3A_184, %sub3A_185 : i32
      %ge3A_187 = arith.constant 0 : i32
      %ge3A_188 = arith.cmpi sge, %sub3A_186, %ge3A_187 : i32
      %lt3A_189 = arith.constant 125 : i32
      %lt3A_190 = arith.cmpi slt, %sub3A_186, %lt3A_189 : i32
      %and3A_191 = arith.andi %ge3A_188, %lt3A_190 : i1
      %convert_element_type3A_192 = arith.extui %and3A_191 : i1 to i32
      %cond3A_193 = arith.constant 0 : i32
      %cond3A_194 = arith.cmpi ne, %convert_element_type3A_192, %cond3A_193 : i32
      scf.if %cond3A_194 {
        %mul3A_489 = arith.constant 80 : i32
        %mul3A_490 = arith.muli %sub3A_186, %mul3A_489 : i32
        %add3A_491 = arith.addi %mul3A_0, %mul3A_490 : i32
        %dma_wait3A = tpu.memref_slice %arg3[%add3A_491] : memref<160000xi32, #tpu.memory_space<hbm>> -> memref<80xi32, #tpu.memory_space<hbm>>
        %dma_wait3A_492 = tpu.memref_slice %arg3[%add3A_491] : memref<160000xi32, #tpu.memory_space<hbm>> -> memref<80xi32, #tpu.memory_space<hbm>>
        tpu.wait_dma2 semaphore(%arg28 : memref<!tpu.dma_semaphore, #tpu.memory_space<semaphore_mem>>) src(%dma_wait3A_492 : memref<80xi32, #tpu.memory_space<hbm>>) dst(%arg8 : memref<80xi32, #tpu.memory_space<vmem>>)
        %get3A = arith.constant 0 : index
        %get3A_493 = tpu.vector_load %arg8[%get3A] {strides = array<i32>} : memref<80xi32, #tpu.memory_space<vmem>>, vector<16xi32>,
        %add3A_494 = vector.broadcast %mul3A_5 : i32 to vector<16xi32>
        %add3A_495 = arith.addi %get3A_493, %add3A_494 : vector<16xi32>
        %swap3A = arith.constant 0 : index
        %swap3A_496 = tpu.vector_load %arg8[%swap3A] {strides = array<i32>} : memref<80xi32, #tpu.memory_space<vmem>>, vector<16xi32>,
        tpu.vector_store %arg8[%swap3A], %add3A_495 {strides = array<i32>} : memref<80xi32, #tpu.memory_space<vmem>>, vector<16xi32>,
        %get3A_497 = arith.constant 16 : index
        %get3A_498 = tpu.vector_load %arg8[%get3A_497] {strides = array<i32>} : memref<80xi32, #tpu.memory_space<vmem>>, vector<16xi32>,
        %add3A_499 = vector.broadcast %mul3A_5 : i32 to vector<16xi32>
        %add3A_500 = arith.addi %get3A_498, %add3A_499 : vector<16xi32>
        %swap3A_501 = arith.constant 16 : index
        %swap3A_502 = tpu.vector_load %arg8[%swap3A_501] {strides = array<i32>} : memref<80xi32, #tpu.memory_space<vmem>>, vector<16xi32>,
        tpu.vector_store %arg8[%swap3A_501], %add3A_500 {strides = array<i32>} : memref<80xi32, #tpu.memory_space<vmem>>, vector<16xi32>,
        %get3A_503 = arith.constant 32 : index
        %get3A_504 = tpu.vector_load %arg8[%get3A_503] {strides = array<i32>} : memref<80xi32, #tpu.memory_space<vmem>>, vector<16xi32>,
        %add3A_505 = vector.broadcast %mul3A_5 : i32 to vector<16xi32>
        %add3A_506 = arith.addi %get3A_504, %add3A_505 : vector<16xi32>
        %swap3A_507 = arith.constant 32 : index
        %swap3A_508 = tpu.vector_load %arg8[%swap3A_507] {strides = array<i32>} : memref<80xi32, #tpu.memory_space<vmem>>, vector<16xi32>,
        tpu.vector_store %arg8[%swap3A_507], %add3A_506 {strides = array<i32>} : memref<80xi32, #tpu.memory_space<vmem>>, vector<16xi32>,
        %get3A_509 = arith.constant 48 : index
        %get3A_510 = tpu.vector_load %arg8[%get3A_509] {strides = array<i32>} : memref<80xi32, #tpu.memory_space<vmem>>, vector<16xi32>,
        %add3A_511 = vector.broadcast %mul3A_5 : i32 to vector<16xi32>
        %add3A_512 = arith.addi %get3A_510, %add3A_511 : vector<16xi32>
        %swap3A_513 = arith.constant 48 : index
        %swap3A_514 = tpu.vector_load %arg8[%swap3A_513] {strides = array<i32>} : memref<80xi32, #tpu.memory_space<vmem>>, vector<16xi32>,
        tpu.vector_store %arg8[%swap3A_513], %add3A_512 {strides = array<i32>} : memref<80xi32, #tpu.memory_space<vmem>>, vector<16xi32>,
        %get3A_515 = arith.constant 64 : index
        %get3A_516 = tpu.vector_load %arg8[%get3A_515] {strides = array<i32>} : memref<80xi32, #tpu.memory_space<vmem>>, vector<16xi32>,
        %add3A_517 = vector.broadcast %mul3A_5 : i32 to vector<16xi32>
        %add3A_518 = arith.addi %get3A_516, %add3A_517 : vector<16xi32>
        %swap3A_519 = arith.constant 64 : index
        %swap3A_520 = tpu.vector_load %arg8[%swap3A_519] {strides = array<i32>} : memref<80xi32, #tpu.memory_space<vmem>>, vector<16xi32>,
        tpu.vector_store %arg8[%swap3A_519], %add3A_518 {strides = array<i32>} : memref<80xi32, #tpu.memory_space<vmem>>, vector<16xi32>,
        %dma_start3A = arith.constant 0 : i32
        %dma_start3A_521 = arith.constant 0 : i32
        %dma_start3A_522 = tpu.memref_slice %arg2[%dma_start3A, %dma_start3A_521] : memref<40000x128xf32, #tpu.memory_space<hbm>> -> memref<40000x128xf32, #tpu.memory_space<hbm>>
        tpu.enqueue_indirect_dma source(%dma_start3A_522 : memref<40000x128xf32, #tpu.memory_space<hbm>>) target(%arg24 : memref<80x128xf32, #tpu.memory_space<vmem>>) offsets(%arg8 : memref<80xi32, #tpu.memory_space<vmem>>) semaphore(%arg44 : memref<!tpu.dma_semaphore, #tpu.memory_space<semaphore_mem>>)
      } else {
      }
      %mul3A_195 = arith.constant 8 : i32
      %mul3A_196 = arith.muli %scan3A_43, %mul3A_195 : i32
      %add3A_197 = arith.constant 2 : i32
      %add3A_198 = arith.addi %mul3A_196, %add3A_197 : i32
      %sub3A_199 = arith.constant 3 : i32
      %sub3A_200 = arith.subi %add3A_198, %sub3A_199 : i32
      %ge3A_201 = arith.constant 0 : i32
      %ge3A_202 = arith.cmpi sge, %sub3A_200, %ge3A_201 : i32
      %lt3A_203 = arith.constant 125 : i32
      %lt3A_204 = arith.cmpi slt, %sub3A_200, %lt3A_203 : i32
      %and3A_205 = arith.andi %ge3A_202, %lt3A_204 : i1
      %convert_element_type3A_206 = arith.extui %and3A_205 : i1 to i32
      %cond3A_207 = arith.constant 0 : i32
      %cond3A_208 = arith.cmpi ne, %convert_element_type3A_206, %cond3A_207 : i32
      scf.if %cond3A_208 {
        %mul3A_489 = arith.constant 80 : i32
        %mul3A_490 = arith.muli %sub3A_200, %mul3A_489 : i32
        %add3A_491 = arith.addi %mul3A_0, %mul3A_490 : i32
        %dma_wait3A = arith.constant 0 : i32
        %dma_wait3A_492 = arith.constant 0 : i32
        %dma_wait3A_493 = tpu.memref_slice %arg2[%dma_wait3A, %dma_wait3A_492] : memref<40000x128xf32, #tpu.memory_space<hbm>> -> memref<40000x128xf32, #tpu.memory_space<hbm>>
        tpu.wait_indirect_dma semaphore(%arg46 : memref<!tpu.dma_semaphore, #tpu.memory_space<semaphore_mem>>) src(%dma_wait3A_493 : memref<40000x128xf32, #tpu.memory_space<hbm>>) dst(%arg26 : memref<80x128xf32, #tpu.memory_space<vmem>>)
        %dma_wait3A_494 = tpu.memref_slice %arg4[%add3A_491] : memref<160000xi32, #tpu.memory_space<hbm>> -> memref<80xi32, #tpu.memory_space<hbm>>
        %dma_wait3A_495 = tpu.memref_slice %arg4[%add3A_491] : memref<160000xi32, #tpu.memory_space<hbm>> -> memref<80xi32, #tpu.memory_space<hbm>>
        tpu.wait_dma2 semaphore(%arg42 : memref<!tpu.dma_semaphore, #tpu.memory_space<semaphore_mem>>) src(%dma_wait3A_495 : memref<80xi32, #tpu.memory_space<hbm>>) dst(%arg22 : memref<80xi32, #tpu.memory_space<vmem>>)
        %dma_start3A = arith.constant 0 : i32
        %dma_start3A_496 = arith.constant 0 : i32
        %dma_start3A_497 = tpu.memref_slice %arg6[%dma_start3A, %dma_start3A_496] : memref<10000x128xf32, #tpu.memory_space<vmem_shared>> -> memref<10000x128xf32, #tpu.memory_space<vmem_shared>>
        tpu.enqueue_indirect_dma source(%arg26 : memref<80x128xf32, #tpu.memory_space<vmem>>) target(%dma_start3A_497 : memref<10000x128xf32, #tpu.memory_space<vmem_shared>>) offsets(%arg22 : memref<80xi32, #tpu.memory_space<vmem>>) semaphore(%arg50 : memref<!tpu.dma_semaphore, #tpu.memory_space<semaphore_mem>>) {add = true}
      } else {
      }
      %mul3A_209 = arith.constant 8 : i32
      %mul3A_210 = arith.muli %scan3A_43, %mul3A_209 : i32
      %add3A_211 = arith.constant 3 : i32
      %add3A_212 = arith.addi %mul3A_210, %add3A_211 : i32
      %sub3A_213 = arith.constant 4 : i32
      %sub3A_214 = arith.subi %add3A_212, %sub3A_213 : i32
      %ge3A_215 = arith.constant 0 : i32
      %ge3A_216 = arith.cmpi sge, %sub3A_214, %ge3A_215 : i32
      %lt3A_217 = arith.constant 125 : i32
      %lt3A_218 = arith.cmpi slt, %sub3A_214, %lt3A_217 : i32
      %and3A_219 = arith.andi %ge3A_216, %lt3A_218 : i1
      %convert_element_type3A_220 = arith.extui %and3A_219 : i1 to i32
      %cond3A_221 = arith.constant 0 : i32
      %cond3A_222 = arith.cmpi ne, %convert_element_type3A_220, %cond3A_221 : i32
      scf.if %cond3A_222 {
        %dma_wait3A = arith.constant 0 : i32
        %dma_wait3A_489 = arith.constant 0 : i32
        %dma_wait3A_490 = tpu.memref_slice %arg6[%dma_wait3A, %dma_wait3A_489] : memref<10000x128xf32, #tpu.memory_space<vmem_shared>> -> memref<10000x128xf32, #tpu.memory_space<vmem_shared>>
        tpu.wait_indirect_dma semaphore(%arg50 : memref<!tpu.dma_semaphore, #tpu.memory_space<semaphore_mem>>) src(%arg26 : memref<80x128xf32, #tpu.memory_space<vmem>>) dst(%dma_wait3A_490 : memref<10000x128xf32, #tpu.memory_space<vmem_shared>>)
      } else {
      }
      %mul3A_223 = arith.constant 8 : i32
      %mul3A_224 = arith.muli %scan3A_43, %mul3A_223 : i32
      %add3A_225 = arith.constant 3 : i32
      %add3A_226 = arith.addi %mul3A_224, %add3A_225 : i32
      %sub3A_227 = arith.constant 0 : i32
      %sub3A_228 = arith.subi %add3A_226, %sub3A_227 : i32
      %ge3A_229 = arith.constant 0 : i32
      %ge3A_230 = arith.cmpi sge, %sub3A_228, %ge3A_229 : i32
      %lt3A_231 = arith.constant 125 : i32
      %lt3A_232 = arith.cmpi slt, %sub3A_228, %lt3A_231 : i32
      %and3A_233 = arith.andi %ge3A_230, %lt3A_232 : i1
      %convert_element_type3A_234 = arith.extui %and3A_233 : i1 to i32
      %cond3A_235 = arith.constant 0 : i32
      %cond3A_236 = arith.cmpi ne, %convert_element_type3A_234, %cond3A_235 : i32
      scf.if %cond3A_236 {
        %mul3A_489 = arith.constant 80 : i32
        %mul3A_490 = arith.muli %sub3A_228, %mul3A_489 : i32
        %add3A_491 = arith.addi %mul3A_0, %mul3A_490 : i32
        %dma_start3A = tpu.memref_slice %arg3[%add3A_491] : memref<160000xi32, #tpu.memory_space<hbm>> -> memref<80xi32, #tpu.memory_space<hbm>>
        %dma_start3A_492 = tpu.memref_slice %arg3[%add3A_491] : memref<160000xi32, #tpu.memory_space<hbm>> -> memref<80xi32, #tpu.memory_space<hbm>>
        tpu.enqueue_dma source(%dma_start3A_492 : memref<80xi32, #tpu.memory_space<hbm>>) target(%arg10 : memref<80xi32, #tpu.memory_space<vmem>>) target_semaphore(%arg30 : memref<!tpu.dma_semaphore, #tpu.memory_space<semaphore_mem>>)
        %dma_start3A_493 = tpu.memref_slice %arg4[%add3A_491] : memref<160000xi32, #tpu.memory_space<hbm>> -> memref<80xi32, #tpu.memory_space<hbm>>
        %dma_start3A_494 = tpu.memref_slice %arg4[%add3A_491] : memref<160000xi32, #tpu.memory_space<hbm>> -> memref<80xi32, #tpu.memory_space<hbm>>
        tpu.enqueue_dma source(%dma_start3A_494 : memref<80xi32, #tpu.memory_space<hbm>>) target(%arg18 : memref<80xi32, #tpu.memory_space<vmem>>) target_semaphore(%arg38 : memref<!tpu.dma_semaphore, #tpu.memory_space<semaphore_mem>>)
      } else {
      }
      %mul3A_237 = arith.constant 8 : i32
      %mul3A_238 = arith.muli %scan3A_43, %mul3A_237 : i32
      %add3A_239 = arith.constant 3 : i32
      %add3A_240 = arith.addi %mul3A_238, %add3A_239 : i32
      %sub3A_241 = arith.constant 1 : i32
      %sub3A_242 = arith.subi %add3A_240, %sub3A_241 : i32
      %ge3A_243 = arith.constant 0 : i32
      %ge3A_244 = arith.cmpi sge, %sub3A_242, %ge3A_243 : i32
      %lt3A_245 = arith.constant 125 : i32
      %lt3A_246 = arith.cmpi slt, %sub3A_242, %lt3A_245 : i32
      %and3A_247 = arith.andi %ge3A_244, %lt3A_246 : i1
      %convert_element_type3A_248 = arith.extui %and3A_247 : i1 to i32
      %cond3A_249 = arith.constant 0 : i32
      %cond3A_250 = arith.cmpi ne, %convert_element_type3A_248, %cond3A_249 : i32
      scf.if %cond3A_250 {
        %mul3A_489 = arith.constant 80 : i32
        %mul3A_490 = arith.muli %sub3A_242, %mul3A_489 : i32
        %add3A_491 = arith.addi %mul3A_0, %mul3A_490 : i32
        %dma_wait3A = tpu.memref_slice %arg3[%add3A_491] : memref<160000xi32, #tpu.memory_space<hbm>> -> memref<80xi32, #tpu.memory_space<hbm>>
        %dma_wait3A_492 = tpu.memref_slice %arg3[%add3A_491] : memref<160000xi32, #tpu.memory_space<hbm>> -> memref<80xi32, #tpu.memory_space<hbm>>
        tpu.wait_dma2 semaphore(%arg29 : memref<!tpu.dma_semaphore, #tpu.memory_space<semaphore_mem>>) src(%dma_wait3A_492 : memref<80xi32, #tpu.memory_space<hbm>>) dst(%arg9 : memref<80xi32, #tpu.memory_space<vmem>>)
        %get3A = arith.constant 0 : index
        %get3A_493 = tpu.vector_load %arg9[%get3A] {strides = array<i32>} : memref<80xi32, #tpu.memory_space<vmem>>, vector<16xi32>,
        %add3A_494 = vector.broadcast %mul3A_5 : i32 to vector<16xi32>
        %add3A_495 = arith.addi %get3A_493, %add3A_494 : vector<16xi32>
        %swap3A = arith.constant 0 : index
        %swap3A_496 = tpu.vector_load %arg9[%swap3A] {strides = array<i32>} : memref<80xi32, #tpu.memory_space<vmem>>, vector<16xi32>,
        tpu.vector_store %arg9[%swap3A], %add3A_495 {strides = array<i32>} : memref<80xi32, #tpu.memory_space<vmem>>, vector<16xi32>,
        %get3A_497 = arith.constant 16 : index
        %get3A_498 = tpu.vector_load %arg9[%get3A_497] {strides = array<i32>} : memref<80xi32, #tpu.memory_space<vmem>>, vector<16xi32>,
        %add3A_499 = vector.broadcast %mul3A_5 : i32 to vector<16xi32>
        %add3A_500 = arith.addi %get3A_498, %add3A_499 : vector<16xi32>
        %swap3A_501 = arith.constant 16 : index
        %swap3A_502 = tpu.vector_load %arg9[%swap3A_501] {strides = array<i32>} : memref<80xi32, #tpu.memory_space<vmem>>, vector<16xi32>,
        tpu.vector_store %arg9[%swap3A_501], %add3A_500 {strides = array<i32>} : memref<80xi32, #tpu.memory_space<vmem>>, vector<16xi32>,
        %get3A_503 = arith.constant 32 : index
        %get3A_504 = tpu.vector_load %arg9[%get3A_503] {strides = array<i32>} : memref<80xi32, #tpu.memory_space<vmem>>, vector<16xi32>,
        %add3A_505 = vector.broadcast %mul3A_5 : i32 to vector<16xi32>
        %add3A_506 = arith.addi %get3A_504, %add3A_505 : vector<16xi32>
        %swap3A_507 = arith.constant 32 : index
        %swap3A_508 = tpu.vector_load %arg9[%swap3A_507] {strides = array<i32>} : memref<80xi32, #tpu.memory_space<vmem>>, vector<16xi32>,
        tpu.vector_store %arg9[%swap3A_507], %add3A_506 {strides = array<i32>} : memref<80xi32, #tpu.memory_space<vmem>>, vector<16xi32>,
        %get3A_509 = arith.constant 48 : index
        %get3A_510 = tpu.vector_load %arg9[%get3A_509] {strides = array<i32>} : memref<80xi32, #tpu.memory_space<vmem>>, vector<16xi32>,
        %add3A_511 = vector.broadcast %mul3A_5 : i32 to vector<16xi32>
        %add3A_512 = arith.addi %get3A_510, %add3A_511 : vector<16xi32>
        %swap3A_513 = arith.constant 48 : index
        %swap3A_514 = tpu.vector_load %arg9[%swap3A_513] {strides = array<i32>} : memref<80xi32, #tpu.memory_space<vmem>>, vector<16xi32>,
        tpu.vector_store %arg9[%swap3A_513], %add3A_512 {strides = array<i32>} : memref<80xi32, #tpu.memory_space<vmem>>, vector<16xi32>,
        %get3A_515 = arith.constant 64 : index
        %get3A_516 = tpu.vector_load %arg9[%get3A_515] {strides = array<i32>} : memref<80xi32, #tpu.memory_space<vmem>>, vector<16xi32>,
        %add3A_517 = vector.broadcast %mul3A_5 : i32 to vector<16xi32>
        %add3A_518 = arith.addi %get3A_516, %add3A_517 : vector<16xi32>
        %swap3A_519 = arith.constant 64 : index
        %swap3A_520 = tpu.vector_load %arg9[%swap3A_519] {strides = array<i32>} : memref<80xi32, #tpu.memory_space<vmem>>, vector<16xi32>,
        tpu.vector_store %arg9[%swap3A_519], %add3A_518 {strides = array<i32>} : memref<80xi32, #tpu.memory_space<vmem>>, vector<16xi32>,
        %dma_start3A = arith.constant 0 : i32
        %dma_start3A_521 = arith.constant 0 : i32
        %dma_start3A_522 = tpu.memref_slice %arg2[%dma_start3A, %dma_start3A_521] : memref<40000x128xf32, #tpu.memory_space<hbm>> -> memref<40000x128xf32, #tpu.memory_space<hbm>>
        tpu.enqueue_indirect_dma source(%dma_start3A_522 : memref<40000x128xf32, #tpu.memory_space<hbm>>) target(%arg25 : memref<80x128xf32, #tpu.memory_space<vmem>>) offsets(%arg9 : memref<80xi32, #tpu.memory_space<vmem>>) semaphore(%arg45 : memref<!tpu.dma_semaphore, #tpu.memory_space<semaphore_mem>>)
      } else {
      }
      %mul3A_251 = arith.constant 8 : i32
      %mul3A_252 = arith.muli %scan3A_43, %mul3A_251 : i32
      %add3A_253 = arith.constant 3 : i32
      %add3A_254 = arith.addi %mul3A_252, %add3A_253 : i32
      %sub3A_255 = arith.constant 3 : i32
      %sub3A_256 = arith.subi %add3A_254, %sub3A_255 : i32
      %ge3A_257 = arith.constant 0 : i32
      %ge3A_258 = arith.cmpi sge, %sub3A_256, %ge3A_257 : i32
      %lt3A_259 = arith.constant 125 : i32
      %lt3A_260 = arith.cmpi slt, %sub3A_256, %lt3A_259 : i32
      %and3A_261 = arith.andi %ge3A_258, %lt3A_260 : i1
      %convert_element_type3A_262 = arith.extui %and3A_261 : i1 to i32
      %cond3A_263 = arith.constant 0 : i32
      %cond3A_264 = arith.cmpi ne, %convert_element_type3A_262, %cond3A_263 : i32
      scf.if %cond3A_264 {
        %mul3A_489 = arith.constant 80 : i32
        %mul3A_490 = arith.muli %sub3A_256, %mul3A_489 : i32
        %add3A_491 = arith.addi %mul3A_0, %mul3A_490 : i32
        %dma_wait3A = arith.constant 0 : i32
        %dma_wait3A_492 = arith.constant 0 : i32
        %dma_wait3A_493 = tpu.memref_slice %arg2[%dma_wait3A, %dma_wait3A_492] : memref<40000x128xf32, #tpu.memory_space<hbm>> -> memref<40000x128xf32, #tpu.memory_space<hbm>>
        tpu.wait_indirect_dma semaphore(%arg43 : memref<!tpu.dma_semaphore, #tpu.memory_space<semaphore_mem>>) src(%dma_wait3A_493 : memref<40000x128xf32, #tpu.memory_space<hbm>>) dst(%arg23 : memref<80x128xf32, #tpu.memory_space<vmem>>)
        %dma_wait3A_494 = tpu.memref_slice %arg4[%add3A_491] : memref<160000xi32, #tpu.memory_space<hbm>> -> memref<80xi32, #tpu.memory_space<hbm>>
        %dma_wait3A_495 = tpu.memref_slice %arg4[%add3A_491] : memref<160000xi32, #tpu.memory_space<hbm>> -> memref<80xi32, #tpu.memory_space<hbm>>
        tpu.wait_dma2 semaphore(%arg35 : memref<!tpu.dma_semaphore, #tpu.memory_space<semaphore_mem>>) src(%dma_wait3A_495 : memref<80xi32, #tpu.memory_space<hbm>>) dst(%arg15 : memref<80xi32, #tpu.memory_space<vmem>>)
        %dma_start3A = arith.constant 0 : i32
        %dma_start3A_496 = arith.constant 0 : i32
        %dma_start3A_497 = tpu.memref_slice %arg6[%dma_start3A, %dma_start3A_496] : memref<10000x128xf32, #tpu.memory_space<vmem_shared>> -> memref<10000x128xf32, #tpu.memory_space<vmem_shared>>
        tpu.enqueue_indirect_dma source(%arg23 : memref<80x128xf32, #tpu.memory_space<vmem>>) target(%dma_start3A_497 : memref<10000x128xf32, #tpu.memory_space<vmem_shared>>) offsets(%arg15 : memref<80xi32, #tpu.memory_space<vmem>>) semaphore(%arg47 : memref<!tpu.dma_semaphore, #tpu.memory_space<semaphore_mem>>) {add = true}
      } else {
      }
      %mul3A_265 = arith.constant 8 : i32
      %mul3A_266 = arith.muli %scan3A_43, %mul3A_265 : i32
      %add3A_267 = arith.constant 4 : i32
      %add3A_268 = arith.addi %mul3A_266, %add3A_267 : i32
      %sub3A_269 = arith.constant 4 : i32
      %sub3A_270 = arith.subi %add3A_268, %sub3A_269 : i32
      %ge3A_271 = arith.constant 0 : i32
      %ge3A_272 = arith.cmpi sge, %sub3A_270, %ge3A_271 : i32
      %lt3A_273 = arith.constant 125 : i32
      %lt3A_274 = arith.cmpi slt, %sub3A_270, %lt3A_273 : i32
      %and3A_275 = arith.andi %ge3A_272, %lt3A_274 : i1
      %convert_element_type3A_276 = arith.extui %and3A_275 : i1 to i32
      %cond3A_277 = arith.constant 0 : i32
      %cond3A_278 = arith.cmpi ne, %convert_element_type3A_276, %cond3A_277 : i32
      scf.if %cond3A_278 {
        %dma_wait3A = arith.constant 0 : i32
        %dma_wait3A_489 = arith.constant 0 : i32
        %dma_wait3A_490 = tpu.memref_slice %arg6[%dma_wait3A, %dma_wait3A_489] : memref<10000x128xf32, #tpu.memory_space<vmem_shared>> -> memref<10000x128xf32, #tpu.memory_space<vmem_shared>>
        tpu.wait_indirect_dma semaphore(%arg47 : memref<!tpu.dma_semaphore, #tpu.memory_space<semaphore_mem>>) src(%arg23 : memref<80x128xf32, #tpu.memory_space<vmem>>) dst(%dma_wait3A_490 : memref<10000x128xf32, #tpu.memory_space<vmem_shared>>)
      } else {
      }
      %mul3A_279 = arith.constant 8 : i32
      %mul3A_280 = arith.muli %scan3A_43, %mul3A_279 : i32
      %add3A_281 = arith.constant 4 : i32
      %add3A_282 = arith.addi %mul3A_280, %add3A_281 : i32
      %sub3A_283 = arith.constant 0 : i32
      %sub3A_284 = arith.subi %add3A_282, %sub3A_283 : i32
      %ge3A_285 = arith.constant 0 : i32
      %ge3A_286 = arith.cmpi sge, %sub3A_284, %ge3A_285 : i32
      %lt3A_287 = arith.constant 125 : i32
      %lt3A_288 = arith.cmpi slt, %sub3A_284, %lt3A_287 : i32
      %and3A_289 = arith.andi %ge3A_286, %lt3A_288 : i1
      %convert_element_type3A_290 = arith.extui %and3A_289 : i1 to i32
      %cond3A_291 = arith.constant 0 : i32
      %cond3A_292 = arith.cmpi ne, %convert_element_type3A_290, %cond3A_291 : i32
      scf.if %cond3A_292 {
        %mul3A_489 = arith.constant 80 : i32
        %mul3A_490 = arith.muli %sub3A_284, %mul3A_489 : i32
        %add3A_491 = arith.addi %mul3A_0, %mul3A_490 : i32
        %dma_start3A = tpu.memref_slice %arg3[%add3A_491] : memref<160000xi32, #tpu.memory_space<hbm>> -> memref<80xi32, #tpu.memory_space<hbm>>
        %dma_start3A_492 = tpu.memref_slice %arg3[%add3A_491] : memref<160000xi32, #tpu.memory_space<hbm>> -> memref<80xi32, #tpu.memory_space<hbm>>
        tpu.enqueue_dma source(%dma_start3A_492 : memref<80xi32, #tpu.memory_space<hbm>>) target(%arg11 : memref<80xi32, #tpu.memory_space<vmem>>) target_semaphore(%arg31 : memref<!tpu.dma_semaphore, #tpu.memory_space<semaphore_mem>>)
        %dma_start3A_493 = tpu.memref_slice %arg4[%add3A_491] : memref<160000xi32, #tpu.memory_space<hbm>> -> memref<80xi32, #tpu.memory_space<hbm>>
        %dma_start3A_494 = tpu.memref_slice %arg4[%add3A_491] : memref<160000xi32, #tpu.memory_space<hbm>> -> memref<80xi32, #tpu.memory_space<hbm>>
        tpu.enqueue_dma source(%dma_start3A_494 : memref<80xi32, #tpu.memory_space<hbm>>) target(%arg19 : memref<80xi32, #tpu.memory_space<vmem>>) target_semaphore(%arg39 : memref<!tpu.dma_semaphore, #tpu.memory_space<semaphore_mem>>)
      } else {
      }
      %mul3A_293 = arith.constant 8 : i32
      %mul3A_294 = arith.muli %scan3A_43, %mul3A_293 : i32
      %add3A_295 = arith.constant 4 : i32
      %add3A_296 = arith.addi %mul3A_294, %add3A_295 : i32
      %sub3A_297 = arith.constant 1 : i32
      %sub3A_298 = arith.subi %add3A_296, %sub3A_297 : i32
      %ge3A_299 = arith.constant 0 : i32
      %ge3A_300 = arith.cmpi sge, %sub3A_298, %ge3A_299 : i32
      %lt3A_301 = arith.constant 125 : i32
      %lt3A_302 = arith.cmpi slt, %sub3A_298, %lt3A_301 : i32
      %and3A_303 = arith.andi %ge3A_300, %lt3A_302 : i1
      %convert_element_type3A_304 = arith.extui %and3A_303 : i1 to i32
      %cond3A_305 = arith.constant 0 : i32
      %cond3A_306 = arith.cmpi ne, %convert_element_type3A_304, %cond3A_305 : i32
      scf.if %cond3A_306 {
        %mul3A_489 = arith.constant 80 : i32
        %mul3A_490 = arith.muli %sub3A_298, %mul3A_489 : i32
        %add3A_491 = arith.addi %mul3A_0, %mul3A_490 : i32
        %dma_wait3A = tpu.memref_slice %arg3[%add3A_491] : memref<160000xi32, #tpu.memory_space<hbm>> -> memref<80xi32, #tpu.memory_space<hbm>>
        %dma_wait3A_492 = tpu.memref_slice %arg3[%add3A_491] : memref<160000xi32, #tpu.memory_space<hbm>> -> memref<80xi32, #tpu.memory_space<hbm>>
        tpu.wait_dma2 semaphore(%arg30 : memref<!tpu.dma_semaphore, #tpu.memory_space<semaphore_mem>>) src(%dma_wait3A_492 : memref<80xi32, #tpu.memory_space<hbm>>) dst(%arg10 : memref<80xi32, #tpu.memory_space<vmem>>)
        %get3A = arith.constant 0 : index
        %get3A_493 = tpu.vector_load %arg10[%get3A] {strides = array<i32>} : memref<80xi32, #tpu.memory_space<vmem>>, vector<16xi32>,
        %add3A_494 = vector.broadcast %mul3A_5 : i32 to vector<16xi32>
        %add3A_495 = arith.addi %get3A_493, %add3A_494 : vector<16xi32>
        %swap3A = arith.constant 0 : index
        %swap3A_496 = tpu.vector_load %arg10[%swap3A] {strides = array<i32>} : memref<80xi32, #tpu.memory_space<vmem>>, vector<16xi32>,
        tpu.vector_store %arg10[%swap3A], %add3A_495 {strides = array<i32>} : memref<80xi32, #tpu.memory_space<vmem>>, vector<16xi32>,
        %get3A_497 = arith.constant 16 : index
        %get3A_498 = tpu.vector_load %arg10[%get3A_497] {strides = array<i32>} : memref<80xi32, #tpu.memory_space<vmem>>, vector<16xi32>,
        %add3A_499 = vector.broadcast %mul3A_5 : i32 to vector<16xi32>
        %add3A_500 = arith.addi %get3A_498, %add3A_499 : vector<16xi32>
        %swap3A_501 = arith.constant 16 : index
        %swap3A_502 = tpu.vector_load %arg10[%swap3A_501] {strides = array<i32>} : memref<80xi32, #tpu.memory_space<vmem>>, vector<16xi32>,
        tpu.vector_store %arg10[%swap3A_501], %add3A_500 {strides = array<i32>} : memref<80xi32, #tpu.memory_space<vmem>>, vector<16xi32>,
        %get3A_503 = arith.constant 32 : index
        %get3A_504 = tpu.vector_load %arg10[%get3A_503] {strides = array<i32>} : memref<80xi32, #tpu.memory_space<vmem>>, vector<16xi32>,
        %add3A_505 = vector.broadcast %mul3A_5 : i32 to vector<16xi32>
        %add3A_506 = arith.addi %get3A_504, %add3A_505 : vector<16xi32>
        %swap3A_507 = arith.constant 32 : index
        %swap3A_508 = tpu.vector_load %arg10[%swap3A_507] {strides = array<i32>} : memref<80xi32, #tpu.memory_space<vmem>>, vector<16xi32>,
        tpu.vector_store %arg10[%swap3A_507], %add3A_506 {strides = array<i32>} : memref<80xi32, #tpu.memory_space<vmem>>, vector<16xi32>,
        %get3A_509 = arith.constant 48 : index
        %get3A_510 = tpu.vector_load %arg10[%get3A_509] {strides = array<i32>} : memref<80xi32, #tpu.memory_space<vmem>>, vector<16xi32>,
        %add3A_511 = vector.broadcast %mul3A_5 : i32 to vector<16xi32>
        %add3A_512 = arith.addi %get3A_510, %add3A_511 : vector<16xi32>
        %swap3A_513 = arith.constant 48 : index
        %swap3A_514 = tpu.vector_load %arg10[%swap3A_513] {strides = array<i32>} : memref<80xi32, #tpu.memory_space<vmem>>, vector<16xi32>,
        tpu.vector_store %arg10[%swap3A_513], %add3A_512 {strides = array<i32>} : memref<80xi32, #tpu.memory_space<vmem>>, vector<16xi32>,
        %get3A_515 = arith.constant 64 : index
        %get3A_516 = tpu.vector_load %arg10[%get3A_515] {strides = array<i32>} : memref<80xi32, #tpu.memory_space<vmem>>, vector<16xi32>,
        %add3A_517 = vector.broadcast %mul3A_5 : i32 to vector<16xi32>
        %add3A_518 = arith.addi %get3A_516, %add3A_517 : vector<16xi32>
        %swap3A_519 = arith.constant 64 : index
        %swap3A_520 = tpu.vector_load %arg10[%swap3A_519] {strides = array<i32>} : memref<80xi32, #tpu.memory_space<vmem>>, vector<16xi32>,
        tpu.vector_store %arg10[%swap3A_519], %add3A_518 {strides = array<i32>} : memref<80xi32, #tpu.memory_space<vmem>>, vector<16xi32>,
        %dma_start3A = arith.constant 0 : i32
        %dma_start3A_521 = arith.constant 0 : i32
        %dma_start3A_522 = tpu.memref_slice %arg2[%dma_start3A, %dma_start3A_521] : memref<40000x128xf32, #tpu.memory_space<hbm>> -> memref<40000x128xf32, #tpu.memory_space<hbm>>
        tpu.enqueue_indirect_dma source(%dma_start3A_522 : memref<40000x128xf32, #tpu.memory_space<hbm>>) target(%arg26 : memref<80x128xf32, #tpu.memory_space<vmem>>) offsets(%arg10 : memref<80xi32, #tpu.memory_space<vmem>>) semaphore(%arg46 : memref<!tpu.dma_semaphore, #tpu.memory_space<semaphore_mem>>)
      } else {
      }
      %mul3A_307 = arith.constant 8 : i32
      %mul3A_308 = arith.muli %scan3A_43, %mul3A_307 : i32
      %add3A_309 = arith.constant 4 : i32
      %add3A_310 = arith.addi %mul3A_308, %add3A_309 : i32
      %sub3A_311 = arith.constant 3 : i32
      %sub3A_312 = arith.subi %add3A_310, %sub3A_311 : i32
      %ge3A_313 = arith.constant 0 : i32
      %ge3A_314 = arith.cmpi sge, %sub3A_312, %ge3A_313 : i32
      %lt3A_315 = arith.constant 125 : i32
      %lt3A_316 = arith.cmpi slt, %sub3A_312, %lt3A_315 : i32
      %and3A_317 = arith.andi %ge3A_314, %lt3A_316 : i1
      %convert_element_type3A_318 = arith.extui %and3A_317 : i1 to i32
      %cond3A_319 = arith.constant 0 : i32
      %cond3A_320 = arith.cmpi ne, %convert_element_type3A_318, %cond3A_319 : i32
      scf.if %cond3A_320 {
        %mul3A_489 = arith.constant 80 : i32
        %mul3A_490 = arith.muli %sub3A_312, %mul3A_489 : i32
        %add3A_491 = arith.addi %mul3A_0, %mul3A_490 : i32
        %dma_wait3A = arith.constant 0 : i32
        %dma_wait3A_492 = arith.constant 0 : i32
        %dma_wait3A_493 = tpu.memref_slice %arg2[%dma_wait3A, %dma_wait3A_492] : memref<40000x128xf32, #tpu.memory_space<hbm>> -> memref<40000x128xf32, #tpu.memory_space<hbm>>
        tpu.wait_indirect_dma semaphore(%arg44 : memref<!tpu.dma_semaphore, #tpu.memory_space<semaphore_mem>>) src(%dma_wait3A_493 : memref<40000x128xf32, #tpu.memory_space<hbm>>) dst(%arg24 : memref<80x128xf32, #tpu.memory_space<vmem>>)
        %dma_wait3A_494 = tpu.memref_slice %arg4[%add3A_491] : memref<160000xi32, #tpu.memory_space<hbm>> -> memref<80xi32, #tpu.memory_space<hbm>>
        %dma_wait3A_495 = tpu.memref_slice %arg4[%add3A_491] : memref<160000xi32, #tpu.memory_space<hbm>> -> memref<80xi32, #tpu.memory_space<hbm>>
        tpu.wait_dma2 semaphore(%arg36 : memref<!tpu.dma_semaphore, #tpu.memory_space<semaphore_mem>>) src(%dma_wait3A_495 : memref<80xi32, #tpu.memory_space<hbm>>) dst(%arg16 : memref<80xi32, #tpu.memory_space<vmem>>)
        %dma_start3A = arith.constant 0 : i32
        %dma_start3A_496 = arith.constant 0 : i32
        %dma_start3A_497 = tpu.memref_slice %arg6[%dma_start3A, %dma_start3A_496] : memref<10000x128xf32, #tpu.memory_space<vmem_shared>> -> memref<10000x128xf32, #tpu.memory_space<vmem_shared>>
        tpu.enqueue_indirect_dma source(%arg24 : memref<80x128xf32, #tpu.memory_space<vmem>>) target(%dma_start3A_497 : memref<10000x128xf32, #tpu.memory_space<vmem_shared>>) offsets(%arg16 : memref<80xi32, #tpu.memory_space<vmem>>) semaphore(%arg48 : memref<!tpu.dma_semaphore, #tpu.memory_space<semaphore_mem>>) {add = true}
      } else {
      }
      %mul3A_321 = arith.constant 8 : i32
      %mul3A_322 = arith.muli %scan3A_43, %mul3A_321 : i32
      %add3A_323 = arith.constant 5 : i32
      %add3A_324 = arith.addi %mul3A_322, %add3A_323 : i32
      %sub3A_325 = arith.constant 4 : i32
      %sub3A_326 = arith.subi %add3A_324, %sub3A_325 : i32
      %ge3A_327 = arith.constant 0 : i32
      %ge3A_328 = arith.cmpi sge, %sub3A_326, %ge3A_327 : i32
      %lt3A_329 = arith.constant 125 : i32
      %lt3A_330 = arith.cmpi slt, %sub3A_326, %lt3A_329 : i32
      %and3A_331 = arith.andi %ge3A_328, %lt3A_330 : i1
      %convert_element_type3A_332 = arith.extui %and3A_331 : i1 to i32
      %cond3A_333 = arith.constant 0 : i32
      %cond3A_334 = arith.cmpi ne, %convert_element_type3A_332, %cond3A_333 : i32
      scf.if %cond3A_334 {
        %dma_wait3A = arith.constant 0 : i32
        %dma_wait3A_489 = arith.constant 0 : i32
        %dma_wait3A_490 = tpu.memref_slice %arg6[%dma_wait3A, %dma_wait3A_489] : memref<10000x128xf32, #tpu.memory_space<vmem_shared>> -> memref<10000x128xf32, #tpu.memory_space<vmem_shared>>
        tpu.wait_indirect_dma semaphore(%arg48 : memref<!tpu.dma_semaphore, #tpu.memory_space<semaphore_mem>>) src(%arg24 : memref<80x128xf32, #tpu.memory_space<vmem>>) dst(%dma_wait3A_490 : memref<10000x128xf32, #tpu.memory_space<vmem_shared>>)
      } else {
      }
      %mul3A_335 = arith.constant 8 : i32
      %mul3A_336 = arith.muli %scan3A_43, %mul3A_335 : i32
      %add3A_337 = arith.constant 5 : i32
      %add3A_338 = arith.addi %mul3A_336, %add3A_337 : i32
      %sub3A_339 = arith.constant 0 : i32
      %sub3A_340 = arith.subi %add3A_338, %sub3A_339 : i32
      %ge3A_341 = arith.constant 0 : i32
      %ge3A_342 = arith.cmpi sge, %sub3A_340, %ge3A_341 : i32
      %lt3A_343 = arith.constant 125 : i32
      %lt3A_344 = arith.cmpi slt, %sub3A_340, %lt3A_343 : i32
      %and3A_345 = arith.andi %ge3A_342, %lt3A_344 : i1
      %convert_element_type3A_346 = arith.extui %and3A_345 : i1 to i32
      %cond3A_347 = arith.constant 0 : i32
      %cond3A_348 = arith.cmpi ne, %convert_element_type3A_346, %cond3A_347 : i32
      scf.if %cond3A_348 {
        %mul3A_489 = arith.constant 80 : i32
        %mul3A_490 = arith.muli %sub3A_340, %mul3A_489 : i32
        %add3A_491 = arith.addi %mul3A_0, %mul3A_490 : i32
        %dma_start3A = tpu.memref_slice %arg3[%add3A_491] : memref<160000xi32, #tpu.memory_space<hbm>> -> memref<80xi32, #tpu.memory_space<hbm>>
        %dma_start3A_492 = tpu.memref_slice %arg3[%add3A_491] : memref<160000xi32, #tpu.memory_space<hbm>> -> memref<80xi32, #tpu.memory_space<hbm>>
        tpu.enqueue_dma source(%dma_start3A_492 : memref<80xi32, #tpu.memory_space<hbm>>) target(%arg12 : memref<80xi32, #tpu.memory_space<vmem>>) target_semaphore(%arg32 : memref<!tpu.dma_semaphore, #tpu.memory_space<semaphore_mem>>)
        %dma_start3A_493 = tpu.memref_slice %arg4[%add3A_491] : memref<160000xi32, #tpu.memory_space<hbm>> -> memref<80xi32, #tpu.memory_space<hbm>>
        %dma_start3A_494 = tpu.memref_slice %arg4[%add3A_491] : memref<160000xi32, #tpu.memory_space<hbm>> -> memref<80xi32, #tpu.memory_space<hbm>>
        tpu.enqueue_dma source(%dma_start3A_494 : memref<80xi32, #tpu.memory_space<hbm>>) target(%arg20 : memref<80xi32, #tpu.memory_space<vmem>>) target_semaphore(%arg40 : memref<!tpu.dma_semaphore, #tpu.memory_space<semaphore_mem>>)
      } else {
      }
      %mul3A_349 = arith.constant 8 : i32
      %mul3A_350 = arith.muli %scan3A_43, %mul3A_349 : i32
      %add3A_351 = arith.constant 5 : i32
      %add3A_352 = arith.addi %mul3A_350, %add3A_351 : i32
      %sub3A_353 = arith.constant 1 : i32
      %sub3A_354 = arith.subi %add3A_352, %sub3A_353 : i32
      %ge3A_355 = arith.constant 0 : i32
      %ge3A_356 = arith.cmpi sge, %sub3A_354, %ge3A_355 : i32
      %lt3A_357 = arith.constant 125 : i32
      %lt3A_358 = arith.cmpi slt, %sub3A_354, %lt3A_357 : i32
      %and3A_359 = arith.andi %ge3A_356, %lt3A_358 : i1
      %convert_element_type3A_360 = arith.extui %and3A_359 : i1 to i32
      %cond3A_361 = arith.constant 0 : i32
      %cond3A_362 = arith.cmpi ne, %convert_element_type3A_360, %cond3A_361 : i32
      scf.if %cond3A_362 {
        %mul3A_489 = arith.constant 80 : i32
        %mul3A_490 = arith.muli %sub3A_354, %mul3A_489 : i32
        %add3A_491 = arith.addi %mul3A_0, %mul3A_490 : i32
        %dma_wait3A = tpu.memref_slice %arg3[%add3A_491] : memref<160000xi32, #tpu.memory_space<hbm>> -> memref<80xi32, #tpu.memory_space<hbm>>
        %dma_wait3A_492 = tpu.memref_slice %arg3[%add3A_491] : memref<160000xi32, #tpu.memory_space<hbm>> -> memref<80xi32, #tpu.memory_space<hbm>>
        tpu.wait_dma2 semaphore(%arg31 : memref<!tpu.dma_semaphore, #tpu.memory_space<semaphore_mem>>) src(%dma_wait3A_492 : memref<80xi32, #tpu.memory_space<hbm>>) dst(%arg11 : memref<80xi32, #tpu.memory_space<vmem>>)
        %get3A = arith.constant 0 : index
        %get3A_493 = tpu.vector_load %arg11[%get3A] {strides = array<i32>} : memref<80xi32, #tpu.memory_space<vmem>>, vector<16xi32>,
        %add3A_494 = vector.broadcast %mul3A_5 : i32 to vector<16xi32>
        %add3A_495 = arith.addi %get3A_493, %add3A_494 : vector<16xi32>
        %swap3A = arith.constant 0 : index
        %swap3A_496 = tpu.vector_load %arg11[%swap3A] {strides = array<i32>} : memref<80xi32, #tpu.memory_space<vmem>>, vector<16xi32>,
        tpu.vector_store %arg11[%swap3A], %add3A_495 {strides = array<i32>} : memref<80xi32, #tpu.memory_space<vmem>>, vector<16xi32>,
        %get3A_497 = arith.constant 16 : index
        %get3A_498 = tpu.vector_load %arg11[%get3A_497] {strides = array<i32>} : memref<80xi32, #tpu.memory_space<vmem>>, vector<16xi32>,
        %add3A_499 = vector.broadcast %mul3A_5 : i32 to vector<16xi32>
        %add3A_500 = arith.addi %get3A_498, %add3A_499 : vector<16xi32>
        %swap3A_501 = arith.constant 16 : index
        %swap3A_502 = tpu.vector_load %arg11[%swap3A_501] {strides = array<i32>} : memref<80xi32, #tpu.memory_space<vmem>>, vector<16xi32>,
        tpu.vector_store %arg11[%swap3A_501], %add3A_500 {strides = array<i32>} : memref<80xi32, #tpu.memory_space<vmem>>, vector<16xi32>,
        %get3A_503 = arith.constant 32 : index
        %get3A_504 = tpu.vector_load %arg11[%get3A_503] {strides = array<i32>} : memref<80xi32, #tpu.memory_space<vmem>>, vector<16xi32>,
        %add3A_505 = vector.broadcast %mul3A_5 : i32 to vector<16xi32>
        %add3A_506 = arith.addi %get3A_504, %add3A_505 : vector<16xi32>
        %swap3A_507 = arith.constant 32 : index
        %swap3A_508 = tpu.vector_load %arg11[%swap3A_507] {strides = array<i32>} : memref<80xi32, #tpu.memory_space<vmem>>, vector<16xi32>,
        tpu.vector_store %arg11[%swap3A_507], %add3A_506 {strides = array<i32>} : memref<80xi32, #tpu.memory_space<vmem>>, vector<16xi32>,
        %get3A_509 = arith.constant 48 : index
        %get3A_510 = tpu.vector_load %arg11[%get3A_509] {strides = array<i32>} : memref<80xi32, #tpu.memory_space<vmem>>, vector<16xi32>,
        %add3A_511 = vector.broadcast %mul3A_5 : i32 to vector<16xi32>
        %add3A_512 = arith.addi %get3A_510, %add3A_511 : vector<16xi32>
        %swap3A_513 = arith.constant 48 : index
        %swap3A_514 = tpu.vector_load %arg11[%swap3A_513] {strides = array<i32>} : memref<80xi32, #tpu.memory_space<vmem>>, vector<16xi32>,
        tpu.vector_store %arg11[%swap3A_513], %add3A_512 {strides = array<i32>} : memref<80xi32, #tpu.memory_space<vmem>>, vector<16xi32>,
        %get3A_515 = arith.constant 64 : index
        %get3A_516 = tpu.vector_load %arg11[%get3A_515] {strides = array<i32>} : memref<80xi32, #tpu.memory_space<vmem>>, vector<16xi32>,
        %add3A_517 = vector.broadcast %mul3A_5 : i32 to vector<16xi32>
        %add3A_518 = arith.addi %get3A_516, %add3A_517 : vector<16xi32>
        %swap3A_519 = arith.constant 64 : index
        %swap3A_520 = tpu.vector_load %arg11[%swap3A_519] {strides = array<i32>} : memref<80xi32, #tpu.memory_space<vmem>>, vector<16xi32>,
        tpu.vector_store %arg11[%swap3A_519], %add3A_518 {strides = array<i32>} : memref<80xi32, #tpu.memory_space<vmem>>, vector<16xi32>,
        %dma_start3A = arith.constant 0 : i32
        %dma_start3A_521 = arith.constant 0 : i32
        %dma_start3A_522 = tpu.memref_slice %arg2[%dma_start3A, %dma_start3A_521] : memref<40000x128xf32, #tpu.memory_space<hbm>> -> memref<40000x128xf32, #tpu.memory_space<hbm>>
        tpu.enqueue_indirect_dma source(%dma_start3A_522 : memref<40000x128xf32, #tpu.memory_space<hbm>>) target(%arg23 : memref<80x128xf32, #tpu.memory_space<vmem>>) offsets(%arg11 : memref<80xi32, #tpu.memory_space<vmem>>) semaphore(%arg43 : memref<!tpu.dma_semaphore, #tpu.memory_space<semaphore_mem>>)
      } else {
      }
      %mul3A_363 = arith.constant 8 : i32
      %mul3A_364 = arith.muli %scan3A_43, %mul3A_363 : i32
      %add3A_365 = arith.constant 5 : i32
      %add3A_366 = arith.addi %mul3A_364, %add3A_365 : i32
      %sub3A_367 = arith.constant 3 : i32
      %sub3A_368 = arith.subi %add3A_366, %sub3A_367 : i32
      %ge3A_369 = arith.constant 0 : i32
      %ge3A_370 = arith.cmpi sge, %sub3A_368, %ge3A_369 : i32
      %lt3A_371 = arith.constant 125 : i32
      %lt3A_372 = arith.cmpi slt, %sub3A_368, %lt3A_371 : i32
      %and3A_373 = arith.andi %ge3A_370, %lt3A_372 : i1
      %convert_element_type3A_374 = arith.extui %and3A_373 : i1 to i32
      %cond3A_375 = arith.constant 0 : i32
      %cond3A_376 = arith.cmpi ne, %convert_element_type3A_374, %cond3A_375 : i32
      scf.if %cond3A_376 {
        %mul3A_489 = arith.constant 80 : i32
        %mul3A_490 = arith.muli %sub3A_368, %mul3A_489 : i32
        %add3A_491 = arith.addi %mul3A_0, %mul3A_490 : i32
        %dma_wait3A = arith.constant 0 : i32
        %dma_wait3A_492 = arith.constant 0 : i32
        %dma_wait3A_493 = tpu.memref_slice %arg2[%dma_wait3A, %dma_wait3A_492] : memref<40000x128xf32, #tpu.memory_space<hbm>> -> memref<40000x128xf32, #tpu.memory_space<hbm>>
        tpu.wait_indirect_dma semaphore(%arg45 : memref<!tpu.dma_semaphore, #tpu.memory_space<semaphore_mem>>) src(%dma_wait3A_493 : memref<40000x128xf32, #tpu.memory_space<hbm>>) dst(%arg25 : memref<80x128xf32, #tpu.memory_space<vmem>>)
        %dma_wait3A_494 = tpu.memref_slice %arg4[%add3A_491] : memref<160000xi32, #tpu.memory_space<hbm>> -> memref<80xi32, #tpu.memory_space<hbm>>
        %dma_wait3A_495 = tpu.memref_slice %arg4[%add3A_491] : memref<160000xi32, #tpu.memory_space<hbm>> -> memref<80xi32, #tpu.memory_space<hbm>>
        tpu.wait_dma2 semaphore(%arg37 : memref<!tpu.dma_semaphore, #tpu.memory_space<semaphore_mem>>) src(%dma_wait3A_495 : memref<80xi32, #tpu.memory_space<hbm>>) dst(%arg17 : memref<80xi32, #tpu.memory_space<vmem>>)
        %dma_start3A = arith.constant 0 : i32
        %dma_start3A_496 = arith.constant 0 : i32
        %dma_start3A_497 = tpu.memref_slice %arg6[%dma_start3A, %dma_start3A_496] : memref<10000x128xf32, #tpu.memory_space<vmem_shared>> -> memref<10000x128xf32, #tpu.memory_space<vmem_shared>>
        tpu.enqueue_indirect_dma source(%arg25 : memref<80x128xf32, #tpu.memory_space<vmem>>) target(%dma_start3A_497 : memref<10000x128xf32, #tpu.memory_space<vmem_shared>>) offsets(%arg17 : memref<80xi32, #tpu.memory_space<vmem>>) semaphore(%arg49 : memref<!tpu.dma_semaphore, #tpu.memory_space<semaphore_mem>>) {add = true}
      } else {
      }
      %mul3A_377 = arith.constant 8 : i32
      %mul3A_378 = arith.muli %scan3A_43, %mul3A_377 : i32
      %add3A_379 = arith.constant 6 : i32
      %add3A_380 = arith.addi %mul3A_378, %add3A_379 : i32
      %sub3A_381 = arith.constant 4 : i32
      %sub3A_382 = arith.subi %add3A_380, %sub3A_381 : i32
      %ge3A_383 = arith.constant 0 : i32
      %ge3A_384 = arith.cmpi sge, %sub3A_382, %ge3A_383 : i32
      %lt3A_385 = arith.constant 125 : i32
      %lt3A_386 = arith.cmpi slt, %sub3A_382, %lt3A_385 : i32
      %and3A_387 = arith.andi %ge3A_384, %lt3A_386 : i1
      %convert_element_type3A_388 = arith.extui %and3A_387 : i1 to i32
      %cond3A_389 = arith.constant 0 : i32
      %cond3A_390 = arith.cmpi ne, %convert_element_type3A_388, %cond3A_389 : i32
      scf.if %cond3A_390 {
        %dma_wait3A = arith.constant 0 : i32
        %dma_wait3A_489 = arith.constant 0 : i32
        %dma_wait3A_490 = tpu.memref_slice %arg6[%dma_wait3A, %dma_wait3A_489] : memref<10000x128xf32, #tpu.memory_space<vmem_shared>> -> memref<10000x128xf32, #tpu.memory_space<vmem_shared>>
        tpu.wait_indirect_dma semaphore(%arg49 : memref<!tpu.dma_semaphore, #tpu.memory_space<semaphore_mem>>) src(%arg25 : memref<80x128xf32, #tpu.memory_space<vmem>>) dst(%dma_wait3A_490 : memref<10000x128xf32, #tpu.memory_space<vmem_shared>>)
      } else {
      }
      %mul3A_391 = arith.constant 8 : i32
      %mul3A_392 = arith.muli %scan3A_43, %mul3A_391 : i32
      %add3A_393 = arith.constant 6 : i32
      %add3A_394 = arith.addi %mul3A_392, %add3A_393 : i32
      %sub3A_395 = arith.constant 0 : i32
      %sub3A_396 = arith.subi %add3A_394, %sub3A_395 : i32
      %ge3A_397 = arith.constant 0 : i32
      %ge3A_398 = arith.cmpi sge, %sub3A_396, %ge3A_397 : i32
      %lt3A_399 = arith.constant 125 : i32
      %lt3A_400 = arith.cmpi slt, %sub3A_396, %lt3A_399 : i32
      %and3A_401 = arith.andi %ge3A_398, %lt3A_400 : i1
      %convert_element_type3A_402 = arith.extui %and3A_401 : i1 to i32
      %cond3A_403 = arith.constant 0 : i32
      %cond3A_404 = arith.cmpi ne, %convert_element_type3A_402, %cond3A_403 : i32
      scf.if %cond3A_404 {
        %mul3A_489 = arith.constant 80 : i32
        %mul3A_490 = arith.muli %sub3A_396, %mul3A_489 : i32
        %add3A_491 = arith.addi %mul3A_0, %mul3A_490 : i32
        %dma_start3A = tpu.memref_slice %arg3[%add3A_491] : memref<160000xi32, #tpu.memory_space<hbm>> -> memref<80xi32, #tpu.memory_space<hbm>>
        %dma_start3A_492 = tpu.memref_slice %arg3[%add3A_491] : memref<160000xi32, #tpu.memory_space<hbm>> -> memref<80xi32, #tpu.memory_space<hbm>>
        tpu.enqueue_dma source(%dma_start3A_492 : memref<80xi32, #tpu.memory_space<hbm>>) target(%arg13 : memref<80xi32, #tpu.memory_space<vmem>>) target_semaphore(%arg33 : memref<!tpu.dma_semaphore, #tpu.memory_space<semaphore_mem>>)
        %dma_start3A_493 = tpu.memref_slice %arg4[%add3A_491] : memref<160000xi32, #tpu.memory_space<hbm>> -> memref<80xi32, #tpu.memory_space<hbm>>
        %dma_start3A_494 = tpu.memref_slice %arg4[%add3A_491] : memref<160000xi32, #tpu.memory_space<hbm>> -> memref<80xi32, #tpu.memory_space<hbm>>
        tpu.enqueue_dma source(%dma_start3A_494 : memref<80xi32, #tpu.memory_space<hbm>>) target(%arg21 : memref<80xi32, #tpu.memory_space<vmem>>) target_semaphore(%arg41 : memref<!tpu.dma_semaphore, #tpu.memory_space<semaphore_mem>>)
      } else {
      }
      %mul3A_405 = arith.constant 8 : i32
      %mul3A_406 = arith.muli %scan3A_43, %mul3A_405 : i32
      %add3A_407 = arith.constant 6 : i32
      %add3A_408 = arith.addi %mul3A_406, %add3A_407 : i32
      %sub3A_409 = arith.constant 1 : i32
      %sub3A_410 = arith.subi %add3A_408, %sub3A_409 : i32
      %ge3A_411 = arith.constant 0 : i32
      %ge3A_412 = arith.cmpi sge, %sub3A_410, %ge3A_411 : i32
      %lt3A_413 = arith.constant 125 : i32
      %lt3A_414 = arith.cmpi slt, %sub3A_410, %lt3A_413 : i32
      %and3A_415 = arith.andi %ge3A_412, %lt3A_414 : i1
      %convert_element_type3A_416 = arith.extui %and3A_415 : i1 to i32
      %cond3A_417 = arith.constant 0 : i32
      %cond3A_418 = arith.cmpi ne, %convert_element_type3A_416, %cond3A_417 : i32
      scf.if %cond3A_418 {
        %mul3A_489 = arith.constant 80 : i32
        %mul3A_490 = arith.muli %sub3A_410, %mul3A_489 : i32
        %add3A_491 = arith.addi %mul3A_0, %mul3A_490 : i32
        %dma_wait3A = tpu.memref_slice %arg3[%add3A_491] : memref<160000xi32, #tpu.memory_space<hbm>> -> memref<80xi32, #tpu.memory_space<hbm>>
        %dma_wait3A_492 = tpu.memref_slice %arg3[%add3A_491] : memref<160000xi32, #tpu.memory_space<hbm>> -> memref<80xi32, #tpu.memory_space<hbm>>
        tpu.wait_dma2 semaphore(%arg32 : memref<!tpu.dma_semaphore, #tpu.memory_space<semaphore_mem>>) src(%dma_wait3A_492 : memref<80xi32, #tpu.memory_space<hbm>>) dst(%arg12 : memref<80xi32, #tpu.memory_space<vmem>>)
        %get3A = arith.constant 0 : index
        %get3A_493 = tpu.vector_load %arg12[%get3A] {strides = array<i32>} : memref<80xi32, #tpu.memory_space<vmem>>, vector<16xi32>,
        %add3A_494 = vector.broadcast %mul3A_5 : i32 to vector<16xi32>
        %add3A_495 = arith.addi %get3A_493, %add3A_494 : vector<16xi32>
        %swap3A = arith.constant 0 : index
        %swap3A_496 = tpu.vector_load %arg12[%swap3A] {strides = array<i32>} : memref<80xi32, #tpu.memory_space<vmem>>, vector<16xi32>,
        tpu.vector_store %arg12[%swap3A], %add3A_495 {strides = array<i32>} : memref<80xi32, #tpu.memory_space<vmem>>, vector<16xi32>,
        %get3A_497 = arith.constant 16 : index
        %get3A_498 = tpu.vector_load %arg12[%get3A_497] {strides = array<i32>} : memref<80xi32, #tpu.memory_space<vmem>>, vector<16xi32>,
        %add3A_499 = vector.broadcast %mul3A_5 : i32 to vector<16xi32>
        %add3A_500 = arith.addi %get3A_498, %add3A_499 : vector<16xi32>
        %swap3A_501 = arith.constant 16 : index
        %swap3A_502 = tpu.vector_load %arg12[%swap3A_501] {strides = array<i32>} : memref<80xi32, #tpu.memory_space<vmem>>, vector<16xi32>,
        tpu.vector_store %arg12[%swap3A_501], %add3A_500 {strides = array<i32>} : memref<80xi32, #tpu.memory_space<vmem>>, vector<16xi32>,
        %get3A_503 = arith.constant 32 : index
        %get3A_504 = tpu.vector_load %arg12[%get3A_503] {strides = array<i32>} : memref<80xi32, #tpu.memory_space<vmem>>, vector<16xi32>,
        %add3A_505 = vector.broadcast %mul3A_5 : i32 to vector<16xi32>
        %add3A_506 = arith.addi %get3A_504, %add3A_505 : vector<16xi32>
        %swap3A_507 = arith.constant 32 : index
        %swap3A_508 = tpu.vector_load %arg12[%swap3A_507] {strides = array<i32>} : memref<80xi32, #tpu.memory_space<vmem>>, vector<16xi32>,
        tpu.vector_store %arg12[%swap3A_507], %add3A_506 {strides = array<i32>} : memref<80xi32, #tpu.memory_space<vmem>>, vector<16xi32>,
        %get3A_509 = arith.constant 48 : index
        %get3A_510 = tpu.vector_load %arg12[%get3A_509] {strides = array<i32>} : memref<80xi32, #tpu.memory_space<vmem>>, vector<16xi32>,
        %add3A_511 = vector.broadcast %mul3A_5 : i32 to vector<16xi32>
        %add3A_512 = arith.addi %get3A_510, %add3A_511 : vector<16xi32>
        %swap3A_513 = arith.constant 48 : index
        %swap3A_514 = tpu.vector_load %arg12[%swap3A_513] {strides = array<i32>} : memref<80xi32, #tpu.memory_space<vmem>>, vector<16xi32>,
        tpu.vector_store %arg12[%swap3A_513], %add3A_512 {strides = array<i32>} : memref<80xi32, #tpu.memory_space<vmem>>, vector<16xi32>,
        %get3A_515 = arith.constant 64 : index
        %get3A_516 = tpu.vector_load %arg12[%get3A_515] {strides = array<i32>} : memref<80xi32, #tpu.memory_space<vmem>>, vector<16xi32>,
        %add3A_517 = vector.broadcast %mul3A_5 : i32 to vector<16xi32>
        %add3A_518 = arith.addi %get3A_516, %add3A_517 : vector<16xi32>
        %swap3A_519 = arith.constant 64 : index
        %swap3A_520 = tpu.vector_load %arg12[%swap3A_519] {strides = array<i32>} : memref<80xi32, #tpu.memory_space<vmem>>, vector<16xi32>,
        tpu.vector_store %arg12[%swap3A_519], %add3A_518 {strides = array<i32>} : memref<80xi32, #tpu.memory_space<vmem>>, vector<16xi32>,
        %dma_start3A = arith.constant 0 : i32
        %dma_start3A_521 = arith.constant 0 : i32
        %dma_start3A_522 = tpu.memref_slice %arg2[%dma_start3A, %dma_start3A_521] : memref<40000x128xf32, #tpu.memory_space<hbm>> -> memref<40000x128xf32, #tpu.memory_space<hbm>>
        tpu.enqueue_indirect_dma source(%dma_start3A_522 : memref<40000x128xf32, #tpu.memory_space<hbm>>) target(%arg24 : memref<80x128xf32, #tpu.memory_space<vmem>>) offsets(%arg12 : memref<80xi32, #tpu.memory_space<vmem>>) semaphore(%arg44 : memref<!tpu.dma_semaphore, #tpu.memory_space<semaphore_mem>>)
      } else {
      }
      %mul3A_419 = arith.constant 8 : i32
      %mul3A_420 = arith.muli %scan3A_43, %mul3A_419 : i32
      %add3A_421 = arith.constant 6 : i32
      %add3A_422 = arith.addi %mul3A_420, %add3A_421 : i32
      %sub3A_423 = arith.constant 3 : i32
      %sub3A_424 = arith.subi %add3A_422, %sub3A_423 : i32
      %ge3A_425 = arith.constant 0 : i32
      %ge3A_426 = arith.cmpi sge, %sub3A_424, %ge3A_425 : i32
      %lt3A_427 = arith.constant 125 : i32
      %lt3A_428 = arith.cmpi slt, %sub3A_424, %lt3A_427 : i32
      %and3A_429 = arith.andi %ge3A_426, %lt3A_428 : i1
      %convert_element_type3A_430 = arith.extui %and3A_429 : i1 to i32
      %cond3A_431 = arith.constant 0 : i32
      %cond3A_432 = arith.cmpi ne, %convert_element_type3A_430, %cond3A_431 : i32
      scf.if %cond3A_432 {
        %mul3A_489 = arith.constant 80 : i32
        %mul3A_490 = arith.muli %sub3A_424, %mul3A_489 : i32
        %add3A_491 = arith.addi %mul3A_0, %mul3A_490 : i32
        %dma_wait3A = arith.constant 0 : i32
        %dma_wait3A_492 = arith.constant 0 : i32
        %dma_wait3A_493 = tpu.memref_slice %arg2[%dma_wait3A, %dma_wait3A_492] : memref<40000x128xf32, #tpu.memory_space<hbm>> -> memref<40000x128xf32, #tpu.memory_space<hbm>>
        tpu.wait_indirect_dma semaphore(%arg46 : memref<!tpu.dma_semaphore, #tpu.memory_space<semaphore_mem>>) src(%dma_wait3A_493 : memref<40000x128xf32, #tpu.memory_space<hbm>>) dst(%arg26 : memref<80x128xf32, #tpu.memory_space<vmem>>)
        %dma_wait3A_494 = tpu.memref_slice %arg4[%add3A_491] : memref<160000xi32, #tpu.memory_space<hbm>> -> memref<80xi32, #tpu.memory_space<hbm>>
        %dma_wait3A_495 = tpu.memref_slice %arg4[%add3A_491] : memref<160000xi32, #tpu.memory_space<hbm>> -> memref<80xi32, #tpu.memory_space<hbm>>
        tpu.wait_dma2 semaphore(%arg38 : memref<!tpu.dma_semaphore, #tpu.memory_space<semaphore_mem>>) src(%dma_wait3A_495 : memref<80xi32, #tpu.memory_space<hbm>>) dst(%arg18 : memref<80xi32, #tpu.memory_space<vmem>>)
        %dma_start3A = arith.constant 0 : i32
        %dma_start3A_496 = arith.constant 0 : i32
        %dma_start3A_497 = tpu.memref_slice %arg6[%dma_start3A, %dma_start3A_496] : memref<10000x128xf32, #tpu.memory_space<vmem_shared>> -> memref<10000x128xf32, #tpu.memory_space<vmem_shared>>
        tpu.enqueue_indirect_dma source(%arg26 : memref<80x128xf32, #tpu.memory_space<vmem>>) target(%dma_start3A_497 : memref<10000x128xf32, #tpu.memory_space<vmem_shared>>) offsets(%arg18 : memref<80xi32, #tpu.memory_space<vmem>>) semaphore(%arg50 : memref<!tpu.dma_semaphore, #tpu.memory_space<semaphore_mem>>) {add = true}
      } else {
      }
      %mul3A_433 = arith.constant 8 : i32
      %mul3A_434 = arith.muli %scan3A_43, %mul3A_433 : i32
      %add3A_435 = arith.constant 7 : i32
      %add3A_436 = arith.addi %mul3A_434, %add3A_435 : i32
      %sub3A_437 = arith.constant 4 : i32
      %sub3A_438 = arith.subi %add3A_436, %sub3A_437 : i32
      %ge3A_439 = arith.constant 0 : i32
      %ge3A_440 = arith.cmpi sge, %sub3A_438, %ge3A_439 : i32
      %lt3A_441 = arith.constant 125 : i32
      %lt3A_442 = arith.cmpi slt, %sub3A_438, %lt3A_441 : i32
      %and3A_443 = arith.andi %ge3A_440, %lt3A_442 : i1
      %convert_element_type3A_444 = arith.extui %and3A_443 : i1 to i32
      %cond3A_445 = arith.constant 0 : i32
      %cond3A_446 = arith.cmpi ne, %convert_element_type3A_444, %cond3A_445 : i32
      scf.if %cond3A_446 {
        %dma_wait3A = arith.constant 0 : i32
        %dma_wait3A_489 = arith.constant 0 : i32
        %dma_wait3A_490 = tpu.memref_slice %arg6[%dma_wait3A, %dma_wait3A_489] : memref<10000x128xf32, #tpu.memory_space<vmem_shared>> -> memref<10000x128xf32, #tpu.memory_space<vmem_shared>>
        tpu.wait_indirect_dma semaphore(%arg50 : memref<!tpu.dma_semaphore, #tpu.memory_space<semaphore_mem>>) src(%arg26 : memref<80x128xf32, #tpu.memory_space<vmem>>) dst(%dma_wait3A_490 : memref<10000x128xf32, #tpu.memory_space<vmem_shared>>)
      } else {
      }
      %mul3A_447 = arith.constant 8 : i32
      %mul3A_448 = arith.muli %scan3A_43, %mul3A_447 : i32
      %add3A_449 = arith.constant 7 : i32
      %add3A_450 = arith.addi %mul3A_448, %add3A_449 : i32
      %sub3A_451 = arith.constant 0 : i32
      %sub3A_452 = arith.subi %add3A_450, %sub3A_451 : i32
      %ge3A_453 = arith.constant 0 : i32
      %ge3A_454 = arith.cmpi sge, %sub3A_452, %ge3A_453 : i32
      %lt3A_455 = arith.constant 125 : i32
      %lt3A_456 = arith.cmpi slt, %sub3A_452, %lt3A_455 : i32
      %and3A_457 = arith.andi %ge3A_454, %lt3A_456 : i1
      %convert_element_type3A_458 = arith.extui %and3A_457 : i1 to i32
      %cond3A_459 = arith.constant 0 : i32
      %cond3A_460 = arith.cmpi ne, %convert_element_type3A_458, %cond3A_459 : i32
      scf.if %cond3A_460 {
        %mul3A_489 = arith.constant 80 : i32
        %mul3A_490 = arith.muli %sub3A_452, %mul3A_489 : i32
        %add3A_491 = arith.addi %mul3A_0, %mul3A_490 : i32
        %dma_start3A = tpu.memref_slice %arg3[%add3A_491] : memref<160000xi32, #tpu.memory_space<hbm>> -> memref<80xi32, #tpu.memory_space<hbm>>
        %dma_start3A_492 = tpu.memref_slice %arg3[%add3A_491] : memref<160000xi32, #tpu.memory_space<hbm>> -> memref<80xi32, #tpu.memory_space<hbm>>
        tpu.enqueue_dma source(%dma_start3A_492 : memref<80xi32, #tpu.memory_space<hbm>>) target(%arg14 : memref<80xi32, #tpu.memory_space<vmem>>) target_semaphore(%arg34 : memref<!tpu.dma_semaphore, #tpu.memory_space<semaphore_mem>>)
        %dma_start3A_493 = tpu.memref_slice %arg4[%add3A_491] : memref<160000xi32, #tpu.memory_space<hbm>> -> memref<80xi32, #tpu.memory_space<hbm>>
        %dma_start3A_494 = tpu.memref_slice %arg4[%add3A_491] : memref<160000xi32, #tpu.memory_space<hbm>> -> memref<80xi32, #tpu.memory_space<hbm>>
        tpu.enqueue_dma source(%dma_start3A_494 : memref<80xi32, #tpu.memory_space<hbm>>) target(%arg22 : memref<80xi32, #tpu.memory_space<vmem>>) target_semaphore(%arg42 : memref<!tpu.dma_semaphore, #tpu.memory_space<semaphore_mem>>)
      } else {
      }
      %mul3A_461 = arith.constant 8 : i32
      %mul3A_462 = arith.muli %scan3A_43, %mul3A_461 : i32
      %add3A_463 = arith.constant 7 : i32
      %add3A_464 = arith.addi %mul3A_462, %add3A_463 : i32
      %sub3A_465 = arith.constant 1 : i32
      %sub3A_466 = arith.subi %add3A_464, %sub3A_465 : i32
      %ge3A_467 = arith.constant 0 : i32
      %ge3A_468 = arith.cmpi sge, %sub3A_466, %ge3A_467 : i32
      %lt3A_469 = arith.constant 125 : i32
      %lt3A_470 = arith.cmpi slt, %sub3A_466, %lt3A_469 : i32
      %and3A_471 = arith.andi %ge3A_468, %lt3A_470 : i1
      %convert_element_type3A_472 = arith.extui %and3A_471 : i1 to i32
      %cond3A_473 = arith.constant 0 : i32
      %cond3A_474 = arith.cmpi ne, %convert_element_type3A_472, %cond3A_473 : i32
      scf.if %cond3A_474 {
        %mul3A_489 = arith.constant 80 : i32
        %mul3A_490 = arith.muli %sub3A_466, %mul3A_489 : i32
        %add3A_491 = arith.addi %mul3A_0, %mul3A_490 : i32
        %dma_wait3A = tpu.memref_slice %arg3[%add3A_491] : memref<160000xi32, #tpu.memory_space<hbm>> -> memref<80xi32, #tpu.memory_space<hbm>>
        %dma_wait3A_492 = tpu.memref_slice %arg3[%add3A_491] : memref<160000xi32, #tpu.memory_space<hbm>> -> memref<80xi32, #tpu.memory_space<hbm>>
        tpu.wait_dma2 semaphore(%arg33 : memref<!tpu.dma_semaphore, #tpu.memory_space<semaphore_mem>>) src(%dma_wait3A_492 : memref<80xi32, #tpu.memory_space<hbm>>) dst(%arg13 : memref<80xi32, #tpu.memory_space<vmem>>)
        %get3A = arith.constant 0 : index
        %get3A_493 = tpu.vector_load %arg13[%get3A] {strides = array<i32>} : memref<80xi32, #tpu.memory_space<vmem>>, vector<16xi32>,
        %add3A_494 = vector.broadcast %mul3A_5 : i32 to vector<16xi32>
        %add3A_495 = arith.addi %get3A_493, %add3A_494 : vector<16xi32>
        %swap3A = arith.constant 0 : index
        %swap3A_496 = tpu.vector_load %arg13[%swap3A] {strides = array<i32>} : memref<80xi32, #tpu.memory_space<vmem>>, vector<16xi32>,
        tpu.vector_store %arg13[%swap3A], %add3A_495 {strides = array<i32>} : memref<80xi32, #tpu.memory_space<vmem>>, vector<16xi32>,
        %get3A_497 = arith.constant 16 : index
        %get3A_498 = tpu.vector_load %arg13[%get3A_497] {strides = array<i32>} : memref<80xi32, #tpu.memory_space<vmem>>, vector<16xi32>,
        %add3A_499 = vector.broadcast %mul3A_5 : i32 to vector<16xi32>
        %add3A_500 = arith.addi %get3A_498, %add3A_499 : vector<16xi32>
        %swap3A_501 = arith.constant 16 : index
        %swap3A_502 = tpu.vector_load %arg13[%swap3A_501] {strides = array<i32>} : memref<80xi32, #tpu.memory_space<vmem>>, vector<16xi32>,
        tpu.vector_store %arg13[%swap3A_501], %add3A_500 {strides = array<i32>} : memref<80xi32, #tpu.memory_space<vmem>>, vector<16xi32>,
        %get3A_503 = arith.constant 32 : index
        %get3A_504 = tpu.vector_load %arg13[%get3A_503] {strides = array<i32>} : memref<80xi32, #tpu.memory_space<vmem>>, vector<16xi32>,
        %add3A_505 = vector.broadcast %mul3A_5 : i32 to vector<16xi32>
        %add3A_506 = arith.addi %get3A_504, %add3A_505 : vector<16xi32>
        %swap3A_507 = arith.constant 32 : index
        %swap3A_508 = tpu.vector_load %arg13[%swap3A_507] {strides = array<i32>} : memref<80xi32, #tpu.memory_space<vmem>>, vector<16xi32>,
        tpu.vector_store %arg13[%swap3A_507], %add3A_506 {strides = array<i32>} : memref<80xi32, #tpu.memory_space<vmem>>, vector<16xi32>,
        %get3A_509 = arith.constant 48 : index
        %get3A_510 = tpu.vector_load %arg13[%get3A_509] {strides = array<i32>} : memref<80xi32, #tpu.memory_space<vmem>>, vector<16xi32>,
        %add3A_511 = vector.broadcast %mul3A_5 : i32 to vector<16xi32>
        %add3A_512 = arith.addi %get3A_510, %add3A_511 : vector<16xi32>
        %swap3A_513 = arith.constant 48 : index
        %swap3A_514 = tpu.vector_load %arg13[%swap3A_513] {strides = array<i32>} : memref<80xi32, #tpu.memory_space<vmem>>, vector<16xi32>,
        tpu.vector_store %arg13[%swap3A_513], %add3A_512 {strides = array<i32>} : memref<80xi32, #tpu.memory_space<vmem>>, vector<16xi32>,
        %get3A_515 = arith.constant 64 : index
        %get3A_516 = tpu.vector_load %arg13[%get3A_515] {strides = array<i32>} : memref<80xi32, #tpu.memory_space<vmem>>, vector<16xi32>,
        %add3A_517 = vector.broadcast %mul3A_5 : i32 to vector<16xi32>
        %add3A_518 = arith.addi %get3A_516, %add3A_517 : vector<16xi32>
        %swap3A_519 = arith.constant 64 : index
        %swap3A_520 = tpu.vector_load %arg13[%swap3A_519] {strides = array<i32>} : memref<80xi32, #tpu.memory_space<vmem>>, vector<16xi32>,
        tpu.vector_store %arg13[%swap3A_519], %add3A_518 {strides = array<i32>} : memref<80xi32, #tpu.memory_space<vmem>>, vector<16xi32>,
        %dma_start3A = arith.constant 0 : i32
        %dma_start3A_521 = arith.constant 0 : i32
        %dma_start3A_522 = tpu.memref_slice %arg2[%dma_start3A, %dma_start3A_521] : memref<40000x128xf32, #tpu.memory_space<hbm>> -> memref<40000x128xf32, #tpu.memory_space<hbm>>
        tpu.enqueue_indirect_dma source(%dma_start3A_522 : memref<40000x128xf32, #tpu.memory_space<hbm>>) target(%arg25 : memref<80x128xf32, #tpu.memory_space<vmem>>) offsets(%arg13 : memref<80xi32, #tpu.memory_space<vmem>>) semaphore(%arg45 : memref<!tpu.dma_semaphore, #tpu.memory_space<semaphore_mem>>)
      } else {
      }
      %mul3A_475 = arith.constant 8 : i32
      %mul3A_476 = arith.muli %scan3A_43, %mul3A_475 : i32
      %add3A_477 = arith.constant 7 : i32
      %add3A_478 = arith.addi %mul3A_476, %add3A_477 : i32
      %sub3A_479 = arith.constant 3 : i32
      %sub3A_480 = arith.subi %add3A_478, %sub3A_479 : i32
      %ge3A_481 = arith.constant 0 : i32
      %ge3A_482 = arith.cmpi sge, %sub3A_480, %ge3A_481 : i32
      %lt3A_483 = arith.constant 125 : i32
      %lt3A_484 = arith.cmpi slt, %sub3A_480, %lt3A_483 : i32
      %and3A_485 = arith.andi %ge3A_482, %lt3A_484 : i1
      %convert_element_type3A_486 = arith.extui %and3A_485 : i1 to i32
      %cond3A_487 = arith.constant 0 : i32
      %cond3A_488 = arith.cmpi ne, %convert_element_type3A_486, %cond3A_487 : i32
      scf.if %cond3A_488 {
        %mul3A_489 = arith.constant 80 : i32
        %mul3A_490 = arith.muli %sub3A_480, %mul3A_489 : i32
        %add3A_491 = arith.addi %mul3A_0, %mul3A_490 : i32
        %dma_wait3A = arith.constant 0 : i32
        %dma_wait3A_492 = arith.constant 0 : i32
        %dma_wait3A_493 = tpu.memref_slice %arg2[%dma_wait3A, %dma_wait3A_492] : memref<40000x128xf32, #tpu.memory_space<hbm>> -> memref<40000x128xf32, #tpu.memory_space<hbm>>
        tpu.wait_indirect_dma semaphore(%arg43 : memref<!tpu.dma_semaphore, #tpu.memory_space<semaphore_mem>>) src(%dma_wait3A_493 : memref<40000x128xf32, #tpu.memory_space<hbm>>) dst(%arg23 : memref<80x128xf32, #tpu.memory_space<vmem>>)
        %dma_wait3A_494 = tpu.memref_slice %arg4[%add3A_491] : memref<160000xi32, #tpu.memory_space<hbm>> -> memref<80xi32, #tpu.memory_space<hbm>>
        %dma_wait3A_495 = tpu.memref_slice %arg4[%add3A_491] : memref<160000xi32, #tpu.memory_space<hbm>> -> memref<80xi32, #tpu.memory_space<hbm>>
        tpu.wait_dma2 semaphore(%arg39 : memref<!tpu.dma_semaphore, #tpu.memory_space<semaphore_mem>>) src(%dma_wait3A_495 : memref<80xi32, #tpu.memory_space<hbm>>) dst(%arg19 : memref<80xi32, #tpu.memory_space<vmem>>)
        %dma_start3A = arith.constant 0 : i32
        %dma_start3A_496 = arith.constant 0 : i32
        %dma_start3A_497 = tpu.memref_slice %arg6[%dma_start3A, %dma_start3A_496] : memref<10000x128xf32, #tpu.memory_space<vmem_shared>> -> memref<10000x128xf32, #tpu.memory_space<vmem_shared>>
        tpu.enqueue_indirect_dma source(%arg23 : memref<80x128xf32, #tpu.memory_space<vmem>>) target(%dma_start3A_497 : memref<10000x128xf32, #tpu.memory_space<vmem_shared>>) offsets(%arg19 : memref<80xi32, #tpu.memory_space<vmem>>) semaphore(%arg47 : memref<!tpu.dma_semaphore, #tpu.memory_space<semaphore_mem>>) {add = true}
      } else {
      }
    }
    %scan3A_12 = arith.constant 17 : i32
    %barrier3A_13 = arith.constant 0 : index
    tpu.barrier barrier_id(%barrier3A_13)
    %lt3A_14 = arith.constant 10 : i32
    %lt3A_15 = arith.cmpi slt, %arg1, %lt3A_14 : i32
    %convert_element_type3A_16 = arith.extui %lt3A_15 : i1 to i32
    %cond3A_17 = arith.constant 0 : i32
    %cond3A_18 = arith.cmpi ne, %convert_element_type3A_16, %cond3A_17 : i32
    scf.if %cond3A_18 {
      %mul3A_43 = arith.constant 1000 : i32
      %mul3A_44 = arith.muli %arg1, %mul3A_43 : i32
      %mul3A_45 = arith.constant 1000 : i32
      %mul3A_46 = arith.muli %arg1, %mul3A_45 : i32
      %add3A_47 = arith.addi %mul3A_5, %mul3A_46 : i32
      "tpu.region"() ({
        %run_scoped3A = tpu.sem_alloc : memref<!tpu.dma_semaphore, #tpu.memory_space<semaphore_mem>>
        %dma_start3A = arith.constant 0 : i32
        %dma_start3A_48 = tpu.memref_slice %arg5[%add3A_47, %dma_start3A] : memref<40000x128xf32, #tpu.memory_space<hbm>> -> memref<1000x128xf32, #tpu.memory_space<hbm>>
        %dma_start3A_49 = arith.constant 0 : i32
        %dma_start3A_50 = tpu.memref_slice %arg6[%mul3A_44, %dma_start3A_49] : memref<10000x128xf32, #tpu.memory_space<vmem_shared>> -> memref<1000x128xf32, #tpu.memory_space<vmem_shared>>
        tpu.enqueue_dma source(%dma_start3A_50 : memref<1000x128xf32, #tpu.memory_space<vmem_shared>>) target(%dma_start3A_48 : memref<1000x128xf32, #tpu.memory_space<hbm>>) target_semaphore(%run_scoped3A : memref<!tpu.dma_semaphore, #tpu.memory_space<semaphore_mem>>)
        %dma_wait3A = arith.constant 0 : i32
        %dma_wait3A_51 = tpu.memref_slice %arg5[%add3A_47, %dma_wait3A] : memref<40000x128xf32, #tpu.memory_space<hbm>> -> memref<1000x128xf32, #tpu.memory_space<hbm>>
        %dma_wait3A_52 = arith.constant 0 : i32
        %dma_wait3A_53 = tpu.memref_slice %arg6[%mul3A_44, %dma_wait3A_52] : memref<10000x128xf32, #tpu.memory_space<vmem_shared>> -> memref<1000x128xf32, #tpu.memory_space<vmem_shared>>
        tpu.wait_dma2 semaphore(%run_scoped3A : memref<!tpu.dma_semaphore, #tpu.memory_space<semaphore_mem>>) src(%dma_wait3A_53 : memref<1000x128xf32, #tpu.memory_space<vmem_shared>>) dst(%dma_wait3A_51 : memref<1000x128xf32, #tpu.memory_space<hbm>>)
        tpu.yield
      }) : () -> ()
    } else {
    }
    %mul3A_19 = arith.constant 2 : i32
    %mul3A_20 = arith.muli %arg0, %mul3A_19 : i32
    %add3A_21 = arith.constant 1 : i32
    %add3A_22 = arith.addi %mul3A_20, %add3A_21 : i32
    %mul3A_23 = arith.constant 10000 : i32
    %mul3A_24 = arith.muli %add3A_22, %mul3A_23 : i32
    %lt3A_25 = arith.constant 10 : i32
    %lt3A_26 = arith.cmpi slt, %arg1, %lt3A_25 : i32
    %convert_element_type3A_27 = arith.extui %lt3A_26 : i1 to i32
    %cond3A_28 = arith.constant 0 : i32
    %cond3A_29 = arith.cmpi ne, %convert_element_type3A_27, %cond3A_28 : i32
    scf.if %cond3A_29 {
      %mul3A_43 = arith.constant 1000 : i32
      %mul3A_44 = arith.muli %arg1, %mul3A_43 : i32
      %add3A_45 = arith.addi %mul3A_24, %mul3A_44 : i32
      %mul3A_46 = arith.constant 1000 : i32
      %mul3A_47 = arith.muli %arg1, %mul3A_46 : i32
      "tpu.region"() ({
        %run_scoped3A = tpu.sem_alloc : memref<!tpu.dma_semaphore, #tpu.memory_space<semaphore_mem>>
        %dma_start3A = arith.constant 0 : i32
        %dma_start3A_48 = tpu.memref_slice %arg6[%mul3A_47, %dma_start3A] : memref<10000x128xf32, #tpu.memory_space<vmem_shared>> -> memref<1000x128xf32, #tpu.memory_space<vmem_shared>>
        %dma_start3A_49 = arith.constant 0 : i32
        %dma_start3A_50 = tpu.memref_slice %arg2[%add3A_45, %dma_start3A_49] : memref<40000x128xf32, #tpu.memory_space<hbm>> -> memref<1000x128xf32, #tpu.memory_space<hbm>>
        tpu.enqueue_dma source(%dma_start3A_50 : memref<1000x128xf32, #tpu.memory_space<hbm>>) target(%dma_start3A_48 : memref<1000x128xf32, #tpu.memory_space<vmem_shared>>) target_semaphore(%run_scoped3A : memref<!tpu.dma_semaphore, #tpu.memory_space<semaphore_mem>>)
        %dma_wait3A = arith.constant 0 : i32
        %dma_wait3A_51 = tpu.memref_slice %arg6[%mul3A_47, %dma_wait3A] : memref<10000x128xf32, #tpu.memory_space<vmem_shared>> -> memref<1000x128xf32, #tpu.memory_space<vmem_shared>>
        %dma_wait3A_52 = arith.constant 0 : i32
        %dma_wait3A_53 = tpu.memref_slice %arg2[%add3A_45, %dma_wait3A_52] : memref<40000x128xf32, #tpu.memory_space<hbm>> -> memref<1000x128xf32, #tpu.memory_space<hbm>>
        tpu.wait_dma2 semaphore(%run_scoped3A : memref<!tpu.dma_semaphore, #tpu.memory_space<semaphore_mem>>) src(%dma_wait3A_53 : memref<1000x128xf32, #tpu.memory_space<hbm>>) dst(%dma_wait3A_51 : memref<1000x128xf32, #tpu.memory_space<vmem_shared>>)
        tpu.yield
      }) : () -> ()
    } else {
    }
    %barrier3A_30 = arith.constant 0 : index
    tpu.barrier barrier_id(%barrier3A_30)
    %scan3A_31 = arith.constant 0 : i32
    %scan3A_32 = arith.constant 0 : i32
    %scan3A_33 = arith.constant 17 : i32
    %scan3A_34 = arith.addi %scan3A_32, %scan3A_33 : i32
    %scan3A_35 = arith.constant 1 : i32
    scf.for %scan3A_43 = %scan3A_32 to %scan3A_34 step %scan3A_35  : i32 {
      %mul3A_44 = arith.constant 8 : i32
      %mul3A_45 = arith.muli %scan3A_43, %mul3A_44 : i32
      %add3A_46 = arith.constant 0 : i32
      %add3A_47 = arith.addi %mul3A_45, %add3A_46 : i32
      %sub3A = arith.constant 4 : i32
      %sub3A_48 = arith.subi %add3A_47, %sub3A : i32
      %ge3A = arith.constant 0 : i32
      %ge3A_49 = arith.cmpi sge, %sub3A_48, %ge3A : i32
      %lt3A_50 = arith.constant 125 : i32
      %lt3A_51 = arith.cmpi slt, %sub3A_48, %lt3A_50 : i32
      %and3A = arith.andi %ge3A_49, %lt3A_51 : i1
      %convert_element_type3A_52 = arith.extui %and3A : i1 to i32
      %cond3A_53 = arith.constant 0 : i32
      %cond3A_54 = arith.cmpi ne, %convert_element_type3A_52, %cond3A_53 : i32
      scf.if %cond3A_54 {
        %dma_wait3A = arith.constant 0 : i32
        %dma_wait3A_489 = arith.constant 0 : i32
        %dma_wait3A_490 = tpu.memref_slice %arg6[%dma_wait3A, %dma_wait3A_489] : memref<10000x128xf32, #tpu.memory_space<vmem_shared>> -> memref<10000x128xf32, #tpu.memory_space<vmem_shared>>
        tpu.wait_indirect_dma semaphore(%arg47 : memref<!tpu.dma_semaphore, #tpu.memory_space<semaphore_mem>>) src(%arg23 : memref<80x128xf32, #tpu.memory_space<vmem>>) dst(%dma_wait3A_490 : memref<10000x128xf32, #tpu.memory_space<vmem_shared>>)
      } else {
      }
      %mul3A_55 = arith.constant 8 : i32
      %mul3A_56 = arith.muli %scan3A_43, %mul3A_55 : i32
      %add3A_57 = arith.constant 0 : i32
      %add3A_58 = arith.addi %mul3A_56, %add3A_57 : i32
      %sub3A_59 = arith.constant 0 : i32
      %sub3A_60 = arith.subi %add3A_58, %sub3A_59 : i32
      %ge3A_61 = arith.constant 0 : i32
      %ge3A_62 = arith.cmpi sge, %sub3A_60, %ge3A_61 : i32
      %lt3A_63 = arith.constant 125 : i32
      %lt3A_64 = arith.cmpi slt, %sub3A_60, %lt3A_63 : i32
      %and3A_65 = arith.andi %ge3A_62, %lt3A_64 : i1
      %convert_element_type3A_66 = arith.extui %and3A_65 : i1 to i32
      %cond3A_67 = arith.constant 0 : i32
      %cond3A_68 = arith.cmpi ne, %convert_element_type3A_66, %cond3A_67 : i32
      scf.if %cond3A_68 {
        %mul3A_489 = arith.constant 80 : i32
        %mul3A_490 = arith.muli %sub3A_60, %mul3A_489 : i32
        %add3A_491 = arith.addi %mul3A_0, %mul3A_490 : i32
        %dma_start3A = tpu.memref_slice %arg3[%add3A_491] : memref<160000xi32, #tpu.memory_space<hbm>> -> memref<80xi32, #tpu.memory_space<hbm>>
        %dma_start3A_492 = tpu.memref_slice %arg3[%add3A_491] : memref<160000xi32, #tpu.memory_space<hbm>> -> memref<80xi32, #tpu.memory_space<hbm>>
        tpu.enqueue_dma source(%dma_start3A_492 : memref<80xi32, #tpu.memory_space<hbm>>) target(%arg7 : memref<80xi32, #tpu.memory_space<vmem>>) target_semaphore(%arg27 : memref<!tpu.dma_semaphore, #tpu.memory_space<semaphore_mem>>)
        %dma_start3A_493 = tpu.memref_slice %arg4[%add3A_491] : memref<160000xi32, #tpu.memory_space<hbm>> -> memref<80xi32, #tpu.memory_space<hbm>>
        %dma_start3A_494 = tpu.memref_slice %arg4[%add3A_491] : memref<160000xi32, #tpu.memory_space<hbm>> -> memref<80xi32, #tpu.memory_space<hbm>>
        tpu.enqueue_dma source(%dma_start3A_494 : memref<80xi32, #tpu.memory_space<hbm>>) target(%arg15 : memref<80xi32, #tpu.memory_space<vmem>>) target_semaphore(%arg35 : memref<!tpu.dma_semaphore, #tpu.memory_space<semaphore_mem>>)
      } else {
      }
      %mul3A_69 = arith.constant 8 : i32
      %mul3A_70 = arith.muli %scan3A_43, %mul3A_69 : i32
      %add3A_71 = arith.constant 0 : i32
      %add3A_72 = arith.addi %mul3A_70, %add3A_71 : i32
      %sub3A_73 = arith.constant 1 : i32
      %sub3A_74 = arith.subi %add3A_72, %sub3A_73 : i32
      %ge3A_75 = arith.constant 0 : i32
      %ge3A_76 = arith.cmpi sge, %sub3A_74, %ge3A_75 : i32
      %lt3A_77 = arith.constant 125 : i32
      %lt3A_78 = arith.cmpi slt, %sub3A_74, %lt3A_77 : i32
      %and3A_79 = arith.andi %ge3A_76, %lt3A_78 : i1
      %convert_element_type3A_80 = arith.extui %and3A_79 : i1 to i32
      %cond3A_81 = arith.constant 0 : i32
      %cond3A_82 = arith.cmpi ne, %convert_element_type3A_80, %cond3A_81 : i32
      scf.if %cond3A_82 {
        %mul3A_489 = arith.constant 80 : i32
        %mul3A_490 = arith.muli %sub3A_74, %mul3A_489 : i32
        %add3A_491 = arith.addi %mul3A_0, %mul3A_490 : i32
        %dma_wait3A = tpu.memref_slice %arg3[%add3A_491] : memref<160000xi32, #tpu.memory_space<hbm>> -> memref<80xi32, #tpu.memory_space<hbm>>
        %dma_wait3A_492 = tpu.memref_slice %arg3[%add3A_491] : memref<160000xi32, #tpu.memory_space<hbm>> -> memref<80xi32, #tpu.memory_space<hbm>>
        tpu.wait_dma2 semaphore(%arg34 : memref<!tpu.dma_semaphore, #tpu.memory_space<semaphore_mem>>) src(%dma_wait3A_492 : memref<80xi32, #tpu.memory_space<hbm>>) dst(%arg14 : memref<80xi32, #tpu.memory_space<vmem>>)
        %get3A = arith.constant 0 : index
        %get3A_493 = tpu.vector_load %arg14[%get3A] {strides = array<i32>} : memref<80xi32, #tpu.memory_space<vmem>>, vector<16xi32>,
        %add3A_494 = vector.broadcast %mul3A_24 : i32 to vector<16xi32>
        %add3A_495 = arith.addi %get3A_493, %add3A_494 : vector<16xi32>
        %swap3A = arith.constant 0 : index
        %swap3A_496 = tpu.vector_load %arg14[%swap3A] {strides = array<i32>} : memref<80xi32, #tpu.memory_space<vmem>>, vector<16xi32>,
        tpu.vector_store %arg14[%swap3A], %add3A_495 {strides = array<i32>} : memref<80xi32, #tpu.memory_space<vmem>>, vector<16xi32>,
        %get3A_497 = arith.constant 16 : index
        %get3A_498 = tpu.vector_load %arg14[%get3A_497] {strides = array<i32>} : memref<80xi32, #tpu.memory_space<vmem>>, vector<16xi32>,
        %add3A_499 = vector.broadcast %mul3A_24 : i32 to vector<16xi32>
        %add3A_500 = arith.addi %get3A_498, %add3A_499 : vector<16xi32>
        %swap3A_501 = arith.constant 16 : index
        %swap3A_502 = tpu.vector_load %arg14[%swap3A_501] {strides = array<i32>} : memref<80xi32, #tpu.memory_space<vmem>>, vector<16xi32>,
        tpu.vector_store %arg14[%swap3A_501], %add3A_500 {strides = array<i32>} : memref<80xi32, #tpu.memory_space<vmem>>, vector<16xi32>,
        %get3A_503 = arith.constant 32 : index
        %get3A_504 = tpu.vector_load %arg14[%get3A_503] {strides = array<i32>} : memref<80xi32, #tpu.memory_space<vmem>>, vector<16xi32>,
        %add3A_505 = vector.broadcast %mul3A_24 : i32 to vector<16xi32>
        %add3A_506 = arith.addi %get3A_504, %add3A_505 : vector<16xi32>
        %swap3A_507 = arith.constant 32 : index
        %swap3A_508 = tpu.vector_load %arg14[%swap3A_507] {strides = array<i32>} : memref<80xi32, #tpu.memory_space<vmem>>, vector<16xi32>,
        tpu.vector_store %arg14[%swap3A_507], %add3A_506 {strides = array<i32>} : memref<80xi32, #tpu.memory_space<vmem>>, vector<16xi32>,
        %get3A_509 = arith.constant 48 : index
        %get3A_510 = tpu.vector_load %arg14[%get3A_509] {strides = array<i32>} : memref<80xi32, #tpu.memory_space<vmem>>, vector<16xi32>,
        %add3A_511 = vector.broadcast %mul3A_24 : i32 to vector<16xi32>
        %add3A_512 = arith.addi %get3A_510, %add3A_511 : vector<16xi32>
        %swap3A_513 = arith.constant 48 : index
        %swap3A_514 = tpu.vector_load %arg14[%swap3A_513] {strides = array<i32>} : memref<80xi32, #tpu.memory_space<vmem>>, vector<16xi32>,
        tpu.vector_store %arg14[%swap3A_513], %add3A_512 {strides = array<i32>} : memref<80xi32, #tpu.memory_space<vmem>>, vector<16xi32>,
        %get3A_515 = arith.constant 64 : index
        %get3A_516 = tpu.vector_load %arg14[%get3A_515] {strides = array<i32>} : memref<80xi32, #tpu.memory_space<vmem>>, vector<16xi32>,
        %add3A_517 = vector.broadcast %mul3A_24 : i32 to vector<16xi32>
        %add3A_518 = arith.addi %get3A_516, %add3A_517 : vector<16xi32>
        %swap3A_519 = arith.constant 64 : index
        %swap3A_520 = tpu.vector_load %arg14[%swap3A_519] {strides = array<i32>} : memref<80xi32, #tpu.memory_space<vmem>>, vector<16xi32>,
        tpu.vector_store %arg14[%swap3A_519], %add3A_518 {strides = array<i32>} : memref<80xi32, #tpu.memory_space<vmem>>, vector<16xi32>,
        %dma_start3A = arith.constant 0 : i32
        %dma_start3A_521 = arith.constant 0 : i32
        %dma_start3A_522 = tpu.memref_slice %arg2[%dma_start3A, %dma_start3A_521] : memref<40000x128xf32, #tpu.memory_space<hbm>> -> memref<40000x128xf32, #tpu.memory_space<hbm>>
        tpu.enqueue_indirect_dma source(%dma_start3A_522 : memref<40000x128xf32, #tpu.memory_space<hbm>>) target(%arg26 : memref<80x128xf32, #tpu.memory_space<vmem>>) offsets(%arg14 : memref<80xi32, #tpu.memory_space<vmem>>) semaphore(%arg46 : memref<!tpu.dma_semaphore, #tpu.memory_space<semaphore_mem>>)
      } else {
      }
      %mul3A_83 = arith.constant 8 : i32
      %mul3A_84 = arith.muli %scan3A_43, %mul3A_83 : i32
      %add3A_85 = arith.constant 0 : i32
      %add3A_86 = arith.addi %mul3A_84, %add3A_85 : i32
      %sub3A_87 = arith.constant 3 : i32
      %sub3A_88 = arith.subi %add3A_86, %sub3A_87 : i32
      %ge3A_89 = arith.constant 0 : i32
      %ge3A_90 = arith.cmpi sge, %sub3A_88, %ge3A_89 : i32
      %lt3A_91 = arith.constant 125 : i32
      %lt3A_92 = arith.cmpi slt, %sub3A_88, %lt3A_91 : i32
      %and3A_93 = arith.andi %ge3A_90, %lt3A_92 : i1
      %convert_element_type3A_94 = arith.extui %and3A_93 : i1 to i32
      %cond3A_95 = arith.constant 0 : i32
      %cond3A_96 = arith.cmpi ne, %convert_element_type3A_94, %cond3A_95 : i32
      scf.if %cond3A_96 {
        %mul3A_489 = arith.constant 80 : i32
        %mul3A_490 = arith.muli %sub3A_88, %mul3A_489 : i32
        %add3A_491 = arith.addi %mul3A_0, %mul3A_490 : i32
        %dma_wait3A = arith.constant 0 : i32
        %dma_wait3A_492 = arith.constant 0 : i32
        %dma_wait3A_493 = tpu.memref_slice %arg2[%dma_wait3A, %dma_wait3A_492] : memref<40000x128xf32, #tpu.memory_space<hbm>> -> memref<40000x128xf32, #tpu.memory_space<hbm>>
        tpu.wait_indirect_dma semaphore(%arg44 : memref<!tpu.dma_semaphore, #tpu.memory_space<semaphore_mem>>) src(%dma_wait3A_493 : memref<40000x128xf32, #tpu.memory_space<hbm>>) dst(%arg24 : memref<80x128xf32, #tpu.memory_space<vmem>>)
        %dma_wait3A_494 = tpu.memref_slice %arg4[%add3A_491] : memref<160000xi32, #tpu.memory_space<hbm>> -> memref<80xi32, #tpu.memory_space<hbm>>
        %dma_wait3A_495 = tpu.memref_slice %arg4[%add3A_491] : memref<160000xi32, #tpu.memory_space<hbm>> -> memref<80xi32, #tpu.memory_space<hbm>>
        tpu.wait_dma2 semaphore(%arg40 : memref<!tpu.dma_semaphore, #tpu.memory_space<semaphore_mem>>) src(%dma_wait3A_495 : memref<80xi32, #tpu.memory_space<hbm>>) dst(%arg20 : memref<80xi32, #tpu.memory_space<vmem>>)
        %dma_start3A = arith.constant 0 : i32
        %dma_start3A_496 = arith.constant 0 : i32
        %dma_start3A_497 = tpu.memref_slice %arg6[%dma_start3A, %dma_start3A_496] : memref<10000x128xf32, #tpu.memory_space<vmem_shared>> -> memref<10000x128xf32, #tpu.memory_space<vmem_shared>>
        tpu.enqueue_indirect_dma source(%arg24 : memref<80x128xf32, #tpu.memory_space<vmem>>) target(%dma_start3A_497 : memref<10000x128xf32, #tpu.memory_space<vmem_shared>>) offsets(%arg20 : memref<80xi32, #tpu.memory_space<vmem>>) semaphore(%arg48 : memref<!tpu.dma_semaphore, #tpu.memory_space<semaphore_mem>>) {add = true}
      } else {
      }
      %mul3A_97 = arith.constant 8 : i32
      %mul3A_98 = arith.muli %scan3A_43, %mul3A_97 : i32
      %add3A_99 = arith.constant 1 : i32
      %add3A_100 = arith.addi %mul3A_98, %add3A_99 : i32
      %sub3A_101 = arith.constant 4 : i32
      %sub3A_102 = arith.subi %add3A_100, %sub3A_101 : i32
      %ge3A_103 = arith.constant 0 : i32
      %ge3A_104 = arith.cmpi sge, %sub3A_102, %ge3A_103 : i32
      %lt3A_105 = arith.constant 125 : i32
      %lt3A_106 = arith.cmpi slt, %sub3A_102, %lt3A_105 : i32
      %and3A_107 = arith.andi %ge3A_104, %lt3A_106 : i1
      %convert_element_type3A_108 = arith.extui %and3A_107 : i1 to i32
      %cond3A_109 = arith.constant 0 : i32
      %cond3A_110 = arith.cmpi ne, %convert_element_type3A_108, %cond3A_109 : i32
      scf.if %cond3A_110 {
        %dma_wait3A = arith.constant 0 : i32
        %dma_wait3A_489 = arith.constant 0 : i32
        %dma_wait3A_490 = tpu.memref_slice %arg6[%dma_wait3A, %dma_wait3A_489] : memref<10000x128xf32, #tpu.memory_space<vmem_shared>> -> memref<10000x128xf32, #tpu.memory_space<vmem_shared>>
        tpu.wait_indirect_dma semaphore(%arg48 : memref<!tpu.dma_semaphore, #tpu.memory_space<semaphore_mem>>) src(%arg24 : memref<80x128xf32, #tpu.memory_space<vmem>>) dst(%dma_wait3A_490 : memref<10000x128xf32, #tpu.memory_space<vmem_shared>>)
      } else {
      }
      %mul3A_111 = arith.constant 8 : i32
      %mul3A_112 = arith.muli %scan3A_43, %mul3A_111 : i32
      %add3A_113 = arith.constant 1 : i32
      %add3A_114 = arith.addi %mul3A_112, %add3A_113 : i32
      %sub3A_115 = arith.constant 0 : i32
      %sub3A_116 = arith.subi %add3A_114, %sub3A_115 : i32
      %ge3A_117 = arith.constant 0 : i32
      %ge3A_118 = arith.cmpi sge, %sub3A_116, %ge3A_117 : i32
      %lt3A_119 = arith.constant 125 : i32
      %lt3A_120 = arith.cmpi slt, %sub3A_116, %lt3A_119 : i32
      %and3A_121 = arith.andi %ge3A_118, %lt3A_120 : i1
      %convert_element_type3A_122 = arith.extui %and3A_121 : i1 to i32
      %cond3A_123 = arith.constant 0 : i32
      %cond3A_124 = arith.cmpi ne, %convert_element_type3A_122, %cond3A_123 : i32
      scf.if %cond3A_124 {
        %mul3A_489 = arith.constant 80 : i32
        %mul3A_490 = arith.muli %sub3A_116, %mul3A_489 : i32
        %add3A_491 = arith.addi %mul3A_0, %mul3A_490 : i32
        %dma_start3A = tpu.memref_slice %arg3[%add3A_491] : memref<160000xi32, #tpu.memory_space<hbm>> -> memref<80xi32, #tpu.memory_space<hbm>>
        %dma_start3A_492 = tpu.memref_slice %arg3[%add3A_491] : memref<160000xi32, #tpu.memory_space<hbm>> -> memref<80xi32, #tpu.memory_space<hbm>>
        tpu.enqueue_dma source(%dma_start3A_492 : memref<80xi32, #tpu.memory_space<hbm>>) target(%arg8 : memref<80xi32, #tpu.memory_space<vmem>>) target_semaphore(%arg28 : memref<!tpu.dma_semaphore, #tpu.memory_space<semaphore_mem>>)
        %dma_start3A_493 = tpu.memref_slice %arg4[%add3A_491] : memref<160000xi32, #tpu.memory_space<hbm>> -> memref<80xi32, #tpu.memory_space<hbm>>
        %dma_start3A_494 = tpu.memref_slice %arg4[%add3A_491] : memref<160000xi32, #tpu.memory_space<hbm>> -> memref<80xi32, #tpu.memory_space<hbm>>
        tpu.enqueue_dma source(%dma_start3A_494 : memref<80xi32, #tpu.memory_space<hbm>>) target(%arg16 : memref<80xi32, #tpu.memory_space<vmem>>) target_semaphore(%arg36 : memref<!tpu.dma_semaphore, #tpu.memory_space<semaphore_mem>>)
      } else {
      }
      %mul3A_125 = arith.constant 8 : i32
      %mul3A_126 = arith.muli %scan3A_43, %mul3A_125 : i32
      %add3A_127 = arith.constant 1 : i32
      %add3A_128 = arith.addi %mul3A_126, %add3A_127 : i32
      %sub3A_129 = arith.constant 1 : i32
      %sub3A_130 = arith.subi %add3A_128, %sub3A_129 : i32
      %ge3A_131 = arith.constant 0 : i32
      %ge3A_132 = arith.cmpi sge, %sub3A_130, %ge3A_131 : i32
      %lt3A_133 = arith.constant 125 : i32
      %lt3A_134 = arith.cmpi slt, %sub3A_130, %lt3A_133 : i32
      %and3A_135 = arith.andi %ge3A_132, %lt3A_134 : i1
      %convert_element_type3A_136 = arith.extui %and3A_135 : i1 to i32
      %cond3A_137 = arith.constant 0 : i32
      %cond3A_138 = arith.cmpi ne, %convert_element_type3A_136, %cond3A_137 : i32
      scf.if %cond3A_138 {
        %mul3A_489 = arith.constant 80 : i32
        %mul3A_490 = arith.muli %sub3A_130, %mul3A_489 : i32
        %add3A_491 = arith.addi %mul3A_0, %mul3A_490 : i32
        %dma_wait3A = tpu.memref_slice %arg3[%add3A_491] : memref<160000xi32, #tpu.memory_space<hbm>> -> memref<80xi32, #tpu.memory_space<hbm>>
        %dma_wait3A_492 = tpu.memref_slice %arg3[%add3A_491] : memref<160000xi32, #tpu.memory_space<hbm>> -> memref<80xi32, #tpu.memory_space<hbm>>
        tpu.wait_dma2 semaphore(%arg27 : memref<!tpu.dma_semaphore, #tpu.memory_space<semaphore_mem>>) src(%dma_wait3A_492 : memref<80xi32, #tpu.memory_space<hbm>>) dst(%arg7 : memref<80xi32, #tpu.memory_space<vmem>>)
        %get3A = arith.constant 0 : index
        %get3A_493 = tpu.vector_load %arg7[%get3A] {strides = array<i32>} : memref<80xi32, #tpu.memory_space<vmem>>, vector<16xi32>,
        %add3A_494 = vector.broadcast %mul3A_24 : i32 to vector<16xi32>
        %add3A_495 = arith.addi %get3A_493, %add3A_494 : vector<16xi32>
        %swap3A = arith.constant 0 : index
        %swap3A_496 = tpu.vector_load %arg7[%swap3A] {strides = array<i32>} : memref<80xi32, #tpu.memory_space<vmem>>, vector<16xi32>,
        tpu.vector_store %arg7[%swap3A], %add3A_495 {strides = array<i32>} : memref<80xi32, #tpu.memory_space<vmem>>, vector<16xi32>,
        %get3A_497 = arith.constant 16 : index
        %get3A_498 = tpu.vector_load %arg7[%get3A_497] {strides = array<i32>} : memref<80xi32, #tpu.memory_space<vmem>>, vector<16xi32>,
        %add3A_499 = vector.broadcast %mul3A_24 : i32 to vector<16xi32>
        %add3A_500 = arith.addi %get3A_498, %add3A_499 : vector<16xi32>
        %swap3A_501 = arith.constant 16 : index
        %swap3A_502 = tpu.vector_load %arg7[%swap3A_501] {strides = array<i32>} : memref<80xi32, #tpu.memory_space<vmem>>, vector<16xi32>,
        tpu.vector_store %arg7[%swap3A_501], %add3A_500 {strides = array<i32>} : memref<80xi32, #tpu.memory_space<vmem>>, vector<16xi32>,
        %get3A_503 = arith.constant 32 : index
        %get3A_504 = tpu.vector_load %arg7[%get3A_503] {strides = array<i32>} : memref<80xi32, #tpu.memory_space<vmem>>, vector<16xi32>,
        %add3A_505 = vector.broadcast %mul3A_24 : i32 to vector<16xi32>
        %add3A_506 = arith.addi %get3A_504, %add3A_505 : vector<16xi32>
        %swap3A_507 = arith.constant 32 : index
        %swap3A_508 = tpu.vector_load %arg7[%swap3A_507] {strides = array<i32>} : memref<80xi32, #tpu.memory_space<vmem>>, vector<16xi32>,
        tpu.vector_store %arg7[%swap3A_507], %add3A_506 {strides = array<i32>} : memref<80xi32, #tpu.memory_space<vmem>>, vector<16xi32>,
        %get3A_509 = arith.constant 48 : index
        %get3A_510 = tpu.vector_load %arg7[%get3A_509] {strides = array<i32>} : memref<80xi32, #tpu.memory_space<vmem>>, vector<16xi32>,
        %add3A_511 = vector.broadcast %mul3A_24 : i32 to vector<16xi32>
        %add3A_512 = arith.addi %get3A_510, %add3A_511 : vector<16xi32>
        %swap3A_513 = arith.constant 48 : index
        %swap3A_514 = tpu.vector_load %arg7[%swap3A_513] {strides = array<i32>} : memref<80xi32, #tpu.memory_space<vmem>>, vector<16xi32>,
        tpu.vector_store %arg7[%swap3A_513], %add3A_512 {strides = array<i32>} : memref<80xi32, #tpu.memory_space<vmem>>, vector<16xi32>,
        %get3A_515 = arith.constant 64 : index
        %get3A_516 = tpu.vector_load %arg7[%get3A_515] {strides = array<i32>} : memref<80xi32, #tpu.memory_space<vmem>>, vector<16xi32>,
        %add3A_517 = vector.broadcast %mul3A_24 : i32 to vector<16xi32>
        %add3A_518 = arith.addi %get3A_516, %add3A_517 : vector<16xi32>
        %swap3A_519 = arith.constant 64 : index
        %swap3A_520 = tpu.vector_load %arg7[%swap3A_519] {strides = array<i32>} : memref<80xi32, #tpu.memory_space<vmem>>, vector<16xi32>,
        tpu.vector_store %arg7[%swap3A_519], %add3A_518 {strides = array<i32>} : memref<80xi32, #tpu.memory_space<vmem>>, vector<16xi32>,
        %dma_start3A = arith.constant 0 : i32
        %dma_start3A_521 = arith.constant 0 : i32
        %dma_start3A_522 = tpu.memref_slice %arg2[%dma_start3A, %dma_start3A_521] : memref<40000x128xf32, #tpu.memory_space<hbm>> -> memref<40000x128xf32, #tpu.memory_space<hbm>>
        tpu.enqueue_indirect_dma source(%dma_start3A_522 : memref<40000x128xf32, #tpu.memory_space<hbm>>) target(%arg23 : memref<80x128xf32, #tpu.memory_space<vmem>>) offsets(%arg7 : memref<80xi32, #tpu.memory_space<vmem>>) semaphore(%arg43 : memref<!tpu.dma_semaphore, #tpu.memory_space<semaphore_mem>>)
      } else {
      }
      %mul3A_139 = arith.constant 8 : i32
      %mul3A_140 = arith.muli %scan3A_43, %mul3A_139 : i32
      %add3A_141 = arith.constant 1 : i32
      %add3A_142 = arith.addi %mul3A_140, %add3A_141 : i32
      %sub3A_143 = arith.constant 3 : i32
      %sub3A_144 = arith.subi %add3A_142, %sub3A_143 : i32
      %ge3A_145 = arith.constant 0 : i32
      %ge3A_146 = arith.cmpi sge, %sub3A_144, %ge3A_145 : i32
      %lt3A_147 = arith.constant 125 : i32
      %lt3A_148 = arith.cmpi slt, %sub3A_144, %lt3A_147 : i32
      %and3A_149 = arith.andi %ge3A_146, %lt3A_148 : i1
      %convert_element_type3A_150 = arith.extui %and3A_149 : i1 to i32
      %cond3A_151 = arith.constant 0 : i32
      %cond3A_152 = arith.cmpi ne, %convert_element_type3A_150, %cond3A_151 : i32
      scf.if %cond3A_152 {
        %mul3A_489 = arith.constant 80 : i32
        %mul3A_490 = arith.muli %sub3A_144, %mul3A_489 : i32
        %add3A_491 = arith.addi %mul3A_0, %mul3A_490 : i32
        %dma_wait3A = arith.constant 0 : i32
        %dma_wait3A_492 = arith.constant 0 : i32
        %dma_wait3A_493 = tpu.memref_slice %arg2[%dma_wait3A, %dma_wait3A_492] : memref<40000x128xf32, #tpu.memory_space<hbm>> -> memref<40000x128xf32, #tpu.memory_space<hbm>>
        tpu.wait_indirect_dma semaphore(%arg45 : memref<!tpu.dma_semaphore, #tpu.memory_space<semaphore_mem>>) src(%dma_wait3A_493 : memref<40000x128xf32, #tpu.memory_space<hbm>>) dst(%arg25 : memref<80x128xf32, #tpu.memory_space<vmem>>)
        %dma_wait3A_494 = tpu.memref_slice %arg4[%add3A_491] : memref<160000xi32, #tpu.memory_space<hbm>> -> memref<80xi32, #tpu.memory_space<hbm>>
        %dma_wait3A_495 = tpu.memref_slice %arg4[%add3A_491] : memref<160000xi32, #tpu.memory_space<hbm>> -> memref<80xi32, #tpu.memory_space<hbm>>
        tpu.wait_dma2 semaphore(%arg41 : memref<!tpu.dma_semaphore, #tpu.memory_space<semaphore_mem>>) src(%dma_wait3A_495 : memref<80xi32, #tpu.memory_space<hbm>>) dst(%arg21 : memref<80xi32, #tpu.memory_space<vmem>>)
        %dma_start3A = arith.constant 0 : i32
        %dma_start3A_496 = arith.constant 0 : i32
        %dma_start3A_497 = tpu.memref_slice %arg6[%dma_start3A, %dma_start3A_496] : memref<10000x128xf32, #tpu.memory_space<vmem_shared>> -> memref<10000x128xf32, #tpu.memory_space<vmem_shared>>
        tpu.enqueue_indirect_dma source(%arg25 : memref<80x128xf32, #tpu.memory_space<vmem>>) target(%dma_start3A_497 : memref<10000x128xf32, #tpu.memory_space<vmem_shared>>) offsets(%arg21 : memref<80xi32, #tpu.memory_space<vmem>>) semaphore(%arg49 : memref<!tpu.dma_semaphore, #tpu.memory_space<semaphore_mem>>) {add = true}
      } else {
      }
      %mul3A_153 = arith.constant 8 : i32
      %mul3A_154 = arith.muli %scan3A_43, %mul3A_153 : i32
      %add3A_155 = arith.constant 2 : i32
      %add3A_156 = arith.addi %mul3A_154, %add3A_155 : i32
      %sub3A_157 = arith.constant 4 : i32
      %sub3A_158 = arith.subi %add3A_156, %sub3A_157 : i32
      %ge3A_159 = arith.constant 0 : i32
      %ge3A_160 = arith.cmpi sge, %sub3A_158, %ge3A_159 : i32
      %lt3A_161 = arith.constant 125 : i32
      %lt3A_162 = arith.cmpi slt, %sub3A_158, %lt3A_161 : i32
      %and3A_163 = arith.andi %ge3A_160, %lt3A_162 : i1
      %convert_element_type3A_164 = arith.extui %and3A_163 : i1 to i32
      %cond3A_165 = arith.constant 0 : i32
      %cond3A_166 = arith.cmpi ne, %convert_element_type3A_164, %cond3A_165 : i32
      scf.if %cond3A_166 {
        %dma_wait3A = arith.constant 0 : i32
        %dma_wait3A_489 = arith.constant 0 : i32
        %dma_wait3A_490 = tpu.memref_slice %arg6[%dma_wait3A, %dma_wait3A_489] : memref<10000x128xf32, #tpu.memory_space<vmem_shared>> -> memref<10000x128xf32, #tpu.memory_space<vmem_shared>>
        tpu.wait_indirect_dma semaphore(%arg49 : memref<!tpu.dma_semaphore, #tpu.memory_space<semaphore_mem>>) src(%arg25 : memref<80x128xf32, #tpu.memory_space<vmem>>) dst(%dma_wait3A_490 : memref<10000x128xf32, #tpu.memory_space<vmem_shared>>)
      } else {
      }
      %mul3A_167 = arith.constant 8 : i32
      %mul3A_168 = arith.muli %scan3A_43, %mul3A_167 : i32
      %add3A_169 = arith.constant 2 : i32
      %add3A_170 = arith.addi %mul3A_168, %add3A_169 : i32
      %sub3A_171 = arith.constant 0 : i32
      %sub3A_172 = arith.subi %add3A_170, %sub3A_171 : i32
      %ge3A_173 = arith.constant 0 : i32
      %ge3A_174 = arith.cmpi sge, %sub3A_172, %ge3A_173 : i32
      %lt3A_175 = arith.constant 125 : i32
      %lt3A_176 = arith.cmpi slt, %sub3A_172, %lt3A_175 : i32
      %and3A_177 = arith.andi %ge3A_174, %lt3A_176 : i1
      %convert_element_type3A_178 = arith.extui %and3A_177 : i1 to i32
      %cond3A_179 = arith.constant 0 : i32
      %cond3A_180 = arith.cmpi ne, %convert_element_type3A_178, %cond3A_179 : i32
      scf.if %cond3A_180 {
        %mul3A_489 = arith.constant 80 : i32
        %mul3A_490 = arith.muli %sub3A_172, %mul3A_489 : i32
        %add3A_491 = arith.addi %mul3A_0, %mul3A_490 : i32
        %dma_start3A = tpu.memref_slice %arg3[%add3A_491] : memref<160000xi32, #tpu.memory_space<hbm>> -> memref<80xi32, #tpu.memory_space<hbm>>
        %dma_start3A_492 = tpu.memref_slice %arg3[%add3A_491] : memref<160000xi32, #tpu.memory_space<hbm>> -> memref<80xi32, #tpu.memory_space<hbm>>
        tpu.enqueue_dma source(%dma_start3A_492 : memref<80xi32, #tpu.memory_space<hbm>>) target(%arg9 : memref<80xi32, #tpu.memory_space<vmem>>) target_semaphore(%arg29 : memref<!tpu.dma_semaphore, #tpu.memory_space<semaphore_mem>>)
        %dma_start3A_493 = tpu.memref_slice %arg4[%add3A_491] : memref<160000xi32, #tpu.memory_space<hbm>> -> memref<80xi32, #tpu.memory_space<hbm>>
        %dma_start3A_494 = tpu.memref_slice %arg4[%add3A_491] : memref<160000xi32, #tpu.memory_space<hbm>> -> memref<80xi32, #tpu.memory_space<hbm>>
        tpu.enqueue_dma source(%dma_start3A_494 : memref<80xi32, #tpu.memory_space<hbm>>) target(%arg17 : memref<80xi32, #tpu.memory_space<vmem>>) target_semaphore(%arg37 : memref<!tpu.dma_semaphore, #tpu.memory_space<semaphore_mem>>)
      } else {
      }
      %mul3A_181 = arith.constant 8 : i32
      %mul3A_182 = arith.muli %scan3A_43, %mul3A_181 : i32
      %add3A_183 = arith.constant 2 : i32
      %add3A_184 = arith.addi %mul3A_182, %add3A_183 : i32
      %sub3A_185 = arith.constant 1 : i32
      %sub3A_186 = arith.subi %add3A_184, %sub3A_185 : i32
      %ge3A_187 = arith.constant 0 : i32
      %ge3A_188 = arith.cmpi sge, %sub3A_186, %ge3A_187 : i32
      %lt3A_189 = arith.constant 125 : i32
      %lt3A_190 = arith.cmpi slt, %sub3A_186, %lt3A_189 : i32
      %and3A_191 = arith.andi %ge3A_188, %lt3A_190 : i1
      %convert_element_type3A_192 = arith.extui %and3A_191 : i1 to i32
      %cond3A_193 = arith.constant 0 : i32
      %cond3A_194 = arith.cmpi ne, %convert_element_type3A_192, %cond3A_193 : i32
      scf.if %cond3A_194 {
        %mul3A_489 = arith.constant 80 : i32
        %mul3A_490 = arith.muli %sub3A_186, %mul3A_489 : i32
        %add3A_491 = arith.addi %mul3A_0, %mul3A_490 : i32
        %dma_wait3A = tpu.memref_slice %arg3[%add3A_491] : memref<160000xi32, #tpu.memory_space<hbm>> -> memref<80xi32, #tpu.memory_space<hbm>>
        %dma_wait3A_492 = tpu.memref_slice %arg3[%add3A_491] : memref<160000xi32, #tpu.memory_space<hbm>> -> memref<80xi32, #tpu.memory_space<hbm>>
        tpu.wait_dma2 semaphore(%arg28 : memref<!tpu.dma_semaphore, #tpu.memory_space<semaphore_mem>>) src(%dma_wait3A_492 : memref<80xi32, #tpu.memory_space<hbm>>) dst(%arg8 : memref<80xi32, #tpu.memory_space<vmem>>)
        %get3A = arith.constant 0 : index
        %get3A_493 = tpu.vector_load %arg8[%get3A] {strides = array<i32>} : memref<80xi32, #tpu.memory_space<vmem>>, vector<16xi32>,
        %add3A_494 = vector.broadcast %mul3A_24 : i32 to vector<16xi32>
        %add3A_495 = arith.addi %get3A_493, %add3A_494 : vector<16xi32>
        %swap3A = arith.constant 0 : index
        %swap3A_496 = tpu.vector_load %arg8[%swap3A] {strides = array<i32>} : memref<80xi32, #tpu.memory_space<vmem>>, vector<16xi32>,
        tpu.vector_store %arg8[%swap3A], %add3A_495 {strides = array<i32>} : memref<80xi32, #tpu.memory_space<vmem>>, vector<16xi32>,
        %get3A_497 = arith.constant 16 : index
        %get3A_498 = tpu.vector_load %arg8[%get3A_497] {strides = array<i32>} : memref<80xi32, #tpu.memory_space<vmem>>, vector<16xi32>,
        %add3A_499 = vector.broadcast %mul3A_24 : i32 to vector<16xi32>
        %add3A_500 = arith.addi %get3A_498, %add3A_499 : vector<16xi32>
        %swap3A_501 = arith.constant 16 : index
        %swap3A_502 = tpu.vector_load %arg8[%swap3A_501] {strides = array<i32>} : memref<80xi32, #tpu.memory_space<vmem>>, vector<16xi32>,
        tpu.vector_store %arg8[%swap3A_501], %add3A_500 {strides = array<i32>} : memref<80xi32, #tpu.memory_space<vmem>>, vector<16xi32>,
        %get3A_503 = arith.constant 32 : index
        %get3A_504 = tpu.vector_load %arg8[%get3A_503] {strides = array<i32>} : memref<80xi32, #tpu.memory_space<vmem>>, vector<16xi32>,
        %add3A_505 = vector.broadcast %mul3A_24 : i32 to vector<16xi32>
        %add3A_506 = arith.addi %get3A_504, %add3A_505 : vector<16xi32>
        %swap3A_507 = arith.constant 32 : index
        %swap3A_508 = tpu.vector_load %arg8[%swap3A_507] {strides = array<i32>} : memref<80xi32, #tpu.memory_space<vmem>>, vector<16xi32>,
        tpu.vector_store %arg8[%swap3A_507], %add3A_506 {strides = array<i32>} : memref<80xi32, #tpu.memory_space<vmem>>, vector<16xi32>,
        %get3A_509 = arith.constant 48 : index
        %get3A_510 = tpu.vector_load %arg8[%get3A_509] {strides = array<i32>} : memref<80xi32, #tpu.memory_space<vmem>>, vector<16xi32>,
        %add3A_511 = vector.broadcast %mul3A_24 : i32 to vector<16xi32>
        %add3A_512 = arith.addi %get3A_510, %add3A_511 : vector<16xi32>
        %swap3A_513 = arith.constant 48 : index
        %swap3A_514 = tpu.vector_load %arg8[%swap3A_513] {strides = array<i32>} : memref<80xi32, #tpu.memory_space<vmem>>, vector<16xi32>,
        tpu.vector_store %arg8[%swap3A_513], %add3A_512 {strides = array<i32>} : memref<80xi32, #tpu.memory_space<vmem>>, vector<16xi32>,
        %get3A_515 = arith.constant 64 : index
        %get3A_516 = tpu.vector_load %arg8[%get3A_515] {strides = array<i32>} : memref<80xi32, #tpu.memory_space<vmem>>, vector<16xi32>,
        %add3A_517 = vector.broadcast %mul3A_24 : i32 to vector<16xi32>
        %add3A_518 = arith.addi %get3A_516, %add3A_517 : vector<16xi32>
        %swap3A_519 = arith.constant 64 : index
        %swap3A_520 = tpu.vector_load %arg8[%swap3A_519] {strides = array<i32>} : memref<80xi32, #tpu.memory_space<vmem>>, vector<16xi32>,
        tpu.vector_store %arg8[%swap3A_519], %add3A_518 {strides = array<i32>} : memref<80xi32, #tpu.memory_space<vmem>>, vector<16xi32>,
        %dma_start3A = arith.constant 0 : i32
        %dma_start3A_521 = arith.constant 0 : i32
        %dma_start3A_522 = tpu.memref_slice %arg2[%dma_start3A, %dma_start3A_521] : memref<40000x128xf32, #tpu.memory_space<hbm>> -> memref<40000x128xf32, #tpu.memory_space<hbm>>
        tpu.enqueue_indirect_dma source(%dma_start3A_522 : memref<40000x128xf32, #tpu.memory_space<hbm>>) target(%arg24 : memref<80x128xf32, #tpu.memory_space<vmem>>) offsets(%arg8 : memref<80xi32, #tpu.memory_space<vmem>>) semaphore(%arg44 : memref<!tpu.dma_semaphore, #tpu.memory_space<semaphore_mem>>)
      } else {
      }
      %mul3A_195 = arith.constant 8 : i32
      %mul3A_196 = arith.muli %scan3A_43, %mul3A_195 : i32
      %add3A_197 = arith.constant 2 : i32
      %add3A_198 = arith.addi %mul3A_196, %add3A_197 : i32
      %sub3A_199 = arith.constant 3 : i32
      %sub3A_200 = arith.subi %add3A_198, %sub3A_199 : i32
      %ge3A_201 = arith.constant 0 : i32
      %ge3A_202 = arith.cmpi sge, %sub3A_200, %ge3A_201 : i32
      %lt3A_203 = arith.constant 125 : i32
      %lt3A_204 = arith.cmpi slt, %sub3A_200, %lt3A_203 : i32
      %and3A_205 = arith.andi %ge3A_202, %lt3A_204 : i1
      %convert_element_type3A_206 = arith.extui %and3A_205 : i1 to i32
      %cond3A_207 = arith.constant 0 : i32
      %cond3A_208 = arith.cmpi ne, %convert_element_type3A_206, %cond3A_207 : i32
      scf.if %cond3A_208 {
        %mul3A_489 = arith.constant 80 : i32
        %mul3A_490 = arith.muli %sub3A_200, %mul3A_489 : i32
        %add3A_491 = arith.addi %mul3A_0, %mul3A_490 : i32
        %dma_wait3A = arith.constant 0 : i32
        %dma_wait3A_492 = arith.constant 0 : i32
        %dma_wait3A_493 = tpu.memref_slice %arg2[%dma_wait3A, %dma_wait3A_492] : memref<40000x128xf32, #tpu.memory_space<hbm>> -> memref<40000x128xf32, #tpu.memory_space<hbm>>
        tpu.wait_indirect_dma semaphore(%arg46 : memref<!tpu.dma_semaphore, #tpu.memory_space<semaphore_mem>>) src(%dma_wait3A_493 : memref<40000x128xf32, #tpu.memory_space<hbm>>) dst(%arg26 : memref<80x128xf32, #tpu.memory_space<vmem>>)
        %dma_wait3A_494 = tpu.memref_slice %arg4[%add3A_491] : memref<160000xi32, #tpu.memory_space<hbm>> -> memref<80xi32, #tpu.memory_space<hbm>>
        %dma_wait3A_495 = tpu.memref_slice %arg4[%add3A_491] : memref<160000xi32, #tpu.memory_space<hbm>> -> memref<80xi32, #tpu.memory_space<hbm>>
        tpu.wait_dma2 semaphore(%arg42 : memref<!tpu.dma_semaphore, #tpu.memory_space<semaphore_mem>>) src(%dma_wait3A_495 : memref<80xi32, #tpu.memory_space<hbm>>) dst(%arg22 : memref<80xi32, #tpu.memory_space<vmem>>)
        %dma_start3A = arith.constant 0 : i32
        %dma_start3A_496 = arith.constant 0 : i32
        %dma_start3A_497 = tpu.memref_slice %arg6[%dma_start3A, %dma_start3A_496] : memref<10000x128xf32, #tpu.memory_space<vmem_shared>> -> memref<10000x128xf32, #tpu.memory_space<vmem_shared>>
        tpu.enqueue_indirect_dma source(%arg26 : memref<80x128xf32, #tpu.memory_space<vmem>>) target(%dma_start3A_497 : memref<10000x128xf32, #tpu.memory_space<vmem_shared>>) offsets(%arg22 : memref<80xi32, #tpu.memory_space<vmem>>) semaphore(%arg50 : memref<!tpu.dma_semaphore, #tpu.memory_space<semaphore_mem>>) {add = true}
      } else {
      }
      %mul3A_209 = arith.constant 8 : i32
      %mul3A_210 = arith.muli %scan3A_43, %mul3A_209 : i32
      %add3A_211 = arith.constant 3 : i32
      %add3A_212 = arith.addi %mul3A_210, %add3A_211 : i32
      %sub3A_213 = arith.constant 4 : i32
      %sub3A_214 = arith.subi %add3A_212, %sub3A_213 : i32
      %ge3A_215 = arith.constant 0 : i32
      %ge3A_216 = arith.cmpi sge, %sub3A_214, %ge3A_215 : i32
      %lt3A_217 = arith.constant 125 : i32
      %lt3A_218 = arith.cmpi slt, %sub3A_214, %lt3A_217 : i32
      %and3A_219 = arith.andi %ge3A_216, %lt3A_218 : i1
      %convert_element_type3A_220 = arith.extui %and3A_219 : i1 to i32
      %cond3A_221 = arith.constant 0 : i32
      %cond3A_222 = arith.cmpi ne, %convert_element_type3A_220, %cond3A_221 : i32
      scf.if %cond3A_222 {
        %dma_wait3A = arith.constant 0 : i32
        %dma_wait3A_489 = arith.constant 0 : i32
        %dma_wait3A_490 = tpu.memref_slice %arg6[%dma_wait3A, %dma_wait3A_489] : memref<10000x128xf32, #tpu.memory_space<vmem_shared>> -> memref<10000x128xf32, #tpu.memory_space<vmem_shared>>
        tpu.wait_indirect_dma semaphore(%arg50 : memref<!tpu.dma_semaphore, #tpu.memory_space<semaphore_mem>>) src(%arg26 : memref<80x128xf32, #tpu.memory_space<vmem>>) dst(%dma_wait3A_490 : memref<10000x128xf32, #tpu.memory_space<vmem_shared>>)
      } else {
      }
      %mul3A_223 = arith.constant 8 : i32
      %mul3A_224 = arith.muli %scan3A_43, %mul3A_223 : i32
      %add3A_225 = arith.constant 3 : i32
      %add3A_226 = arith.addi %mul3A_224, %add3A_225 : i32
      %sub3A_227 = arith.constant 0 : i32
      %sub3A_228 = arith.subi %add3A_226, %sub3A_227 : i32
      %ge3A_229 = arith.constant 0 : i32
      %ge3A_230 = arith.cmpi sge, %sub3A_228, %ge3A_229 : i32
      %lt3A_231 = arith.constant 125 : i32
      %lt3A_232 = arith.cmpi slt, %sub3A_228, %lt3A_231 : i32
      %and3A_233 = arith.andi %ge3A_230, %lt3A_232 : i1
      %convert_element_type3A_234 = arith.extui %and3A_233 : i1 to i32
      %cond3A_235 = arith.constant 0 : i32
      %cond3A_236 = arith.cmpi ne, %convert_element_type3A_234, %cond3A_235 : i32
      scf.if %cond3A_236 {
        %mul3A_489 = arith.constant 80 : i32
        %mul3A_490 = arith.muli %sub3A_228, %mul3A_489 : i32
        %add3A_491 = arith.addi %mul3A_0, %mul3A_490 : i32
        %dma_start3A = tpu.memref_slice %arg3[%add3A_491] : memref<160000xi32, #tpu.memory_space<hbm>> -> memref<80xi32, #tpu.memory_space<hbm>>
        %dma_start3A_492 = tpu.memref_slice %arg3[%add3A_491] : memref<160000xi32, #tpu.memory_space<hbm>> -> memref<80xi32, #tpu.memory_space<hbm>>
        tpu.enqueue_dma source(%dma_start3A_492 : memref<80xi32, #tpu.memory_space<hbm>>) target(%arg10 : memref<80xi32, #tpu.memory_space<vmem>>) target_semaphore(%arg30 : memref<!tpu.dma_semaphore, #tpu.memory_space<semaphore_mem>>)
        %dma_start3A_493 = tpu.memref_slice %arg4[%add3A_491] : memref<160000xi32, #tpu.memory_space<hbm>> -> memref<80xi32, #tpu.memory_space<hbm>>
        %dma_start3A_494 = tpu.memref_slice %arg4[%add3A_491] : memref<160000xi32, #tpu.memory_space<hbm>> -> memref<80xi32, #tpu.memory_space<hbm>>
        tpu.enqueue_dma source(%dma_start3A_494 : memref<80xi32, #tpu.memory_space<hbm>>) target(%arg18 : memref<80xi32, #tpu.memory_space<vmem>>) target_semaphore(%arg38 : memref<!tpu.dma_semaphore, #tpu.memory_space<semaphore_mem>>)
      } else {
      }
      %mul3A_237 = arith.constant 8 : i32
      %mul3A_238 = arith.muli %scan3A_43, %mul3A_237 : i32
      %add3A_239 = arith.constant 3 : i32
      %add3A_240 = arith.addi %mul3A_238, %add3A_239 : i32
      %sub3A_241 = arith.constant 1 : i32
      %sub3A_242 = arith.subi %add3A_240, %sub3A_241 : i32
      %ge3A_243 = arith.constant 0 : i32
      %ge3A_244 = arith.cmpi sge, %sub3A_242, %ge3A_243 : i32
      %lt3A_245 = arith.constant 125 : i32
      %lt3A_246 = arith.cmpi slt, %sub3A_242, %lt3A_245 : i32
      %and3A_247 = arith.andi %ge3A_244, %lt3A_246 : i1
      %convert_element_type3A_248 = arith.extui %and3A_247 : i1 to i32
      %cond3A_249 = arith.constant 0 : i32
      %cond3A_250 = arith.cmpi ne, %convert_element_type3A_248, %cond3A_249 : i32
      scf.if %cond3A_250 {
        %mul3A_489 = arith.constant 80 : i32
        %mul3A_490 = arith.muli %sub3A_242, %mul3A_489 : i32
        %add3A_491 = arith.addi %mul3A_0, %mul3A_490 : i32
        %dma_wait3A = tpu.memref_slice %arg3[%add3A_491] : memref<160000xi32, #tpu.memory_space<hbm>> -> memref<80xi32, #tpu.memory_space<hbm>>
        %dma_wait3A_492 = tpu.memref_slice %arg3[%add3A_491] : memref<160000xi32, #tpu.memory_space<hbm>> -> memref<80xi32, #tpu.memory_space<hbm>>
        tpu.wait_dma2 semaphore(%arg29 : memref<!tpu.dma_semaphore, #tpu.memory_space<semaphore_mem>>) src(%dma_wait3A_492 : memref<80xi32, #tpu.memory_space<hbm>>) dst(%arg9 : memref<80xi32, #tpu.memory_space<vmem>>)
        %get3A = arith.constant 0 : index
        %get3A_493 = tpu.vector_load %arg9[%get3A] {strides = array<i32>} : memref<80xi32, #tpu.memory_space<vmem>>, vector<16xi32>,
        %add3A_494 = vector.broadcast %mul3A_24 : i32 to vector<16xi32>
        %add3A_495 = arith.addi %get3A_493, %add3A_494 : vector<16xi32>
        %swap3A = arith.constant 0 : index
        %swap3A_496 = tpu.vector_load %arg9[%swap3A] {strides = array<i32>} : memref<80xi32, #tpu.memory_space<vmem>>, vector<16xi32>,
        tpu.vector_store %arg9[%swap3A], %add3A_495 {strides = array<i32>} : memref<80xi32, #tpu.memory_space<vmem>>, vector<16xi32>,
        %get3A_497 = arith.constant 16 : index
        %get3A_498 = tpu.vector_load %arg9[%get3A_497] {strides = array<i32>} : memref<80xi32, #tpu.memory_space<vmem>>, vector<16xi32>,
        %add3A_499 = vector.broadcast %mul3A_24 : i32 to vector<16xi32>
        %add3A_500 = arith.addi %get3A_498, %add3A_499 : vector<16xi32>
        %swap3A_501 = arith.constant 16 : index
        %swap3A_502 = tpu.vector_load %arg9[%swap3A_501] {strides = array<i32>} : memref<80xi32, #tpu.memory_space<vmem>>, vector<16xi32>,
        tpu.vector_store %arg9[%swap3A_501], %add3A_500 {strides = array<i32>} : memref<80xi32, #tpu.memory_space<vmem>>, vector<16xi32>,
        %get3A_503 = arith.constant 32 : index
        %get3A_504 = tpu.vector_load %arg9[%get3A_503] {strides = array<i32>} : memref<80xi32, #tpu.memory_space<vmem>>, vector<16xi32>,
        %add3A_505 = vector.broadcast %mul3A_24 : i32 to vector<16xi32>
        %add3A_506 = arith.addi %get3A_504, %add3A_505 : vector<16xi32>
        %swap3A_507 = arith.constant 32 : index
        %swap3A_508 = tpu.vector_load %arg9[%swap3A_507] {strides = array<i32>} : memref<80xi32, #tpu.memory_space<vmem>>, vector<16xi32>,
        tpu.vector_store %arg9[%swap3A_507], %add3A_506 {strides = array<i32>} : memref<80xi32, #tpu.memory_space<vmem>>, vector<16xi32>,
        %get3A_509 = arith.constant 48 : index
        %get3A_510 = tpu.vector_load %arg9[%get3A_509] {strides = array<i32>} : memref<80xi32, #tpu.memory_space<vmem>>, vector<16xi32>,
        %add3A_511 = vector.broadcast %mul3A_24 : i32 to vector<16xi32>
        %add3A_512 = arith.addi %get3A_510, %add3A_511 : vector<16xi32>
        %swap3A_513 = arith.constant 48 : index
        %swap3A_514 = tpu.vector_load %arg9[%swap3A_513] {strides = array<i32>} : memref<80xi32, #tpu.memory_space<vmem>>, vector<16xi32>,
        tpu.vector_store %arg9[%swap3A_513], %add3A_512 {strides = array<i32>} : memref<80xi32, #tpu.memory_space<vmem>>, vector<16xi32>,
        %get3A_515 = arith.constant 64 : index
        %get3A_516 = tpu.vector_load %arg9[%get3A_515] {strides = array<i32>} : memref<80xi32, #tpu.memory_space<vmem>>, vector<16xi32>,
        %add3A_517 = vector.broadcast %mul3A_24 : i32 to vector<16xi32>
        %add3A_518 = arith.addi %get3A_516, %add3A_517 : vector<16xi32>
        %swap3A_519 = arith.constant 64 : index
        %swap3A_520 = tpu.vector_load %arg9[%swap3A_519] {strides = array<i32>} : memref<80xi32, #tpu.memory_space<vmem>>, vector<16xi32>,
        tpu.vector_store %arg9[%swap3A_519], %add3A_518 {strides = array<i32>} : memref<80xi32, #tpu.memory_space<vmem>>, vector<16xi32>,
        %dma_start3A = arith.constant 0 : i32
        %dma_start3A_521 = arith.constant 0 : i32
        %dma_start3A_522 = tpu.memref_slice %arg2[%dma_start3A, %dma_start3A_521] : memref<40000x128xf32, #tpu.memory_space<hbm>> -> memref<40000x128xf32, #tpu.memory_space<hbm>>
        tpu.enqueue_indirect_dma source(%dma_start3A_522 : memref<40000x128xf32, #tpu.memory_space<hbm>>) target(%arg25 : memref<80x128xf32, #tpu.memory_space<vmem>>) offsets(%arg9 : memref<80xi32, #tpu.memory_space<vmem>>) semaphore(%arg45 : memref<!tpu.dma_semaphore, #tpu.memory_space<semaphore_mem>>)
      } else {
      }
      %mul3A_251 = arith.constant 8 : i32
      %mul3A_252 = arith.muli %scan3A_43, %mul3A_251 : i32
      %add3A_253 = arith.constant 3 : i32
      %add3A_254 = arith.addi %mul3A_252, %add3A_253 : i32
      %sub3A_255 = arith.constant 3 : i32
      %sub3A_256 = arith.subi %add3A_254, %sub3A_255 : i32
      %ge3A_257 = arith.constant 0 : i32
      %ge3A_258 = arith.cmpi sge, %sub3A_256, %ge3A_257 : i32
      %lt3A_259 = arith.constant 125 : i32
      %lt3A_260 = arith.cmpi slt, %sub3A_256, %lt3A_259 : i32
      %and3A_261 = arith.andi %ge3A_258, %lt3A_260 : i1
      %convert_element_type3A_262 = arith.extui %and3A_261 : i1 to i32
      %cond3A_263 = arith.constant 0 : i32
      %cond3A_264 = arith.cmpi ne, %convert_element_type3A_262, %cond3A_263 : i32
      scf.if %cond3A_264 {
        %mul3A_489 = arith.constant 80 : i32
        %mul3A_490 = arith.muli %sub3A_256, %mul3A_489 : i32
        %add3A_491 = arith.addi %mul3A_0, %mul3A_490 : i32
        %dma_wait3A = arith.constant 0 : i32
        %dma_wait3A_492 = arith.constant 0 : i32
        %dma_wait3A_493 = tpu.memref_slice %arg2[%dma_wait3A, %dma_wait3A_492] : memref<40000x128xf32, #tpu.memory_space<hbm>> -> memref<40000x128xf32, #tpu.memory_space<hbm>>
        tpu.wait_indirect_dma semaphore(%arg43 : memref<!tpu.dma_semaphore, #tpu.memory_space<semaphore_mem>>) src(%dma_wait3A_493 : memref<40000x128xf32, #tpu.memory_space<hbm>>) dst(%arg23 : memref<80x128xf32, #tpu.memory_space<vmem>>)
        %dma_wait3A_494 = tpu.memref_slice %arg4[%add3A_491] : memref<160000xi32, #tpu.memory_space<hbm>> -> memref<80xi32, #tpu.memory_space<hbm>>
        %dma_wait3A_495 = tpu.memref_slice %arg4[%add3A_491] : memref<160000xi32, #tpu.memory_space<hbm>> -> memref<80xi32, #tpu.memory_space<hbm>>
        tpu.wait_dma2 semaphore(%arg35 : memref<!tpu.dma_semaphore, #tpu.memory_space<semaphore_mem>>) src(%dma_wait3A_495 : memref<80xi32, #tpu.memory_space<hbm>>) dst(%arg15 : memref<80xi32, #tpu.memory_space<vmem>>)
        %dma_start3A = arith.constant 0 : i32
        %dma_start3A_496 = arith.constant 0 : i32
        %dma_start3A_497 = tpu.memref_slice %arg6[%dma_start3A, %dma_start3A_496] : memref<10000x128xf32, #tpu.memory_space<vmem_shared>> -> memref<10000x128xf32, #tpu.memory_space<vmem_shared>>
        tpu.enqueue_indirect_dma source(%arg23 : memref<80x128xf32, #tpu.memory_space<vmem>>) target(%dma_start3A_497 : memref<10000x128xf32, #tpu.memory_space<vmem_shared>>) offsets(%arg15 : memref<80xi32, #tpu.memory_space<vmem>>) semaphore(%arg47 : memref<!tpu.dma_semaphore, #tpu.memory_space<semaphore_mem>>) {add = true}
      } else {
      }
      %mul3A_265 = arith.constant 8 : i32
      %mul3A_266 = arith.muli %scan3A_43, %mul3A_265 : i32
      %add3A_267 = arith.constant 4 : i32
      %add3A_268 = arith.addi %mul3A_266, %add3A_267 : i32
      %sub3A_269 = arith.constant 4 : i32
      %sub3A_270 = arith.subi %add3A_268, %sub3A_269 : i32
      %ge3A_271 = arith.constant 0 : i32
      %ge3A_272 = arith.cmpi sge, %sub3A_270, %ge3A_271 : i32
      %lt3A_273 = arith.constant 125 : i32
      %lt3A_274 = arith.cmpi slt, %sub3A_270, %lt3A_273 : i32
      %and3A_275 = arith.andi %ge3A_272, %lt3A_274 : i1
      %convert_element_type3A_276 = arith.extui %and3A_275 : i1 to i32
      %cond3A_277 = arith.constant 0 : i32
      %cond3A_278 = arith.cmpi ne, %convert_element_type3A_276, %cond3A_277 : i32
      scf.if %cond3A_278 {
        %dma_wait3A = arith.constant 0 : i32
        %dma_wait3A_489 = arith.constant 0 : i32
        %dma_wait3A_490 = tpu.memref_slice %arg6[%dma_wait3A, %dma_wait3A_489] : memref<10000x128xf32, #tpu.memory_space<vmem_shared>> -> memref<10000x128xf32, #tpu.memory_space<vmem_shared>>
        tpu.wait_indirect_dma semaphore(%arg47 : memref<!tpu.dma_semaphore, #tpu.memory_space<semaphore_mem>>) src(%arg23 : memref<80x128xf32, #tpu.memory_space<vmem>>) dst(%dma_wait3A_490 : memref<10000x128xf32, #tpu.memory_space<vmem_shared>>)
      } else {
      }
      %mul3A_279 = arith.constant 8 : i32
      %mul3A_280 = arith.muli %scan3A_43, %mul3A_279 : i32
      %add3A_281 = arith.constant 4 : i32
      %add3A_282 = arith.addi %mul3A_280, %add3A_281 : i32
      %sub3A_283 = arith.constant 0 : i32
      %sub3A_284 = arith.subi %add3A_282, %sub3A_283 : i32
      %ge3A_285 = arith.constant 0 : i32
      %ge3A_286 = arith.cmpi sge, %sub3A_284, %ge3A_285 : i32
      %lt3A_287 = arith.constant 125 : i32
      %lt3A_288 = arith.cmpi slt, %sub3A_284, %lt3A_287 : i32
      %and3A_289 = arith.andi %ge3A_286, %lt3A_288 : i1
      %convert_element_type3A_290 = arith.extui %and3A_289 : i1 to i32
      %cond3A_291 = arith.constant 0 : i32
      %cond3A_292 = arith.cmpi ne, %convert_element_type3A_290, %cond3A_291 : i32
      scf.if %cond3A_292 {
        %mul3A_489 = arith.constant 80 : i32
        %mul3A_490 = arith.muli %sub3A_284, %mul3A_489 : i32
        %add3A_491 = arith.addi %mul3A_0, %mul3A_490 : i32
        %dma_start3A = tpu.memref_slice %arg3[%add3A_491] : memref<160000xi32, #tpu.memory_space<hbm>> -> memref<80xi32, #tpu.memory_space<hbm>>
        %dma_start3A_492 = tpu.memref_slice %arg3[%add3A_491] : memref<160000xi32, #tpu.memory_space<hbm>> -> memref<80xi32, #tpu.memory_space<hbm>>
        tpu.enqueue_dma source(%dma_start3A_492 : memref<80xi32, #tpu.memory_space<hbm>>) target(%arg11 : memref<80xi32, #tpu.memory_space<vmem>>) target_semaphore(%arg31 : memref<!tpu.dma_semaphore, #tpu.memory_space<semaphore_mem>>)
        %dma_start3A_493 = tpu.memref_slice %arg4[%add3A_491] : memref<160000xi32, #tpu.memory_space<hbm>> -> memref<80xi32, #tpu.memory_space<hbm>>
        %dma_start3A_494 = tpu.memref_slice %arg4[%add3A_491] : memref<160000xi32, #tpu.memory_space<hbm>> -> memref<80xi32, #tpu.memory_space<hbm>>
        tpu.enqueue_dma source(%dma_start3A_494 : memref<80xi32, #tpu.memory_space<hbm>>) target(%arg19 : memref<80xi32, #tpu.memory_space<vmem>>) target_semaphore(%arg39 : memref<!tpu.dma_semaphore, #tpu.memory_space<semaphore_mem>>)
      } else {
      }
      %mul3A_293 = arith.constant 8 : i32
      %mul3A_294 = arith.muli %scan3A_43, %mul3A_293 : i32
      %add3A_295 = arith.constant 4 : i32
      %add3A_296 = arith.addi %mul3A_294, %add3A_295 : i32
      %sub3A_297 = arith.constant 1 : i32
      %sub3A_298 = arith.subi %add3A_296, %sub3A_297 : i32
      %ge3A_299 = arith.constant 0 : i32
      %ge3A_300 = arith.cmpi sge, %sub3A_298, %ge3A_299 : i32
      %lt3A_301 = arith.constant 125 : i32
      %lt3A_302 = arith.cmpi slt, %sub3A_298, %lt3A_301 : i32
      %and3A_303 = arith.andi %ge3A_300, %lt3A_302 : i1
      %convert_element_type3A_304 = arith.extui %and3A_303 : i1 to i32
      %cond3A_305 = arith.constant 0 : i32
      %cond3A_306 = arith.cmpi ne, %convert_element_type3A_304, %cond3A_305 : i32
      scf.if %cond3A_306 {
        %mul3A_489 = arith.constant 80 : i32
        %mul3A_490 = arith.muli %sub3A_298, %mul3A_489 : i32
        %add3A_491 = arith.addi %mul3A_0, %mul3A_490 : i32
        %dma_wait3A = tpu.memref_slice %arg3[%add3A_491] : memref<160000xi32, #tpu.memory_space<hbm>> -> memref<80xi32, #tpu.memory_space<hbm>>
        %dma_wait3A_492 = tpu.memref_slice %arg3[%add3A_491] : memref<160000xi32, #tpu.memory_space<hbm>> -> memref<80xi32, #tpu.memory_space<hbm>>
        tpu.wait_dma2 semaphore(%arg30 : memref<!tpu.dma_semaphore, #tpu.memory_space<semaphore_mem>>) src(%dma_wait3A_492 : memref<80xi32, #tpu.memory_space<hbm>>) dst(%arg10 : memref<80xi32, #tpu.memory_space<vmem>>)
        %get3A = arith.constant 0 : index
        %get3A_493 = tpu.vector_load %arg10[%get3A] {strides = array<i32>} : memref<80xi32, #tpu.memory_space<vmem>>, vector<16xi32>,
        %add3A_494 = vector.broadcast %mul3A_24 : i32 to vector<16xi32>
        %add3A_495 = arith.addi %get3A_493, %add3A_494 : vector<16xi32>
        %swap3A = arith.constant 0 : index
        %swap3A_496 = tpu.vector_load %arg10[%swap3A] {strides = array<i32>} : memref<80xi32, #tpu.memory_space<vmem>>, vector<16xi32>,
        tpu.vector_store %arg10[%swap3A], %add3A_495 {strides = array<i32>} : memref<80xi32, #tpu.memory_space<vmem>>, vector<16xi32>,
        %get3A_497 = arith.constant 16 : index
        %get3A_498 = tpu.vector_load %arg10[%get3A_497] {strides = array<i32>} : memref<80xi32, #tpu.memory_space<vmem>>, vector<16xi32>,
        %add3A_499 = vector.broadcast %mul3A_24 : i32 to vector<16xi32>
        %add3A_500 = arith.addi %get3A_498, %add3A_499 : vector<16xi32>
        %swap3A_501 = arith.constant 16 : index
        %swap3A_502 = tpu.vector_load %arg10[%swap3A_501] {strides = array<i32>} : memref<80xi32, #tpu.memory_space<vmem>>, vector<16xi32>,
        tpu.vector_store %arg10[%swap3A_501], %add3A_500 {strides = array<i32>} : memref<80xi32, #tpu.memory_space<vmem>>, vector<16xi32>,
        %get3A_503 = arith.constant 32 : index
        %get3A_504 = tpu.vector_load %arg10[%get3A_503] {strides = array<i32>} : memref<80xi32, #tpu.memory_space<vmem>>, vector<16xi32>,
        %add3A_505 = vector.broadcast %mul3A_24 : i32 to vector<16xi32>
        %add3A_506 = arith.addi %get3A_504, %add3A_505 : vector<16xi32>
        %swap3A_507 = arith.constant 32 : index
        %swap3A_508 = tpu.vector_load %arg10[%swap3A_507] {strides = array<i32>} : memref<80xi32, #tpu.memory_space<vmem>>, vector<16xi32>,
        tpu.vector_store %arg10[%swap3A_507], %add3A_506 {strides = array<i32>} : memref<80xi32, #tpu.memory_space<vmem>>, vector<16xi32>,
        %get3A_509 = arith.constant 48 : index
        %get3A_510 = tpu.vector_load %arg10[%get3A_509] {strides = array<i32>} : memref<80xi32, #tpu.memory_space<vmem>>, vector<16xi32>,
        %add3A_511 = vector.broadcast %mul3A_24 : i32 to vector<16xi32>
        %add3A_512 = arith.addi %get3A_510, %add3A_511 : vector<16xi32>
        %swap3A_513 = arith.constant 48 : index
        %swap3A_514 = tpu.vector_load %arg10[%swap3A_513] {strides = array<i32>} : memref<80xi32, #tpu.memory_space<vmem>>, vector<16xi32>,
        tpu.vector_store %arg10[%swap3A_513], %add3A_512 {strides = array<i32>} : memref<80xi32, #tpu.memory_space<vmem>>, vector<16xi32>,
        %get3A_515 = arith.constant 64 : index
        %get3A_516 = tpu.vector_load %arg10[%get3A_515] {strides = array<i32>} : memref<80xi32, #tpu.memory_space<vmem>>, vector<16xi32>,
        %add3A_517 = vector.broadcast %mul3A_24 : i32 to vector<16xi32>
        %add3A_518 = arith.addi %get3A_516, %add3A_517 : vector<16xi32>
        %swap3A_519 = arith.constant 64 : index
        %swap3A_520 = tpu.vector_load %arg10[%swap3A_519] {strides = array<i32>} : memref<80xi32, #tpu.memory_space<vmem>>, vector<16xi32>,
        tpu.vector_store %arg10[%swap3A_519], %add3A_518 {strides = array<i32>} : memref<80xi32, #tpu.memory_space<vmem>>, vector<16xi32>,
        %dma_start3A = arith.constant 0 : i32
        %dma_start3A_521 = arith.constant 0 : i32
        %dma_start3A_522 = tpu.memref_slice %arg2[%dma_start3A, %dma_start3A_521] : memref<40000x128xf32, #tpu.memory_space<hbm>> -> memref<40000x128xf32, #tpu.memory_space<hbm>>
        tpu.enqueue_indirect_dma source(%dma_start3A_522 : memref<40000x128xf32, #tpu.memory_space<hbm>>) target(%arg26 : memref<80x128xf32, #tpu.memory_space<vmem>>) offsets(%arg10 : memref<80xi32, #tpu.memory_space<vmem>>) semaphore(%arg46 : memref<!tpu.dma_semaphore, #tpu.memory_space<semaphore_mem>>)
      } else {
      }
      %mul3A_307 = arith.constant 8 : i32
      %mul3A_308 = arith.muli %scan3A_43, %mul3A_307 : i32
      %add3A_309 = arith.constant 4 : i32
      %add3A_310 = arith.addi %mul3A_308, %add3A_309 : i32
      %sub3A_311 = arith.constant 3 : i32
      %sub3A_312 = arith.subi %add3A_310, %sub3A_311 : i32
      %ge3A_313 = arith.constant 0 : i32
      %ge3A_314 = arith.cmpi sge, %sub3A_312, %ge3A_313 : i32
      %lt3A_315 = arith.constant 125 : i32
      %lt3A_316 = arith.cmpi slt, %sub3A_312, %lt3A_315 : i32
      %and3A_317 = arith.andi %ge3A_314, %lt3A_316 : i1
      %convert_element_type3A_318 = arith.extui %and3A_317 : i1 to i32
      %cond3A_319 = arith.constant 0 : i32
      %cond3A_320 = arith.cmpi ne, %convert_element_type3A_318, %cond3A_319 : i32
      scf.if %cond3A_320 {
        %mul3A_489 = arith.constant 80 : i32
        %mul3A_490 = arith.muli %sub3A_312, %mul3A_489 : i32
        %add3A_491 = arith.addi %mul3A_0, %mul3A_490 : i32
        %dma_wait3A = arith.constant 0 : i32
        %dma_wait3A_492 = arith.constant 0 : i32
        %dma_wait3A_493 = tpu.memref_slice %arg2[%dma_wait3A, %dma_wait3A_492] : memref<40000x128xf32, #tpu.memory_space<hbm>> -> memref<40000x128xf32, #tpu.memory_space<hbm>>
        tpu.wait_indirect_dma semaphore(%arg44 : memref<!tpu.dma_semaphore, #tpu.memory_space<semaphore_mem>>) src(%dma_wait3A_493 : memref<40000x128xf32, #tpu.memory_space<hbm>>) dst(%arg24 : memref<80x128xf32, #tpu.memory_space<vmem>>)
        %dma_wait3A_494 = tpu.memref_slice %arg4[%add3A_491] : memref<160000xi32, #tpu.memory_space<hbm>> -> memref<80xi32, #tpu.memory_space<hbm>>
        %dma_wait3A_495 = tpu.memref_slice %arg4[%add3A_491] : memref<160000xi32, #tpu.memory_space<hbm>> -> memref<80xi32, #tpu.memory_space<hbm>>
        tpu.wait_dma2 semaphore(%arg36 : memref<!tpu.dma_semaphore, #tpu.memory_space<semaphore_mem>>) src(%dma_wait3A_495 : memref<80xi32, #tpu.memory_space<hbm>>) dst(%arg16 : memref<80xi32, #tpu.memory_space<vmem>>)
        %dma_start3A = arith.constant 0 : i32
        %dma_start3A_496 = arith.constant 0 : i32
        %dma_start3A_497 = tpu.memref_slice %arg6[%dma_start3A, %dma_start3A_496] : memref<10000x128xf32, #tpu.memory_space<vmem_shared>> -> memref<10000x128xf32, #tpu.memory_space<vmem_shared>>
        tpu.enqueue_indirect_dma source(%arg24 : memref<80x128xf32, #tpu.memory_space<vmem>>) target(%dma_start3A_497 : memref<10000x128xf32, #tpu.memory_space<vmem_shared>>) offsets(%arg16 : memref<80xi32, #tpu.memory_space<vmem>>) semaphore(%arg48 : memref<!tpu.dma_semaphore, #tpu.memory_space<semaphore_mem>>) {add = true}
      } else {
      }
      %mul3A_321 = arith.constant 8 : i32
      %mul3A_322 = arith.muli %scan3A_43, %mul3A_321 : i32
      %add3A_323 = arith.constant 5 : i32
      %add3A_324 = arith.addi %mul3A_322, %add3A_323 : i32
      %sub3A_325 = arith.constant 4 : i32
      %sub3A_326 = arith.subi %add3A_324, %sub3A_325 : i32
      %ge3A_327 = arith.constant 0 : i32
      %ge3A_328 = arith.cmpi sge, %sub3A_326, %ge3A_327 : i32
      %lt3A_329 = arith.constant 125 : i32
      %lt3A_330 = arith.cmpi slt, %sub3A_326, %lt3A_329 : i32
      %and3A_331 = arith.andi %ge3A_328, %lt3A_330 : i1
      %convert_element_type3A_332 = arith.extui %and3A_331 : i1 to i32
      %cond3A_333 = arith.constant 0 : i32
      %cond3A_334 = arith.cmpi ne, %convert_element_type3A_332, %cond3A_333 : i32
      scf.if %cond3A_334 {
        %dma_wait3A = arith.constant 0 : i32
        %dma_wait3A_489 = arith.constant 0 : i32
        %dma_wait3A_490 = tpu.memref_slice %arg6[%dma_wait3A, %dma_wait3A_489] : memref<10000x128xf32, #tpu.memory_space<vmem_shared>> -> memref<10000x128xf32, #tpu.memory_space<vmem_shared>>
        tpu.wait_indirect_dma semaphore(%arg48 : memref<!tpu.dma_semaphore, #tpu.memory_space<semaphore_mem>>) src(%arg24 : memref<80x128xf32, #tpu.memory_space<vmem>>) dst(%dma_wait3A_490 : memref<10000x128xf32, #tpu.memory_space<vmem_shared>>)
      } else {
      }
      %mul3A_335 = arith.constant 8 : i32
      %mul3A_336 = arith.muli %scan3A_43, %mul3A_335 : i32
      %add3A_337 = arith.constant 5 : i32
      %add3A_338 = arith.addi %mul3A_336, %add3A_337 : i32
      %sub3A_339 = arith.constant 0 : i32
      %sub3A_340 = arith.subi %add3A_338, %sub3A_339 : i32
      %ge3A_341 = arith.constant 0 : i32
      %ge3A_342 = arith.cmpi sge, %sub3A_340, %ge3A_341 : i32
      %lt3A_343 = arith.constant 125 : i32
      %lt3A_344 = arith.cmpi slt, %sub3A_340, %lt3A_343 : i32
      %and3A_345 = arith.andi %ge3A_342, %lt3A_344 : i1
      %convert_element_type3A_346 = arith.extui %and3A_345 : i1 to i32
      %cond3A_347 = arith.constant 0 : i32
      %cond3A_348 = arith.cmpi ne, %convert_element_type3A_346, %cond3A_347 : i32
      scf.if %cond3A_348 {
        %mul3A_489 = arith.constant 80 : i32
        %mul3A_490 = arith.muli %sub3A_340, %mul3A_489 : i32
        %add3A_491 = arith.addi %mul3A_0, %mul3A_490 : i32
        %dma_start3A = tpu.memref_slice %arg3[%add3A_491] : memref<160000xi32, #tpu.memory_space<hbm>> -> memref<80xi32, #tpu.memory_space<hbm>>
        %dma_start3A_492 = tpu.memref_slice %arg3[%add3A_491] : memref<160000xi32, #tpu.memory_space<hbm>> -> memref<80xi32, #tpu.memory_space<hbm>>
        tpu.enqueue_dma source(%dma_start3A_492 : memref<80xi32, #tpu.memory_space<hbm>>) target(%arg12 : memref<80xi32, #tpu.memory_space<vmem>>) target_semaphore(%arg32 : memref<!tpu.dma_semaphore, #tpu.memory_space<semaphore_mem>>)
        %dma_start3A_493 = tpu.memref_slice %arg4[%add3A_491] : memref<160000xi32, #tpu.memory_space<hbm>> -> memref<80xi32, #tpu.memory_space<hbm>>
        %dma_start3A_494 = tpu.memref_slice %arg4[%add3A_491] : memref<160000xi32, #tpu.memory_space<hbm>> -> memref<80xi32, #tpu.memory_space<hbm>>
        tpu.enqueue_dma source(%dma_start3A_494 : memref<80xi32, #tpu.memory_space<hbm>>) target(%arg20 : memref<80xi32, #tpu.memory_space<vmem>>) target_semaphore(%arg40 : memref<!tpu.dma_semaphore, #tpu.memory_space<semaphore_mem>>)
      } else {
      }
      %mul3A_349 = arith.constant 8 : i32
      %mul3A_350 = arith.muli %scan3A_43, %mul3A_349 : i32
      %add3A_351 = arith.constant 5 : i32
      %add3A_352 = arith.addi %mul3A_350, %add3A_351 : i32
      %sub3A_353 = arith.constant 1 : i32
      %sub3A_354 = arith.subi %add3A_352, %sub3A_353 : i32
      %ge3A_355 = arith.constant 0 : i32
      %ge3A_356 = arith.cmpi sge, %sub3A_354, %ge3A_355 : i32
      %lt3A_357 = arith.constant 125 : i32
      %lt3A_358 = arith.cmpi slt, %sub3A_354, %lt3A_357 : i32
      %and3A_359 = arith.andi %ge3A_356, %lt3A_358 : i1
      %convert_element_type3A_360 = arith.extui %and3A_359 : i1 to i32
      %cond3A_361 = arith.constant 0 : i32
      %cond3A_362 = arith.cmpi ne, %convert_element_type3A_360, %cond3A_361 : i32
      scf.if %cond3A_362 {
        %mul3A_489 = arith.constant 80 : i32
        %mul3A_490 = arith.muli %sub3A_354, %mul3A_489 : i32
        %add3A_491 = arith.addi %mul3A_0, %mul3A_490 : i32
        %dma_wait3A = tpu.memref_slice %arg3[%add3A_491] : memref<160000xi32, #tpu.memory_space<hbm>> -> memref<80xi32, #tpu.memory_space<hbm>>
        %dma_wait3A_492 = tpu.memref_slice %arg3[%add3A_491] : memref<160000xi32, #tpu.memory_space<hbm>> -> memref<80xi32, #tpu.memory_space<hbm>>
        tpu.wait_dma2 semaphore(%arg31 : memref<!tpu.dma_semaphore, #tpu.memory_space<semaphore_mem>>) src(%dma_wait3A_492 : memref<80xi32, #tpu.memory_space<hbm>>) dst(%arg11 : memref<80xi32, #tpu.memory_space<vmem>>)
        %get3A = arith.constant 0 : index
        %get3A_493 = tpu.vector_load %arg11[%get3A] {strides = array<i32>} : memref<80xi32, #tpu.memory_space<vmem>>, vector<16xi32>,
        %add3A_494 = vector.broadcast %mul3A_24 : i32 to vector<16xi32>
        %add3A_495 = arith.addi %get3A_493, %add3A_494 : vector<16xi32>
        %swap3A = arith.constant 0 : index
        %swap3A_496 = tpu.vector_load %arg11[%swap3A] {strides = array<i32>} : memref<80xi32, #tpu.memory_space<vmem>>, vector<16xi32>,
        tpu.vector_store %arg11[%swap3A], %add3A_495 {strides = array<i32>} : memref<80xi32, #tpu.memory_space<vmem>>, vector<16xi32>,
        %get3A_497 = arith.constant 16 : index
        %get3A_498 = tpu.vector_load %arg11[%get3A_497] {strides = array<i32>} : memref<80xi32, #tpu.memory_space<vmem>>, vector<16xi32>,
        %add3A_499 = vector.broadcast %mul3A_24 : i32 to vector<16xi32>
        %add3A_500 = arith.addi %get3A_498, %add3A_499 : vector<16xi32>
        %swap3A_501 = arith.constant 16 : index
        %swap3A_502 = tpu.vector_load %arg11[%swap3A_501] {strides = array<i32>} : memref<80xi32, #tpu.memory_space<vmem>>, vector<16xi32>,
        tpu.vector_store %arg11[%swap3A_501], %add3A_500 {strides = array<i32>} : memref<80xi32, #tpu.memory_space<vmem>>, vector<16xi32>,
        %get3A_503 = arith.constant 32 : index
        %get3A_504 = tpu.vector_load %arg11[%get3A_503] {strides = array<i32>} : memref<80xi32, #tpu.memory_space<vmem>>, vector<16xi32>,
        %add3A_505 = vector.broadcast %mul3A_24 : i32 to vector<16xi32>
        %add3A_506 = arith.addi %get3A_504, %add3A_505 : vector<16xi32>
        %swap3A_507 = arith.constant 32 : index
        %swap3A_508 = tpu.vector_load %arg11[%swap3A_507] {strides = array<i32>} : memref<80xi32, #tpu.memory_space<vmem>>, vector<16xi32>,
        tpu.vector_store %arg11[%swap3A_507], %add3A_506 {strides = array<i32>} : memref<80xi32, #tpu.memory_space<vmem>>, vector<16xi32>,
        %get3A_509 = arith.constant 48 : index
        %get3A_510 = tpu.vector_load %arg11[%get3A_509] {strides = array<i32>} : memref<80xi32, #tpu.memory_space<vmem>>, vector<16xi32>,
        %add3A_511 = vector.broadcast %mul3A_24 : i32 to vector<16xi32>
        %add3A_512 = arith.addi %get3A_510, %add3A_511 : vector<16xi32>
        %swap3A_513 = arith.constant 48 : index
        %swap3A_514 = tpu.vector_load %arg11[%swap3A_513] {strides = array<i32>} : memref<80xi32, #tpu.memory_space<vmem>>, vector<16xi32>,
        tpu.vector_store %arg11[%swap3A_513], %add3A_512 {strides = array<i32>} : memref<80xi32, #tpu.memory_space<vmem>>, vector<16xi32>,
        %get3A_515 = arith.constant 64 : index
        %get3A_516 = tpu.vector_load %arg11[%get3A_515] {strides = array<i32>} : memref<80xi32, #tpu.memory_space<vmem>>, vector<16xi32>,
        %add3A_517 = vector.broadcast %mul3A_24 : i32 to vector<16xi32>
        %add3A_518 = arith.addi %get3A_516, %add3A_517 : vector<16xi32>
        %swap3A_519 = arith.constant 64 : index
        %swap3A_520 = tpu.vector_load %arg11[%swap3A_519] {strides = array<i32>} : memref<80xi32, #tpu.memory_space<vmem>>, vector<16xi32>,
        tpu.vector_store %arg11[%swap3A_519], %add3A_518 {strides = array<i32>} : memref<80xi32, #tpu.memory_space<vmem>>, vector<16xi32>,
        %dma_start3A = arith.constant 0 : i32
        %dma_start3A_521 = arith.constant 0 : i32
        %dma_start3A_522 = tpu.memref_slice %arg2[%dma_start3A, %dma_start3A_521] : memref<40000x128xf32, #tpu.memory_space<hbm>> -> memref<40000x128xf32, #tpu.memory_space<hbm>>
        tpu.enqueue_indirect_dma source(%dma_start3A_522 : memref<40000x128xf32, #tpu.memory_space<hbm>>) target(%arg23 : memref<80x128xf32, #tpu.memory_space<vmem>>) offsets(%arg11 : memref<80xi32, #tpu.memory_space<vmem>>) semaphore(%arg43 : memref<!tpu.dma_semaphore, #tpu.memory_space<semaphore_mem>>)
      } else {
      }
      %mul3A_363 = arith.constant 8 : i32
      %mul3A_364 = arith.muli %scan3A_43, %mul3A_363 : i32
      %add3A_365 = arith.constant 5 : i32
      %add3A_366 = arith.addi %mul3A_364, %add3A_365 : i32
      %sub3A_367 = arith.constant 3 : i32
      %sub3A_368 = arith.subi %add3A_366, %sub3A_367 : i32
      %ge3A_369 = arith.constant 0 : i32
      %ge3A_370 = arith.cmpi sge, %sub3A_368, %ge3A_369 : i32
      %lt3A_371 = arith.constant 125 : i32
      %lt3A_372 = arith.cmpi slt, %sub3A_368, %lt3A_371 : i32
      %and3A_373 = arith.andi %ge3A_370, %lt3A_372 : i1
      %convert_element_type3A_374 = arith.extui %and3A_373 : i1 to i32
      %cond3A_375 = arith.constant 0 : i32
      %cond3A_376 = arith.cmpi ne, %convert_element_type3A_374, %cond3A_375 : i32
      scf.if %cond3A_376 {
        %mul3A_489 = arith.constant 80 : i32
        %mul3A_490 = arith.muli %sub3A_368, %mul3A_489 : i32
        %add3A_491 = arith.addi %mul3A_0, %mul3A_490 : i32
        %dma_wait3A = arith.constant 0 : i32
        %dma_wait3A_492 = arith.constant 0 : i32
        %dma_wait3A_493 = tpu.memref_slice %arg2[%dma_wait3A, %dma_wait3A_492] : memref<40000x128xf32, #tpu.memory_space<hbm>> -> memref<40000x128xf32, #tpu.memory_space<hbm>>
        tpu.wait_indirect_dma semaphore(%arg45 : memref<!tpu.dma_semaphore, #tpu.memory_space<semaphore_mem>>) src(%dma_wait3A_493 : memref<40000x128xf32, #tpu.memory_space<hbm>>) dst(%arg25 : memref<80x128xf32, #tpu.memory_space<vmem>>)
        %dma_wait3A_494 = tpu.memref_slice %arg4[%add3A_491] : memref<160000xi32, #tpu.memory_space<hbm>> -> memref<80xi32, #tpu.memory_space<hbm>>
        %dma_wait3A_495 = tpu.memref_slice %arg4[%add3A_491] : memref<160000xi32, #tpu.memory_space<hbm>> -> memref<80xi32, #tpu.memory_space<hbm>>
        tpu.wait_dma2 semaphore(%arg37 : memref<!tpu.dma_semaphore, #tpu.memory_space<semaphore_mem>>) src(%dma_wait3A_495 : memref<80xi32, #tpu.memory_space<hbm>>) dst(%arg17 : memref<80xi32, #tpu.memory_space<vmem>>)
        %dma_start3A = arith.constant 0 : i32
        %dma_start3A_496 = arith.constant 0 : i32
        %dma_start3A_497 = tpu.memref_slice %arg6[%dma_start3A, %dma_start3A_496] : memref<10000x128xf32, #tpu.memory_space<vmem_shared>> -> memref<10000x128xf32, #tpu.memory_space<vmem_shared>>
        tpu.enqueue_indirect_dma source(%arg25 : memref<80x128xf32, #tpu.memory_space<vmem>>) target(%dma_start3A_497 : memref<10000x128xf32, #tpu.memory_space<vmem_shared>>) offsets(%arg17 : memref<80xi32, #tpu.memory_space<vmem>>) semaphore(%arg49 : memref<!tpu.dma_semaphore, #tpu.memory_space<semaphore_mem>>) {add = true}
      } else {
      }
      %mul3A_377 = arith.constant 8 : i32
      %mul3A_378 = arith.muli %scan3A_43, %mul3A_377 : i32
      %add3A_379 = arith.constant 6 : i32
      %add3A_380 = arith.addi %mul3A_378, %add3A_379 : i32
      %sub3A_381 = arith.constant 4 : i32
      %sub3A_382 = arith.subi %add3A_380, %sub3A_381 : i32
      %ge3A_383 = arith.constant 0 : i32
      %ge3A_384 = arith.cmpi sge, %sub3A_382, %ge3A_383 : i32
      %lt3A_385 = arith.constant 125 : i32
      %lt3A_386 = arith.cmpi slt, %sub3A_382, %lt3A_385 : i32
      %and3A_387 = arith.andi %ge3A_384, %lt3A_386 : i1
      %convert_element_type3A_388 = arith.extui %and3A_387 : i1 to i32
      %cond3A_389 = arith.constant 0 : i32
      %cond3A_390 = arith.cmpi ne, %convert_element_type3A_388, %cond3A_389 : i32
      scf.if %cond3A_390 {
        %dma_wait3A = arith.constant 0 : i32
        %dma_wait3A_489 = arith.constant 0 : i32
        %dma_wait3A_490 = tpu.memref_slice %arg6[%dma_wait3A, %dma_wait3A_489] : memref<10000x128xf32, #tpu.memory_space<vmem_shared>> -> memref<10000x128xf32, #tpu.memory_space<vmem_shared>>
        tpu.wait_indirect_dma semaphore(%arg49 : memref<!tpu.dma_semaphore, #tpu.memory_space<semaphore_mem>>) src(%arg25 : memref<80x128xf32, #tpu.memory_space<vmem>>) dst(%dma_wait3A_490 : memref<10000x128xf32, #tpu.memory_space<vmem_shared>>)
      } else {
      }
      %mul3A_391 = arith.constant 8 : i32
      %mul3A_392 = arith.muli %scan3A_43, %mul3A_391 : i32
      %add3A_393 = arith.constant 6 : i32
      %add3A_394 = arith.addi %mul3A_392, %add3A_393 : i32
      %sub3A_395 = arith.constant 0 : i32
      %sub3A_396 = arith.subi %add3A_394, %sub3A_395 : i32
      %ge3A_397 = arith.constant 0 : i32
      %ge3A_398 = arith.cmpi sge, %sub3A_396, %ge3A_397 : i32
      %lt3A_399 = arith.constant 125 : i32
      %lt3A_400 = arith.cmpi slt, %sub3A_396, %lt3A_399 : i32
      %and3A_401 = arith.andi %ge3A_398, %lt3A_400 : i1
      %convert_element_type3A_402 = arith.extui %and3A_401 : i1 to i32
      %cond3A_403 = arith.constant 0 : i32
      %cond3A_404 = arith.cmpi ne, %convert_element_type3A_402, %cond3A_403 : i32
      scf.if %cond3A_404 {
        %mul3A_489 = arith.constant 80 : i32
        %mul3A_490 = arith.muli %sub3A_396, %mul3A_489 : i32
        %add3A_491 = arith.addi %mul3A_0, %mul3A_490 : i32
        %dma_start3A = tpu.memref_slice %arg3[%add3A_491] : memref<160000xi32, #tpu.memory_space<hbm>> -> memref<80xi32, #tpu.memory_space<hbm>>
        %dma_start3A_492 = tpu.memref_slice %arg3[%add3A_491] : memref<160000xi32, #tpu.memory_space<hbm>> -> memref<80xi32, #tpu.memory_space<hbm>>
        tpu.enqueue_dma source(%dma_start3A_492 : memref<80xi32, #tpu.memory_space<hbm>>) target(%arg13 : memref<80xi32, #tpu.memory_space<vmem>>) target_semaphore(%arg33 : memref<!tpu.dma_semaphore, #tpu.memory_space<semaphore_mem>>)
        %dma_start3A_493 = tpu.memref_slice %arg4[%add3A_491] : memref<160000xi32, #tpu.memory_space<hbm>> -> memref<80xi32, #tpu.memory_space<hbm>>
        %dma_start3A_494 = tpu.memref_slice %arg4[%add3A_491] : memref<160000xi32, #tpu.memory_space<hbm>> -> memref<80xi32, #tpu.memory_space<hbm>>
        tpu.enqueue_dma source(%dma_start3A_494 : memref<80xi32, #tpu.memory_space<hbm>>) target(%arg21 : memref<80xi32, #tpu.memory_space<vmem>>) target_semaphore(%arg41 : memref<!tpu.dma_semaphore, #tpu.memory_space<semaphore_mem>>)
      } else {
      }
      %mul3A_405 = arith.constant 8 : i32
      %mul3A_406 = arith.muli %scan3A_43, %mul3A_405 : i32
      %add3A_407 = arith.constant 6 : i32
      %add3A_408 = arith.addi %mul3A_406, %add3A_407 : i32
      %sub3A_409 = arith.constant 1 : i32
      %sub3A_410 = arith.subi %add3A_408, %sub3A_409 : i32
      %ge3A_411 = arith.constant 0 : i32
      %ge3A_412 = arith.cmpi sge, %sub3A_410, %ge3A_411 : i32
      %lt3A_413 = arith.constant 125 : i32
      %lt3A_414 = arith.cmpi slt, %sub3A_410, %lt3A_413 : i32
      %and3A_415 = arith.andi %ge3A_412, %lt3A_414 : i1
      %convert_element_type3A_416 = arith.extui %and3A_415 : i1 to i32
      %cond3A_417 = arith.constant 0 : i32
      %cond3A_418 = arith.cmpi ne, %convert_element_type3A_416, %cond3A_417 : i32
      scf.if %cond3A_418 {
        %mul3A_489 = arith.constant 80 : i32
        %mul3A_490 = arith.muli %sub3A_410, %mul3A_489 : i32
        %add3A_491 = arith.addi %mul3A_0, %mul3A_490 : i32
        %dma_wait3A = tpu.memref_slice %arg3[%add3A_491] : memref<160000xi32, #tpu.memory_space<hbm>> -> memref<80xi32, #tpu.memory_space<hbm>>
        %dma_wait3A_492 = tpu.memref_slice %arg3[%add3A_491] : memref<160000xi32, #tpu.memory_space<hbm>> -> memref<80xi32, #tpu.memory_space<hbm>>
        tpu.wait_dma2 semaphore(%arg32 : memref<!tpu.dma_semaphore, #tpu.memory_space<semaphore_mem>>) src(%dma_wait3A_492 : memref<80xi32, #tpu.memory_space<hbm>>) dst(%arg12 : memref<80xi32, #tpu.memory_space<vmem>>)
        %get3A = arith.constant 0 : index
        %get3A_493 = tpu.vector_load %arg12[%get3A] {strides = array<i32>} : memref<80xi32, #tpu.memory_space<vmem>>, vector<16xi32>,
        %add3A_494 = vector.broadcast %mul3A_24 : i32 to vector<16xi32>
        %add3A_495 = arith.addi %get3A_493, %add3A_494 : vector<16xi32>
        %swap3A = arith.constant 0 : index
        %swap3A_496 = tpu.vector_load %arg12[%swap3A] {strides = array<i32>} : memref<80xi32, #tpu.memory_space<vmem>>, vector<16xi32>,
        tpu.vector_store %arg12[%swap3A], %add3A_495 {strides = array<i32>} : memref<80xi32, #tpu.memory_space<vmem>>, vector<16xi32>,
        %get3A_497 = arith.constant 16 : index
        %get3A_498 = tpu.vector_load %arg12[%get3A_497] {strides = array<i32>} : memref<80xi32, #tpu.memory_space<vmem>>, vector<16xi32>,
        %add3A_499 = vector.broadcast %mul3A_24 : i32 to vector<16xi32>
        %add3A_500 = arith.addi %get3A_498, %add3A_499 : vector<16xi32>
        %swap3A_501 = arith.constant 16 : index
        %swap3A_502 = tpu.vector_load %arg12[%swap3A_501] {strides = array<i32>} : memref<80xi32, #tpu.memory_space<vmem>>, vector<16xi32>,
        tpu.vector_store %arg12[%swap3A_501], %add3A_500 {strides = array<i32>} : memref<80xi32, #tpu.memory_space<vmem>>, vector<16xi32>,
        %get3A_503 = arith.constant 32 : index
        %get3A_504 = tpu.vector_load %arg12[%get3A_503] {strides = array<i32>} : memref<80xi32, #tpu.memory_space<vmem>>, vector<16xi32>,
        %add3A_505 = vector.broadcast %mul3A_24 : i32 to vector<16xi32>
        %add3A_506 = arith.addi %get3A_504, %add3A_505 : vector<16xi32>
        %swap3A_507 = arith.constant 32 : index
        %swap3A_508 = tpu.vector_load %arg12[%swap3A_507] {strides = array<i32>} : memref<80xi32, #tpu.memory_space<vmem>>, vector<16xi32>,
        tpu.vector_store %arg12[%swap3A_507], %add3A_506 {strides = array<i32>} : memref<80xi32, #tpu.memory_space<vmem>>, vector<16xi32>,
        %get3A_509 = arith.constant 48 : index
        %get3A_510 = tpu.vector_load %arg12[%get3A_509] {strides = array<i32>} : memref<80xi32, #tpu.memory_space<vmem>>, vector<16xi32>,
        %add3A_511 = vector.broadcast %mul3A_24 : i32 to vector<16xi32>
        %add3A_512 = arith.addi %get3A_510, %add3A_511 : vector<16xi32>
        %swap3A_513 = arith.constant 48 : index
        %swap3A_514 = tpu.vector_load %arg12[%swap3A_513] {strides = array<i32>} : memref<80xi32, #tpu.memory_space<vmem>>, vector<16xi32>,
        tpu.vector_store %arg12[%swap3A_513], %add3A_512 {strides = array<i32>} : memref<80xi32, #tpu.memory_space<vmem>>, vector<16xi32>,
        %get3A_515 = arith.constant 64 : index
        %get3A_516 = tpu.vector_load %arg12[%get3A_515] {strides = array<i32>} : memref<80xi32, #tpu.memory_space<vmem>>, vector<16xi32>,
        %add3A_517 = vector.broadcast %mul3A_24 : i32 to vector<16xi32>
        %add3A_518 = arith.addi %get3A_516, %add3A_517 : vector<16xi32>
        %swap3A_519 = arith.constant 64 : index
        %swap3A_520 = tpu.vector_load %arg12[%swap3A_519] {strides = array<i32>} : memref<80xi32, #tpu.memory_space<vmem>>, vector<16xi32>,
        tpu.vector_store %arg12[%swap3A_519], %add3A_518 {strides = array<i32>} : memref<80xi32, #tpu.memory_space<vmem>>, vector<16xi32>,
        %dma_start3A = arith.constant 0 : i32
        %dma_start3A_521 = arith.constant 0 : i32
        %dma_start3A_522 = tpu.memref_slice %arg2[%dma_start3A, %dma_start3A_521] : memref<40000x128xf32, #tpu.memory_space<hbm>> -> memref<40000x128xf32, #tpu.memory_space<hbm>>
        tpu.enqueue_indirect_dma source(%dma_start3A_522 : memref<40000x128xf32, #tpu.memory_space<hbm>>) target(%arg24 : memref<80x128xf32, #tpu.memory_space<vmem>>) offsets(%arg12 : memref<80xi32, #tpu.memory_space<vmem>>) semaphore(%arg44 : memref<!tpu.dma_semaphore, #tpu.memory_space<semaphore_mem>>)
      } else {
      }
      %mul3A_419 = arith.constant 8 : i32
      %mul3A_420 = arith.muli %scan3A_43, %mul3A_419 : i32
      %add3A_421 = arith.constant 6 : i32
      %add3A_422 = arith.addi %mul3A_420, %add3A_421 : i32
      %sub3A_423 = arith.constant 3 : i32
      %sub3A_424 = arith.subi %add3A_422, %sub3A_423 : i32
      %ge3A_425 = arith.constant 0 : i32
      %ge3A_426 = arith.cmpi sge, %sub3A_424, %ge3A_425 : i32
      %lt3A_427 = arith.constant 125 : i32
      %lt3A_428 = arith.cmpi slt, %sub3A_424, %lt3A_427 : i32
      %and3A_429 = arith.andi %ge3A_426, %lt3A_428 : i1
      %convert_element_type3A_430 = arith.extui %and3A_429 : i1 to i32
      %cond3A_431 = arith.constant 0 : i32
      %cond3A_432 = arith.cmpi ne, %convert_element_type3A_430, %cond3A_431 : i32
      scf.if %cond3A_432 {
        %mul3A_489 = arith.constant 80 : i32
        %mul3A_490 = arith.muli %sub3A_424, %mul3A_489 : i32
        %add3A_491 = arith.addi %mul3A_0, %mul3A_490 : i32
        %dma_wait3A = arith.constant 0 : i32
        %dma_wait3A_492 = arith.constant 0 : i32
        %dma_wait3A_493 = tpu.memref_slice %arg2[%dma_wait3A, %dma_wait3A_492] : memref<40000x128xf32, #tpu.memory_space<hbm>> -> memref<40000x128xf32, #tpu.memory_space<hbm>>
        tpu.wait_indirect_dma semaphore(%arg46 : memref<!tpu.dma_semaphore, #tpu.memory_space<semaphore_mem>>) src(%dma_wait3A_493 : memref<40000x128xf32, #tpu.memory_space<hbm>>) dst(%arg26 : memref<80x128xf32, #tpu.memory_space<vmem>>)
        %dma_wait3A_494 = tpu.memref_slice %arg4[%add3A_491] : memref<160000xi32, #tpu.memory_space<hbm>> -> memref<80xi32, #tpu.memory_space<hbm>>
        %dma_wait3A_495 = tpu.memref_slice %arg4[%add3A_491] : memref<160000xi32, #tpu.memory_space<hbm>> -> memref<80xi32, #tpu.memory_space<hbm>>
        tpu.wait_dma2 semaphore(%arg38 : memref<!tpu.dma_semaphore, #tpu.memory_space<semaphore_mem>>) src(%dma_wait3A_495 : memref<80xi32, #tpu.memory_space<hbm>>) dst(%arg18 : memref<80xi32, #tpu.memory_space<vmem>>)
        %dma_start3A = arith.constant 0 : i32
        %dma_start3A_496 = arith.constant 0 : i32
        %dma_start3A_497 = tpu.memref_slice %arg6[%dma_start3A, %dma_start3A_496] : memref<10000x128xf32, #tpu.memory_space<vmem_shared>> -> memref<10000x128xf32, #tpu.memory_space<vmem_shared>>
        tpu.enqueue_indirect_dma source(%arg26 : memref<80x128xf32, #tpu.memory_space<vmem>>) target(%dma_start3A_497 : memref<10000x128xf32, #tpu.memory_space<vmem_shared>>) offsets(%arg18 : memref<80xi32, #tpu.memory_space<vmem>>) semaphore(%arg50 : memref<!tpu.dma_semaphore, #tpu.memory_space<semaphore_mem>>) {add = true}
      } else {
      }
      %mul3A_433 = arith.constant 8 : i32
      %mul3A_434 = arith.muli %scan3A_43, %mul3A_433 : i32
      %add3A_435 = arith.constant 7 : i32
      %add3A_436 = arith.addi %mul3A_434, %add3A_435 : i32
      %sub3A_437 = arith.constant 4 : i32
      %sub3A_438 = arith.subi %add3A_436, %sub3A_437 : i32
      %ge3A_439 = arith.constant 0 : i32
      %ge3A_440 = arith.cmpi sge, %sub3A_438, %ge3A_439 : i32
      %lt3A_441 = arith.constant 125 : i32
      %lt3A_442 = arith.cmpi slt, %sub3A_438, %lt3A_441 : i32
      %and3A_443 = arith.andi %ge3A_440, %lt3A_442 : i1
      %convert_element_type3A_444 = arith.extui %and3A_443 : i1 to i32
      %cond3A_445 = arith.constant 0 : i32
      %cond3A_446 = arith.cmpi ne, %convert_element_type3A_444, %cond3A_445 : i32
      scf.if %cond3A_446 {
        %dma_wait3A = arith.constant 0 : i32
        %dma_wait3A_489 = arith.constant 0 : i32
        %dma_wait3A_490 = tpu.memref_slice %arg6[%dma_wait3A, %dma_wait3A_489] : memref<10000x128xf32, #tpu.memory_space<vmem_shared>> -> memref<10000x128xf32, #tpu.memory_space<vmem_shared>>
        tpu.wait_indirect_dma semaphore(%arg50 : memref<!tpu.dma_semaphore, #tpu.memory_space<semaphore_mem>>) src(%arg26 : memref<80x128xf32, #tpu.memory_space<vmem>>) dst(%dma_wait3A_490 : memref<10000x128xf32, #tpu.memory_space<vmem_shared>>)
      } else {
      }
      %mul3A_447 = arith.constant 8 : i32
      %mul3A_448 = arith.muli %scan3A_43, %mul3A_447 : i32
      %add3A_449 = arith.constant 7 : i32
      %add3A_450 = arith.addi %mul3A_448, %add3A_449 : i32
      %sub3A_451 = arith.constant 0 : i32
      %sub3A_452 = arith.subi %add3A_450, %sub3A_451 : i32
      %ge3A_453 = arith.constant 0 : i32
      %ge3A_454 = arith.cmpi sge, %sub3A_452, %ge3A_453 : i32
      %lt3A_455 = arith.constant 125 : i32
      %lt3A_456 = arith.cmpi slt, %sub3A_452, %lt3A_455 : i32
      %and3A_457 = arith.andi %ge3A_454, %lt3A_456 : i1
      %convert_element_type3A_458 = arith.extui %and3A_457 : i1 to i32
      %cond3A_459 = arith.constant 0 : i32
      %cond3A_460 = arith.cmpi ne, %convert_element_type3A_458, %cond3A_459 : i32
      scf.if %cond3A_460 {
        %mul3A_489 = arith.constant 80 : i32
        %mul3A_490 = arith.muli %sub3A_452, %mul3A_489 : i32
        %add3A_491 = arith.addi %mul3A_0, %mul3A_490 : i32
        %dma_start3A = tpu.memref_slice %arg3[%add3A_491] : memref<160000xi32, #tpu.memory_space<hbm>> -> memref<80xi32, #tpu.memory_space<hbm>>
        %dma_start3A_492 = tpu.memref_slice %arg3[%add3A_491] : memref<160000xi32, #tpu.memory_space<hbm>> -> memref<80xi32, #tpu.memory_space<hbm>>
        tpu.enqueue_dma source(%dma_start3A_492 : memref<80xi32, #tpu.memory_space<hbm>>) target(%arg14 : memref<80xi32, #tpu.memory_space<vmem>>) target_semaphore(%arg34 : memref<!tpu.dma_semaphore, #tpu.memory_space<semaphore_mem>>)
        %dma_start3A_493 = tpu.memref_slice %arg4[%add3A_491] : memref<160000xi32, #tpu.memory_space<hbm>> -> memref<80xi32, #tpu.memory_space<hbm>>
        %dma_start3A_494 = tpu.memref_slice %arg4[%add3A_491] : memref<160000xi32, #tpu.memory_space<hbm>> -> memref<80xi32, #tpu.memory_space<hbm>>
        tpu.enqueue_dma source(%dma_start3A_494 : memref<80xi32, #tpu.memory_space<hbm>>) target(%arg22 : memref<80xi32, #tpu.memory_space<vmem>>) target_semaphore(%arg42 : memref<!tpu.dma_semaphore, #tpu.memory_space<semaphore_mem>>)
      } else {
      }
      %mul3A_461 = arith.constant 8 : i32
      %mul3A_462 = arith.muli %scan3A_43, %mul3A_461 : i32
      %add3A_463 = arith.constant 7 : i32
      %add3A_464 = arith.addi %mul3A_462, %add3A_463 : i32
      %sub3A_465 = arith.constant 1 : i32
      %sub3A_466 = arith.subi %add3A_464, %sub3A_465 : i32
      %ge3A_467 = arith.constant 0 : i32
      %ge3A_468 = arith.cmpi sge, %sub3A_466, %ge3A_467 : i32
      %lt3A_469 = arith.constant 125 : i32
      %lt3A_470 = arith.cmpi slt, %sub3A_466, %lt3A_469 : i32
      %and3A_471 = arith.andi %ge3A_468, %lt3A_470 : i1
      %convert_element_type3A_472 = arith.extui %and3A_471 : i1 to i32
      %cond3A_473 = arith.constant 0 : i32
      %cond3A_474 = arith.cmpi ne, %convert_element_type3A_472, %cond3A_473 : i32
      scf.if %cond3A_474 {
        %mul3A_489 = arith.constant 80 : i32
        %mul3A_490 = arith.muli %sub3A_466, %mul3A_489 : i32
        %add3A_491 = arith.addi %mul3A_0, %mul3A_490 : i32
        %dma_wait3A = tpu.memref_slice %arg3[%add3A_491] : memref<160000xi32, #tpu.memory_space<hbm>> -> memref<80xi32, #tpu.memory_space<hbm>>
        %dma_wait3A_492 = tpu.memref_slice %arg3[%add3A_491] : memref<160000xi32, #tpu.memory_space<hbm>> -> memref<80xi32, #tpu.memory_space<hbm>>
        tpu.wait_dma2 semaphore(%arg33 : memref<!tpu.dma_semaphore, #tpu.memory_space<semaphore_mem>>) src(%dma_wait3A_492 : memref<80xi32, #tpu.memory_space<hbm>>) dst(%arg13 : memref<80xi32, #tpu.memory_space<vmem>>)
        %get3A = arith.constant 0 : index
        %get3A_493 = tpu.vector_load %arg13[%get3A] {strides = array<i32>} : memref<80xi32, #tpu.memory_space<vmem>>, vector<16xi32>,
        %add3A_494 = vector.broadcast %mul3A_24 : i32 to vector<16xi32>
        %add3A_495 = arith.addi %get3A_493, %add3A_494 : vector<16xi32>
        %swap3A = arith.constant 0 : index
        %swap3A_496 = tpu.vector_load %arg13[%swap3A] {strides = array<i32>} : memref<80xi32, #tpu.memory_space<vmem>>, vector<16xi32>,
        tpu.vector_store %arg13[%swap3A], %add3A_495 {strides = array<i32>} : memref<80xi32, #tpu.memory_space<vmem>>, vector<16xi32>,
        %get3A_497 = arith.constant 16 : index
        %get3A_498 = tpu.vector_load %arg13[%get3A_497] {strides = array<i32>} : memref<80xi32, #tpu.memory_space<vmem>>, vector<16xi32>,
        %add3A_499 = vector.broadcast %mul3A_24 : i32 to vector<16xi32>
        %add3A_500 = arith.addi %get3A_498, %add3A_499 : vector<16xi32>
        %swap3A_501 = arith.constant 16 : index
        %swap3A_502 = tpu.vector_load %arg13[%swap3A_501] {strides = array<i32>} : memref<80xi32, #tpu.memory_space<vmem>>, vector<16xi32>,
        tpu.vector_store %arg13[%swap3A_501], %add3A_500 {strides = array<i32>} : memref<80xi32, #tpu.memory_space<vmem>>, vector<16xi32>,
        %get3A_503 = arith.constant 32 : index
        %get3A_504 = tpu.vector_load %arg13[%get3A_503] {strides = array<i32>} : memref<80xi32, #tpu.memory_space<vmem>>, vector<16xi32>,
        %add3A_505 = vector.broadcast %mul3A_24 : i32 to vector<16xi32>
        %add3A_506 = arith.addi %get3A_504, %add3A_505 : vector<16xi32>
        %swap3A_507 = arith.constant 32 : index
        %swap3A_508 = tpu.vector_load %arg13[%swap3A_507] {strides = array<i32>} : memref<80xi32, #tpu.memory_space<vmem>>, vector<16xi32>,
        tpu.vector_store %arg13[%swap3A_507], %add3A_506 {strides = array<i32>} : memref<80xi32, #tpu.memory_space<vmem>>, vector<16xi32>,
        %get3A_509 = arith.constant 48 : index
        %get3A_510 = tpu.vector_load %arg13[%get3A_509] {strides = array<i32>} : memref<80xi32, #tpu.memory_space<vmem>>, vector<16xi32>,
        %add3A_511 = vector.broadcast %mul3A_24 : i32 to vector<16xi32>
        %add3A_512 = arith.addi %get3A_510, %add3A_511 : vector<16xi32>
        %swap3A_513 = arith.constant 48 : index
        %swap3A_514 = tpu.vector_load %arg13[%swap3A_513] {strides = array<i32>} : memref<80xi32, #tpu.memory_space<vmem>>, vector<16xi32>,
        tpu.vector_store %arg13[%swap3A_513], %add3A_512 {strides = array<i32>} : memref<80xi32, #tpu.memory_space<vmem>>, vector<16xi32>,
        %get3A_515 = arith.constant 64 : index
        %get3A_516 = tpu.vector_load %arg13[%get3A_515] {strides = array<i32>} : memref<80xi32, #tpu.memory_space<vmem>>, vector<16xi32>,
        %add3A_517 = vector.broadcast %mul3A_24 : i32 to vector<16xi32>
        %add3A_518 = arith.addi %get3A_516, %add3A_517 : vector<16xi32>
        %swap3A_519 = arith.constant 64 : index
        %swap3A_520 = tpu.vector_load %arg13[%swap3A_519] {strides = array<i32>} : memref<80xi32, #tpu.memory_space<vmem>>, vector<16xi32>,
        tpu.vector_store %arg13[%swap3A_519], %add3A_518 {strides = array<i32>} : memref<80xi32, #tpu.memory_space<vmem>>, vector<16xi32>,
        %dma_start3A = arith.constant 0 : i32
        %dma_start3A_521 = arith.constant 0 : i32
        %dma_start3A_522 = tpu.memref_slice %arg2[%dma_start3A, %dma_start3A_521] : memref<40000x128xf32, #tpu.memory_space<hbm>> -> memref<40000x128xf32, #tpu.memory_space<hbm>>
        tpu.enqueue_indirect_dma source(%dma_start3A_522 : memref<40000x128xf32, #tpu.memory_space<hbm>>) target(%arg25 : memref<80x128xf32, #tpu.memory_space<vmem>>) offsets(%arg13 : memref<80xi32, #tpu.memory_space<vmem>>) semaphore(%arg45 : memref<!tpu.dma_semaphore, #tpu.memory_space<semaphore_mem>>)
      } else {
      }
      %mul3A_475 = arith.constant 8 : i32
      %mul3A_476 = arith.muli %scan3A_43, %mul3A_475 : i32
      %add3A_477 = arith.constant 7 : i32
      %add3A_478 = arith.addi %mul3A_476, %add3A_477 : i32
      %sub3A_479 = arith.constant 3 : i32
      %sub3A_480 = arith.subi %add3A_478, %sub3A_479 : i32
      %ge3A_481 = arith.constant 0 : i32
      %ge3A_482 = arith.cmpi sge, %sub3A_480, %ge3A_481 : i32
      %lt3A_483 = arith.constant 125 : i32
      %lt3A_484 = arith.cmpi slt, %sub3A_480, %lt3A_483 : i32
      %and3A_485 = arith.andi %ge3A_482, %lt3A_484 : i1
      %convert_element_type3A_486 = arith.extui %and3A_485 : i1 to i32
      %cond3A_487 = arith.constant 0 : i32
      %cond3A_488 = arith.cmpi ne, %convert_element_type3A_486, %cond3A_487 : i32
      scf.if %cond3A_488 {
        %mul3A_489 = arith.constant 80 : i32
        %mul3A_490 = arith.muli %sub3A_480, %mul3A_489 : i32
        %add3A_491 = arith.addi %mul3A_0, %mul3A_490 : i32
        %dma_wait3A = arith.constant 0 : i32
        %dma_wait3A_492 = arith.constant 0 : i32
        %dma_wait3A_493 = tpu.memref_slice %arg2[%dma_wait3A, %dma_wait3A_492] : memref<40000x128xf32, #tpu.memory_space<hbm>> -> memref<40000x128xf32, #tpu.memory_space<hbm>>
        tpu.wait_indirect_dma semaphore(%arg43 : memref<!tpu.dma_semaphore, #tpu.memory_space<semaphore_mem>>) src(%dma_wait3A_493 : memref<40000x128xf32, #tpu.memory_space<hbm>>) dst(%arg23 : memref<80x128xf32, #tpu.memory_space<vmem>>)
        %dma_wait3A_494 = tpu.memref_slice %arg4[%add3A_491] : memref<160000xi32, #tpu.memory_space<hbm>> -> memref<80xi32, #tpu.memory_space<hbm>>
        %dma_wait3A_495 = tpu.memref_slice %arg4[%add3A_491] : memref<160000xi32, #tpu.memory_space<hbm>> -> memref<80xi32, #tpu.memory_space<hbm>>
        tpu.wait_dma2 semaphore(%arg39 : memref<!tpu.dma_semaphore, #tpu.memory_space<semaphore_mem>>) src(%dma_wait3A_495 : memref<80xi32, #tpu.memory_space<hbm>>) dst(%arg19 : memref<80xi32, #tpu.memory_space<vmem>>)
        %dma_start3A = arith.constant 0 : i32
        %dma_start3A_496 = arith.constant 0 : i32
        %dma_start3A_497 = tpu.memref_slice %arg6[%dma_start3A, %dma_start3A_496] : memref<10000x128xf32, #tpu.memory_space<vmem_shared>> -> memref<10000x128xf32, #tpu.memory_space<vmem_shared>>
        tpu.enqueue_indirect_dma source(%arg23 : memref<80x128xf32, #tpu.memory_space<vmem>>) target(%dma_start3A_497 : memref<10000x128xf32, #tpu.memory_space<vmem_shared>>) offsets(%arg19 : memref<80xi32, #tpu.memory_space<vmem>>) semaphore(%arg47 : memref<!tpu.dma_semaphore, #tpu.memory_space<semaphore_mem>>) {add = true}
      } else {
      }
    }
    %scan3A_36 = arith.constant 17 : i32
    %barrier3A_37 = arith.constant 0 : index
    tpu.barrier barrier_id(%barrier3A_37)
    %lt3A_38 = arith.constant 10 : i32
    %lt3A_39 = arith.cmpi slt, %arg1, %lt3A_38 : i32
    %convert_element_type3A_40 = arith.extui %lt3A_39 : i1 to i32
    %cond3A_41 = arith.constant 0 : i32
    %cond3A_42 = arith.cmpi ne, %convert_element_type3A_40, %cond3A_41 : i32
    scf.if %cond3A_42 {
      %mul3A_43 = arith.constant 1000 : i32
      %mul3A_44 = arith.muli %arg1, %mul3A_43 : i32
      %mul3A_45 = arith.constant 1000 : i32
      %mul3A_46 = arith.muli %arg1, %mul3A_45 : i32
      %add3A_47 = arith.addi %mul3A_24, %mul3A_46 : i32
      "tpu.region"() ({
        %run_scoped3A = tpu.sem_alloc : memref<!tpu.dma_semaphore, #tpu.memory_space<semaphore_mem>>
        %dma_start3A = arith.constant 0 : i32
        %dma_start3A_48 = tpu.memref_slice %arg5[%add3A_47, %dma_start3A] : memref<40000x128xf32, #tpu.memory_space<hbm>> -> memref<1000x128xf32, #tpu.memory_space<hbm>>
        %dma_start3A_49 = arith.constant 0 : i32
        %dma_start3A_50 = tpu.memref_slice %arg6[%mul3A_44, %dma_start3A_49] : memref<10000x128xf32, #tpu.memory_space<vmem_shared>> -> memref<1000x128xf32, #tpu.memory_space<vmem_shared>>
        tpu.enqueue_dma source(%dma_start3A_50 : memref<1000x128xf32, #tpu.memory_space<vmem_shared>>) target(%dma_start3A_48 : memref<1000x128xf32, #tpu.memory_space<hbm>>) target_semaphore(%run_scoped3A : memref<!tpu.dma_semaphore, #tpu.memory_space<semaphore_mem>>)
        %dma_wait3A = arith.constant 0 : i32
        %dma_wait3A_51 = tpu.memref_slice %arg5[%add3A_47, %dma_wait3A] : memref<40000x128xf32, #tpu.memory_space<hbm>> -> memref<1000x128xf32, #tpu.memory_space<hbm>>
        %dma_wait3A_52 = arith.constant 0 : i32
        %dma_wait3A_53 = tpu.memref_slice %arg6[%mul3A_44, %dma_wait3A_52] : memref<10000x128xf32, #tpu.memory_space<vmem_shared>> -> memref<1000x128xf32, #tpu.memory_space<vmem_shared>>
        tpu.wait_dma2 semaphore(%run_scoped3A : memref<!tpu.dma_semaphore, #tpu.memory_space<semaphore_mem>>) src(%dma_wait3A_53 : memref<1000x128xf32, #tpu.memory_space<vmem_shared>>) dst(%dma_wait3A_51 : memref<1000x128xf32, #tpu.memory_space<hbm>>)
        tpu.yield
      }) : () -> ()
    } else {
    }
    return
  }
}

module attributes {stable_mosaic.version = 14 : i64} {
  func.func @m1_body(%arg0: i32, %arg1: memref<5000x256xf32, #tpu.memory_space<vmem>>, %arg2: memref<256x512xf32, #tpu.memory_space<vmem>>, %arg3: memref<1x32x5000xf32, #tpu.memory_space<vmem>>, %arg4: memref<4x5000x128xf32, #tpu.memory_space<vmem>>) attributes {dimension_semantics = [#tpu.dimension_semantics<arbitrary>], iteration_bounds = array<i64: 2>, scalar_prefetch = 0 : i64, scratch_operands = 0 : i64, tpu.core_type = #tpu.core_type<tc>, window_params = [{transform_indices = @transform_0, window_bounds = array<i64: 5000, 256>}, {pipeline_mode = #tpu.pipeline_mode<synchronous>, transform_indices = @transform_1, window_bounds = array<i64: 256, 512>}, {transform_indices = @transform_2, window_bounds = array<i64: 1, 32, 5000>}, {transform_indices = @transform_3, window_bounds = array<i64: 4, 5000, 128>}]} {
    %get3A = arith.constant 0 : index
    %get3A_0 = arith.constant 0 : index
    %get3A_1 = arith.constant 0 : index
    %get3A_2 = vector.load %arg3[%get3A, %get3A_0, %get3A_1] : memref<1x32x5000xf32, #tpu.memory_space<vmem>>, vector<1x32x5000xf32>
    %get3A_3 = vector.shape_cast %get3A_2 : vector<1x32x5000xf32> to vector<32x5000xf32>
    %reduce_sum3A = arith.constant dense<0.000000e+00> : vector<5000xf32>
    %reduce_sum3A_4 = vector.multi_reduction <add>, %get3A_3, %reduce_sum3A [0] : vector<32x5000xf32> to vector<5000xf32>
    %add3A = arith.constant 1.000000e+00 : f32
    %add3A_5 = vector.broadcast %add3A : f32 to vector<5000xf32>
    %add3A_6 = arith.addf %reduce_sum3A_4, %add3A_5 : vector<5000xf32>
    %rsqrt3A = math.rsqrt %add3A_6 : vector<5000xf32>
    %get3A_7 = arith.constant 0 : index
    %get3A_8 = arith.constant 0 : index
    %get3A_9 = vector.load %arg1[%get3A_7, %get3A_8] : memref<5000x256xf32, #tpu.memory_space<vmem>>, vector<5000x256xf32>
    %get3A_10 = arith.constant 0 : index
    %get3A_11 = arith.constant 0 : index
    %get3A_12 = vector.load %arg2[%get3A_10, %get3A_11] : memref<256x512xf32, #tpu.memory_space<vmem>>, vector<256x512xf32>
    %dot_general3A = arith.constant dense<0.000000e+00> : vector<5000x512xf32>
    %dot_general3A_13 = tpu.matmul %get3A_9, %get3A_12, %dot_general3A {dimension_numbers = #tpu.dot_dimension_numbers<[1], [0], [0], [1], [0, 0, 1, 1], [], []>, transpose_lhs_hint = false} : vector<5000x256xf32>, vector<256x512xf32>, vector<5000x512xf32> -> vector<5000x512xf32>
    %broadcast_in_dim3A = vector.shape_cast %rsqrt3A : vector<5000xf32> to vector<5000x1xf32>
    %mul3A = vector.broadcast %broadcast_in_dim3A : vector<5000x1xf32> to vector<5000x512xf32>
    %mul3A_14 = arith.mulf %dot_general3A_13, %mul3A : vector<5000x512xf32>
    %slice3A = vector.extract_strided_slice %mul3A_14 {offsets = [0, 0], sizes = [5000, 128], strides = [1, 1]} : vector<5000x512xf32> to vector<5000x128xf32>
    %swap3A = arith.constant 0 : index
    %swap3A_15 = arith.constant 0 : index
    %swap3A_16 = arith.constant 0 : index
    %swap3A_17 = vector.load %arg4[%swap3A, %swap3A_15, %swap3A_16] : memref<4x5000x128xf32, #tpu.memory_space<vmem>>, vector<1x5000x128xf32>
    %swap3A_18 = vector.shape_cast %swap3A_17 : vector<1x5000x128xf32> to vector<5000x128xf32>
    %swap3A_19 = vector.shape_cast %slice3A : vector<5000x128xf32> to vector<1x5000x128xf32>
    tpu.vector_store %arg4[%swap3A, %swap3A_15, %swap3A_16], %swap3A_19 {strides = array<i32>} : memref<4x5000x128xf32, #tpu.memory_space<vmem>>, vector<1x5000x128xf32>,
    %slice3A_20 = vector.extract_strided_slice %mul3A_14 {offsets = [0, 128], sizes = [5000, 128], strides = [1, 1]} : vector<5000x512xf32> to vector<5000x128xf32>
    %swap3A_21 = arith.constant 1 : index
    %swap3A_22 = arith.constant 0 : index
    %swap3A_23 = arith.constant 0 : index
    %swap3A_24 = vector.load %arg4[%swap3A_21, %swap3A_22, %swap3A_23] : memref<4x5000x128xf32, #tpu.memory_space<vmem>>, vector<1x5000x128xf32>
    %swap3A_25 = vector.shape_cast %swap3A_24 : vector<1x5000x128xf32> to vector<5000x128xf32>
    %swap3A_26 = vector.shape_cast %slice3A_20 : vector<5000x128xf32> to vector<1x5000x128xf32>
    tpu.vector_store %arg4[%swap3A_21, %swap3A_22, %swap3A_23], %swap3A_26 {strides = array<i32>} : memref<4x5000x128xf32, #tpu.memory_space<vmem>>, vector<1x5000x128xf32>,
    %slice3A_27 = vector.extract_strided_slice %mul3A_14 {offsets = [0, 256], sizes = [5000, 128], strides = [1, 1]} : vector<5000x512xf32> to vector<5000x128xf32>
    %swap3A_28 = arith.constant 2 : index
    %swap3A_29 = arith.constant 0 : index
    %swap3A_30 = arith.constant 0 : index
    %swap3A_31 = vector.load %arg4[%swap3A_28, %swap3A_29, %swap3A_30] : memref<4x5000x128xf32, #tpu.memory_space<vmem>>, vector<1x5000x128xf32>
    %swap3A_32 = vector.shape_cast %swap3A_31 : vector<1x5000x128xf32> to vector<5000x128xf32>
    %swap3A_33 = vector.shape_cast %slice3A_27 : vector<5000x128xf32> to vector<1x5000x128xf32>
    tpu.vector_store %arg4[%swap3A_28, %swap3A_29, %swap3A_30], %swap3A_33 {strides = array<i32>} : memref<4x5000x128xf32, #tpu.memory_space<vmem>>, vector<1x5000x128xf32>,
    %slice3A_34 = vector.extract_strided_slice %mul3A_14 {offsets = [0, 384], sizes = [5000, 128], strides = [1, 1]} : vector<5000x512xf32> to vector<5000x128xf32>
    %swap3A_35 = arith.constant 3 : index
    %swap3A_36 = arith.constant 0 : index
    %swap3A_37 = arith.constant 0 : index
    %swap3A_38 = vector.load %arg4[%swap3A_35, %swap3A_36, %swap3A_37] : memref<4x5000x128xf32, #tpu.memory_space<vmem>>, vector<1x5000x128xf32>
    %swap3A_39 = vector.shape_cast %swap3A_38 : vector<1x5000x128xf32> to vector<5000x128xf32>
    %swap3A_40 = vector.shape_cast %slice3A_34 : vector<5000x128xf32> to vector<1x5000x128xf32>
    tpu.vector_store %arg4[%swap3A_35, %swap3A_36, %swap3A_37], %swap3A_40 {strides = array<i32>} : memref<4x5000x128xf32, #tpu.memory_space<vmem>>, vector<1x5000x128xf32>,
    return
  }
  func.func @transform_0(%arg0: i32) -> (i32, i32) {
    %c0_i32 = arith.constant 0 : i32
    %c0_i32_0 = arith.constant 0 : i32
    return %arg0, %c0_i32 : i32, i32
  }
  func.func @transform_1(%arg0: i32) -> (i32, i32) {
    %c0_i32 = arith.constant 0 : i32
    %c0_i32_0 = arith.constant 0 : i32
    %c0_i32_1 = arith.constant 0 : i32
    return %c0_i32, %c0_i32_0 : i32, i32
  }
  func.func @transform_2(%arg0: i32) -> (i32, i32, i32) {
    %c0_i32 = arith.constant 0 : i32
    %c0_i32_0 = arith.constant 0 : i32
    %c0_i32_1 = arith.constant 0 : i32
    return %arg0, %c0_i32, %c0_i32_0 : i32, i32, i32
  }
  func.func @transform_3(%arg0: i32) -> (i32, i32, i32) {
    %c0_i32 = arith.constant 0 : i32
    %c0_i32_0 = arith.constant 0 : i32
    %c0_i32_1 = arith.constant 0 : i32
    return %c0_i32, %arg0, %c0_i32_0 : i32, i32, i32
  }
}

module attributes {stable_mosaic.version = 14 : i64} {
  func.func @m2_body(%arg0: i32, %arg1: i32, %arg2: memref<1x5000x128xf32, #tpu.memory_space<vmem>>, %arg3: memref<1x32x5000xf32, #tpu.memory_space<vmem>>, %arg4: memref<1x1x128xf32, #tpu.memory_space<vmem>>, %arg5: memref<128x256xf32, #tpu.memory_space<vmem>>, %arg6: memref<2x5000x128xf32, #tpu.memory_space<vmem>>, %arg7: memref<5000x256xf32, #tpu.memory_space<vmem>>) attributes {dimension_semantics = [#tpu.dimension_semantics<arbitrary>, #tpu.dimension_semantics<arbitrary>], iteration_bounds = array<i64: 2, 4>, scalar_prefetch = 0 : i64, scratch_operands = 1 : i64, tpu.core_type = #tpu.core_type<tc>, window_params = [{transform_indices = @transform_0, window_bounds = array<i64: 1, 5000, 128>}, {transform_indices = @transform_1, window_bounds = array<i64: 1, 32, 5000>}, {transform_indices = @transform_2, window_bounds = array<i64: 1, 1, 128>}, {transform_indices = @transform_3, window_bounds = array<i64: 128, 256>}, {transform_indices = @transform_4, window_bounds = array<i64: 2, 5000, 128>}]} {
    %get3A = arith.constant 0 : index
    %get3A_0 = arith.constant 0 : index
    %get3A_1 = arith.constant 0 : index
    %get3A_2 = vector.load %arg3[%get3A, %get3A_0, %get3A_1] : memref<1x32x5000xf32, #tpu.memory_space<vmem>>, vector<1x32x5000xf32>
    %get3A_3 = vector.shape_cast %get3A_2 : vector<1x32x5000xf32> to vector<32x5000xf32>
    %reduce_sum3A = arith.constant dense<0.000000e+00> : vector<5000xf32>
    %reduce_sum3A_4 = vector.multi_reduction <add>, %get3A_3, %reduce_sum3A [0] : vector<32x5000xf32> to vector<5000xf32>
    %add3A = arith.constant 1.000000e+00 : f32
    %add3A_5 = vector.broadcast %add3A : f32 to vector<5000xf32>
    %add3A_6 = arith.addf %reduce_sum3A_4, %add3A_5 : vector<5000xf32>
    %rsqrt3A = math.rsqrt %add3A_6 : vector<5000xf32>
    %get3A_7 = arith.constant 0 : index
    %get3A_8 = arith.constant 0 : index
    %get3A_9 = arith.constant 0 : index
    %get3A_10 = vector.load %arg2[%get3A_7, %get3A_8, %get3A_9] : memref<1x5000x128xf32, #tpu.memory_space<vmem>>, vector<1x5000x128xf32>
    %get3A_11 = vector.shape_cast %get3A_10 : vector<1x5000x128xf32> to vector<5000x128xf32>
    %broadcast_in_dim3A = vector.shape_cast %rsqrt3A : vector<5000xf32> to vector<5000x1xf32>
    %mul3A = vector.broadcast %broadcast_in_dim3A : vector<5000x1xf32> to vector<5000x128xf32>
    %mul3A_12 = arith.mulf %get3A_11, %mul3A : vector<5000x128xf32>
    %get3A_13 = arith.constant 0 : index
    %get3A_14 = arith.constant 0 : index
    %get3A_15 = arith.constant 0 : index
    %get3A_16 = vector.load %arg4[%get3A_13, %get3A_14, %get3A_15] : memref<1x1x128xf32, #tpu.memory_space<vmem>>, vector<1x1x128xf32>
    %get3A_17 = vector.shape_cast %get3A_16 : vector<1x1x128xf32> to vector<128xf32>
    %broadcast_in_dim3A_18 = vector.shape_cast %get3A_17 : vector<128xf32> to vector<1x128xf32>
    %add3A_19 = vector.broadcast %broadcast_in_dim3A_18 : vector<1x128xf32> to vector<5000x128xf32>
    %add3A_20 = arith.addf %mul3A_12, %add3A_19 : vector<5000x128xf32>
    %max3A = arith.constant 0.000000e+00 : f32
    %max3A_21 = vector.broadcast %max3A : f32 to vector<5000x128xf32>
    %max3A_22 = arith.maximumf %add3A_20, %max3A_21 : vector<5000x128xf32>
    %get3A_23 = arith.constant 0 : index
    %get3A_24 = arith.constant 0 : index
    %get3A_25 = vector.load %arg5[%get3A_23, %get3A_24] : memref<128x256xf32, #tpu.memory_space<vmem>>, vector<128x256xf32>
    %dot_general3A = arith.constant dense<0.000000e+00> : vector<5000x256xf32>
    %dot_general3A_26 = tpu.matmul %max3A_22, %get3A_25, %dot_general3A {dimension_numbers = #tpu.dot_dimension_numbers<[1], [0], [0], [1], [0, 0, 1, 1], [], []>, transpose_lhs_hint = false} : vector<5000x128xf32>, vector<128x256xf32>, vector<5000x256xf32> -> vector<5000x256xf32>
    %eq3A = arith.constant 0 : i32
    %eq3A_27 = arith.cmpi eq, %arg1, %eq3A : i32
    %convert_element_type3A = arith.extui %eq3A_27 : i1 to i32
    %cond3A = arith.constant 0 : i32
    %cond3A_28 = arith.cmpi ne, %convert_element_type3A, %cond3A : i32
    scf.if %cond3A_28 {
      %broadcast_in_dim3A_40 = arith.constant 0.000000e+00 : f32
      %broadcast_in_dim3A_41 = vector.broadcast %broadcast_in_dim3A_40 : f32 to vector<5000x256xf32>
      %swap3A_42 = arith.constant 0 : index
      %swap3A_43 = arith.constant 0 : index
      %swap3A_44 = vector.load %arg7[%swap3A_42, %swap3A_43] : memref<5000x256xf32, #tpu.memory_space<vmem>>, vector<5000x256xf32>
      tpu.vector_store %arg7[%swap3A_42, %swap3A_43], %broadcast_in_dim3A_41 {strides = array<i32>} : memref<5000x256xf32, #tpu.memory_space<vmem>>, vector<5000x256xf32>,
    } else {
    }
    %get3A_29 = arith.constant 0 : index
    %get3A_30 = arith.constant 0 : index
    %get3A_31 = vector.load %arg7[%get3A_29, %get3A_30] : memref<5000x256xf32, #tpu.memory_space<vmem>>, vector<5000x256xf32>
    %add3A_32 = arith.addf %get3A_31, %dot_general3A_26 : vector<5000x256xf32>
    %swap3A = arith.constant 0 : index
    %swap3A_33 = arith.constant 0 : index
    %swap3A_34 = vector.load %arg7[%swap3A, %swap3A_33] : memref<5000x256xf32, #tpu.memory_space<vmem>>, vector<5000x256xf32>
    tpu.vector_store %arg7[%swap3A, %swap3A_33], %add3A_32 {strides = array<i32>} : memref<5000x256xf32, #tpu.memory_space<vmem>>, vector<5000x256xf32>,
    %eq3A_35 = arith.constant 3 : i32
    %eq3A_36 = arith.cmpi eq, %arg1, %eq3A_35 : i32
    %convert_element_type3A_37 = arith.extui %eq3A_36 : i1 to i32
    %cond3A_38 = arith.constant 0 : i32
    %cond3A_39 = arith.cmpi ne, %convert_element_type3A_37, %cond3A_38 : i32
    scf.if %cond3A_39 {
      %get3A_40 = arith.constant 0 : index
      %get3A_41 = arith.constant 0 : index
      %get3A_42 = vector.load %arg7[%get3A_40, %get3A_41] : memref<5000x256xf32, #tpu.memory_space<vmem>>, vector<5000x256xf32>
      %broadcast_in_dim3A_43 = vector.shape_cast %rsqrt3A : vector<5000xf32> to vector<5000x1xf32>
      %mul3A_44 = vector.broadcast %broadcast_in_dim3A_43 : vector<5000x1xf32> to vector<5000x256xf32>
      %mul3A_45 = arith.mulf %get3A_42, %mul3A_44 : vector<5000x256xf32>
      %slice3A = vector.extract_strided_slice %mul3A_45 {offsets = [0, 0], sizes = [5000, 128], strides = [1, 1]} : vector<5000x256xf32> to vector<5000x128xf32>
      %swap3A_46 = arith.constant 0 : index
      %swap3A_47 = arith.constant 0 : index
      %swap3A_48 = arith.constant 0 : index
      %swap3A_49 = vector.load %arg6[%swap3A_46, %swap3A_47, %swap3A_48] : memref<2x5000x128xf32, #tpu.memory_space<vmem>>, vector<1x5000x128xf32>
      %swap3A_50 = vector.shape_cast %swap3A_49 : vector<1x5000x128xf32> to vector<5000x128xf32>
      %swap3A_51 = vector.shape_cast %slice3A : vector<5000x128xf32> to vector<1x5000x128xf32>
      tpu.vector_store %arg6[%swap3A_46, %swap3A_47, %swap3A_48], %swap3A_51 {strides = array<i32>} : memref<2x5000x128xf32, #tpu.memory_space<vmem>>, vector<1x5000x128xf32>,
      %slice3A_52 = vector.extract_strided_slice %mul3A_45 {offsets = [0, 128], sizes = [5000, 128], strides = [1, 1]} : vector<5000x256xf32> to vector<5000x128xf32>
      %swap3A_53 = arith.constant 1 : index
      %swap3A_54 = arith.constant 0 : index
      %swap3A_55 = arith.constant 0 : index
      %swap3A_56 = vector.load %arg6[%swap3A_53, %swap3A_54, %swap3A_55] : memref<2x5000x128xf32, #tpu.memory_space<vmem>>, vector<1x5000x128xf32>
      %swap3A_57 = vector.shape_cast %swap3A_56 : vector<1x5000x128xf32> to vector<5000x128xf32>
      %swap3A_58 = vector.shape_cast %slice3A_52 : vector<5000x128xf32> to vector<1x5000x128xf32>
      tpu.vector_store %arg6[%swap3A_53, %swap3A_54, %swap3A_55], %swap3A_58 {strides = array<i32>} : memref<2x5000x128xf32, #tpu.memory_space<vmem>>, vector<1x5000x128xf32>,
    } else {
    }
    return
  }
  func.func @transform_0(%arg0: i32, %arg1: i32) -> (i32, i32, i32) {
    %c0_i32 = arith.constant 0 : i32
    %c0_i32_0 = arith.constant 0 : i32
    return %arg1, %arg0, %c0_i32 : i32, i32, i32
  }
  func.func @transform_1(%arg0: i32, %arg1: i32) -> (i32, i32, i32) {
    %c0_i32 = arith.constant 0 : i32
    %c0_i32_0 = arith.constant 0 : i32
    %c0_i32_1 = arith.constant 0 : i32
    return %arg0, %c0_i32, %c0_i32_0 : i32, i32, i32
  }
  func.func @transform_2(%arg0: i32, %arg1: i32) -> (i32, i32, i32) {
    %c0_i32 = arith.constant 0 : i32
    %c0_i32_0 = arith.constant 0 : i32
    %c0_i32_1 = arith.constant 0 : i32
    return %arg1, %c0_i32, %c0_i32_0 : i32, i32, i32
  }
  func.func @transform_3(%arg0: i32, %arg1: i32) -> (i32, i32) {
    %c0_i32 = arith.constant 0 : i32
    %c0_i32_0 = arith.constant 0 : i32
    return %arg1, %c0_i32 : i32, i32
  }
  func.func @transform_4(%arg0: i32, %arg1: i32) -> (i32, i32, i32) {
    %c0_i32 = arith.constant 0 : i32
    %c0_i32_0 = arith.constant 0 : i32
    %c0_i32_1 = arith.constant 0 : i32
    return %c0_i32, %arg0, %c0_i32_0 : i32, i32, i32
  }
}

module attributes {stable_mosaic.version = 14 : i64} {
  func.func @f_body(%arg0: i32, %arg1: memref<2x5000x128xf32, #tpu.memory_space<vmem>>, %arg2: memref<1x32x5000xf32, #tpu.memory_space<vmem>>, %arg3: memref<2x1x128xf32, #tpu.memory_space<vmem>>, %arg4: memref<5000x256xf32, #tpu.memory_space<vmem>>) attributes {dimension_semantics = [#tpu.dimension_semantics<arbitrary>], iteration_bounds = array<i64: 2>, scalar_prefetch = 0 : i64, scratch_operands = 0 : i64, tpu.core_type = #tpu.core_type<tc>, window_params = [{transform_indices = @transform_0, window_bounds = array<i64: 2, 5000, 128>}, {transform_indices = @transform_1, window_bounds = array<i64: 1, 32, 5000>}, {pipeline_mode = #tpu.pipeline_mode<synchronous>, transform_indices = @transform_2, window_bounds = array<i64: 2, 1, 128>}, {transform_indices = @transform_3, window_bounds = array<i64: 5000, 256>}]} {
    %get3A = arith.constant 0 : index
    %get3A_0 = arith.constant 0 : index
    %get3A_1 = arith.constant 0 : index
    %get3A_2 = vector.load %arg2[%get3A, %get3A_0, %get3A_1] : memref<1x32x5000xf32, #tpu.memory_space<vmem>>, vector<1x32x5000xf32>
    %get3A_3 = vector.shape_cast %get3A_2 : vector<1x32x5000xf32> to vector<32x5000xf32>
    %reduce_sum3A = arith.constant dense<0.000000e+00> : vector<5000xf32>
    %reduce_sum3A_4 = vector.multi_reduction <add>, %get3A_3, %reduce_sum3A [0] : vector<32x5000xf32> to vector<5000xf32>
    %add3A = arith.constant 1.000000e+00 : f32
    %add3A_5 = vector.broadcast %add3A : f32 to vector<5000xf32>
    %add3A_6 = arith.addf %reduce_sum3A_4, %add3A_5 : vector<5000xf32>
    %rsqrt3A = math.rsqrt %add3A_6 : vector<5000xf32>
    %get3A_7 = arith.constant 0 : index
    %get3A_8 = arith.constant 0 : index
    %get3A_9 = arith.constant 0 : index
    %get3A_10 = vector.load %arg1[%get3A_7, %get3A_8, %get3A_9] : memref<2x5000x128xf32, #tpu.memory_space<vmem>>, vector<1x5000x128xf32>
    %get3A_11 = vector.shape_cast %get3A_10 : vector<1x5000x128xf32> to vector<5000x128xf32>
    %broadcast_in_dim3A = vector.shape_cast %rsqrt3A : vector<5000xf32> to vector<5000x1xf32>
    %mul3A = vector.broadcast %broadcast_in_dim3A : vector<5000x1xf32> to vector<5000x128xf32>
    %mul3A_12 = arith.mulf %get3A_11, %mul3A : vector<5000x128xf32>
    %get3A_13 = arith.constant 0 : index
    %get3A_14 = arith.constant 0 : index
    %get3A_15 = arith.constant 0 : index
    %get3A_16 = vector.load %arg3[%get3A_13, %get3A_14, %get3A_15] : memref<2x1x128xf32, #tpu.memory_space<vmem>>, vector<1x1x128xf32>
    %get3A_17 = vector.shape_cast %get3A_16 : vector<1x1x128xf32> to vector<128xf32>
    %broadcast_in_dim3A_18 = vector.shape_cast %get3A_17 : vector<128xf32> to vector<1x128xf32>
    %add3A_19 = vector.broadcast %broadcast_in_dim3A_18 : vector<1x128xf32> to vector<5000x128xf32>
    %add3A_20 = arith.addf %mul3A_12, %add3A_19 : vector<5000x128xf32>
    %swap3A = arith.constant 0 : index
    %swap3A_21 = arith.constant 0 : index
    %swap3A_22 = vector.load %arg4[%swap3A, %swap3A_21] : memref<5000x256xf32, #tpu.memory_space<vmem>>, vector<5000x128xf32>
    tpu.vector_store %arg4[%swap3A, %swap3A_21], %add3A_20 {strides = array<i32>} : memref<5000x256xf32, #tpu.memory_space<vmem>>, vector<5000x128xf32>,
    %get3A_23 = arith.constant 1 : index
    %get3A_24 = arith.constant 0 : index
    %get3A_25 = arith.constant 0 : index
    %get3A_26 = vector.load %arg1[%get3A_23, %get3A_24, %get3A_25] : memref<2x5000x128xf32, #tpu.memory_space<vmem>>, vector<1x5000x128xf32>
    %get3A_27 = vector.shape_cast %get3A_26 : vector<1x5000x128xf32> to vector<5000x128xf32>
    %broadcast_in_dim3A_28 = vector.shape_cast %rsqrt3A : vector<5000xf32> to vector<5000x1xf32>
    %mul3A_29 = vector.broadcast %broadcast_in_dim3A_28 : vector<5000x1xf32> to vector<5000x128xf32>
    %mul3A_30 = arith.mulf %get3A_27, %mul3A_29 : vector<5000x128xf32>
    %get3A_31 = arith.constant 1 : index
    %get3A_32 = arith.constant 0 : index
    %get3A_33 = arith.constant 0 : index
    %get3A_34 = vector.load %arg3[%get3A_31, %get3A_32, %get3A_33] : memref<2x1x128xf32, #tpu.memory_space<vmem>>, vector<1x1x128xf32>
    %get3A_35 = vector.shape_cast %get3A_34 : vector<1x1x128xf32> to vector<128xf32>
    %broadcast_in_dim3A_36 = vector.shape_cast %get3A_35 : vector<128xf32> to vector<1x128xf32>
    %add3A_37 = vector.broadcast %broadcast_in_dim3A_36 : vector<1x128xf32> to vector<5000x128xf32>
    %add3A_38 = arith.addf %mul3A_30, %add3A_37 : vector<5000x128xf32>
    %swap3A_39 = arith.constant 0 : index
    %swap3A_40 = arith.constant 128 : index
    %swap3A_41 = vector.load %arg4[%swap3A_39, %swap3A_40] : memref<5000x256xf32, #tpu.memory_space<vmem>>, vector<5000x128xf32>
    tpu.vector_store %arg4[%swap3A_39, %swap3A_40], %add3A_38 {strides = array<i32>} : memref<5000x256xf32, #tpu.memory_space<vmem>>, vector<5000x128xf32>,
    return
  }
  func.func @transform_0(%arg0: i32) -> (i32, i32, i32) {
    %c0_i32 = arith.constant 0 : i32
    %c0_i32_0 = arith.constant 0 : i32
    %c0_i32_1 = arith.constant 0 : i32
    return %c0_i32, %arg0, %c0_i32_0 : i32, i32, i32
  }
  func.func @transform_1(%arg0: i32) -> (i32, i32, i32) {
    %c0_i32 = arith.constant 0 : i32
    %c0_i32_0 = arith.constant 0 : i32
    %c0_i32_1 = arith.constant 0 : i32
    return %arg0, %c0_i32, %c0_i32_0 : i32, i32, i32
  }
  func.func @transform_2(%arg0: i32) -> (i32, i32, i32) {
    %c0_i32 = arith.constant 0 : i32
    %c0_i32_0 = arith.constant 0 : i32
    %c0_i32_1 = arith.constant 0 : i32
    %c0_i32_2 = arith.constant 0 : i32
    return %c0_i32, %c0_i32_0, %c0_i32_1 : i32, i32, i32
  }
  func.func @transform_3(%arg0: i32) -> (i32, i32) {
    %c0_i32 = arith.constant 0 : i32
    %c0_i32_0 = arith.constant 0 : i32
    return %arg0, %c0_i32 : i32, i32
  }
}

</mosaic_0001>

<sc_bundles>
// kernel: kernel.11.cloned.1.call-start
scs
__scs_entry_jumppad:
0x0: {  	(pc) =	sbr.rel $0x88, $3  }
0x1: {  	(tag) =	ssettag $0x0;
	lr =	simm.s32 $0x1  }
0x2: {  	[smem:$0x3F9B] =	sst lr;
	_ =	strace $0xD0000000  }
0x3: {  	_ = 	snop  }
0x4: {  	_ = 	snop  }
0x5: {  	_ = 	snop  }
0x6: {  	_ = 	snop  }
0x7: {  	_ = 	snop  }
__scs_overlays_trampoline_lowered:
0x8: {  	[smem:$0x3FAA] =	sst s0  }
0x9: {  	[smem:$0x3FAB] =	sst s1  }
0xa: {  	[smem:$0x3FAC] =	sst s2  }
0xb: {  	[smem:$0x3FAD] =	sst s3  }
0xc: {  	[smem:$0x3FAE] =	sst s4  }
0xd: {  	[smem:$0x3FAF] =	sst s5  }
0xe: {  	[smem:$0x3FB0] =	sst s6  }
0xf: {  	[smem:$0x3FB1] =	sst s7  }
0x10: {  	[smem:$0x3FB2] =	sst s8  }
0x11: {  	[smem:$0x3FB3] =	sst s9;
	s0 =	simm.s32 @!p0 $0x0  }
0x12: {  	s1 =	sld [smem:$0x3F99];
	s0 =	simm.s32 @p0 $0x1  }
0x13: {  	[smem:$0x3FB4] =	sst s0;
	s0 =	simm.s32 @!p1 $0x0  }
0x14: {  	s2 =	sld [smem:$0x3F98];
	s0 =	simm.s32 @p1 $0x1  }
0x15: {  	[smem:$0x3FB5] =	sst s0;
	s0 =	simm.s32 @!p2 $0x0  }
0x16: {  	s3 =	sld [smem:$0x3FDB];
	s0 =	simm.s32 @p2 $0x1  }
0x17: {  	s4 =	simm.s32 $0x1BF5;
	[smem:$0x3FB7] =	sst s0  }
0x18: {  	s0 =	sld [smem:$0x3F9A];
	_ =	swait.ge [sflag:s4], $0x0  }
0x19: {  	s7 =	sld [smem:$0x3F9B]  }
0x1a: {  	s8 =	sadd.s32 $0xFFFFE003, lr  }
0x1b: {  	s9 =	sadd.s32 $0xFFFFFEF7, lr;
	s5 =	simm.s32 $0xFFFFFFFF;
	p2 =	slt.u32 s8, $0xFFFFF086  }
0x1c: {  	p1 =	slt.u32 s9, $0xF7A;
	s5 =	simm.s32 @!p2 $0x0  }
0x1d: {  	s5 =	simm.s32 @p1 $0x1;
	p0 =	seq.s32 s7, s2  }
0x1e: {  	s7 =	smul.u32 @!p0 $0xF7A, s2;
	p2 =	seq.s32 @!p0 s5, $0x0  }
0x1f: {  	s9 =	smul.u32 $0xF7A, s1;
	s8 =	simm.s32 @!p0 $0x1BF5;
	p2 =	por !p2, p0  }
0x20: {  	[sflag:s8] =	ssyncset.s32 @!p0 $0xFFFFF086;
	s6 =	sadd.s32 @!p0 s3, s7;
	s7 =	simm.s32 @!p0 $0x108  }
0x21: {  	s3 =	sadd.s32 s3, s9;
	s6 =	sadd.s32 @!p0 $0x88, s6;
	s7 =	simm.s32 @p2 $0x1082  }
0x22: {  	[simem:s7], [sflag:s8] =	dma.local @!p0 [hbm:s6], $0xF7A  }
0x23: {  	s9 =	sor.u32 $0xD0000000, s2;
	s6 =	simm.s32 $0x108;
	_ =	swait.ge @!p0 [sflag:s8], $0x0  }
0x24: {  	s3 =	sadd.s32 $0x88, s3;
	s6 =	simm.s32 @!p1 $0x1082;
	[sflag:s4] =	ssyncset.s32 $0xFFFFF086  }
0x25: {  	[simem:s6], [sflag:s4] =	dma.local [hbm:s3], $0xF7A  }
0x26: {  	[smem:$0x3F9B] =	sst s1;
	(tag) =	ssettag s2;
	_ =	strace s9  }
0x27: {  	s1 =	sld [smem:$0x3FAB]  }
0x28: {  	s2 =	sld [smem:$0x3FAC]  }
0x29: {  	s4 =	sld [smem:$0x3FAE]  }
0x2a: {  	p0 =	seq.s32 s5, $0x0;
	s5 =	sld [smem:$0x3FAF]  }
0x2b: {  	s6 =	sld [smem:$0x3FB0]  }
0x2c: {  	s7 =	sld [smem:$0x3FB1]  }
0x2d: {  	s3 =	simm.s32 $0x108;
	s8 =	sld [smem:$0x3FB2]  }
0x2e: {  	s3 =	simm.s32 @!p0 $0x1082;
	s9 =	sld [smem:$0x3FB3]  }
0x2f: {  	lr =	sadd.s32 s0, s3;
	s0 =	sld [smem:$0x3FAA]  }
0x30: {  	s3 =	sld [smem:$0x3FAD]  }
0x31: {  	[smem:$0x3FB6] =	sst s10  }
0x32: {  	s10 =	sld [smem:$0x3FB4];
	_ =	sdelay $0x3  }
0x33: {  	p0 =	seq.s32 s10, $0x1;
	s10 =	sld [smem:$0x3FB6];
	_ =	sdelay $0x3  }
0x34: {  	[smem:$0x3FB6] =	sst s10  }
0x35: {  	s10 =	sld [smem:$0x3FB5];
	_ =	sdelay $0x3  }
0x36: {  	p1 =	seq.s32 s10, $0x1;
	s10 =	sld [smem:$0x3FB6];
	_ =	sdelay $0x3  }
0x37: {  	[smem:$0x3FB6] =	sst s10  }
0x38: {  	s10 =	sld [smem:$0x3FB7]  }
0x39: {  	_ = 	snop;
	(pc) =	sbr.ind lr, $3  }
0x3a: {  	_ = 	snop  }
0x3b: {  	_ = 	snop  }
0x3c: {  	p2 =	seq.s32 s10, $0x1;
	s10 =	sld [smem:$0x3FB6]  }
0x3d: {  	_ =	shalt  }
0x3e: {  	_ =	shalt  }
0x3f: {  	_ =	shalt  }
0x40: {  	_ =	shalt  }
0x41: {  	_ =	shalt  }
0x42: {  	_ =	shalt  }
0x43: {  	_ =	shalt  }
0x44: {  	_ =	shalt  }
0x45: {  	_ =	shalt  }
0x46: {  	_ =	shalt  }
0x47: {  	_ =	shalt  }
0x48: {  	_ =	shalt  }
0x49: {  	_ =	shalt  }
0x4a: {  	_ =	shalt  }
0x4b: {  	_ =	shalt  }
0x4c: {  	_ =	shalt  }
0x4d: {  	_ =	shalt  }
0x4e: {  	_ =	shalt  }
0x4f: {  	_ =	shalt  }
0x50: {  	_ =	shalt  }
0x51: {  	_ =	shalt  }
0x52: {  	_ =	shalt  }
0x53: {  	_ =	shalt  }
0x54: {  	_ =	shalt  }
0x55: {  	_ =	shalt  }
0x56: {  	_ =	shalt  }
0x57: {  	_ =	shalt  }
0x58: {  	_ =	shalt  }
0x59: {  	_ =	shalt  }
0x5a: {  	_ =	shalt  }
0x5b: {  	_ =	shalt  }
0x5c: {  	_ =	shalt  }
0x5d: {  	_ =	shalt  }
0x5e: {  	_ =	shalt  }
0x5f: {  	_ =	shalt  }
0x60: {  	_ =	shalt  }
0x61: {  	_ =	shalt  }
0x62: {  	_ =	shalt  }
0x63: {  	_ =	shalt  }
0x64: {  	_ =	shalt  }
0x65: {  	_ =	shalt  }
0x66: {  	_ =	shalt  }
0x67: {  	_ =	shalt  }
0x68: {  	_ =	shalt  }
0x69: {  	_ =	shalt  }
0x6a: {  	_ =	shalt  }
0x6b: {  	_ =	shalt  }
0x6c: {  	_ =	shalt  }
0x6d: {  	_ =	shalt  }
0x6e: {  	_ =	shalt  }
0x6f: {  	_ =	shalt  }
0x70: {  	_ =	shalt  }
0x71: {  	_ =	shalt  }
0x72: {  	_ =	shalt  }
0x73: {  	_ =	shalt  }
0x74: {  	_ =	shalt  }
0x75: {  	_ =	shalt  }
0x76: {  	_ =	shalt  }
0x77: {  	_ =	shalt  }
0x78: {  	_ =	shalt  }
0x79: {  	_ =	shalt  }
0x7a: {  	_ =	shalt  }
0x7b: {  	_ =	shalt  }
0x7c: {  	_ =	shalt  }
0x7d: {  	_ =	shalt  }
0x7e: {  	_ =	shalt  }
0x7f: {  	_ =	shalt  }
0x80: {  	_ =	shalt  }
0x81: {  	_ =	shalt  }
0x82: {  	_ =	shalt  }
0x83: {  	_ =	shalt  }
0x84: {  	_ =	shalt  }
0x85: {  	_ =	shalt  }
0x86: {  	_ =	shalt  }
0x87: {  	_ =	shalt  }
.Lfunc_end0:
.L_simem_size_0:
called_computation.1_lowered:
.L_overlay_start_0:
0x88: {  	s2 =	sld [smem:$0x3FD9]  }
0x89: {  	s3 =	sld [smem:$0x3FFE];
	_ =	sdelay $0x1  }
0x8a: {  	s1 =	srdreg.scid  }
0x8b: {  	s0 =	sand.u32 $0x1, s1  }
0x8c: {  	s16 =	sshll.u32 s0, $0xA;
	s2 =	sadd.s32 s3, s2  }
0x8d: {  	s2 =	sadd.s32 s2, s16  }
0x8e: {  	[smem:$0x3FC2] =	sst s2  }
0x8f: {  	_ = 	snop  }
0x90: {  	(tm) =	ssettm $0x1  }
0x91: {  	s17 =	sld [smem:$0x3FFB];
	_ =	sdelay $0x3  }
0x92: {  	_ =	strace s17  }
0x93: {  	s2 =	sld [smem:$0x3FFC];
	_ =	sdelay $0x3  }
0x94: {  	_ =	strace s2  }
0x95: {  	s2 =	sld [smem:$0x3FFD];
	_ =	sdelay $0x3  }
0x96: {  	_ =	strace s2  }
0x97: {  	_ =	strace $0x8FFFFFFF  }
0x98: {  	s18 =	sld [smem:$0x3FDB];
	_ =	sdelay $0x1  }
0x99: {  	s19 =	simm.s32 $_scs_section_size  }
0x9a: {  	s4 =	simm.s32 $_size__tile_overlayer_lowered;
	s5 =	simm.s32 $_tile_overlayer_lowered  }
0x9b: {  	s22 =	simm.s32 $0x1BFF;
	s21 =	sshll.u32 s5, $0x1;
	s2 =	sadd.s32 s19, s18  }
0x9c: {  	s6 =	simm.s32 $0x0;
	s20 =	sshll.u32 s4, $0x1;
	s4 =	sadd.s32 s21, s2  }
0x9d: {  	[timem:s6], [sflag:s22] =	dma.local [hbm:s4], s20  }
0x9e: {  	_ =	swait.ge [sflag:s22], s20  }
0x9f: {  	s3 =	ssub.s32 $0x0, s20;
	[sflag:s22] =	ssyncset.done $0x0  }
0xa0: {  	[sflag:s22] =	ssyncadd.s32 s3;
	_ =	sdelay $0x1  }
0xa1: {  	s23 =	simm.s32 $0x1B8B  }
0xa2: {  	_ =	swait.ge [sflag:s23], $0x1  }
0xa3: {  	[sflag:s23] =	ssyncset.done $0x0  }
0xa4: {  	s25 =	simm.s32 $0x1B8E;
	s24 =	sld [smem:$0x3FFE];
	[sflag:s23] =	ssyncadd.s32 $0xFFFFFFFF  }
0xa5: {  	s26 =	simm.s32 $execute0_lowered;
	[smem:$0x3FD2] =	sst s25  }
0xa6: {  	s4 =	sshll.u32 s26, $0x1;
	_ =	strace $0x80000049;
	[dreg:$0x1] =	wrdreg $0xFFFFFFFF  }
0xa7: {  	s28 =	simm.s32 $_size_execute0_lowered;
	s2 =	sadd.s32 s2, s4;
	[dreg:$0x0] =	wrdreg $0x0  }
0xa8: {  	s4 =	sshll.u32 s28, $0x1;
	[dreg:$0x2] =	wrdreg s2  }
0xa9: {  	[dreg:$0x3] =	wrdreg s4  }
0xaa: {  	[dreg:$0x4] =	wrdreg $0xC0  }
0xab: {  	_ =	task [dreg:s6], $0x5FFFF  }
0xac: {  	[dreg:$0x1] =	wrdreg $0xFFFFFFFF  }
0xad: {  	[dreg:$0x0] =	wrdreg $0x60  }
0xae: {  	[dreg:$0x2] =	wrdreg s24  }
0xaf: {  	[dreg:$0x3] =	wrdreg $0x0  }
0xb0: {  	[dreg:$0x4] =	wrdreg $0x9  }
0xb1: {  	_ =	task.clear_ibuf [dreg:s6], $0x5FFFF;
	_ =	strace $0x90000049  }
0xb2: {  	s29 =	simm.s32 $0x9;
	_ =	strace $0x8000004B  }
0xb3: {  	_ =	swait.ge [sflag:s29], $0x1  }
0xb4: {  	[sflag:s29] =	ssyncadd.s32 $0xFFFFFFFF  }
0xb5: {  	_ =	strace $0x9000004B  }
0xb6: {  	_ =	sfence  }
0xb7: {  	s30 =	sld [smem:$0x0];
	_ =	sdelay $0x2  }
0xb8: {  	s31 =	sshll.u32 s1, $0xD;
	s1 =	sshrl.u32 s1, $0x2  }
0xb9: {  	s3 =	sand.u32 $0x4000, s31;
	s1 =	sadd.s32 s1, s30  }
0xba: {  	s0 =	sor.u32 s3, s0;
	s1 =	sshll.u32 s1, $0x11  }
0xbb: {  	s0 =	sor.u32 s1, s0  }
0xbc: {  	s0 =	sadd.s32 $0x8F2B, s0  }
0xbd: {  	[sflag:s0] =	ssyncadd.remote.s32 $0x1  }
0xbe: {  	_ =	sfence.sel $0xFFFF  }
0xbf: {  	[dreg:$0x0] =	wrdreg $0xFFFFFFFF;
	(pc) =	sbr.abs _section_cstart, $3  }
0xc0: {  	[dreg:$0x1] =	wrdreg $0xFFFFFFFF  }
0xc1: {  	_ =	task.clear_ibuf [dreg:s6], $0x2FFFF;
	_ =	strace $0x9FFFFFFF  }
0xc2: {  	(tm) =	ssettm $0x7FFFFFFF  }
0xc3: {  	_ =	shalt  }
tec
execute0_lowered:
.L_overlay_start_1:
0x0: {  	(tag) =	ssettag $0x1  }
0x1: {  	s0 =	rddreg [dreg:$0x0]  }
0x2: {  	s2 =	rddreg [dreg:$0x1]  }
0x3: {  	s3 =	simm.s32 $0x0;
	s9 =	stileid.u32;
	s1 =	srdreg.scid  }
0x4: {  	s14 =	simm.s32 $0x13880;
	s15 =	simm.s32 $0x13C80;
	s16 =	simm.s32 $0x1  }
0x5: {  	s17 =	simm.s32 $0x50;
	s18 =	simm.s32 $0x14080;
	s21 =	simm.s32 $0x2  }
0x6: {  	s23 =	simm.s32 $0x16880;
	s24 =	simm.s32 $0x14;
	s29 =	simm.s32 $0x18  }
0x7: {  	s20 =	simm.s32 $0x5;
	s25 =	simm.s32 $0x7;
	s28 =	simm.s32 $0xD  }
0x8: {  	s31 =	simm.s32 $0x0;
	[smem:$0x7FF] =	sst s3;
	s5 =	smul.u32 $0x4E2, s9  }
0x9: {  	s1 =	sand.u32 $0x1, s1;
	s4 =	sadd.s32 $0xB200, s0;
	s6 =	smul.u32 $0x7D000, s9  }
0xa: {  	s8 =	smul.u32 $0x3E8, s9;
	p0 =	sgt.u32 s9, $0x9;
	_ =	strace $0x8000004A  }
0xb: {  	s12 =	smul.u32 $0x4E20, s1;
	s1 =	ssub.s32 $0x2, s1;
	[dreg:$0xa] =	wrdreg s31  }
0xc: {  	s5 =	sadd.s32 s5, s0;
	s7 =	sshrl.u32 s1, $0x1;
	s0 =	sadd.s32 $0xA7600, s0  }
0xd: {  	s6 =	sshrl.u32 s6, $0x2;
	s1 =	ssub.s32 s1, s7;
	s13 =	sadd.s32 $0x2710, s12  }
0xe: {  	s26 =	sadd.s32 s8, s12;
	s6 =	sadd.s32 s6, s2;
	s11 =	sadd.s32 $0x1200, s5  }
0xf: {  	s8 =	sadd.s32 s8, s13;
	s7 =	sshll.u32 s26, $0x4;
	s1 =	smax.u32 s1, $0x1  }
0x10: {  	s19 =	sshrl.u32 @!p0 s6, $0x3;
	s6 =	simm.s32 $0x9;
	[dreg:$0x6] =	wrdreg s1  }
0x11: {  	s8 =	sshll.u32 s8, $0x4;
	s10 =	sadd.s32 s4, s7;
	[dreg:$0x9] =	wrdreg s19  }
0x12: {  	s7 =	sadd.s32 s0, s7;
	s1 =	simm.s32 $0x19080;
	[dreg:$0x3] =	wrdreg s10  }
.Ltmp0:
0x13: {  	[dreg:$0x4] =	wrdreg s7;
	s0 =	sadd.s32 s0, s8;
	(pc) =	sbr.rel .LBB2_1-.Ltmp0, $4  }
0x14: {  	s30 =	sadd.s32 s4, s8;
	[dreg:$0x7] =	wrdreg s0;
	s0 =	sshll.u32 @!p0 s9, $0x6  }
0x15: {  	s10 =	sadd.s32 $0x6200, s5;
	s5 =	simm.s32 $0x11;
	s9 =	sor.u32 @!p0 $0x1C19, s0  }
0x16: {  	v1 =	vmov s13;
	s7 =	simm.s32 $0x15;
	[dreg:$0x5] =	wrdreg s30;
	s13 =	smov.u32 s9  }
0x17: {  	v0 =	vmov s12;
	s8 =	simm.s32 $0x6;
	s0 =	simm.s32 $0x3;
	[dreg:$0x8] =	wrdreg s13  }
.LBB2_79:
0x18: {  	[bflag:$0x0] =	sbarrier.arrive $0xFFFF  }
0x19: {  	s9 =	rddreg [dreg:$0x7]  }
0x1a: {  	s13 =	rddreg [dreg:$0x8]  }
0x1b: {  	[hbm:s9], [sflag:s13] =	dma.local @!p0 [spmem:s19], $0x3E80  }
0x1c: {  	s9 =	simm.s32 @!p0 $0x19  }
0x1d: {  	_ =	swait.ge @!p0 [sflag:s9], $0x3E80  }
0x1e: {  	s22 =	rddreg [dreg:$0xa]  }
0x1f: {  	s12 =	rddreg [dreg:$0x6];
	s22 =	sadd.s32 $0x1, s22  }
0x20: {  	p1 =	sne.s32 s22, s12  }
.Ltmp1:
0x21: {  	_ = 	snop;
	(pc) =	sbr.rel @!p1 .LBB2_80-.Ltmp1, $3  }
0x22: {  	_ =	sdelay $0x1  }
0x23: {  	[sflag:s9] =	ssyncset.done @!p0 $0x0  }
0x24: {  	[sflag:s9] =	ssyncadd.s32 @!p0 $0xFFFFC180;
	[dreg:$0xa] =	wrdreg s22  }
.LBB2_1:
0x25: {  	s9 =	rddreg [dreg:$0x3];
	s12 =	simm.s32 @!p0 $0x19  }
0x26: {  	[spmem:s19], [sflag:s13] =	dma.local @!p0 [hbm:s9], $0x3E80  }
.Ltmp2:
0x27: {  	_ =	swait.ge @!p0 [sflag:s12], $0x3E80;
	(pc) =	sbr.rel .LBB2_2-.Ltmp2, $4  }
0x28: {  	[sflag:s12] =	ssyncset.done @!p0 $0x0  }
0x29: {  	[sflag:s12] =	ssyncadd.s32 @!p0 $0xFFFFC180  }
0x2a: {  	[bflag:$0x0] =	sbarrier.arrive $0xFFFF  }
0x2b: {  	s13 =	simm.s32 $0x0;
	s12 =	simm.s32 $0x7  }
.LBB2_38:
0x2c: {  	_ =	swait.ge [sflag:s5], $0x2800  }
0x2d: {  	[sflag:s5] =	ssyncset.done $0x0  }
0x2e: {  	[sflag:s5] =	ssyncadd.s32 $0xFFFFD800  }
0x2f: {  	_ =	swait.ge [sflag:s28], $0x50  }
0x30: {  	[sflag:s28] =	ssyncset.done $0x0  }
0x31: {  	s9 =	simm.s32 $0x13E80;
	[sflag:s28] =	ssyncadd.s32 $0xFFFFFFB0  }
0x32: {  	[spmem:s2] =	stream.indirect.scatter.add.f32 [tilespmem:s18], [sflag:$0x15], $0x80, s9, s17, $0xb8;
	[tilespmem:$0x1E080] =	vst v63  }
.LBB2_39:
0x33: {  	s13 =	sadd.s32 $0x50, s13;
	s12 =	sadd.s32 $0x8, s12  }
.LBB2_2:
0x34: {  	s22 =	sadd.s32 $0xFFFFFFF5, s12;
	p2 =	seq.s32 s13, $0x500  }
.Ltmp3:
0x35: {  	p1 =	sgt.u32 s22, $0x7C;
	(pc) =	sbr.rel @p2 .LBB2_40-.Ltmp3, $4  }
0x36: {  	s22 =	simm.s32 @!p1 $0x15  }
0x37: {  	_ =	swait.ge @!p1 [sflag:s22], $0x2800  }
0x38: {  	[sflag:s22] =	ssyncset.done @!p1 $0x0  }
0x39: {  	[sflag:s22] =	ssyncadd.s32 @!p1 $0xFFFFD800  }
0x3a: {  	s22 =	sadd.s32 s13, s11;
	s26 =	sadd.s32 $0xFFFFFFF8, s12  }
0x3b: {  	[tilespmem:s14], [sflag:$0x1] =	stream.linear.gather [hbm4b:s22+s3], $0x50, $0x38;
	[tilespmem:$0x1E080] =	vst v63  }
0x3c: {  	p1 =	sgt.u32 s26, $0x7C  }
0x3d: {  	s30 =	sadd.s32 s13, s10;
	s9 =	simm.s32 @!p1 $0x8  }
0x3e: {  	[tilespmem:s15], [sflag:$0x9] =	stream.linear.gather [hbm4b:s30+s3], $0x50, $0x38;
	[tilespmem:$0x1E080] =	vst v63  }
0x3f: {  	_ =	swait.ge @!p1 [sflag:s9], $0x50  }
0x40: {  	[sflag:s9] =	ssyncset.done @!p1 $0x0  }
0x41: {  	[sflag:s9] =	ssyncadd.s32 @!p1 $0xFFFFFFB0  }
0x42: {  	v2 =	vld @!p1 [tilespmem:$0x13C00]  }
0x43: {  	v3 =	vld @!p1 [tilespmem:$0x13C10]  }
0x44: {  	v4 =	vld @!p1 [tilespmem:$0x13C20]  }
0x45: {  	v5 =	vld @!p1 [tilespmem:$0x13C30]  }
0x46: {  	v6 =	vld @!p1 [tilespmem:$0x13C40]  }
0x47: {  	v2 =	vadd.s32 @!p1 v0, v2  }
0x48: {  	[tilespmem:$0x13C00] =	vst @!p1 v2;
	v2 =	vadd.s32 @!p1 v0, v3  }
0x49: {  	[tilespmem:$0x13C10] =	vst @!p1 v2;
	v2 =	vadd.s32 @!p1 v0, v4  }
0x4a: {  	[tilespmem:$0x13C20] =	vst @!p1 v2;
	v2 =	vadd.s32 @!p1 v0, v5  }
0x4b: {  	[tilespmem:$0x13C30] =	vst @!p1 v2;
	v2 =	vadd.s32 @!p1 v0, v6  }
0x4c: {  	s19 =	simm.s32 @!p1 $0x13C00;
	s31 =	simm.s32 @!p1 $0x1B880;
	s9 =	simm.s32 @!p1 $0x50;
	[tilespmem:$0x13C40] =	vst @!p1 v2  }
0x4d: {  	[tilespmem:s31], [sflag:$0x14] =	stream.indirect.gather @!p1 [hbm4b:s4+s9], $0x80, s19, s9, $0xb8;
	[tilespmem:$0x1E080] =	vst v63  }
0x4e: {  	s19 =	sadd.s32 $0xFFFFFFF6, s12  }
0x4f: {  	p3 =	sgt.u32 s19, $0x7C  }
0x50: {  	s9 =	simm.s32 @!p3 $0x12  }
0x51: {  	_ =	swait.ge @!p3 [sflag:s9], $0x2800  }
0x52: {  	[sflag:s9] =	ssyncset.done @!p3 $0x0  }
0x53: {  	[sflag:s9] =	ssyncadd.s32 @!p3 $0xFFFFD800;
	s9 =	simm.s32 @!p3 $0xE  }
0x54: {  	_ =	swait.ge @!p3 [sflag:s9], $0x50  }
0x55: {  	s19 =	simm.s32 @!p3 $0x13F00;
	[sflag:s9] =	ssyncset.done @!p3 $0x0  }
0x56: {  	s31 =	simm.s32 @!p3 $0x16880;
	[sflag:s9] =	ssyncadd.s32 @!p3 $0xFFFFFFB0;
	s9 =	simm.s32 @!p3 $0x50  }
0x57: {  	[spmem:s2] =	stream.indirect.scatter.add.f32 @!p3 [tilespmem:s31], [sflag:$0x16], $0x80, s19, s9, $0xb8;
	[tilespmem:$0x1E080] =	vst v63  }
0x58: {  	s9 =	simm.s32 @!p3 $0x16  }
0x59: {  	s31 =	sadd.s32 $0xFFFFFFFA, s12;
	_ =	swait.ge @!p3 [sflag:s9], $0x2800  }
0x5a: {  	p2 =	sgt.u32 s31, $0x7C;
	[sflag:s9] =	ssyncset.done @!p3 $0x0  }
0x5b: {  	[sflag:s9] =	ssyncadd.s32 @!p3 $0xFFFFD800;
	s9 =	sadd.s32 @!p2 s13, s11  }
0x5c: {  	s19 =	simm.s32 @!p2 $0x0;
	s31 =	simm.s32 @!p2 $0x13900;
	s9 =	sadd.s32 @!p2 $0xA, s9  }
0x5d: {  	[tilespmem:s31], [sflag:$0x2] =	stream.linear.gather @!p2 [hbm4b:s9+s19], $0x50, $0x38;
	[tilespmem:$0x1E080] =	vst v63  }
0x5e: {  	s9 =	sadd.s32 @!p2 s13, s10  }
0x5f: {  	s31 =	simm.s32 @!p2 $0x13D00;
	s9 =	sadd.s32 @!p2 $0xA, s9  }
0x60: {  	[tilespmem:s31], [sflag:$0xA] =	stream.linear.gather @!p2 [hbm4b:s9+s19], $0x50, $0x38;
	[tilespmem:$0x1E080] =	vst v63  }
0x61: {  	_ =	swait.ge [sflag:s16], $0x50  }
0x62: {  	[sflag:s16] =	ssyncset.done $0x0  }
0x63: {  	[sflag:s16] =	ssyncadd.s32 $0xFFFFFFB0  }
0x64: {  	v2 =	vld [tilespmem:$0x13880]  }
0x65: {  	v3 =	vld [tilespmem:$0x13890]  }
0x66: {  	v61 =	vld [tilespmem:$0x138A0]  }
0x67: {  	v62 =	vld [tilespmem:$0x138B0]  }
0x68: {  	v63 =	vld [tilespmem:$0x138C0]  }
0x69: {  	v2 =	vadd.s32 v0, v2  }
0x6a: {  	[tilespmem:$0x13880] =	vst v2;
	v2 =	vadd.s32 v0, v3  }
0x6b: {  	[tilespmem:$0x13890] =	vst v2;
	v2 =	vadd.s32 v0, v61  }
0x6c: {  	s19 =	sadd.s32 $0xFFFFFFF7, s12;
	[tilespmem:$0x138A0] =	vst v2;
	v2 =	vadd.s32 v0, v62  }
0x6d: {  	p3 =	sgt.u32 s19, $0x7C;
	[tilespmem:$0x138B0] =	vst v2;
	v2 =	vadd.s32 v0, v63  }
0x6e: {  	s9 =	simm.s32 @!p3 $0x13;
	[tilespmem:$0x138C0] =	vst v2  }
0x6f: {  	[tilespmem:s18], [sflag:$0x11] =	stream.indirect.gather [hbm4b:s4+s17], $0x80, s14, s17, $0xb8;
	[tilespmem:$0x1E080] =	vst v63  }
0x70: {  	_ =	swait.ge @!p3 [sflag:s9], $0x2800  }
0x71: {  	[sflag:s9] =	ssyncset.done @!p3 $0x0  }
0x72: {  	[sflag:s9] =	ssyncadd.s32 @!p3 $0xFFFFD800;
	s9 =	simm.s32 @!p3 $0xF  }
0x73: {  	_ =	swait.ge @!p3 [sflag:s9], $0x50  }
0x74: {  	s19 =	simm.s32 @!p3 $0x13F80;
	[sflag:s9] =	ssyncset.done @!p3 $0x0  }
0x75: {  	s31 =	simm.s32 @!p3 $0x19080;
	[sflag:s9] =	ssyncadd.s32 @!p3 $0xFFFFFFB0;
	s9 =	simm.s32 @!p3 $0x50  }
0x76: {  	[spmem:s2] =	stream.indirect.scatter.add.f32 @!p3 [tilespmem:s31], [sflag:$0x17], $0x80, s19, s9, $0xb8;
	[tilespmem:$0x1E080] =	vst v63  }
0x77: {  	s31 =	sadd.s32 $0xFFFFFFFB, s12  }
0x78: {  	p4 =	sgt.u32 s31, $0x7C  }
.Ltmp4:
0x79: {  	_ = 	snop;
	(pc) =	sbr.rel @p4 .LBB2_5-.Ltmp4, $4  }
0x7a: {  	s9 =	simm.s32 @!p3 $0x17  }
0x7b: {  	_ =	swait.ge @!p3 [sflag:s9], $0x2800  }
0x7c: {  	[sflag:s9] =	ssyncset.done @!p3 $0x0  }
0x7d: {  	[sflag:s9] =	ssyncadd.s32 @!p3 $0xFFFFD800  }
.Ltmp5:
0x7e: {  	(pc) =	sbr.rel .LBB2_6-.Ltmp5, $4  }
0x7f: {  	s9 =	sadd.s32 $0x14, s22;
	s19 =	simm.s32 $0x13980  }
0x80: {  	[tilespmem:s19], [sflag:$0x3] =	stream.linear.gather [hbm4b:s9+s3], $0x50, $0x38;
	[tilespmem:$0x1E080] =	vst v63  }
0x81: {  	s31 =	simm.s32 $0x13D80;
	s19 =	sadd.s32 $0x14, s30  }
0x82: {  	[tilespmem:s31], [sflag:$0xB] =	stream.linear.gather [hbm4b:s19+s3], $0x50, $0x38;
	[tilespmem:$0x1E080] =	vst v63  }
.LBB2_5:
.Ltmp6:
0x83: {  	(pc) =	sbr.rel @p2 .LBB2_7-.Ltmp6, $1  }
0x84: {  	_ =	sdelay $0x3  }
.LBB2_6:
0x85: {  	_ =	swait.ge [sflag:s21], $0x50  }
0x86: {  	[sflag:s21] =	ssyncset.done $0x0  }
0x87: {  	[sflag:s21] =	ssyncadd.s32 $0xFFFFFFB0  }
0x88: {  	v2 =	vld [tilespmem:$0x13900]  }
0x89: {  	v3 =	vld [tilespmem:$0x13910]  }
0x8a: {  	v4 =	vld [tilespmem:$0x13920]  }
0x8b: {  	v5 =	vld [tilespmem:$0x13930]  }
0x8c: {  	v6 =	vld [tilespmem:$0x13940]  }
0x8d: {  	v2 =	vadd.s32 v0, v2  }
0x8e: {  	p1 =	slt.u32 s26, $0x7D;
	[tilespmem:$0x13900] =	vst v2;
	v2 =	vadd.s32 v0, v3  }
.Ltmp7:
0x8f: {  	[tilespmem:$0x13910] =	vst v2;
	v2 =	vadd.s32 v0, v4;
	(pc) =	sbr.rel @p1 .LBB2_8-.Ltmp7, $4  }
.Ltmp8:
0x90: {  	[tilespmem:$0x13920] =	vst v2;
	v2 =	vadd.s32 v0, v5;
	(pc) =	sbr.rel @!p1 .LBB2_9-.Ltmp8, $4  }
0x91: {  	[tilespmem:$0x13930] =	vst v2;
	v2 =	vadd.s32 v0, v6  }
0x92: {  	s9 =	simm.s32 $0x13900;
	p3 =	por $0x1, $0x1;
	[tilespmem:$0x13940] =	vst v2  }
0x93: {  	[tilespmem:s23], [sflag:$0x12] =	stream.indirect.gather [hbm4b:s4+s17], $0x80, s9, s17, $0xb8;
	[tilespmem:$0x1E080] =	vst v63  }
0x94: {  	_ = 	snop  }
.LBB2_7:
.Ltmp9:
0x95: {  	(pc) =	sbr.rel @p1 .LBB2_14-.Ltmp9, $2  }
0x96: {  	_ =	sdelay $0x2  }
0x97: {  	p3 =	por $0x0, $0x0;
	p2 =	por $0x0, $0x0;
	p5 =	por $0x0, $0x0  }
.LBB2_8:
0x98: {  	_ =	swait.ge [sflag:s24], $0x2800  }
0x99: {  	[sflag:s24] =	ssyncset.done $0x0  }
0x9a: {  	s9 =	simm.s32 $0x10;
	[sflag:s24] =	ssyncadd.s32 $0xFFFFD800  }
0x9b: {  	_ =	swait.ge [sflag:s9], $0x50  }
0x9c: {  	[sflag:s9] =	ssyncset.done $0x0  }
0x9d: {  	s31 =	simm.s32 $0x14000;
	s19 =	simm.s32 $0x1B880;
	[sflag:s9] =	ssyncadd.s32 $0xFFFFFFB0  }
0x9e: {  	[spmem:s2] =	stream.indirect.scatter.add.f32 [tilespmem:s19], [sflag:$0x18], $0x80, s31, s17, $0xb8;
	[tilespmem:$0x1E080] =	vst v63  }
0x9f: {  	_ =	swait.ge [sflag:s29], $0x2800  }
0xa0: {  	[sflag:s29] =	ssyncset.done $0x0  }
0xa1: {  	[sflag:s29] =	ssyncadd.s32 $0xFFFFD800  }
.LBB2_9:
0xa2: {  	s26 =	sadd.s32 $0xFFFFFFFC, s12  }
0xa3: {  	p1 =	sgt.u32 s26, $0x7C  }
.Ltmp10:
0xa4: {  	_ = 	snop;
	(pc) =	sbr.rel @p1 .LBB2_12-.Ltmp10, $1  }
0xa5: {  	_ =	sdelay $0x3  }
.Ltmp11:
0xa6: {  	(pc) =	sbr.rel .LBB2_11-.Ltmp11, $4  }
0xa7: {  	s9 =	sadd.s32 $0x1E, s22;
	s19 =	simm.s32 $0x13A00  }
0xa8: {  	[tilespmem:s19], [sflag:$0x4] =	stream.linear.gather [hbm4b:s9+s3], $0x50, $0x38;
	[tilespmem:$0x1E080] =	vst v63  }
0xa9: {  	s31 =	simm.s32 $0x13E00;
	s19 =	sadd.s32 $0x1E, s30  }
0xaa: {  	[tilespmem:s31], [sflag:$0xC] =	stream.linear.gather [hbm4b:s19+s3], $0x50, $0x38;
	[tilespmem:$0x1E080] =	vst v63  }
.LBB2_12:
.Ltmp12:
0xab: {  	(pc) =	sbr.rel @p4 .LBB2_13-.Ltmp12, $2  }
0xac: {  	_ =	sdelay $0x2  }
0xad: {  	p2 =	por $0x0, $0x0  }
.LBB2_11:
0xae: {  	_ =	swait.ge [sflag:s0], $0x50  }
0xaf: {  	[sflag:s0] =	ssyncset.done $0x0  }
0xb0: {  	[sflag:s0] =	ssyncadd.s32 $0xFFFFFFB0  }
0xb1: {  	v2 =	vld [tilespmem:$0x13980]  }
0xb2: {  	v3 =	vld [tilespmem:$0x13990]  }
0xb3: {  	v4 =	vld [tilespmem:$0x139A0]  }
0xb4: {  	v5 =	vld [tilespmem:$0x139B0]  }
0xb5: {  	v6 =	vld [tilespmem:$0x139C0]  }
0xb6: {  	v2 =	vadd.s32 v0, v2  }
0xb7: {  	[tilespmem:$0x13980] =	vst v2;
	v2 =	vadd.s32 v0, v3  }
.Ltmp13:
0xb8: {  	[tilespmem:$0x13990] =	vst v2;
	v2 =	vadd.s32 v0, v4;
	(pc) =	sbr.rel .LBB2_14-.Ltmp13, $4  }
0xb9: {  	[tilespmem:$0x139A0] =	vst v2;
	v2 =	vadd.s32 v0, v5  }
0xba: {  	[tilespmem:$0x139B0] =	vst v2;
	v2 =	vadd.s32 v0, v6  }
0xbb: {  	s9 =	simm.s32 $0x13980;
	p5 =	slt.u32 s26, $0x7D;
	p2 =	por $0x1, $0x1;
	[tilespmem:$0x139C0] =	vst v2  }
0xbc: {  	[tilespmem:s1], [sflag:$0x13] =	stream.indirect.gather [hbm4b:s4+s17], $0x80, s9, s17, $0xb8;
	[tilespmem:$0x1E080] =	vst v63  }
.LBB2_13:
0xbd: {  	p5 =	por $0x0, $0x0  }
.LBB2_14:
0xbe: {  	_ =	swait.ge [sflag:s5], $0x2800  }
0xbf: {  	[sflag:s5] =	ssyncset.done $0x0  }
0xc0: {  	[sflag:s5] =	ssyncadd.s32 $0xFFFFD800  }
0xc1: {  	s9 =	sadd.s32 $0xFFFFFFFD, s12;
	_ =	swait.ge [sflag:s6], $0x50  }
0xc2: {  	p4 =	sgt.u32 s9, $0x7C;
	[sflag:s6] =	ssyncset.done $0x0  }
.Ltmp14:
0xc3: {  	[sflag:s6] =	ssyncadd.s32 $0xFFFFFFB0;
	(pc) =	sbr.rel @p4 .LBB2_17-.Ltmp14, $4  }
0xc4: {  	[spmem:s2] =	stream.indirect.scatter.add.f32 [tilespmem:s18], [sflag:$0x15], $0x80, s15, s17, $0xb8;
	[tilespmem:$0x1E080] =	vst v63  }
0xc5: {  	_ =	swait.ge [sflag:s7], $0x2800  }
0xc6: {  	[sflag:s7] =	ssyncset.done $0x0  }
0xc7: {  	[sflag:s7] =	ssyncadd.s32 $0xFFFFD800  }
.Ltmp15:
0xc8: {  	(pc) =	sbr.rel @p5 .LBB2_18-.Ltmp15, $4  }
0xc9: {  	s9 =	sadd.s32 $0x28, s22;
	s19 =	simm.s32 $0x13A80  }
0xca: {  	[tilespmem:s19], [sflag:$0x5] =	stream.linear.gather [hbm4b:s9+s3], $0x50, $0x38;
	[tilespmem:$0x1E080] =	vst v63  }
0xcb: {  	s26 =	sadd.s32 $0x28, s30;
	s31 =	simm.s32 $0x13E80  }
0xcc: {  	[tilespmem:s31], [sflag:$0xD] =	stream.linear.gather [hbm4b:s26+s3], $0x50, $0x38;
	[tilespmem:$0x1E080] =	vst v63  }
.LBB2_16:
.Ltmp16:
0xcd: {  	(pc) =	sbr.rel @!p3 .LBB2_20-.Ltmp16, $2  }
0xce: {  	_ =	sdelay $0x2  }
0xcf: {  	p1 =	por $0x0, $0x0  }
.LBB2_19:
0xd0: {  	s9 =	simm.s32 $0x12  }
0xd1: {  	_ =	swait.ge [sflag:s9], $0x2800  }
0xd2: {  	[sflag:s9] =	ssyncset.done $0x0  }
0xd3: {  	s19 =	simm.s32 $0xA;
	[sflag:s9] =	ssyncadd.s32 $0xFFFFD800  }
0xd4: {  	_ =	swait.ge [sflag:s19], $0x50  }
0xd5: {  	[sflag:s19] =	ssyncset.done $0x0  }
0xd6: {  	s26 =	simm.s32 $0x13D00;
	s31 =	simm.s32 $0x16;
	[sflag:s19] =	ssyncadd.s32 $0xFFFFFFB0  }
0xd7: {  	[spmem:s2] =	stream.indirect.scatter.add.f32 [tilespmem:s23], [sflag:$0x16], $0x80, s26, s17, $0xb8;
	[tilespmem:$0x1E080] =	vst v63  }
0xd8: {  	_ =	swait.ge [sflag:s31], $0x2800  }
0xd9: {  	[sflag:s31] =	ssyncset.done $0x0  }
0xda: {  	[sflag:s31] =	ssyncadd.s32 $0xFFFFD800  }
.LBB2_20:
0xdb: {  	s9 =	sadd.s32 $0xFFFFFFFE, s12  }
0xdc: {  	p5 =	sgt.u32 s9, $0x7C  }
.Ltmp17:
0xdd: {  	_ = 	snop;
	(pc) =	sbr.rel @p5 .LBB2_22-.Ltmp17, $1  }
0xde: {  	_ =	sdelay $0x3  }
.Ltmp18:
0xdf: {  	(pc) =	sbr.rel .LBB2_23-.Ltmp18, $4  }
0xe0: {  	s9 =	sadd.s32 $0x32, s22;
	s19 =	simm.s32 $0x13B00  }
0xe1: {  	[tilespmem:s19], [sflag:$0x6] =	stream.linear.gather [hbm4b:s9+s3], $0x50, $0x38;
	[tilespmem:$0x1E080] =	vst v63  }
0xe2: {  	s26 =	sadd.s32 $0x32, s30;
	s31 =	simm.s32 $0x13F00  }
0xe3: {  	[tilespmem:s31], [sflag:$0xE] =	stream.linear.gather [hbm4b:s26+s3], $0x50, $0x38;
	[tilespmem:$0x1E080] =	vst v63  }
.LBB2_17:
.Ltmp19:
0xe4: {  	(pc) =	sbr.rel @!p5 .LBB2_16-.Ltmp19, $1  }
0xe5: {  	_ =	sdelay $0x3  }
.LBB2_18:
0xe6: {  	s9 =	simm.s32 $0x4  }
0xe7: {  	_ =	swait.ge [sflag:s9], $0x50  }
0xe8: {  	[sflag:s9] =	ssyncset.done $0x0  }
0xe9: {  	[sflag:s9] =	ssyncadd.s32 $0xFFFFFFB0  }
0xea: {  	v2 =	vld [tilespmem:$0x13A00]  }
0xeb: {  	v3 =	vld [tilespmem:$0x13A10]  }
0xec: {  	v4 =	vld [tilespmem:$0x13A20]  }
0xed: {  	v5 =	vld [tilespmem:$0x13A30]  }
0xee: {  	v6 =	vld [tilespmem:$0x13A40]  }
0xef: {  	v2 =	vadd.s32 v0, v2  }
0xf0: {  	[tilespmem:$0x13A00] =	vst v2;
	v2 =	vadd.s32 v0, v3  }
.Ltmp20:
0xf1: {  	[tilespmem:$0x13A10] =	vst v2;
	v2 =	vadd.s32 v0, v4;
	(pc) =	sbr.rel @!p3 .LBB2_20-.Ltmp20, $4  }
.Ltmp21:
0xf2: {  	[tilespmem:$0x13A20] =	vst v2;
	v2 =	vadd.s32 v0, v5;
	(pc) =	sbr.rel @p3 .LBB2_19-.Ltmp21, $4  }
0xf3: {  	[tilespmem:$0x13A30] =	vst v2;
	v2 =	vadd.s32 v0, v6  }
0xf4: {  	s31 =	simm.s32 $0x1B880;
	s19 =	simm.s32 $0x13A00;
	p1 =	por $0x1, $0x1;
	[tilespmem:$0x13A40] =	vst v2  }
0xf5: {  	[tilespmem:s31], [sflag:$0x14] =	stream.indirect.gather [hbm4b:s4+s17], $0x80, s19, s17, $0xb8;
	[tilespmem:$0x1E080] =	vst v63  }
0xf6: {  	_ = 	snop  }
.LBB2_22:
.Ltmp22:
0xf7: {  	(pc) =	sbr.rel @p4 .LBB2_24-.Ltmp22, $1  }
0xf8: {  	_ =	sdelay $0x3  }
.LBB2_23:
0xf9: {  	_ =	swait.ge [sflag:s20], $0x50  }
0xfa: {  	[sflag:s20] =	ssyncset.done $0x0  }
0xfb: {  	[sflag:s20] =	ssyncadd.s32 $0xFFFFFFB0  }
0xfc: {  	v2 =	vld [tilespmem:$0x13A80]  }
0xfd: {  	v3 =	vld [tilespmem:$0x13A90]  }
0xfe: {  	v4 =	vld [tilespmem:$0x13AA0]  }
0xff: {  	v5 =	vld [tilespmem:$0x13AB0]  }
0x100: {  	v6 =	vld [tilespmem:$0x13AC0]  }
0x101: {  	v2 =	vadd.s32 v0, v2  }
0x102: {  	[tilespmem:$0x13A80] =	vst v2;
	v2 =	vadd.s32 v0, v3  }
.Ltmp23:
0x103: {  	[tilespmem:$0x13A90] =	vst v2;
	v2 =	vadd.s32 v0, v4;
	(pc) =	sbr.rel @p2 .LBB2_25-.Ltmp23, $4  }
.Ltmp24:
0x104: {  	[tilespmem:$0x13AA0] =	vst v2;
	v2 =	vadd.s32 v0, v5;
	(pc) =	sbr.rel @!p2 .LBB2_26-.Ltmp24, $4  }
0x105: {  	[tilespmem:$0x13AB0] =	vst v2;
	v2 =	vadd.s32 v0, v6  }
0x106: {  	s9 =	simm.s32 $0x13A80;
	p3 =	por $0x1, $0x1;
	[tilespmem:$0x13AC0] =	vst v2  }
0x107: {  	[tilespmem:s18], [sflag:$0x11] =	stream.indirect.gather [hbm4b:s4+s17], $0x80, s9, s17, $0xb8;
	[tilespmem:$0x1E080] =	vst v63  }
0x108: {  	_ = 	snop  }
.LBB2_24:
.Ltmp25:
0x109: {  	(pc) =	sbr.rel @!p2 .LBB2_29-.Ltmp25, $2  }
0x10a: {  	_ =	sdelay $0x2  }
0x10b: {  	p3 =	por $0x0, $0x0  }
.LBB2_25:
0x10c: {  	s9 =	simm.s32 $0x13  }
0x10d: {  	_ =	swait.ge [sflag:s9], $0x2800  }
0x10e: {  	[sflag:s9] =	ssyncset.done $0x0  }
0x10f: {  	s19 =	simm.s32 $0xB;
	[sflag:s9] =	ssyncadd.s32 $0xFFFFD800  }
0x110: {  	_ =	swait.ge [sflag:s19], $0x50  }
0x111: {  	[sflag:s19] =	ssyncset.done $0x0  }
0x112: {  	s26 =	simm.s32 $0x13D80;
	s31 =	simm.s32 $0x17;
	[sflag:s19] =	ssyncadd.s32 $0xFFFFFFB0  }
0x113: {  	[spmem:s2] =	stream.indirect.scatter.add.f32 [tilespmem:s1], [sflag:$0x17], $0x80, s26, s17, $0xb8;
	[tilespmem:$0x1E080] =	vst v63  }
0x114: {  	_ =	swait.ge [sflag:s31], $0x2800  }
0x115: {  	[sflag:s31] =	ssyncset.done $0x0  }
0x116: {  	[sflag:s31] =	ssyncadd.s32 $0xFFFFD800  }
.LBB2_26:
0x117: {  	s9 =	sadd.s32 $0xFFFFFFFF, s12  }
0x118: {  	p2 =	slt.u32 s9, $0x7D  }
.Ltmp26:
0x119: {  	_ = 	snop;
	(pc) =	sbr.rel @!p2 .LBB2_27-.Ltmp26, $1  }
0x11a: {  	_ =	sdelay $0x3  }
.LBB2_30:
.Ltmp27:
0x11b: {  	(pc) =	sbr.rel .LBB2_31-.Ltmp27, $4  }
0x11c: {  	s9 =	sadd.s32 $0x3C, s22;
	s19 =	simm.s32 $0x13B80  }
0x11d: {  	[tilespmem:s19], [sflag:$0x7] =	stream.linear.gather [hbm4b:s9+s3], $0x50, $0x38;
	[tilespmem:$0x1E080] =	vst v63  }
0x11e: {  	s26 =	sadd.s32 $0x3C, s30;
	s31 =	simm.s32 $0x13F80;
	p2 =	por $0x1, $0x1  }
0x11f: {  	[tilespmem:s31], [sflag:$0xF] =	stream.linear.gather [hbm4b:s26+s3], $0x50, $0x38;
	[tilespmem:$0x1E080] =	vst v63  }
.LBB2_27:
.Ltmp28:
0x120: {  	(pc) =	sbr.rel @p5 .LBB2_28-.Ltmp28, $2  }
0x121: {  	_ =	sdelay $0x2  }
0x122: {  	p2 =	por $0x0, $0x0  }
.LBB2_31:
0x123: {  	_ =	swait.ge [sflag:s8], $0x50  }
0x124: {  	[sflag:s8] =	ssyncset.done $0x0  }
0x125: {  	[sflag:s8] =	ssyncadd.s32 $0xFFFFFFB0  }
0x126: {  	v2 =	vld [tilespmem:$0x13B00]  }
0x127: {  	v3 =	vld [tilespmem:$0x13B10]  }
0x128: {  	v4 =	vld [tilespmem:$0x13B20]  }
0x129: {  	v5 =	vld [tilespmem:$0x13B30]  }
0x12a: {  	v6 =	vld [tilespmem:$0x13B40]  }
0x12b: {  	v2 =	vadd.s32 v0, v2  }
0x12c: {  	[tilespmem:$0x13B00] =	vst v2;
	v2 =	vadd.s32 v0, v3  }
.Ltmp29:
0x12d: {  	[tilespmem:$0x13B10] =	vst v2;
	v2 =	vadd.s32 v0, v4;
	(pc) =	sbr.rel @!p1 .LBB2_33-.Ltmp29, $4  }
0x12e: {  	[tilespmem:$0x13B20] =	vst v2;
	v2 =	vadd.s32 v0, v5  }
0x12f: {  	[tilespmem:$0x13B30] =	vst v2;
	v2 =	vadd.s32 v0, v6  }
0x130: {  	s9 =	simm.s32 $0x13B00;
	[tilespmem:$0x13B40] =	vst v2  }
0x131: {  	[tilespmem:s23], [sflag:$0x12] =	stream.indirect.gather [hbm4b:s4+s17], $0x80, s9, s17, $0xb8;
	[tilespmem:$0x1E080] =	vst v63  }
.LBB2_32:
0x132: {  	_ =	swait.ge [sflag:s24], $0x2800  }
0x133: {  	[sflag:s24] =	ssyncset.done $0x0  }
0x134: {  	s9 =	simm.s32 $0xC;
	[sflag:s24] =	ssyncadd.s32 $0xFFFFD800  }
0x135: {  	_ =	swait.ge [sflag:s9], $0x50  }
0x136: {  	[sflag:s9] =	ssyncset.done $0x0  }
0x137: {  	s31 =	simm.s32 $0x1B880;
	s19 =	simm.s32 $0x13E00;
	[sflag:s9] =	ssyncadd.s32 $0xFFFFFFB0  }
0x138: {  	[spmem:s2] =	stream.indirect.scatter.add.f32 [tilespmem:s31], [sflag:$0x18], $0x80, s19, s17, $0xb8;
	[tilespmem:$0x1E080] =	vst v63  }
0x139: {  	_ =	swait.ge [sflag:s29], $0x2800  }
0x13a: {  	[sflag:s29] =	ssyncset.done $0x0  }
0x13b: {  	[sflag:s29] =	ssyncadd.s32 $0xFFFFD800  }
.LBB2_33:
0x13c: {  	p1 =	sgt.u32 s12, $0x7C  }
.Ltmp30:
0x13d: {  	_ = 	snop;
	(pc) =	sbr.rel @p1 .LBB2_35-.Ltmp30, $1  }
0x13e: {  	_ =	sdelay $0x3  }
.Ltmp31:
0x13f: {  	(pc) =	sbr.rel .LBB2_36-.Ltmp31, $4  }
0x140: {  	s9 =	sadd.s32 $0x46, s22;
	s19 =	simm.s32 $0x13C00  }
0x141: {  	[tilespmem:s19], [sflag:$0x8] =	stream.linear.gather [hbm4b:s9+s3], $0x50, $0x38;
	[tilespmem:$0x1E080] =	vst v63  }
0x142: {  	s30 =	sadd.s32 $0x46, s30;
	s31 =	simm.s32 $0x14000  }
0x143: {  	[tilespmem:s31], [sflag:$0x10] =	stream.linear.gather [hbm4b:s30+s3], $0x50, $0x38;
	[tilespmem:$0x1E080] =	vst v63  }
.LBB2_35:
.Ltmp32:
0x144: {  	(pc) =	sbr.rel @!p2 .LBB2_37-.Ltmp32, $1  }
0x145: {  	_ =	sdelay $0x3  }
.LBB2_36:
0x146: {  	_ =	swait.ge [sflag:s25], $0x50  }
0x147: {  	[sflag:s25] =	ssyncset.done $0x0  }
0x148: {  	[sflag:s25] =	ssyncadd.s32 $0xFFFFFFB0  }
0x149: {  	v2 =	vld [tilespmem:$0x13B80]  }
0x14a: {  	v3 =	vld [tilespmem:$0x13B90]  }
0x14b: {  	v4 =	vld [tilespmem:$0x13BA0]  }
0x14c: {  	v5 =	vld [tilespmem:$0x13BB0]  }
0x14d: {  	v6 =	vld [tilespmem:$0x13BC0]  }
0x14e: {  	v2 =	vadd.s32 v0, v2  }
0x14f: {  	[tilespmem:$0x13B80] =	vst v2;
	v2 =	vadd.s32 v0, v3  }
.Ltmp33:
0x150: {  	[tilespmem:$0x13B90] =	vst v2;
	v2 =	vadd.s32 v0, v4;
	(pc) =	sbr.rel @p3 .LBB2_38-.Ltmp33, $4  }
.Ltmp34:
0x151: {  	[tilespmem:$0x13BA0] =	vst v2;
	v2 =	vadd.s32 v0, v5;
	(pc) =	sbr.rel @!p3 .LBB2_39-.Ltmp34, $4  }
0x152: {  	[tilespmem:$0x13BB0] =	vst v2;
	v2 =	vadd.s32 v0, v6  }
0x153: {  	s9 =	simm.s32 $0x13B80;
	[tilespmem:$0x13BC0] =	vst v2  }
0x154: {  	[tilespmem:s1], [sflag:$0x13] =	stream.indirect.gather [hbm4b:s4+s17], $0x80, s9, s17, $0xb8;
	[tilespmem:$0x1E080] =	vst v63  }
0x155: {  	_ = 	snop  }
.LBB2_37:
.Ltmp35:
0x156: {  	(pc) =	sbr.rel @!p3 .LBB2_39-.Ltmp35, $4  }
.Ltmp36:
0x157: {  	(pc) =	sbr.rel @p3 .LBB2_38-.Ltmp36, $4  }
0x158: {  	_ = 	snop  }
0x159: {  	_ = 	snop  }
0x15a: {  	_ = 	snop  }
0x15b: {  	_ = 	snop  }
.LBB2_29:
0x15c: {  	s9 =	sadd.s32 $0xFFFFFFFF, s12  }
0x15d: {  	p2 =	sgt.u32 s9, $0x7C  }
.Ltmp37:
0x15e: {  	_ = 	snop;
	(pc) =	sbr.rel @!p2 .LBB2_30-.Ltmp37, $2  }
0x15f: {  	_ =	sdelay $0x2  }
0x160: {  	p3 =	por $0x0, $0x0  }
.LBB2_28:
.Ltmp38:
0x161: {  	(pc) =	sbr.rel @!p1 .LBB2_33-.Ltmp38, $4  }
.Ltmp39:
0x162: {  	(pc) =	sbr.rel @p1 .LBB2_32-.Ltmp39, $4  }
0x163: {  	_ = 	snop  }
0x164: {  	_ = 	snop  }
0x165: {  	p2 =	por $0x0, $0x0  }
0x166: {  	_ = 	snop  }
.LBB2_40:
0x167: {  	[bflag:$0x0] =	sbarrier.arrive $0xFFFF  }
0x168: {  	s9 =	rddreg [dreg:$0x4]  }
0x169: {  	s13 =	rddreg [dreg:$0x8]  }
0x16a: {  	s19 =	rddreg [dreg:$0x9]  }
0x16b: {  	[hbm:s9], [sflag:s13] =	dma.local @!p0 [spmem:s19], $0x3E80  }
0x16c: {  	s9 =	simm.s32 @!p0 $0x19  }
0x16d: {  	_ =	swait.ge @!p0 [sflag:s9], $0x3E80  }
0x16e: {  	[sflag:s9] =	ssyncset.done @!p0 $0x0  }
0x16f: {  	s12 =	rddreg [dreg:$0x5];
	[sflag:s9] =	ssyncadd.s32 @!p0 $0xFFFFC180  }
0x170: {  	[spmem:s19], [sflag:s13] =	dma.local @!p0 [hbm:s12], $0x3E80  }
.Ltmp40:
0x171: {  	_ =	swait.ge @!p0 [sflag:s9], $0x3E80;
	(pc) =	sbr.rel .LBB2_41-.Ltmp40, $4  }
0x172: {  	[sflag:s9] =	ssyncset.done @!p0 $0x0  }
0x173: {  	[sflag:s9] =	ssyncadd.s32 @!p0 $0xFFFFC180  }
0x174: {  	[bflag:$0x0] =	sbarrier.arrive $0xFFFF  }
0x175: {  	s12 =	simm.s32 $0x0;
	s13 =	simm.s32 $0x7  }
.LBB2_77:
0x176: {  	_ =	swait.ge [sflag:s5], $0x2800  }
0x177: {  	[sflag:s5] =	ssyncset.done $0x0  }
0x178: {  	[sflag:s5] =	ssyncadd.s32 $0xFFFFD800  }
0x179: {  	_ =	swait.ge [sflag:s28], $0x50  }
0x17a: {  	[sflag:s28] =	ssyncset.done $0x0  }
0x17b: {  	s9 =	simm.s32 $0x13E80;
	[sflag:s28] =	ssyncadd.s32 $0xFFFFFFB0  }
0x17c: {  	[spmem:s2] =	stream.indirect.scatter.add.f32 [tilespmem:s18], [sflag:$0x15], $0x80, s9, s17, $0xb8;
	[tilespmem:$0x1E080] =	vst v63  }
.LBB2_78:
0x17d: {  	s12 =	sadd.s32 $0x50, s12;
	s13 =	sadd.s32 $0x8, s13  }
.LBB2_41:
0x17e: {  	s9 =	sadd.s32 $0xFFFFFFF5, s13;
	p2 =	seq.s32 s12, $0x500  }
.Ltmp41:
0x17f: {  	p1 =	sgt.u32 s9, $0x7C;
	(pc) =	sbr.rel @p2 .LBB2_79-.Ltmp41, $4  }
0x180: {  	s9 =	simm.s32 @!p1 $0x15  }
0x181: {  	_ =	swait.ge @!p1 [sflag:s9], $0x2800  }
0x182: {  	[sflag:s9] =	ssyncset.done @!p1 $0x0  }
0x183: {  	[sflag:s9] =	ssyncadd.s32 @!p1 $0xFFFFD800  }
0x184: {  	s22 =	sadd.s32 s12, s11;
	s26 =	sadd.s32 $0xFFFFFFF8, s13  }
0x185: {  	[tilespmem:s14], [sflag:$0x1] =	stream.linear.gather [hbm4b:s22+s3], $0x50, $0x38;
	[tilespmem:$0x1E080] =	vst v63  }
0x186: {  	p1 =	sgt.u32 s26, $0x7C  }
0x187: {  	s30 =	sadd.s32 s12, s10;
	s9 =	simm.s32 @!p1 $0x8  }
0x188: {  	[tilespmem:s15], [sflag:$0x9] =	stream.linear.gather [hbm4b:s30+s3], $0x50, $0x38;
	[tilespmem:$0x1E080] =	vst v63  }
0x189: {  	_ =	swait.ge @!p1 [sflag:s9], $0x50  }
0x18a: {  	[sflag:s9] =	ssyncset.done @!p1 $0x0  }
0x18b: {  	[sflag:s9] =	ssyncadd.s32 @!p1 $0xFFFFFFB0  }
0x18c: {  	v2 =	vld @!p1 [tilespmem:$0x13C00]  }
0x18d: {  	v3 =	vld @!p1 [tilespmem:$0x13C10]  }
0x18e: {  	v4 =	vld @!p1 [tilespmem:$0x13C20]  }
0x18f: {  	v5 =	vld @!p1 [tilespmem:$0x13C30]  }
0x190: {  	v6 =	vld @!p1 [tilespmem:$0x13C40]  }
0x191: {  	v2 =	vadd.s32 @!p1 v1, v2  }
0x192: {  	[tilespmem:$0x13C00] =	vst @!p1 v2;
	v2 =	vadd.s32 @!p1 v1, v3  }
0x193: {  	[tilespmem:$0x13C10] =	vst @!p1 v2;
	v2 =	vadd.s32 @!p1 v1, v4  }
0x194: {  	[tilespmem:$0x13C20] =	vst @!p1 v2;
	v2 =	vadd.s32 @!p1 v1, v5  }
0x195: {  	[tilespmem:$0x13C30] =	vst @!p1 v2;
	v2 =	vadd.s32 @!p1 v1, v6  }
0x196: {  	s19 =	simm.s32 @!p1 $0x13C00;
	s31 =	simm.s32 @!p1 $0x1B880;
	s9 =	simm.s32 @!p1 $0x50;
	[tilespmem:$0x13C40] =	vst @!p1 v2  }
0x197: {  	[tilespmem:s31], [sflag:$0x14] =	stream.indirect.gather @!p1 [hbm4b:s4+s9], $0x80, s19, s9, $0xb8;
	[tilespmem:$0x1E080] =	vst v63  }
0x198: {  	s19 =	sadd.s32 $0xFFFFFFF6, s13  }
0x199: {  	p3 =	sgt.u32 s19, $0x7C  }
0x19a: {  	s9 =	simm.s32 @!p3 $0x12  }
0x19b: {  	_ =	swait.ge @!p3 [sflag:s9], $0x2800  }
0x19c: {  	[sflag:s9] =	ssyncset.done @!p3 $0x0  }
0x19d: {  	[sflag:s9] =	ssyncadd.s32 @!p3 $0xFFFFD800;
	s9 =	simm.s32 @!p3 $0xE  }
0x19e: {  	_ =	swait.ge @!p3 [sflag:s9], $0x50  }
0x19f: {  	s19 =	simm.s32 @!p3 $0x13F00;
	[sflag:s9] =	ssyncset.done @!p3 $0x0  }
0x1a0: {  	s31 =	simm.s32 @!p3 $0x16880;
	[sflag:s9] =	ssyncadd.s32 @!p3 $0xFFFFFFB0;
	s9 =	simm.s32 @!p3 $0x50  }
0x1a1: {  	[spmem:s2] =	stream.indirect.scatter.add.f32 @!p3 [tilespmem:s31], [sflag:$0x16], $0x80, s19, s9, $0xb8;
	[tilespmem:$0x1E080] =	vst v63  }
0x1a2: {  	s9 =	simm.s32 @!p3 $0x16  }
0x1a3: {  	s31 =	sadd.s32 $0xFFFFFFFA, s13;
	_ =	swait.ge @!p3 [sflag:s9], $0x2800  }
0x1a4: {  	p2 =	sgt.u32 s31, $0x7C;
	[sflag:s9] =	ssyncset.done @!p3 $0x0  }
0x1a5: {  	[sflag:s9] =	ssyncadd.s32 @!p3 $0xFFFFD800;
	s9 =	sadd.s32 @!p2 s12, s11  }
0x1a6: {  	s19 =	simm.s32 @!p2 $0x0;
	s31 =	simm.s32 @!p2 $0x13900;
	s9 =	sadd.s32 @!p2 $0xA, s9  }
0x1a7: {  	[tilespmem:s31], [sflag:$0x2] =	stream.linear.gather @!p2 [hbm4b:s9+s19], $0x50, $0x38;
	[tilespmem:$0x1E080] =	vst v63  }
0x1a8: {  	s9 =	sadd.s32 @!p2 s12, s10  }
0x1a9: {  	s31 =	simm.s32 @!p2 $0x13D00;
	s9 =	sadd.s32 @!p2 $0xA, s9  }
0x1aa: {  	[tilespmem:s31], [sflag:$0xA] =	stream.linear.gather @!p2 [hbm4b:s9+s19], $0x50, $0x38;
	[tilespmem:$0x1E080] =	vst v63  }
0x1ab: {  	_ =	swait.ge [sflag:s16], $0x50  }
0x1ac: {  	[sflag:s16] =	ssyncset.done $0x0  }
0x1ad: {  	[sflag:s16] =	ssyncadd.s32 $0xFFFFFFB0  }
0x1ae: {  	v2 =	vld [tilespmem:$0x13880]  }
0x1af: {  	v3 =	vld [tilespmem:$0x13890]  }
0x1b0: {  	v61 =	vld [tilespmem:$0x138A0]  }
0x1b1: {  	v62 =	vld [tilespmem:$0x138B0]  }
0x1b2: {  	v63 =	vld [tilespmem:$0x138C0]  }
0x1b3: {  	v2 =	vadd.s32 v1, v2  }
0x1b4: {  	[tilespmem:$0x13880] =	vst v2;
	v2 =	vadd.s32 v1, v3  }
0x1b5: {  	[tilespmem:$0x13890] =	vst v2;
	v2 =	vadd.s32 v1, v61  }
0x1b6: {  	s19 =	sadd.s32 $0xFFFFFFF7, s13;
	[tilespmem:$0x138A0] =	vst v2;
	v2 =	vadd.s32 v1, v62  }
0x1b7: {  	p3 =	sgt.u32 s19, $0x7C;
	[tilespmem:$0x138B0] =	vst v2;
	v2 =	vadd.s32 v1, v63  }
0x1b8: {  	s9 =	simm.s32 @!p3 $0x13;
	[tilespmem:$0x138C0] =	vst v2  }
0x1b9: {  	[tilespmem:s18], [sflag:$0x11] =	stream.indirect.gather [hbm4b:s4+s17], $0x80, s14, s17, $0xb8;
	[tilespmem:$0x1E080] =	vst v63  }
0x1ba: {  	_ =	swait.ge @!p3 [sflag:s9], $0x2800  }
0x1bb: {  	[sflag:s9] =	ssyncset.done @!p3 $0x0  }
0x1bc: {  	[sflag:s9] =	ssyncadd.s32 @!p3 $0xFFFFD800;
	s9 =	simm.s32 @!p3 $0xF  }
0x1bd: {  	_ =	swait.ge @!p3 [sflag:s9], $0x50  }
0x1be: {  	s19 =	simm.s32 @!p3 $0x13F80;
	[sflag:s9] =	ssyncset.done @!p3 $0x0  }
0x1bf: {  	s31 =	simm.s32 @!p3 $0x19080;
	[sflag:s9] =	ssyncadd.s32 @!p3 $0xFFFFFFB0;
	s9 =	simm.s32 @!p3 $0x50  }
0x1c0: {  	[spmem:s2] =	stream.indirect.scatter.add.f32 @!p3 [tilespmem:s31], [sflag:$0x17], $0x80, s19, s9, $0xb8;
	[tilespmem:$0x1E080] =	vst v63  }
0x1c1: {  	s31 =	sadd.s32 $0xFFFFFFFB, s13  }
0x1c2: {  	p4 =	sgt.u32 s31, $0x7C  }
.Ltmp42:
0x1c3: {  	_ = 	snop;
	(pc) =	sbr.rel @p4 .LBB2_44-.Ltmp42, $4  }
0x1c4: {  	s9 =	simm.s32 @!p3 $0x17  }
0x1c5: {  	_ =	swait.ge @!p3 [sflag:s9], $0x2800  }
0x1c6: {  	[sflag:s9] =	ssyncset.done @!p3 $0x0  }
0x1c7: {  	[sflag:s9] =	ssyncadd.s32 @!p3 $0xFFFFD800  }
.Ltmp43:
0x1c8: {  	(pc) =	sbr.rel .LBB2_45-.Ltmp43, $4  }
0x1c9: {  	s9 =	sadd.s32 $0x14, s22;
	s19 =	simm.s32 $0x13980  }
0x1ca: {  	[tilespmem:s19], [sflag:$0x3] =	stream.linear.gather [hbm4b:s9+s3], $0x50, $0x38;
	[tilespmem:$0x1E080] =	vst v63  }
0x1cb: {  	s31 =	simm.s32 $0x13D80;
	s19 =	sadd.s32 $0x14, s30  }
0x1cc: {  	[tilespmem:s31], [sflag:$0xB] =	stream.linear.gather [hbm4b:s19+s3], $0x50, $0x38;
	[tilespmem:$0x1E080] =	vst v63  }
.LBB2_44:
.Ltmp44:
0x1cd: {  	(pc) =	sbr.rel @p2 .LBB2_46-.Ltmp44, $1  }
0x1ce: {  	_ =	sdelay $0x3  }
.LBB2_45:
0x1cf: {  	_ =	swait.ge [sflag:s21], $0x50  }
0x1d0: {  	[sflag:s21] =	ssyncset.done $0x0  }
0x1d1: {  	[sflag:s21] =	ssyncadd.s32 $0xFFFFFFB0  }
0x1d2: {  	v2 =	vld [tilespmem:$0x13900]  }
0x1d3: {  	v3 =	vld [tilespmem:$0x13910]  }
0x1d4: {  	v4 =	vld [tilespmem:$0x13920]  }
0x1d5: {  	v5 =	vld [tilespmem:$0x13930]  }
0x1d6: {  	v6 =	vld [tilespmem:$0x13940]  }
0x1d7: {  	v2 =	vadd.s32 v1, v2  }
0x1d8: {  	p1 =	slt.u32 s26, $0x7D;
	[tilespmem:$0x13900] =	vst v2;
	v2 =	vadd.s32 v1, v3  }
.Ltmp45:
0x1d9: {  	[tilespmem:$0x13910] =	vst v2;
	v2 =	vadd.s32 v1, v4;
	(pc) =	sbr.rel @p1 .LBB2_47-.Ltmp45, $4  }
.Ltmp46:
0x1da: {  	[tilespmem:$0x13920] =	vst v2;
	v2 =	vadd.s32 v1, v5;
	(pc) =	sbr.rel @!p1 .LBB2_48-.Ltmp46, $4  }
0x1db: {  	[tilespmem:$0x13930] =	vst v2;
	v2 =	vadd.s32 v1, v6  }
0x1dc: {  	s9 =	simm.s32 $0x13900;
	p3 =	por $0x1, $0x1;
	[tilespmem:$0x13940] =	vst v2  }
0x1dd: {  	[tilespmem:s23], [sflag:$0x12] =	stream.indirect.gather [hbm4b:s4+s17], $0x80, s9, s17, $0xb8;
	[tilespmem:$0x1E080] =	vst v63  }
0x1de: {  	_ = 	snop  }
.LBB2_46:
.Ltmp47:
0x1df: {  	(pc) =	sbr.rel @p1 .LBB2_53-.Ltmp47, $2  }
0x1e0: {  	_ =	sdelay $0x2  }
0x1e1: {  	p3 =	por $0x0, $0x0;
	p2 =	por $0x0, $0x0;
	p5 =	por $0x0, $0x0  }
.LBB2_47:
0x1e2: {  	_ =	swait.ge [sflag:s24], $0x2800  }
0x1e3: {  	[sflag:s24] =	ssyncset.done $0x0  }
0x1e4: {  	s9 =	simm.s32 $0x10;
	[sflag:s24] =	ssyncadd.s32 $0xFFFFD800  }
0x1e5: {  	_ =	swait.ge [sflag:s9], $0x50  }
0x1e6: {  	[sflag:s9] =	ssyncset.done $0x0  }
0x1e7: {  	s31 =	simm.s32 $0x14000;
	s19 =	simm.s32 $0x1B880;
	[sflag:s9] =	ssyncadd.s32 $0xFFFFFFB0  }
0x1e8: {  	[spmem:s2] =	stream.indirect.scatter.add.f32 [tilespmem:s19], [sflag:$0x18], $0x80, s31, s17, $0xb8;
	[tilespmem:$0x1E080] =	vst v63  }
0x1e9: {  	_ =	swait.ge [sflag:s29], $0x2800  }
0x1ea: {  	[sflag:s29] =	ssyncset.done $0x0  }
0x1eb: {  	[sflag:s29] =	ssyncadd.s32 $0xFFFFD800  }
.LBB2_48:
0x1ec: {  	s26 =	sadd.s32 $0xFFFFFFFC, s13  }
0x1ed: {  	p1 =	sgt.u32 s26, $0x7C  }
.Ltmp48:
0x1ee: {  	_ = 	snop;
	(pc) =	sbr.rel @p1 .LBB2_51-.Ltmp48, $1  }
0x1ef: {  	_ =	sdelay $0x3  }
.Ltmp49:
0x1f0: {  	(pc) =	sbr.rel .LBB2_50-.Ltmp49, $4  }
0x1f1: {  	s9 =	sadd.s32 $0x1E, s22;
	s19 =	simm.s32 $0x13A00  }
0x1f2: {  	[tilespmem:s19], [sflag:$0x4] =	stream.linear.gather [hbm4b:s9+s3], $0x50, $0x38;
	[tilespmem:$0x1E080] =	vst v63  }
0x1f3: {  	s31 =	simm.s32 $0x13E00;
	s19 =	sadd.s32 $0x1E, s30  }
0x1f4: {  	[tilespmem:s31], [sflag:$0xC] =	stream.linear.gather [hbm4b:s19+s3], $0x50, $0x38;
	[tilespmem:$0x1E080] =	vst v63  }
.LBB2_51:
.Ltmp50:
0x1f5: {  	(pc) =	sbr.rel @p4 .LBB2_52-.Ltmp50, $2  }
0x1f6: {  	_ =	sdelay $0x2  }
0x1f7: {  	p2 =	por $0x0, $0x0  }
.LBB2_50:
0x1f8: {  	_ =	swait.ge [sflag:s0], $0x50  }
0x1f9: {  	[sflag:s0] =	ssyncset.done $0x0  }
0x1fa: {  	[sflag:s0] =	ssyncadd.s32 $0xFFFFFFB0  }
0x1fb: {  	v2 =	vld [tilespmem:$0x13980]  }
0x1fc: {  	v3 =	vld [tilespmem:$0x13990]  }
0x1fd: {  	v4 =	vld [tilespmem:$0x139A0]  }
0x1fe: {  	v5 =	vld [tilespmem:$0x139B0]  }
0x1ff: {  	v6 =	vld [tilespmem:$0x139C0]  }
0x200: {  	v2 =	vadd.s32 v1, v2  }
0x201: {  	[tilespmem:$0x13980] =	vst v2;
	v2 =	vadd.s32 v1, v3  }
.Ltmp51:
0x202: {  	[tilespmem:$0x13990] =	vst v2;
	v2 =	vadd.s32 v1, v4;
	(pc) =	sbr.rel .LBB2_53-.Ltmp51, $4  }
0x203: {  	[tilespmem:$0x139A0] =	vst v2;
	v2 =	vadd.s32 v1, v5  }
0x204: {  	[tilespmem:$0x139B0] =	vst v2;
	v2 =	vadd.s32 v1, v6  }
0x205: {  	s9 =	simm.s32 $0x13980;
	p5 =	slt.u32 s26, $0x7D;
	p2 =	por $0x1, $0x1;
	[tilespmem:$0x139C0] =	vst v2  }
0x206: {  	[tilespmem:s1], [sflag:$0x13] =	stream.indirect.gather [hbm4b:s4+s17], $0x80, s9, s17, $0xb8;
	[tilespmem:$0x1E080] =	vst v63  }
.LBB2_52:
0x207: {  	p5 =	por $0x0, $0x0  }
.LBB2_53:
0x208: {  	_ =	swait.ge [sflag:s5], $0x2800  }
0x209: {  	[sflag:s5] =	ssyncset.done $0x0  }
0x20a: {  	[sflag:s5] =	ssyncadd.s32 $0xFFFFD800  }
0x20b: {  	s9 =	sadd.s32 $0xFFFFFFFD, s13;
	_ =	swait.ge [sflag:s6], $0x50  }
0x20c: {  	p4 =	sgt.u32 s9, $0x7C;
	[sflag:s6] =	ssyncset.done $0x0  }
.Ltmp52:
0x20d: {  	[sflag:s6] =	ssyncadd.s32 $0xFFFFFFB0;
	(pc) =	sbr.rel @p4 .LBB2_56-.Ltmp52, $4  }
0x20e: {  	[spmem:s2] =	stream.indirect.scatter.add.f32 [tilespmem:s18], [sflag:$0x15], $0x80, s15, s17, $0xb8;
	[tilespmem:$0x1E080] =	vst v63  }
0x20f: {  	_ =	swait.ge [sflag:s7], $0x2800  }
0x210: {  	[sflag:s7] =	ssyncset.done $0x0  }
0x211: {  	[sflag:s7] =	ssyncadd.s32 $0xFFFFD800  }
.Ltmp53:
0x212: {  	(pc) =	sbr.rel @p5 .LBB2_57-.Ltmp53, $4  }
0x213: {  	s9 =	sadd.s32 $0x28, s22;
	s19 =	simm.s32 $0x13A80  }
0x214: {  	[tilespmem:s19], [sflag:$0x5] =	stream.linear.gather [hbm4b:s9+s3], $0x50, $0x38;
	[tilespmem:$0x1E080] =	vst v63  }
0x215: {  	s26 =	sadd.s32 $0x28, s30;
	s31 =	simm.s32 $0x13E80  }
0x216: {  	[tilespmem:s31], [sflag:$0xD] =	stream.linear.gather [hbm4b:s26+s3], $0x50, $0x38;
	[tilespmem:$0x1E080] =	vst v63  }
.LBB2_55:
.Ltmp54:
0x217: {  	(pc) =	sbr.rel @!p3 .LBB2_59-.Ltmp54, $2  }
0x218: {  	_ =	sdelay $0x2  }
0x219: {  	p1 =	por $0x0, $0x0  }
.LBB2_58:
0x21a: {  	s9 =	simm.s32 $0x12  }
0x21b: {  	_ =	swait.ge [sflag:s9], $0x2800  }
0x21c: {  	[sflag:s9] =	ssyncset.done $0x0  }
0x21d: {  	s19 =	simm.s32 $0xA;
	[sflag:s9] =	ssyncadd.s32 $0xFFFFD800  }
0x21e: {  	_ =	swait.ge [sflag:s19], $0x50  }
0x21f: {  	[sflag:s19] =	ssyncset.done $0x0  }
0x220: {  	s26 =	simm.s32 $0x13D00;
	s31 =	simm.s32 $0x16;
	[sflag:s19] =	ssyncadd.s32 $0xFFFFFFB0  }
0x221: {  	[spmem:s2] =	stream.indirect.scatter.add.f32 [tilespmem:s23], [sflag:$0x16], $0x80, s26, s17, $0xb8;
	[tilespmem:$0x1E080] =	vst v63  }
0x222: {  	_ =	swait.ge [sflag:s31], $0x2800  }
0x223: {  	[sflag:s31] =	ssyncset.done $0x0  }
0x224: {  	[sflag:s31] =	ssyncadd.s32 $0xFFFFD800  }
.LBB2_59:
0x225: {  	s9 =	sadd.s32 $0xFFFFFFFE, s13  }
0x226: {  	p5 =	sgt.u32 s9, $0x7C  }
.Ltmp55:
0x227: {  	_ = 	snop;
	(pc) =	sbr.rel @p5 .LBB2_61-.Ltmp55, $1  }
0x228: {  	_ =	sdelay $0x3  }
.Ltmp56:
0x229: {  	(pc) =	sbr.rel .LBB2_62-.Ltmp56, $4  }
0x22a: {  	s9 =	sadd.s32 $0x32, s22;
	s19 =	simm.s32 $0x13B00  }
0x22b: {  	[tilespmem:s19], [sflag:$0x6] =	stream.linear.gather [hbm4b:s9+s3], $0x50, $0x38;
	[tilespmem:$0x1E080] =	vst v63  }
0x22c: {  	s26 =	sadd.s32 $0x32, s30;
	s31 =	simm.s32 $0x13F00  }
0x22d: {  	[tilespmem:s31], [sflag:$0xE] =	stream.linear.gather [hbm4b:s26+s3], $0x50, $0x38;
	[tilespmem:$0x1E080] =	vst v63  }
.LBB2_56:
.Ltmp57:
0x22e: {  	(pc) =	sbr.rel @!p5 .LBB2_55-.Ltmp57, $1  }
0x22f: {  	_ =	sdelay $0x3  }
.LBB2_57:
0x230: {  	s9 =	simm.s32 $0x4  }
0x231: {  	_ =	swait.ge [sflag:s9], $0x50  }
0x232: {  	[sflag:s9] =	ssyncset.done $0x0  }
0x233: {  	[sflag:s9] =	ssyncadd.s32 $0xFFFFFFB0  }
0x234: {  	v2 =	vld [tilespmem:$0x13A00]  }
0x235: {  	v3 =	vld [tilespmem:$0x13A10]  }
0x236: {  	v4 =	vld [tilespmem:$0x13A20]  }
0x237: {  	v5 =	vld [tilespmem:$0x13A30]  }
0x238: {  	v6 =	vld [tilespmem:$0x13A40]  }
0x239: {  	v2 =	vadd.s32 v1, v2  }
0x23a: {  	[tilespmem:$0x13A00] =	vst v2;
	v2 =	vadd.s32 v1, v3  }
.Ltmp58:
0x23b: {  	[tilespmem:$0x13A10] =	vst v2;
	v2 =	vadd.s32 v1, v4;
	(pc) =	sbr.rel @!p3 .LBB2_59-.Ltmp58, $4  }
.Ltmp59:
0x23c: {  	[tilespmem:$0x13A20] =	vst v2;
	v2 =	vadd.s32 v1, v5;
	(pc) =	sbr.rel @p3 .LBB2_58-.Ltmp59, $4  }
0x23d: {  	[tilespmem:$0x13A30] =	vst v2;
	v2 =	vadd.s32 v1, v6  }
0x23e: {  	s31 =	simm.s32 $0x1B880;
	s19 =	simm.s32 $0x13A00;
	p1 =	por $0x1, $0x1;
	[tilespmem:$0x13A40] =	vst v2  }
0x23f: {  	[tilespmem:s31], [sflag:$0x14] =	stream.indirect.gather [hbm4b:s4+s17], $0x80, s19, s17, $0xb8;
	[tilespmem:$0x1E080] =	vst v63  }
0x240: {  	_ = 	snop  }
.LBB2_61:
.Ltmp60:
0x241: {  	(pc) =	sbr.rel @p4 .LBB2_63-.Ltmp60, $1  }
0x242: {  	_ =	sdelay $0x3  }
.LBB2_62:
0x243: {  	_ =	swait.ge [sflag:s20], $0x50  }
0x244: {  	[sflag:s20] =	ssyncset.done $0x0  }
0x245: {  	[sflag:s20] =	ssyncadd.s32 $0xFFFFFFB0  }
0x246: {  	v2 =	vld [tilespmem:$0x13A80]  }
0x247: {  	v3 =	vld [tilespmem:$0x13A90]  }
0x248: {  	v4 =	vld [tilespmem:$0x13AA0]  }
0x249: {  	v5 =	vld [tilespmem:$0x13AB0]  }
0x24a: {  	v6 =	vld [tilespmem:$0x13AC0]  }
0x24b: {  	v2 =	vadd.s32 v1, v2  }
0x24c: {  	[tilespmem:$0x13A80] =	vst v2;
	v2 =	vadd.s32 v1, v3  }
.Ltmp61:
0x24d: {  	[tilespmem:$0x13A90] =	vst v2;
	v2 =	vadd.s32 v1, v4;
	(pc) =	sbr.rel @p2 .LBB2_64-.Ltmp61, $4  }
.Ltmp62:
0x24e: {  	[tilespmem:$0x13AA0] =	vst v2;
	v2 =	vadd.s32 v1, v5;
	(pc) =	sbr.rel @!p2 .LBB2_65-.Ltmp62, $4  }
0x24f: {  	[tilespmem:$0x13AB0] =	vst v2;
	v2 =	vadd.s32 v1, v6  }
0x250: {  	s9 =	simm.s32 $0x13A80;
	p3 =	por $0x1, $0x1;
	[tilespmem:$0x13AC0] =	vst v2  }
0x251: {  	[tilespmem:s18], [sflag:$0x11] =	stream.indirect.gather [hbm4b:s4+s17], $0x80, s9, s17, $0xb8;
	[tilespmem:$0x1E080] =	vst v63  }
0x252: {  	_ = 	snop  }
.LBB2_63:
.Ltmp63:
0x253: {  	(pc) =	sbr.rel @!p2 .LBB2_68-.Ltmp63, $2  }
0x254: {  	_ =	sdelay $0x2  }
0x255: {  	p3 =	por $0x0, $0x0  }
.LBB2_64:
0x256: {  	s9 =	simm.s32 $0x13  }
0x257: {  	_ =	swait.ge [sflag:s9], $0x2800  }
0x258: {  	[sflag:s9] =	ssyncset.done $0x0  }
0x259: {  	s19 =	simm.s32 $0xB;
	[sflag:s9] =	ssyncadd.s32 $0xFFFFD800  }
0x25a: {  	_ =	swait.ge [sflag:s19], $0x50  }
0x25b: {  	[sflag:s19] =	ssyncset.done $0x0  }
0x25c: {  	s26 =	simm.s32 $0x13D80;
	s31 =	simm.s32 $0x17;
	[sflag:s19] =	ssyncadd.s32 $0xFFFFFFB0  }
0x25d: {  	[spmem:s2] =	stream.indirect.scatter.add.f32 [tilespmem:s1], [sflag:$0x17], $0x80, s26, s17, $0xb8;
	[tilespmem:$0x1E080] =	vst v63  }
0x25e: {  	_ =	swait.ge [sflag:s31], $0x2800  }
0x25f: {  	[sflag:s31] =	ssyncset.done $0x0  }
0x260: {  	[sflag:s31] =	ssyncadd.s32 $0xFFFFD800  }
.LBB2_65:
0x261: {  	s9 =	sadd.s32 $0xFFFFFFFF, s13  }
0x262: {  	p2 =	slt.u32 s9, $0x7D  }
.Ltmp64:
0x263: {  	_ = 	snop;
	(pc) =	sbr.rel @!p2 .LBB2_66-.Ltmp64, $1  }
0x264: {  	_ =	sdelay $0x3  }
.LBB2_69:
.Ltmp65:
0x265: {  	(pc) =	sbr.rel .LBB2_70-.Ltmp65, $4  }
0x266: {  	s9 =	sadd.s32 $0x3C, s22;
	s19 =	simm.s32 $0x13B80  }
0x267: {  	[tilespmem:s19], [sflag:$0x7] =	stream.linear.gather [hbm4b:s9+s3], $0x50, $0x38;
	[tilespmem:$0x1E080] =	vst v63  }
0x268: {  	s26 =	sadd.s32 $0x3C, s30;
	s31 =	simm.s32 $0x13F80;
	p2 =	por $0x1, $0x1  }
0x269: {  	[tilespmem:s31], [sflag:$0xF] =	stream.linear.gather [hbm4b:s26+s3], $0x50, $0x38;
	[tilespmem:$0x1E080] =	vst v63  }
.LBB2_66:
.Ltmp66:
0x26a: {  	(pc) =	sbr.rel @p5 .LBB2_67-.Ltmp66, $2  }
0x26b: {  	_ =	sdelay $0x2  }
0x26c: {  	p2 =	por $0x0, $0x0  }
.LBB2_70:
0x26d: {  	_ =	swait.ge [sflag:s8], $0x50  }
0x26e: {  	[sflag:s8] =	ssyncset.done $0x0  }
0x26f: {  	[sflag:s8] =	ssyncadd.s32 $0xFFFFFFB0  }
0x270: {  	v2 =	vld [tilespmem:$0x13B00]  }
0x271: {  	v3 =	vld [tilespmem:$0x13B10]  }
0x272: {  	v4 =	vld [tilespmem:$0x13B20]  }
0x273: {  	v5 =	vld [tilespmem:$0x13B30]  }
0x274: {  	v6 =	vld [tilespmem:$0x13B40]  }
0x275: {  	v2 =	vadd.s32 v1, v2  }
0x276: {  	[tilespmem:$0x13B00] =	vst v2;
	v2 =	vadd.s32 v1, v3  }
.Ltmp67:
0x277: {  	[tilespmem:$0x13B10] =	vst v2;
	v2 =	vadd.s32 v1, v4;
	(pc) =	sbr.rel @!p1 .LBB2_72-.Ltmp67, $4  }
0x278: {  	[tilespmem:$0x13B20] =	vst v2;
	v2 =	vadd.s32 v1, v5  }
0x279: {  	[tilespmem:$0x13B30] =	vst v2;
	v2 =	vadd.s32 v1, v6  }
0x27a: {  	s9 =	simm.s32 $0x13B00;
	[tilespmem:$0x13B40] =	vst v2  }
0x27b: {  	[tilespmem:s23], [sflag:$0x12] =	stream.indirect.gather [hbm4b:s4+s17], $0x80, s9, s17, $0xb8;
	[tilespmem:$0x1E080] =	vst v63  }
.LBB2_71:
0x27c: {  	_ =	swait.ge [sflag:s24], $0x2800  }
0x27d: {  	[sflag:s24] =	ssyncset.done $0x0  }
0x27e: {  	s9 =	simm.s32 $0xC;
	[sflag:s24] =	ssyncadd.s32 $0xFFFFD800  }
0x27f: {  	_ =	swait.ge [sflag:s9], $0x50  }
0x280: {  	[sflag:s9] =	ssyncset.done $0x0  }
0x281: {  	s31 =	simm.s32 $0x1B880;
	s19 =	simm.s32 $0x13E00;
	[sflag:s9] =	ssyncadd.s32 $0xFFFFFFB0  }
0x282: {  	[spmem:s2] =	stream.indirect.scatter.add.f32 [tilespmem:s31], [sflag:$0x18], $0x80, s19, s17, $0xb8;
	[tilespmem:$0x1E080] =	vst v63  }
0x283: {  	_ =	swait.ge [sflag:s29], $0x2800  }
0x284: {  	[sflag:s29] =	ssyncset.done $0x0  }
0x285: {  	[sflag:s29] =	ssyncadd.s32 $0xFFFFD800  }
.LBB2_72:
0x286: {  	p1 =	sgt.u32 s13, $0x7C  }
.Ltmp68:
0x287: {  	_ = 	snop;
	(pc) =	sbr.rel @p1 .LBB2_74-.Ltmp68, $1  }
0x288: {  	_ =	sdelay $0x3  }
.Ltmp69:
0x289: {  	(pc) =	sbr.rel .LBB2_75-.Ltmp69, $4  }
0x28a: {  	s9 =	sadd.s32 $0x46, s22;
	s19 =	simm.s32 $0x13C00  }
0x28b: {  	[tilespmem:s19], [sflag:$0x8] =	stream.linear.gather [hbm4b:s9+s3], $0x50, $0x38;
	[tilespmem:$0x1E080] =	vst v63  }
0x28c: {  	s30 =	sadd.s32 $0x46, s30;
	s31 =	simm.s32 $0x14000;
	s19 =	rddreg [dreg:$0x9]  }
0x28d: {  	[tilespmem:s31], [sflag:$0x10] =	stream.linear.gather [hbm4b:s30+s3], $0x50, $0x38;
	[tilespmem:$0x1E080] =	vst v63  }
.LBB2_74:
.Ltmp70:
0x28e: {  	(pc) =	sbr.rel @!p2 .LBB2_76-.Ltmp70, $2  }
0x28f: {  	_ =	sdelay $0x2  }
0x290: {  	s19 =	rddreg [dreg:$0x9]  }
.LBB2_75:
0x291: {  	_ =	swait.ge [sflag:s25], $0x50  }
0x292: {  	[sflag:s25] =	ssyncset.done $0x0  }
0x293: {  	[sflag:s25] =	ssyncadd.s32 $0xFFFFFFB0  }
0x294: {  	v2 =	vld [tilespmem:$0x13B80]  }
0x295: {  	v3 =	vld [tilespmem:$0x13B90]  }
0x296: {  	v4 =	vld [tilespmem:$0x13BA0]  }
0x297: {  	v5 =	vld [tilespmem:$0x13BB0]  }
0x298: {  	v6 =	vld [tilespmem:$0x13BC0]  }
0x299: {  	v2 =	vadd.s32 v1, v2  }
0x29a: {  	[tilespmem:$0x13B80] =	vst v2;
	v2 =	vadd.s32 v1, v3  }
.Ltmp71:
0x29b: {  	[tilespmem:$0x13B90] =	vst v2;
	v2 =	vadd.s32 v1, v4;
	(pc) =	sbr.rel @p3 .LBB2_77-.Ltmp71, $4  }
.Ltmp72:
0x29c: {  	[tilespmem:$0x13BA0] =	vst v2;
	v2 =	vadd.s32 v1, v5;
	(pc) =	sbr.rel @!p3 .LBB2_78-.Ltmp72, $4  }
0x29d: {  	[tilespmem:$0x13BB0] =	vst v2;
	v2 =	vadd.s32 v1, v6  }
0x29e: {  	s9 =	simm.s32 $0x13B80;
	[tilespmem:$0x13BC0] =	vst v2  }
0x29f: {  	[tilespmem:s1], [sflag:$0x13] =	stream.indirect.gather [hbm4b:s4+s17], $0x80, s9, s17, $0xb8;
	[tilespmem:$0x1E080] =	vst v63  }
0x2a0: {  	_ = 	snop  }
.LBB2_76:
.Ltmp73:
0x2a1: {  	(pc) =	sbr.rel @!p3 .LBB2_78-.Ltmp73, $4  }
.Ltmp74:
0x2a2: {  	(pc) =	sbr.rel @p3 .LBB2_77-.Ltmp74, $4  }
0x2a3: {  	_ = 	snop  }
0x2a4: {  	_ = 	snop  }
0x2a5: {  	_ = 	snop  }
0x2a6: {  	_ = 	snop  }
.LBB2_68:
0x2a7: {  	s9 =	sadd.s32 $0xFFFFFFFF, s13  }
0x2a8: {  	p2 =	sgt.u32 s9, $0x7C  }
.Ltmp75:
0x2a9: {  	_ = 	snop;
	(pc) =	sbr.rel @!p2 .LBB2_69-.Ltmp75, $2  }
0x2aa: {  	_ =	sdelay $0x2  }
0x2ab: {  	p3 =	por $0x0, $0x0  }
.LBB2_67:
.Ltmp76:
0x2ac: {  	(pc) =	sbr.rel @!p1 .LBB2_72-.Ltmp76, $4  }
.Ltmp77:
0x2ad: {  	(pc) =	sbr.rel @p1 .LBB2_71-.Ltmp77, $4  }
0x2ae: {  	_ = 	snop  }
0x2af: {  	_ = 	snop  }
0x2b0: {  	p2 =	por $0x0, $0x0  }
0x2b1: {  	_ = 	snop  }
.LBB2_80:
0x2b2: {  	_ =	sfence.sel $0x180000  }
0x2b3: {  	[bflag:$0x0] =	sbarrier.arrive $0xFFFF  }
0x2b4: {  	_ =	strace $0x9000004A  }
0x2b5: {  	s0 =	stileid.u32;
	[bflag:$0x2] =	sbarrier.arrive $0xFFFF  }
0x2b6: {  	p0 =	sne.s32 s0, $0x0;
	s0 =	rddreg [dreg:$0x2]  }
0x2b7: {  	s0 =	sadd.s32 @!p0 $0x100000, s0  }
0x2b8: {  	[sflag:s0] =	ssyncadd.tile.s32 @!p0 $0x1;
	_ =	shalt  }
.Lfunc_end2:
_tile_overlayer_lowered:
.L_overlay_start_2:
0x2b9: {  	(tag) =	ssettag $0x2  }
0x2ba: {  	s0 =	rddreg [dreg:$0x0];
	s2 =	stileid.u32  }
0x2bb: {  	s1 =	rddreg [dreg:$0x1];
	p0 =	sne.s32 s2, $0x0  }
0x2bc: {  	s3 =	rddreg [dreg:$0x2];
	[bflag:$0x3] =	sbarrier.arrive $0xFFFF;
	s2 =	simm.s32 @!p0 $0x1C19  }
0x2bd: {  	[timem:s3], [sflag:s2] =	dma.local @!p0 [hbm:s0], s1  }
0x2be: {  	s0 =	simm.s32 @!p0 $0x19  }
0x2bf: {  	_ =	swait.ge @!p0 [sflag:s0], s1  }
0x2c0: {  	s1 =	ssub.s32 @!p0 $0x0, s1;
	[sflag:s0] =	ssyncset.done @!p0 $0x0  }
0x2c1: {  	[sflag:s0] =	ssyncadd.s32 @!p0 s1  }
0x2c2: {  	[bflag:$0x3] =	sbarrier.arrive $0xFFFF  }
0x2c3: {  	_ =	shalt  }

// kernel: kernel.14.cloned.1.call-start
scs
__scs_entry_jumppad:
0x0: {  	(pc) =	sbr.rel $0x88, $3  }
0x1: {  	(tag) =	ssettag $0x0;
	lr =	simm.s32 $0x1  }
0x2: {  	[smem:$0x3F9B] =	sst lr;
	_ =	strace $0xD0000000  }
0x3: {  	_ = 	snop  }
0x4: {  	_ = 	snop  }
0x5: {  	_ = 	snop  }
0x6: {  	_ = 	snop  }
0x7: {  	_ = 	snop  }
__scs_overlays_trampoline_lowered:
0x8: {  	[smem:$0x3FAA] =	sst s0  }
0x9: {  	[smem:$0x3FAB] =	sst s1  }
0xa: {  	[smem:$0x3FAC] =	sst s2  }
0xb: {  	[smem:$0x3FAD] =	sst s3  }
0xc: {  	[smem:$0x3FAE] =	sst s4  }
0xd: {  	[smem:$0x3FAF] =	sst s5  }
0xe: {  	[smem:$0x3FB0] =	sst s6  }
0xf: {  	[smem:$0x3FB1] =	sst s7  }
0x10: {  	[smem:$0x3FB2] =	sst s8  }
0x11: {  	[smem:$0x3FB3] =	sst s9;
	s0 =	simm.s32 @!p0 $0x0  }
0x12: {  	s1 =	sld [smem:$0x3F99];
	s0 =	simm.s32 @p0 $0x1  }
0x13: {  	[smem:$0x3FB4] =	sst s0;
	s0 =	simm.s32 @!p1 $0x0  }
0x14: {  	s2 =	sld [smem:$0x3F98];
	s0 =	simm.s32 @p1 $0x1  }
0x15: {  	[smem:$0x3FB5] =	sst s0;
	s0 =	simm.s32 @!p2 $0x0  }
0x16: {  	s3 =	sld [smem:$0x3FDB];
	s0 =	simm.s32 @p2 $0x1  }
0x17: {  	s4 =	simm.s32 $0x1BF5;
	[smem:$0x3FB7] =	sst s0  }
0x18: {  	s0 =	sld [smem:$0x3F9A];
	_ =	swait.ge [sflag:s4], $0x0  }
0x19: {  	s7 =	sld [smem:$0x3F9B]  }
0x1a: {  	s8 =	sadd.s32 $0xFFFFE003, lr  }
0x1b: {  	s9 =	sadd.s32 $0xFFFFFEF7, lr;
	s5 =	simm.s32 $0xFFFFFFFF;
	p2 =	slt.u32 s8, $0xFFFFF086  }
0x1c: {  	p1 =	slt.u32 s9, $0xF7A;
	s5 =	simm.s32 @!p2 $0x0  }
0x1d: {  	s5 =	simm.s32 @p1 $0x1;
	p0 =	seq.s32 s7, s2  }
0x1e: {  	s7 =	smul.u32 @!p0 $0xF7A, s2;
	p2 =	seq.s32 @!p0 s5, $0x0  }
0x1f: {  	s9 =	smul.u32 $0xF7A, s1;
	s8 =	simm.s32 @!p0 $0x1BF5;
	p2 =	por !p2, p0  }
0x20: {  	[sflag:s8] =	ssyncset.s32 @!p0 $0xFFFFF086;
	s6 =	sadd.s32 @!p0 s3, s7;
	s7 =	simm.s32 @!p0 $0x108  }
0x21: {  	s3 =	sadd.s32 s3, s9;
	s6 =	sadd.s32 @!p0 $0x88, s6;
	s7 =	simm.s32 @p2 $0x1082  }
0x22: {  	[simem:s7], [sflag:s8] =	dma.local @!p0 [hbm:s6], $0xF7A  }
0x23: {  	s9 =	sor.u32 $0xD0000000, s2;
	s6 =	simm.s32 $0x108;
	_ =	swait.ge @!p0 [sflag:s8], $0x0  }
0x24: {  	s3 =	sadd.s32 $0x88, s3;
	s6 =	simm.s32 @!p1 $0x1082;
	[sflag:s4] =	ssyncset.s32 $0xFFFFF086  }
0x25: {  	[simem:s6], [sflag:s4] =	dma.local [hbm:s3], $0xF7A  }
0x26: {  	[smem:$0x3F9B] =	sst s1;
	(tag) =	ssettag s2;
	_ =	strace s9  }
0x27: {  	s1 =	sld [smem:$0x3FAB]  }
0x28: {  	s2 =	sld [smem:$0x3FAC]  }
0x29: {  	s4 =	sld [smem:$0x3FAE]  }
0x2a: {  	p0 =	seq.s32 s5, $0x0;
	s5 =	sld [smem:$0x3FAF]  }
0x2b: {  	s6 =	sld [smem:$0x3FB0]  }
0x2c: {  	s7 =	sld [smem:$0x3FB1]  }
0x2d: {  	s3 =	simm.s32 $0x108;
	s8 =	sld [smem:$0x3FB2]  }
0x2e: {  	s3 =	simm.s32 @!p0 $0x1082;
	s9 =	sld [smem:$0x3FB3]  }
0x2f: {  	lr =	sadd.s32 s0, s3;
	s0 =	sld [smem:$0x3FAA]  }
0x30: {  	s3 =	sld [smem:$0x3FAD]  }
0x31: {  	[smem:$0x3FB6] =	sst s10  }
0x32: {  	s10 =	sld [smem:$0x3FB4];
	_ =	sdelay $0x3  }
0x33: {  	p0 =	seq.s32 s10, $0x1;
	s10 =	sld [smem:$0x3FB6];
	_ =	sdelay $0x3  }
0x34: {  	[smem:$0x3FB6] =	sst s10  }
0x35: {  	s10 =	sld [smem:$0x3FB5];
	_ =	sdelay $0x3  }
0x36: {  	p1 =	seq.s32 s10, $0x1;
	s10 =	sld [smem:$0x3FB6];
	_ =	sdelay $0x3  }
0x37: {  	[smem:$0x3FB6] =	sst s10  }
0x38: {  	s10 =	sld [smem:$0x3FB7]  }
0x39: {  	_ = 	snop;
	(pc) =	sbr.ind lr, $3  }
0x3a: {  	_ = 	snop  }
0x3b: {  	_ = 	snop  }
0x3c: {  	p2 =	seq.s32 s10, $0x1;
	s10 =	sld [smem:$0x3FB6]  }
0x3d: {  	_ =	shalt  }
0x3e: {  	_ =	shalt  }
0x3f: {  	_ =	shalt  }
0x40: {  	_ =	shalt  }
0x41: {  	_ =	shalt  }
0x42: {  	_ =	shalt  }
0x43: {  	_ =	shalt  }
0x44: {  	_ =	shalt  }
0x45: {  	_ =	shalt  }
0x46: {  	_ =	shalt  }
0x47: {  	_ =	shalt  }
0x48: {  	_ =	shalt  }
0x49: {  	_ =	shalt  }
0x4a: {  	_ =	shalt  }
0x4b: {  	_ =	shalt  }
0x4c: {  	_ =	shalt  }
0x4d: {  	_ =	shalt  }
0x4e: {  	_ =	shalt  }
0x4f: {  	_ =	shalt  }
0x50: {  	_ =	shalt  }
0x51: {  	_ =	shalt  }
0x52: {  	_ =	shalt  }
0x53: {  	_ =	shalt  }
0x54: {  	_ =	shalt  }
0x55: {  	_ =	shalt  }
0x56: {  	_ =	shalt  }
0x57: {  	_ =	shalt  }
0x58: {  	_ =	shalt  }
0x59: {  	_ =	shalt  }
0x5a: {  	_ =	shalt  }
0x5b: {  	_ =	shalt  }
0x5c: {  	_ =	shalt  }
0x5d: {  	_ =	shalt  }
0x5e: {  	_ =	shalt  }
0x5f: {  	_ =	shalt  }
0x60: {  	_ =	shalt  }
0x61: {  	_ =	shalt  }
0x62: {  	_ =	shalt  }
0x63: {  	_ =	shalt  }
0x64: {  	_ =	shalt  }
0x65: {  	_ =	shalt  }
0x66: {  	_ =	shalt  }
0x67: {  	_ =	shalt  }
0x68: {  	_ =	shalt  }
0x69: {  	_ =	shalt  }
0x6a: {  	_ =	shalt  }
0x6b: {  	_ =	shalt  }
0x6c: {  	_ =	shalt  }
0x6d: {  	_ =	shalt  }
0x6e: {  	_ =	shalt  }
0x6f: {  	_ =	shalt  }
0x70: {  	_ =	shalt  }
0x71: {  	_ =	shalt  }
0x72: {  	_ =	shalt  }
0x73: {  	_ =	shalt  }
0x74: {  	_ =	shalt  }
0x75: {  	_ =	shalt  }
0x76: {  	_ =	shalt  }
0x77: {  	_ =	shalt  }
0x78: {  	_ =	shalt  }
0x79: {  	_ =	shalt  }
0x7a: {  	_ =	shalt  }
0x7b: {  	_ =	shalt  }
0x7c: {  	_ =	shalt  }
0x7d: {  	_ =	shalt  }
0x7e: {  	_ =	shalt  }
0x7f: {  	_ =	shalt  }
0x80: {  	_ =	shalt  }
0x81: {  	_ =	shalt  }
0x82: {  	_ =	shalt  }
0x83: {  	_ =	shalt  }
0x84: {  	_ =	shalt  }
0x85: {  	_ =	shalt  }
0x86: {  	_ =	shalt  }
0x87: {  	_ =	shalt  }
.Lfunc_end0:
.L_simem_size_0:
called_computation.2_lowered:
.L_overlay_start_0:
0x88: {  	s2 =	sld [smem:$0x3FD9]  }
0x89: {  	s3 =	sld [smem:$0x3FFE];
	_ =	sdelay $0x1  }
0x8a: {  	s1 =	srdreg.scid  }
0x8b: {  	s0 =	sand.u32 $0x1, s1  }
0x8c: {  	s17 =	sshll.u32 s0, $0xA;
	s2 =	sadd.s32 s3, s2  }
0x8d: {  	s2 =	sadd.s32 s2, s17  }
0x8e: {  	[smem:$0x3FC2] =	sst s2  }
0x8f: {  	_ = 	snop  }
0x90: {  	s2 =	sld [smem:$0x3FD0];
	(tm) =	ssettm $0x1  }
0x91: {  	s18 =	sld [smem:$0x3FFB];
	_ =	sdelay $0x3  }
0x92: {  	_ =	strace s18  }
0x93: {  	s3 =	sld [smem:$0x3FFC];
	_ =	sdelay $0x3  }
0x94: {  	_ =	strace s3  }
0x95: {  	s3 =	sld [smem:$0x3FFD];
	_ =	sdelay $0x3  }
0x96: {  	_ =	strace s3  }
0x97: {  	_ =	strace $0x8FFFFFFF  }
0x98: {  	s19 =	sld [smem:$0x3FDB];
	_ =	sdelay $0x1  }
0x99: {  	s4 =	simm.s32 $_scs_section_size  }
0x9a: {  	s5 =	simm.s32 $_size__tile_overlayer_lowered;
	s6 =	simm.s32 $_tile_overlayer_lowered  }
0x9b: {  	s22 =	simm.s32 $0x1BFF;
	s21 =	sshll.u32 s6, $0x1;
	s3 =	sadd.s32 s4, s19  }
0x9c: {  	s7 =	simm.s32 $0x0;
	s20 =	sshll.u32 s5, $0x1;
	s5 =	sadd.s32 s21, s3  }
0x9d: {  	[timem:s7], [sflag:s22] =	dma.local [hbm:s5], s20  }
0x9e: {  	_ =	swait.ge [sflag:s22], s20  }
0x9f: {  	s4 =	ssub.s32 $0x0, s20;
	[sflag:s22] =	ssyncset.done $0x0  }
0xa0: {  	[sflag:s22] =	ssyncadd.s32 s4;
	_ =	sdelay $0x1  }
0xa1: {  	s23 =	simm.s32 $0x1B8B  }
0xa2: {  	_ =	swait.ge [sflag:s23], $0x1  }
0xa3: {  	[sflag:s23] =	ssyncset.done $0x0  }
0xa4: {  	s25 =	simm.s32 $0x1B8E;
	s24 =	sld [smem:$0x3FFE];
	[sflag:s23] =	ssyncadd.s32 $0xFFFFFFFF  }
0xa5: {  	s26 =	simm.s32 $execute0_lowered;
	[smem:$0x3FD2] =	sst s25  }
0xa6: {  	s5 =	sshll.u32 s26, $0x1;
	_ =	strace $0x8000004C;
	[dreg:$0x1] =	wrdreg $0xFFFFFFFF  }
0xa7: {  	s28 =	simm.s32 $_size_execute0_lowered;
	s3 =	sadd.s32 s3, s5;
	[dreg:$0x0] =	wrdreg $0x0  }
0xa8: {  	s5 =	sshll.u32 s28, $0x1;
	[dreg:$0x2] =	wrdreg s3  }
0xa9: {  	[dreg:$0x3] =	wrdreg s5  }
0xaa: {  	[dreg:$0x4] =	wrdreg $0xC0  }
0xab: {  	_ =	task [dreg:s7], $0x5FFFF  }
0xac: {  	[dreg:$0x1] =	wrdreg $0xFFFFFFFF  }
0xad: {  	[dreg:$0x0] =	wrdreg $0x60  }
0xae: {  	[dreg:$0x2] =	wrdreg s2  }
0xaf: {  	[dreg:$0x3] =	wrdreg s24  }
0xb0: {  	[dreg:$0x4] =	wrdreg $0x0  }
0xb1: {  	[dreg:$0x5] =	wrdreg $0x9  }
0xb2: {  	_ =	task.clear_ibuf [dreg:s7], $0x6FFFF;
	_ =	strace $0x9000004C  }
0xb3: {  	s29 =	simm.s32 $0x9;
	_ =	strace $0x8000004E  }
0xb4: {  	_ =	swait.ge [sflag:s29], $0x1  }
0xb5: {  	[sflag:s29] =	ssyncadd.s32 $0xFFFFFFFF  }
0xb6: {  	_ =	strace $0x9000004E  }
0xb7: {  	_ =	sfence  }
0xb8: {  	s30 =	sld [smem:$0x0];
	_ =	sdelay $0x2  }
0xb9: {  	s31 =	sshll.u32 s1, $0xD;
	s1 =	sshrl.u32 s1, $0x2  }
0xba: {  	s3 =	sand.u32 $0x4000, s31;
	s1 =	sadd.s32 s1, s30  }
0xbb: {  	s0 =	sor.u32 s3, s0;
	s1 =	sshll.u32 s1, $0x11  }
0xbc: {  	s0 =	sor.u32 s1, s0  }
0xbd: {  	s0 =	sadd.s32 $0x8F2B, s0  }
0xbe: {  	[sflag:s0] =	ssyncadd.remote.s32 $0x1  }
0xbf: {  	_ =	sfence.sel $0xFFFF  }
0xc0: {  	[dreg:$0x0] =	wrdreg $0xFFFFFFFF;
	(pc) =	sbr.abs _section_cstart, $3  }
0xc1: {  	[dreg:$0x1] =	wrdreg $0xFFFFFFFF  }
0xc2: {  	_ =	task.clear_ibuf [dreg:s7], $0x2FFFF;
	_ =	strace $0x9FFFFFFF  }
0xc3: {  	(tm) =	ssettm $0x7FFFFFFF  }
tec
execute0_lowered:
.L_overlay_start_1:
0x0: {  	(tag) =	ssettag $0x1  }
0x1: {  	s0 =	rddreg [dreg:$0x0]  }
0x2: {  	s1 =	rddreg [dreg:$0x1];
	s2 =	srdreg.scid  }
0x3: {  	s3 =	rddreg [dreg:$0x2];
	s11 =	stileid.u32  }
0x4: {  	s4 =	simm.s32 $0x0;
	s12 =	simm.s32 $0x13880;
	s13 =	simm.s32 $0x13C80  }
0x5: {  	s14 =	simm.s32 $0x1;
	s15 =	simm.s32 $0x50;
	s16 =	simm.s32 $0x14080  }
0x6: {  	s19 =	simm.s32 $0x2;
	s21 =	simm.s32 $0x16880;
	s22 =	simm.s32 $0x14  }
0x7: {  	s26 =	simm.s32 $0x18;
	s30 =	simm.s32 $0x3;
	s31 =	simm.s32 $0x19080  }
0x8: {  	s18 =	simm.s32 $0x5;
	s23 =	simm.s32 $0x7;
	s5 =	smul.u32 $0x3E8, s11  }
0x9: {  	s25 =	simm.s32 $0xD;
	s20 =	simm.s32 $0x0;
	s6 =	smul.u32 $0x4E2, s11  }
0xa: {  	s2 =	sand.u32 $0x1, s2;
	[smem:$0x7FF] =	sst s4;
	s7 =	smul.u32 $0x7D000, s11  }
0xb: {  	p0 =	sgt.u32 s11, $0x9;
	s10 =	smul.u32 $0x2710, s2;
	s2 =	ssub.s32 $0x2, s2  }
0xc: {  	_ =	strace $0x8000004D;
	s6 =	sadd.s32 s6, s1;
	s8 =	sshrl.u32 s2, $0x1  }
0xd: {  	s7 =	sshrl.u32 s7, $0x2;
	s5 =	sadd.s32 s5, s10;
	s2 =	ssub.s32 s2, s8  }
0xe: {  	s7 =	sadd.s32 s7, s3;
	s8 =	sadd.s32 $0x6200, s6;
	s9 =	sadd.s32 $0x1200, s6  }
0xf: {  	s5 =	sshll.u32 s5, $0x4;
	s29 =	smax.u32 s2, $0x1;
	s17 =	sshrl.u32 @!p0 s7, $0x3  }
.Ltmp0:
0x10: {  	s1 =	sadd.s32 s5, s1;
	[dreg:$0x6] =	wrdreg s29;
	(pc) =	sbr.rel .LBB2_1-.Ltmp0, $4  }
0x11: {  	s6 =	simm.s32 $0x6;
	[dreg:$0x8] =	wrdreg s17;
	s1 =	sadd.s32 $0xB200, s1  }
0x12: {  	s5 =	sadd.s32 s0, s5;
	[dreg:$0x5] =	wrdreg s1;
	s1 =	sshll.u32 @!p0 s11, $0x6  }
0x13: {  	s2 =	simm.s32 $0x9;
	[dreg:$0x4] =	wrdreg s5;
	s11 =	sor.u32 @!p0 $0x1C19, s1  }
0x14: {  	v0 =	vmov s10;
	s5 =	simm.s32 $0x15;
	s1 =	simm.s32 $0x11;
	[dreg:$0x7] =	wrdreg s11  }
.LBB2_40:
0x15: {  	[bflag:$0x0] =	sbarrier.arrive $0xFFFF  }
0x16: {  	s7 =	rddreg [dreg:$0x5]  }
0x17: {  	s11 =	rddreg [dreg:$0x7]  }
0x18: {  	s17 =	rddreg [dreg:$0x8]  }
0x19: {  	[hbm:s7], [sflag:s11] =	dma.local @!p0 [spmem:s17], $0x3E80  }
0x1a: {  	s7 =	simm.s32 @!p0 $0x19  }
0x1b: {  	_ =	swait.ge @!p0 [sflag:s7], $0x3E80  }
0x1c: {  	s20 =	rddreg [dreg:$0x9]  }
0x1d: {  	s10 =	rddreg [dreg:$0x6];
	s20 =	sadd.s32 $0x1, s20  }
0x1e: {  	p1 =	sne.s32 s20, s10  }
.Ltmp1:
0x1f: {  	_ = 	snop;
	(pc) =	sbr.rel @!p1 .LBB2_41-.Ltmp1, $3  }
0x20: {  	_ =	sdelay $0x1  }
0x21: {  	[sflag:s7] =	ssyncset.done @!p0 $0x0  }
0x22: {  	[sflag:s7] =	ssyncadd.s32 @!p0 $0xFFFFC180  }
.LBB2_1:
0x23: {  	[dreg:$0x9] =	wrdreg s20  }
0x24: {  	s7 =	rddreg [dreg:$0x4];
	s10 =	simm.s32 @!p0 $0x19  }
0x25: {  	[spmem:s17], [sflag:s11] =	dma.local @!p0 [hbm:s7], $0x3E80  }
.Ltmp2:
0x26: {  	_ =	swait.ge @!p0 [sflag:s10], $0x3E80;
	(pc) =	sbr.rel .LBB2_2-.Ltmp2, $4  }
0x27: {  	[sflag:s10] =	ssyncset.done @!p0 $0x0  }
0x28: {  	[sflag:s10] =	ssyncadd.s32 @!p0 $0xFFFFC180  }
0x29: {  	[bflag:$0x0] =	sbarrier.arrive $0xFFFF  }
0x2a: {  	s11 =	simm.s32 $0x0;
	s10 =	simm.s32 $0x7  }
.LBB2_38:
0x2b: {  	_ =	swait.ge [sflag:s1], $0x2800  }
0x2c: {  	[sflag:s1] =	ssyncset.done $0x0  }
0x2d: {  	[sflag:s1] =	ssyncadd.s32 $0xFFFFD800  }
0x2e: {  	_ =	swait.ge [sflag:s25], $0x50  }
0x2f: {  	[sflag:s25] =	ssyncset.done $0x0  }
0x30: {  	s7 =	simm.s32 $0x13E80;
	[sflag:s25] =	ssyncadd.s32 $0xFFFFFFB0  }
0x31: {  	[spmem:s3] =	stream.indirect.scatter.add.f32 [tilespmem:s16], [sflag:$0x15], $0x80, s7, s15, $0xb8;
	[tilespmem:$0x1E080] =	vst v63  }
.LBB2_39:
0x32: {  	s11 =	sadd.s32 $0x50, s11;
	s10 =	sadd.s32 $0x8, s10  }
.LBB2_2:
0x33: {  	s20 =	sadd.s32 $0xFFFFFFF5, s10;
	p2 =	seq.s32 s11, $0x500  }
.Ltmp3:
0x34: {  	p1 =	sgt.u32 s20, $0x7C;
	(pc) =	sbr.rel @p2 .LBB2_40-.Ltmp3, $4  }
0x35: {  	s20 =	simm.s32 @!p1 $0x15  }
0x36: {  	_ =	swait.ge @!p1 [sflag:s20], $0x2800  }
0x37: {  	[sflag:s20] =	ssyncset.done @!p1 $0x0  }
0x38: {  	[sflag:s20] =	ssyncadd.s32 @!p1 $0xFFFFD800  }
0x39: {  	s20 =	sadd.s32 s11, s9;
	s24 =	sadd.s32 $0xFFFFFFF8, s10  }
0x3a: {  	[tilespmem:s12], [sflag:$0x1] =	stream.linear.gather [hbm4b:s20+s4], $0x50, $0x38;
	[tilespmem:$0x1E080] =	vst v63  }
0x3b: {  	p1 =	sgt.u32 s24, $0x7C  }
0x3c: {  	s28 =	sadd.s32 s11, s8;
	s7 =	simm.s32 @!p1 $0x8  }
0x3d: {  	[tilespmem:s13], [sflag:$0x9] =	stream.linear.gather [hbm4b:s28+s4], $0x50, $0x38;
	[tilespmem:$0x1E080] =	vst v63  }
0x3e: {  	_ =	swait.ge @!p1 [sflag:s7], $0x50  }
0x3f: {  	[sflag:s7] =	ssyncset.done @!p1 $0x0  }
0x40: {  	[sflag:s7] =	ssyncadd.s32 @!p1 $0xFFFFFFB0  }
0x41: {  	v1 =	vld @!p1 [tilespmem:$0x13C00]  }
0x42: {  	v2 =	vld @!p1 [tilespmem:$0x13C10]  }
0x43: {  	v3 =	vld @!p1 [tilespmem:$0x13C20]  }
0x44: {  	v4 =	vld @!p1 [tilespmem:$0x13C30]  }
0x45: {  	v5 =	vld @!p1 [tilespmem:$0x13C40]  }
0x46: {  	v1 =	vadd.s32 @!p1 v0, v1  }
0x47: {  	[tilespmem:$0x13C00] =	vst @!p1 v1;
	v1 =	vadd.s32 @!p1 v0, v2  }
0x48: {  	[tilespmem:$0x13C10] =	vst @!p1 v1;
	v1 =	vadd.s32 @!p1 v0, v3  }
0x49: {  	[tilespmem:$0x13C20] =	vst @!p1 v1;
	v1 =	vadd.s32 @!p1 v0, v4  }
0x4a: {  	[tilespmem:$0x13C30] =	vst @!p1 v1;
	v1 =	vadd.s32 @!p1 v0, v5  }
0x4b: {  	s17 =	simm.s32 @!p1 $0x13C00;
	s29 =	simm.s32 @!p1 $0x1B880;
	s7 =	simm.s32 @!p1 $0x50;
	[tilespmem:$0x13C40] =	vst @!p1 v1  }
0x4c: {  	[tilespmem:s29], [sflag:$0x14] =	stream.indirect.gather @!p1 [hbm4b:s0+s7], $0x80, s17, s7, $0xb8;
	[tilespmem:$0x1E080] =	vst v63  }
0x4d: {  	s17 =	sadd.s32 $0xFFFFFFF6, s10  }
0x4e: {  	p3 =	sgt.u32 s17, $0x7C  }
0x4f: {  	s7 =	simm.s32 @!p3 $0x12  }
0x50: {  	_ =	swait.ge @!p3 [sflag:s7], $0x2800  }
0x51: {  	[sflag:s7] =	ssyncset.done @!p3 $0x0  }
0x52: {  	[sflag:s7] =	ssyncadd.s32 @!p3 $0xFFFFD800;
	s7 =	simm.s32 @!p3 $0xE  }
0x53: {  	_ =	swait.ge @!p3 [sflag:s7], $0x50  }
0x54: {  	s17 =	simm.s32 @!p3 $0x13F00;
	[sflag:s7] =	ssyncset.done @!p3 $0x0  }
0x55: {  	s29 =	simm.s32 @!p3 $0x16880;
	[sflag:s7] =	ssyncadd.s32 @!p3 $0xFFFFFFB0;
	s7 =	simm.s32 @!p3 $0x50  }
0x56: {  	[spmem:s3] =	stream.indirect.scatter.add.f32 @!p3 [tilespmem:s29], [sflag:$0x16], $0x80, s17, s7, $0xb8;
	[tilespmem:$0x1E080] =	vst v63  }
0x57: {  	s7 =	simm.s32 @!p3 $0x16  }
0x58: {  	s29 =	sadd.s32 $0xFFFFFFFA, s10;
	_ =	swait.ge @!p3 [sflag:s7], $0x2800  }
0x59: {  	p2 =	sgt.u32 s29, $0x7C;
	[sflag:s7] =	ssyncset.done @!p3 $0x0  }
0x5a: {  	[sflag:s7] =	ssyncadd.s32 @!p3 $0xFFFFD800;
	s7 =	sadd.s32 @!p2 s11, s9  }
0x5b: {  	s17 =	simm.s32 @!p2 $0x0;
	s29 =	simm.s32 @!p2 $0x13900;
	s7 =	sadd.s32 @!p2 $0xA, s7  }
0x5c: {  	[tilespmem:s29], [sflag:$0x2] =	stream.linear.gather @!p2 [hbm4b:s7+s17], $0x50, $0x38;
	[tilespmem:$0x1E080] =	vst v63  }
0x5d: {  	s7 =	sadd.s32 @!p2 s11, s8  }
0x5e: {  	s29 =	simm.s32 @!p2 $0x13D00;
	s7 =	sadd.s32 @!p2 $0xA, s7  }
0x5f: {  	[tilespmem:s29], [sflag:$0xA] =	stream.linear.gather @!p2 [hbm4b:s7+s17], $0x50, $0x38;
	[tilespmem:$0x1E080] =	vst v63  }
0x60: {  	_ =	swait.ge [sflag:s14], $0x50  }
0x61: {  	[sflag:s14] =	ssyncset.done $0x0  }
0x62: {  	[sflag:s14] =	ssyncadd.s32 $0xFFFFFFB0  }
0x63: {  	v1 =	vld [tilespmem:$0x13880]  }
0x64: {  	v2 =	vld [tilespmem:$0x13890]  }
0x65: {  	v3 =	vld [tilespmem:$0x138A0]  }
0x66: {  	v62 =	vld [tilespmem:$0x138B0]  }
0x67: {  	v63 =	vld [tilespmem:$0x138C0]  }
0x68: {  	v1 =	vadd.s32 v0, v1  }
0x69: {  	[tilespmem:$0x13880] =	vst v1;
	v1 =	vadd.s32 v0, v2  }
0x6a: {  	[tilespmem:$0x13890] =	vst v1;
	v1 =	vadd.s32 v0, v3  }
0x6b: {  	s17 =	sadd.s32 $0xFFFFFFF7, s10;
	[tilespmem:$0x138A0] =	vst v1;
	v1 =	vadd.s32 v0, v62  }
0x6c: {  	p3 =	sgt.u32 s17, $0x7C;
	[tilespmem:$0x138B0] =	vst v1;
	v1 =	vadd.s32 v0, v63  }
0x6d: {  	s7 =	simm.s32 @!p3 $0x13;
	[tilespmem:$0x138C0] =	vst v1  }
0x6e: {  	[tilespmem:s16], [sflag:$0x11] =	stream.indirect.gather [hbm4b:s0+s15], $0x80, s12, s15, $0xb8;
	[tilespmem:$0x1E080] =	vst v63  }
0x6f: {  	_ =	swait.ge @!p3 [sflag:s7], $0x2800  }
0x70: {  	[sflag:s7] =	ssyncset.done @!p3 $0x0  }
0x71: {  	[sflag:s7] =	ssyncadd.s32 @!p3 $0xFFFFD800;
	s7 =	simm.s32 @!p3 $0xF  }
0x72: {  	_ =	swait.ge @!p3 [sflag:s7], $0x50  }
0x73: {  	s17 =	simm.s32 @!p3 $0x13F80;
	[sflag:s7] =	ssyncset.done @!p3 $0x0  }
0x74: {  	s29 =	simm.s32 @!p3 $0x19080;
	[sflag:s7] =	ssyncadd.s32 @!p3 $0xFFFFFFB0;
	s7 =	simm.s32 @!p3 $0x50  }
0x75: {  	[spmem:s3] =	stream.indirect.scatter.add.f32 @!p3 [tilespmem:s29], [sflag:$0x17], $0x80, s17, s7, $0xb8;
	[tilespmem:$0x1E080] =	vst v63  }
0x76: {  	s29 =	sadd.s32 $0xFFFFFFFB, s10  }
0x77: {  	p4 =	sgt.u32 s29, $0x7C  }
.Ltmp4:
0x78: {  	_ = 	snop;
	(pc) =	sbr.rel @p4 .LBB2_5-.Ltmp4, $4  }
0x79: {  	s7 =	simm.s32 @!p3 $0x17  }
0x7a: {  	_ =	swait.ge @!p3 [sflag:s7], $0x2800  }
0x7b: {  	[sflag:s7] =	ssyncset.done @!p3 $0x0  }
0x7c: {  	[sflag:s7] =	ssyncadd.s32 @!p3 $0xFFFFD800  }
.Ltmp5:
0x7d: {  	(pc) =	sbr.rel .LBB2_6-.Ltmp5, $4  }
0x7e: {  	s7 =	sadd.s32 $0x14, s20;
	s17 =	simm.s32 $0x13980  }
0x7f: {  	[tilespmem:s17], [sflag:$0x3] =	stream.linear.gather [hbm4b:s7+s4], $0x50, $0x38;
	[tilespmem:$0x1E080] =	vst v63  }
0x80: {  	s29 =	simm.s32 $0x13D80;
	s17 =	sadd.s32 $0x14, s28  }
0x81: {  	[tilespmem:s29], [sflag:$0xB] =	stream.linear.gather [hbm4b:s17+s4], $0x50, $0x38;
	[tilespmem:$0x1E080] =	vst v63  }
.LBB2_5:
.Ltmp6:
0x82: {  	(pc) =	sbr.rel @p2 .LBB2_7-.Ltmp6, $1  }
0x83: {  	_ =	sdelay $0x3  }
.LBB2_6:
0x84: {  	_ =	swait.ge [sflag:s19], $0x50  }
0x85: {  	[sflag:s19] =	ssyncset.done $0x0  }
0x86: {  	[sflag:s19] =	ssyncadd.s32 $0xFFFFFFB0  }
0x87: {  	v1 =	vld [tilespmem:$0x13900]  }
0x88: {  	v2 =	vld [tilespmem:$0x13910]  }
0x89: {  	v3 =	vld [tilespmem:$0x13920]  }
0x8a: {  	v4 =	vld [tilespmem:$0x13930]  }
0x8b: {  	v5 =	vld [tilespmem:$0x13940]  }
0x8c: {  	v1 =	vadd.s32 v0, v1  }
0x8d: {  	p1 =	slt.u32 s24, $0x7D;
	[tilespmem:$0x13900] =	vst v1;
	v1 =	vadd.s32 v0, v2  }
.Ltmp7:
0x8e: {  	[tilespmem:$0x13910] =	vst v1;
	v1 =	vadd.s32 v0, v3;
	(pc) =	sbr.rel @p1 .LBB2_8-.Ltmp7, $4  }
.Ltmp8:
0x8f: {  	[tilespmem:$0x13920] =	vst v1;
	v1 =	vadd.s32 v0, v4;
	(pc) =	sbr.rel @!p1 .LBB2_9-.Ltmp8, $4  }
0x90: {  	[tilespmem:$0x13930] =	vst v1;
	v1 =	vadd.s32 v0, v5  }
0x91: {  	s7 =	simm.s32 $0x13900;
	p3 =	por $0x1, $0x1;
	[tilespmem:$0x13940] =	vst v1  }
0x92: {  	[tilespmem:s21], [sflag:$0x12] =	stream.indirect.gather [hbm4b:s0+s15], $0x80, s7, s15, $0xb8;
	[tilespmem:$0x1E080] =	vst v63  }
0x93: {  	_ = 	snop  }
.LBB2_7:
.Ltmp9:
0x94: {  	(pc) =	sbr.rel @p1 .LBB2_14-.Ltmp9, $2  }
0x95: {  	_ =	sdelay $0x2  }
0x96: {  	p3 =	por $0x0, $0x0;
	p2 =	por $0x0, $0x0;
	p5 =	por $0x0, $0x0  }
.LBB2_8:
0x97: {  	_ =	swait.ge [sflag:s22], $0x2800  }
0x98: {  	[sflag:s22] =	ssyncset.done $0x0  }
0x99: {  	s7 =	simm.s32 $0x10;
	[sflag:s22] =	ssyncadd.s32 $0xFFFFD800  }
0x9a: {  	_ =	swait.ge [sflag:s7], $0x50  }
0x9b: {  	[sflag:s7] =	ssyncset.done $0x0  }
0x9c: {  	s29 =	simm.s32 $0x14000;
	s17 =	simm.s32 $0x1B880;
	[sflag:s7] =	ssyncadd.s32 $0xFFFFFFB0  }
0x9d: {  	[spmem:s3] =	stream.indirect.scatter.add.f32 [tilespmem:s17], [sflag:$0x18], $0x80, s29, s15, $0xb8;
	[tilespmem:$0x1E080] =	vst v63  }
0x9e: {  	_ =	swait.ge [sflag:s26], $0x2800  }
0x9f: {  	[sflag:s26] =	ssyncset.done $0x0  }
0xa0: {  	[sflag:s26] =	ssyncadd.s32 $0xFFFFD800  }
.LBB2_9:
0xa1: {  	s24 =	sadd.s32 $0xFFFFFFFC, s10  }
0xa2: {  	p1 =	sgt.u32 s24, $0x7C  }
.Ltmp10:
0xa3: {  	_ = 	snop;
	(pc) =	sbr.rel @p1 .LBB2_12-.Ltmp10, $1  }
0xa4: {  	_ =	sdelay $0x3  }
.Ltmp11:
0xa5: {  	(pc) =	sbr.rel .LBB2_11-.Ltmp11, $4  }
0xa6: {  	s7 =	sadd.s32 $0x1E, s20;
	s17 =	simm.s32 $0x13A00  }
0xa7: {  	[tilespmem:s17], [sflag:$0x4] =	stream.linear.gather [hbm4b:s7+s4], $0x50, $0x38;
	[tilespmem:$0x1E080] =	vst v63  }
0xa8: {  	s29 =	simm.s32 $0x13E00;
	s17 =	sadd.s32 $0x1E, s28  }
0xa9: {  	[tilespmem:s29], [sflag:$0xC] =	stream.linear.gather [hbm4b:s17+s4], $0x50, $0x38;
	[tilespmem:$0x1E080] =	vst v63  }
.LBB2_12:
.Ltmp12:
0xaa: {  	(pc) =	sbr.rel @p4 .LBB2_13-.Ltmp12, $2  }
0xab: {  	_ =	sdelay $0x2  }
0xac: {  	p2 =	por $0x0, $0x0  }
.LBB2_11:
0xad: {  	_ =	swait.ge [sflag:s30], $0x50  }
0xae: {  	[sflag:s30] =	ssyncset.done $0x0  }
0xaf: {  	[sflag:s30] =	ssyncadd.s32 $0xFFFFFFB0  }
0xb0: {  	v1 =	vld [tilespmem:$0x13980]  }
0xb1: {  	v2 =	vld [tilespmem:$0x13990]  }
0xb2: {  	v3 =	vld [tilespmem:$0x139A0]  }
0xb3: {  	v4 =	vld [tilespmem:$0x139B0]  }
0xb4: {  	v5 =	vld [tilespmem:$0x139C0]  }
0xb5: {  	v1 =	vadd.s32 v0, v1  }
0xb6: {  	[tilespmem:$0x13980] =	vst v1;
	v1 =	vadd.s32 v0, v2  }
.Ltmp13:
0xb7: {  	[tilespmem:$0x13990] =	vst v1;
	v1 =	vadd.s32 v0, v3;
	(pc) =	sbr.rel .LBB2_14-.Ltmp13, $4  }
0xb8: {  	[tilespmem:$0x139A0] =	vst v1;
	v1 =	vadd.s32 v0, v4  }
0xb9: {  	[tilespmem:$0x139B0] =	vst v1;
	v1 =	vadd.s32 v0, v5  }
0xba: {  	s7 =	simm.s32 $0x13980;
	p5 =	slt.u32 s24, $0x7D;
	p2 =	por $0x1, $0x1;
	[tilespmem:$0x139C0] =	vst v1  }
0xbb: {  	[tilespmem:s31], [sflag:$0x13] =	stream.indirect.gather [hbm4b:s0+s15], $0x80, s7, s15, $0xb8;
	[tilespmem:$0x1E080] =	vst v63  }
.LBB2_13:
0xbc: {  	p5 =	por $0x0, $0x0  }
.LBB2_14:
0xbd: {  	_ =	swait.ge [sflag:s1], $0x2800  }
0xbe: {  	[sflag:s1] =	ssyncset.done $0x0  }
0xbf: {  	[sflag:s1] =	ssyncadd.s32 $0xFFFFD800  }
0xc0: {  	s7 =	sadd.s32 $0xFFFFFFFD, s10;
	_ =	swait.ge [sflag:s2], $0x50  }
0xc1: {  	p4 =	sgt.u32 s7, $0x7C;
	[sflag:s2] =	ssyncset.done $0x0  }
.Ltmp14:
0xc2: {  	[sflag:s2] =	ssyncadd.s32 $0xFFFFFFB0;
	(pc) =	sbr.rel @p4 .LBB2_17-.Ltmp14, $4  }
0xc3: {  	[spmem:s3] =	stream.indirect.scatter.add.f32 [tilespmem:s16], [sflag:$0x15], $0x80, s13, s15, $0xb8;
	[tilespmem:$0x1E080] =	vst v63  }
0xc4: {  	_ =	swait.ge [sflag:s5], $0x2800  }
0xc5: {  	[sflag:s5] =	ssyncset.done $0x0  }
0xc6: {  	[sflag:s5] =	ssyncadd.s32 $0xFFFFD800  }
.Ltmp15:
0xc7: {  	(pc) =	sbr.rel @p5 .LBB2_18-.Ltmp15, $4  }
0xc8: {  	s7 =	sadd.s32 $0x28, s20;
	s17 =	simm.s32 $0x13A80  }
0xc9: {  	[tilespmem:s17], [sflag:$0x5] =	stream.linear.gather [hbm4b:s7+s4], $0x50, $0x38;
	[tilespmem:$0x1E080] =	vst v63  }
0xca: {  	s24 =	sadd.s32 $0x28, s28;
	s29 =	simm.s32 $0x13E80  }
0xcb: {  	[tilespmem:s29], [sflag:$0xD] =	stream.linear.gather [hbm4b:s24+s4], $0x50, $0x38;
	[tilespmem:$0x1E080] =	vst v63  }
.LBB2_16:
.Ltmp16:
0xcc: {  	(pc) =	sbr.rel @!p3 .LBB2_20-.Ltmp16, $2  }
0xcd: {  	_ =	sdelay $0x2  }
0xce: {  	p1 =	por $0x0, $0x0  }
.LBB2_19:
0xcf: {  	s7 =	simm.s32 $0x12  }
0xd0: {  	_ =	swait.ge [sflag:s7], $0x2800  }
0xd1: {  	[sflag:s7] =	ssyncset.done $0x0  }
0xd2: {  	s17 =	simm.s32 $0xA;
	[sflag:s7] =	ssyncadd.s32 $0xFFFFD800  }
0xd3: {  	_ =	swait.ge [sflag:s17], $0x50  }
0xd4: {  	[sflag:s17] =	ssyncset.done $0x0  }
0xd5: {  	s24 =	simm.s32 $0x13D00;
	s29 =	simm.s32 $0x16;
	[sflag:s17] =	ssyncadd.s32 $0xFFFFFFB0  }
0xd6: {  	[spmem:s3] =	stream.indirect.scatter.add.f32 [tilespmem:s21], [sflag:$0x16], $0x80, s24, s15, $0xb8;
	[tilespmem:$0x1E080] =	vst v63  }
0xd7: {  	_ =	swait.ge [sflag:s29], $0x2800  }
0xd8: {  	[sflag:s29] =	ssyncset.done $0x0  }
0xd9: {  	[sflag:s29] =	ssyncadd.s32 $0xFFFFD800  }
.LBB2_20:
0xda: {  	s7 =	sadd.s32 $0xFFFFFFFE, s10  }
0xdb: {  	p5 =	sgt.u32 s7, $0x7C  }
.Ltmp17:
0xdc: {  	_ = 	snop;
	(pc) =	sbr.rel @p5 .LBB2_22-.Ltmp17, $1  }
0xdd: {  	_ =	sdelay $0x3  }
.Ltmp18:
0xde: {  	(pc) =	sbr.rel .LBB2_23-.Ltmp18, $4  }
0xdf: {  	s7 =	sadd.s32 $0x32, s20;
	s17 =	simm.s32 $0x13B00  }
0xe0: {  	[tilespmem:s17], [sflag:$0x6] =	stream.linear.gather [hbm4b:s7+s4], $0x50, $0x38;
	[tilespmem:$0x1E080] =	vst v63  }
0xe1: {  	s24 =	sadd.s32 $0x32, s28;
	s29 =	simm.s32 $0x13F00  }
0xe2: {  	[tilespmem:s29], [sflag:$0xE] =	stream.linear.gather [hbm4b:s24+s4], $0x50, $0x38;
	[tilespmem:$0x1E080] =	vst v63  }
.LBB2_17:
.Ltmp19:
0xe3: {  	(pc) =	sbr.rel @!p5 .LBB2_16-.Ltmp19, $1  }
0xe4: {  	_ =	sdelay $0x3  }
.LBB2_18:
0xe5: {  	s7 =	simm.s32 $0x4  }
0xe6: {  	_ =	swait.ge [sflag:s7], $0x50  }
0xe7: {  	[sflag:s7] =	ssyncset.done $0x0  }
0xe8: {  	[sflag:s7] =	ssyncadd.s32 $0xFFFFFFB0  }
0xe9: {  	v1 =	vld [tilespmem:$0x13A00]  }
0xea: {  	v2 =	vld [tilespmem:$0x13A10]  }
0xeb: {  	v3 =	vld [tilespmem:$0x13A20]  }
0xec: {  	v4 =	vld [tilespmem:$0x13A30]  }
0xed: {  	v5 =	vld [tilespmem:$0x13A40]  }
0xee: {  	v1 =	vadd.s32 v0, v1  }
0xef: {  	[tilespmem:$0x13A00] =	vst v1;
	v1 =	vadd.s32 v0, v2  }
.Ltmp20:
0xf0: {  	[tilespmem:$0x13A10] =	vst v1;
	v1 =	vadd.s32 v0, v3;
	(pc) =	sbr.rel @!p3 .LBB2_20-.Ltmp20, $4  }
.Ltmp21:
0xf1: {  	[tilespmem:$0x13A20] =	vst v1;
	v1 =	vadd.s32 v0, v4;
	(pc) =	sbr.rel @p3 .LBB2_19-.Ltmp21, $4  }
0xf2: {  	[tilespmem:$0x13A30] =	vst v1;
	v1 =	vadd.s32 v0, v5  }
0xf3: {  	s29 =	simm.s32 $0x1B880;
	s17 =	simm.s32 $0x13A00;
	p1 =	por $0x1, $0x1;
	[tilespmem:$0x13A40] =	vst v1  }
0xf4: {  	[tilespmem:s29], [sflag:$0x14] =	stream.indirect.gather [hbm4b:s0+s15], $0x80, s17, s15, $0xb8;
	[tilespmem:$0x1E080] =	vst v63  }
0xf5: {  	_ = 	snop  }
.LBB2_22:
.Ltmp22:
0xf6: {  	(pc) =	sbr.rel @p4 .LBB2_24-.Ltmp22, $1  }
0xf7: {  	_ =	sdelay $0x3  }
.LBB2_23:
0xf8: {  	_ =	swait.ge [sflag:s18], $0x50  }
0xf9: {  	[sflag:s18] =	ssyncset.done $0x0  }
0xfa: {  	[sflag:s18] =	ssyncadd.s32 $0xFFFFFFB0  }
0xfb: {  	v1 =	vld [tilespmem:$0x13A80]  }
0xfc: {  	v2 =	vld [tilespmem:$0x13A90]  }
0xfd: {  	v3 =	vld [tilespmem:$0x13AA0]  }
0xfe: {  	v4 =	vld [tilespmem:$0x13AB0]  }
0xff: {  	v5 =	vld [tilespmem:$0x13AC0]  }
0x100: {  	v1 =	vadd.s32 v0, v1  }
0x101: {  	[tilespmem:$0x13A80] =	vst v1;
	v1 =	vadd.s32 v0, v2  }
.Ltmp23:
0x102: {  	[tilespmem:$0x13A90] =	vst v1;
	v1 =	vadd.s32 v0, v3;
	(pc) =	sbr.rel @p2 .LBB2_25-.Ltmp23, $4  }
.Ltmp24:
0x103: {  	[tilespmem:$0x13AA0] =	vst v1;
	v1 =	vadd.s32 v0, v4;
	(pc) =	sbr.rel @!p2 .LBB2_26-.Ltmp24, $4  }
0x104: {  	[tilespmem:$0x13AB0] =	vst v1;
	v1 =	vadd.s32 v0, v5  }
0x105: {  	s7 =	simm.s32 $0x13A80;
	p3 =	por $0x1, $0x1;
	[tilespmem:$0x13AC0] =	vst v1  }
0x106: {  	[tilespmem:s16], [sflag:$0x11] =	stream.indirect.gather [hbm4b:s0+s15], $0x80, s7, s15, $0xb8;
	[tilespmem:$0x1E080] =	vst v63  }
0x107: {  	_ = 	snop  }
.LBB2_24:
.Ltmp25:
0x108: {  	(pc) =	sbr.rel @!p2 .LBB2_29-.Ltmp25, $2  }
0x109: {  	_ =	sdelay $0x2  }
0x10a: {  	p3 =	por $0x0, $0x0  }
.LBB2_25:
0x10b: {  	s7 =	simm.s32 $0x13  }
0x10c: {  	_ =	swait.ge [sflag:s7], $0x2800  }
0x10d: {  	[sflag:s7] =	ssyncset.done $0x0  }
0x10e: {  	s17 =	simm.s32 $0xB;
	[sflag:s7] =	ssyncadd.s32 $0xFFFFD800  }
0x10f: {  	_ =	swait.ge [sflag:s17], $0x50  }
0x110: {  	[sflag:s17] =	ssyncset.done $0x0  }
0x111: {  	s24 =	simm.s32 $0x13D80;
	s29 =	simm.s32 $0x17;
	[sflag:s17] =	ssyncadd.s32 $0xFFFFFFB0  }
0x112: {  	[spmem:s3] =	stream.indirect.scatter.add.f32 [tilespmem:s31], [sflag:$0x17], $0x80, s24, s15, $0xb8;
	[tilespmem:$0x1E080] =	vst v63  }
0x113: {  	_ =	swait.ge [sflag:s29], $0x2800  }
0x114: {  	[sflag:s29] =	ssyncset.done $0x0  }
0x115: {  	[sflag:s29] =	ssyncadd.s32 $0xFFFFD800  }
.LBB2_26:
0x116: {  	s7 =	sadd.s32 $0xFFFFFFFF, s10  }
0x117: {  	p2 =	slt.u32 s7, $0x7D  }
.Ltmp26:
0x118: {  	_ = 	snop;
	(pc) =	sbr.rel @!p2 .LBB2_27-.Ltmp26, $1  }
0x119: {  	_ =	sdelay $0x3  }
.LBB2_30:
.Ltmp27:
0x11a: {  	(pc) =	sbr.rel .LBB2_31-.Ltmp27, $4  }
0x11b: {  	s7 =	sadd.s32 $0x3C, s20;
	s17 =	simm.s32 $0x13B80  }
0x11c: {  	[tilespmem:s17], [sflag:$0x7] =	stream.linear.gather [hbm4b:s7+s4], $0x50, $0x38;
	[tilespmem:$0x1E080] =	vst v63  }
0x11d: {  	s24 =	sadd.s32 $0x3C, s28;
	s29 =	simm.s32 $0x13F80;
	p2 =	por $0x1, $0x1  }
0x11e: {  	[tilespmem:s29], [sflag:$0xF] =	stream.linear.gather [hbm4b:s24+s4], $0x50, $0x38;
	[tilespmem:$0x1E080] =	vst v63  }
.LBB2_27:
.Ltmp28:
0x11f: {  	(pc) =	sbr.rel @p5 .LBB2_28-.Ltmp28, $2  }
0x120: {  	_ =	sdelay $0x2  }
0x121: {  	p2 =	por $0x0, $0x0  }
.LBB2_31:
0x122: {  	_ =	swait.ge [sflag:s6], $0x50  }
0x123: {  	[sflag:s6] =	ssyncset.done $0x0  }
0x124: {  	[sflag:s6] =	ssyncadd.s32 $0xFFFFFFB0  }
0x125: {  	v1 =	vld [tilespmem:$0x13B00]  }
0x126: {  	v2 =	vld [tilespmem:$0x13B10]  }
0x127: {  	v3 =	vld [tilespmem:$0x13B20]  }
0x128: {  	v4 =	vld [tilespmem:$0x13B30]  }
0x129: {  	v5 =	vld [tilespmem:$0x13B40]  }
0x12a: {  	v1 =	vadd.s32 v0, v1  }
0x12b: {  	[tilespmem:$0x13B00] =	vst v1;
	v1 =	vadd.s32 v0, v2  }
.Ltmp29:
0x12c: {  	[tilespmem:$0x13B10] =	vst v1;
	v1 =	vadd.s32 v0, v3;
	(pc) =	sbr.rel @!p1 .LBB2_33-.Ltmp29, $4  }
0x12d: {  	[tilespmem:$0x13B20] =	vst v1;
	v1 =	vadd.s32 v0, v4  }
0x12e: {  	[tilespmem:$0x13B30] =	vst v1;
	v1 =	vadd.s32 v0, v5  }
0x12f: {  	s7 =	simm.s32 $0x13B00;
	[tilespmem:$0x13B40] =	vst v1  }
0x130: {  	[tilespmem:s21], [sflag:$0x12] =	stream.indirect.gather [hbm4b:s0+s15], $0x80, s7, s15, $0xb8;
	[tilespmem:$0x1E080] =	vst v63  }
.LBB2_32:
0x131: {  	_ =	swait.ge [sflag:s22], $0x2800  }
0x132: {  	[sflag:s22] =	ssyncset.done $0x0  }
0x133: {  	s7 =	simm.s32 $0xC;
	[sflag:s22] =	ssyncadd.s32 $0xFFFFD800  }
0x134: {  	_ =	swait.ge [sflag:s7], $0x50  }
0x135: {  	[sflag:s7] =	ssyncset.done $0x0  }
0x136: {  	s29 =	simm.s32 $0x1B880;
	s17 =	simm.s32 $0x13E00;
	[sflag:s7] =	ssyncadd.s32 $0xFFFFFFB0  }
0x137: {  	[spmem:s3] =	stream.indirect.scatter.add.f32 [tilespmem:s29], [sflag:$0x18], $0x80, s17, s15, $0xb8;
	[tilespmem:$0x1E080] =	vst v63  }
0x138: {  	_ =	swait.ge [sflag:s26], $0x2800  }
0x139: {  	[sflag:s26] =	ssyncset.done $0x0  }
0x13a: {  	[sflag:s26] =	ssyncadd.s32 $0xFFFFD800  }
.LBB2_33:
0x13b: {  	p1 =	sgt.u32 s10, $0x7C  }
.Ltmp30:
0x13c: {  	_ = 	snop;
	(pc) =	sbr.rel @p1 .LBB2_35-.Ltmp30, $1  }
0x13d: {  	_ =	sdelay $0x3  }
.Ltmp31:
0x13e: {  	(pc) =	sbr.rel .LBB2_36-.Ltmp31, $4  }
0x13f: {  	s7 =	sadd.s32 $0x46, s20;
	s17 =	simm.s32 $0x13C00  }
0x140: {  	[tilespmem:s17], [sflag:$0x8] =	stream.linear.gather [hbm4b:s7+s4], $0x50, $0x38;
	[tilespmem:$0x1E080] =	vst v63  }
0x141: {  	s28 =	sadd.s32 $0x46, s28;
	s29 =	simm.s32 $0x14000  }
0x142: {  	[tilespmem:s29], [sflag:$0x10] =	stream.linear.gather [hbm4b:s28+s4], $0x50, $0x38;
	[tilespmem:$0x1E080] =	vst v63  }
.LBB2_35:
.Ltmp32:
0x143: {  	(pc) =	sbr.rel @!p2 .LBB2_37-.Ltmp32, $1  }
0x144: {  	_ =	sdelay $0x3  }
.LBB2_36:
0x145: {  	_ =	swait.ge [sflag:s23], $0x50  }
0x146: {  	[sflag:s23] =	ssyncset.done $0x0  }
0x147: {  	[sflag:s23] =	ssyncadd.s32 $0xFFFFFFB0  }
0x148: {  	v1 =	vld [tilespmem:$0x13B80]  }
0x149: {  	v2 =	vld [tilespmem:$0x13B90]  }
0x14a: {  	v3 =	vld [tilespmem:$0x13BA0]  }
0x14b: {  	v4 =	vld [tilespmem:$0x13BB0]  }
0x14c: {  	v5 =	vld [tilespmem:$0x13BC0]  }
0x14d: {  	v1 =	vadd.s32 v0, v1  }
0x14e: {  	[tilespmem:$0x13B80] =	vst v1;
	v1 =	vadd.s32 v0, v2  }
.Ltmp33:
0x14f: {  	[tilespmem:$0x13B90] =	vst v1;
	v1 =	vadd.s32 v0, v3;
	(pc) =	sbr.rel @p3 .LBB2_38-.Ltmp33, $4  }
.Ltmp34:
0x150: {  	[tilespmem:$0x13BA0] =	vst v1;
	v1 =	vadd.s32 v0, v4;
	(pc) =	sbr.rel @!p3 .LBB2_39-.Ltmp34, $4  }
0x151: {  	[tilespmem:$0x13BB0] =	vst v1;
	v1 =	vadd.s32 v0, v5  }
0x152: {  	s7 =	simm.s32 $0x13B80;
	[tilespmem:$0x13BC0] =	vst v1  }
0x153: {  	[tilespmem:s31], [sflag:$0x13] =	stream.indirect.gather [hbm4b:s0+s15], $0x80, s7, s15, $0xb8;
	[tilespmem:$0x1E080] =	vst v63  }
0x154: {  	_ = 	snop  }
.LBB2_37:
.Ltmp35:
0x155: {  	(pc) =	sbr.rel @!p3 .LBB2_39-.Ltmp35, $4  }
.Ltmp36:
0x156: {  	(pc) =	sbr.rel @p3 .LBB2_38-.Ltmp36, $4  }
0x157: {  	_ = 	snop  }
0x158: {  	_ = 	snop  }
0x159: {  	_ = 	snop  }
0x15a: {  	_ = 	snop  }
.LBB2_29:
0x15b: {  	s7 =	sadd.s32 $0xFFFFFFFF, s10  }
0x15c: {  	p2 =	sgt.u32 s7, $0x7C  }
.Ltmp37:
0x15d: {  	_ = 	snop;
	(pc) =	sbr.rel @!p2 .LBB2_30-.Ltmp37, $2  }
0x15e: {  	_ =	sdelay $0x2  }
0x15f: {  	p3 =	por $0x0, $0x0  }
.LBB2_28:
.Ltmp38:
0x160: {  	(pc) =	sbr.rel @!p1 .LBB2_33-.Ltmp38, $4  }
.Ltmp39:
0x161: {  	(pc) =	sbr.rel @p1 .LBB2_32-.Ltmp39, $4  }
0x162: {  	_ = 	snop  }
0x163: {  	_ = 	snop  }
0x164: {  	p2 =	por $0x0, $0x0  }
0x165: {  	_ = 	snop  }
.LBB2_41:
0x166: {  	_ =	sfence.sel $0x180000  }
0x167: {  	[bflag:$0x0] =	sbarrier.arrive $0xFFFF  }
0x168: {  	_ =	strace $0x9000004D  }
0x169: {  	s0 =	stileid.u32;
	[bflag:$0x2] =	sbarrier.arrive $0xFFFF  }
0x16a: {  	p0 =	sne.s32 s0, $0x0;
	s0 =	rddreg [dreg:$0x3]  }
0x16b: {  	s0 =	sadd.s32 @!p0 $0x100000, s0  }
0x16c: {  	[sflag:s0] =	ssyncadd.tile.s32 @!p0 $0x1;
	_ =	shalt  }
.Lfunc_end2:
_tile_overlayer_lowered:
.L_overlay_start_2:
0x16d: {  	(tag) =	ssettag $0x2  }
0x16e: {  	s0 =	rddreg [dreg:$0x0];
	s2 =	stileid.u32  }
0x16f: {  	s1 =	rddreg [dreg:$0x1];
	p0 =	sne.s32 s2, $0x0  }
0x170: {  	s3 =	rddreg [dreg:$0x2];
	[bflag:$0x3] =	sbarrier.arrive $0xFFFF;
	s2 =	simm.s32 @!p0 $0x1C19  }
0x171: {  	[timem:s3], [sflag:s2] =	dma.local @!p0 [hbm:s0], s1  }
0x172: {  	s0 =	simm.s32 @!p0 $0x19  }
0x173: {  	_ =	swait.ge @!p0 [sflag:s0], s1  }
0x174: {  	s1 =	ssub.s32 @!p0 $0x0, s1;
	[sflag:s0] =	ssyncset.done @!p0 $0x0  }
0x175: {  	[sflag:s0] =	ssyncadd.s32 @!p0 s1  }
0x176: {  	[bflag:$0x3] =	sbarrier.arrive $0xFFFF  }
0x177: {  	_ =	shalt  }

// kernel: kernel.8.cloned.1.call-start
scs
__scs_entry_jumppad:
0x0: {  	(pc) =	sbr.rel $0x88, $3  }
0x1: {  	(tag) =	ssettag $0x0;
	lr =	simm.s32 $0x1  }
0x2: {  	[smem:$0x3F9B] =	sst lr;
	_ =	strace $0xD0000000  }
0x3: {  	_ = 	snop  }
0x4: {  	_ = 	snop  }
0x5: {  	_ = 	snop  }
0x6: {  	_ = 	snop  }
0x7: {  	_ = 	snop  }
__scs_overlays_trampoline_lowered:
0x8: {  	[smem:$0x3FAA] =	sst s0  }
0x9: {  	[smem:$0x3FAB] =	sst s1  }
0xa: {  	[smem:$0x3FAC] =	sst s2  }
0xb: {  	[smem:$0x3FAD] =	sst s3  }
0xc: {  	[smem:$0x3FAE] =	sst s4  }
0xd: {  	[smem:$0x3FAF] =	sst s5  }
0xe: {  	[smem:$0x3FB0] =	sst s6  }
0xf: {  	[smem:$0x3FB1] =	sst s7  }
0x10: {  	[smem:$0x3FB2] =	sst s8  }
0x11: {  	[smem:$0x3FB3] =	sst s9;
	s0 =	simm.s32 @!p0 $0x0  }
0x12: {  	s1 =	sld [smem:$0x3F99];
	s0 =	simm.s32 @p0 $0x1  }
0x13: {  	[smem:$0x3FB4] =	sst s0;
	s0 =	simm.s32 @!p1 $0x0  }
0x14: {  	s2 =	sld [smem:$0x3F98];
	s0 =	simm.s32 @p1 $0x1  }
0x15: {  	[smem:$0x3FB5] =	sst s0;
	s0 =	simm.s32 @!p2 $0x0  }
0x16: {  	s3 =	sld [smem:$0x3FDB];
	s0 =	simm.s32 @p2 $0x1  }
0x17: {  	s4 =	simm.s32 $0x1BF5;
	[smem:$0x3FB7] =	sst s0  }
0x18: {  	s0 =	sld [smem:$0x3F9A];
	_ =	swait.ge [sflag:s4], $0x0  }
0x19: {  	s7 =	sld [smem:$0x3F9B]  }
0x1a: {  	s8 =	sadd.s32 $0xFFFFE003, lr  }
0x1b: {  	s9 =	sadd.s32 $0xFFFFFEF7, lr;
	s5 =	simm.s32 $0xFFFFFFFF;
	p2 =	slt.u32 s8, $0xFFFFF086  }
0x1c: {  	p1 =	slt.u32 s9, $0xF7A;
	s5 =	simm.s32 @!p2 $0x0  }
0x1d: {  	s5 =	simm.s32 @p1 $0x1;
	p0 =	seq.s32 s7, s2  }
0x1e: {  	s7 =	smul.u32 @!p0 $0xF7A, s2;
	p2 =	seq.s32 @!p0 s5, $0x0  }
0x1f: {  	s9 =	smul.u32 $0xF7A, s1;
	s8 =	simm.s32 @!p0 $0x1BF5;
	p2 =	por !p2, p0  }
0x20: {  	[sflag:s8] =	ssyncset.s32 @!p0 $0xFFFFF086;
	s6 =	sadd.s32 @!p0 s3, s7;
	s7 =	simm.s32 @!p0 $0x108  }
0x21: {  	s3 =	sadd.s32 s3, s9;
	s6 =	sadd.s32 @!p0 $0x88, s6;
	s7 =	simm.s32 @p2 $0x1082  }
0x22: {  	[simem:s7], [sflag:s8] =	dma.local @!p0 [hbm:s6], $0xF7A  }
0x23: {  	s9 =	sor.u32 $0xD0000000, s2;
	s6 =	simm.s32 $0x108;
	_ =	swait.ge @!p0 [sflag:s8], $0x0  }
0x24: {  	s3 =	sadd.s32 $0x88, s3;
	s6 =	simm.s32 @!p1 $0x1082;
	[sflag:s4] =	ssyncset.s32 $0xFFFFF086  }
0x25: {  	[simem:s6], [sflag:s4] =	dma.local [hbm:s3], $0xF7A  }
0x26: {  	[smem:$0x3F9B] =	sst s1;
	(tag) =	ssettag s2;
	_ =	strace s9  }
0x27: {  	s1 =	sld [smem:$0x3FAB]  }
0x28: {  	s2 =	sld [smem:$0x3FAC]  }
0x29: {  	s4 =	sld [smem:$0x3FAE]  }
0x2a: {  	p0 =	seq.s32 s5, $0x0;
	s5 =	sld [smem:$0x3FAF]  }
0x2b: {  	s6 =	sld [smem:$0x3FB0]  }
0x2c: {  	s7 =	sld [smem:$0x3FB1]  }
0x2d: {  	s3 =	simm.s32 $0x108;
	s8 =	sld [smem:$0x3FB2]  }
0x2e: {  	s3 =	simm.s32 @!p0 $0x1082;
	s9 =	sld [smem:$0x3FB3]  }
0x2f: {  	lr =	sadd.s32 s0, s3;
	s0 =	sld [smem:$0x3FAA]  }
0x30: {  	s3 =	sld [smem:$0x3FAD]  }
0x31: {  	[smem:$0x3FB6] =	sst s10  }
0x32: {  	s10 =	sld [smem:$0x3FB4];
	_ =	sdelay $0x3  }
0x33: {  	p0 =	seq.s32 s10, $0x1;
	s10 =	sld [smem:$0x3FB6];
	_ =	sdelay $0x3  }
0x34: {  	[smem:$0x3FB6] =	sst s10  }
0x35: {  	s10 =	sld [smem:$0x3FB5];
	_ =	sdelay $0x3  }
0x36: {  	p1 =	seq.s32 s10, $0x1;
	s10 =	sld [smem:$0x3FB6];
	_ =	sdelay $0x3  }
0x37: {  	[smem:$0x3FB6] =	sst s10  }
0x38: {  	s10 =	sld [smem:$0x3FB7]  }
0x39: {  	_ = 	snop;
	(pc) =	sbr.ind lr, $3  }
0x3a: {  	_ = 	snop  }
0x3b: {  	_ = 	snop  }
0x3c: {  	p2 =	seq.s32 s10, $0x1;
	s10 =	sld [smem:$0x3FB6]  }
0x3d: {  	_ =	shalt  }
0x3e: {  	_ =	shalt  }
0x3f: {  	_ =	shalt  }
0x40: {  	_ =	shalt  }
0x41: {  	_ =	shalt  }
0x42: {  	_ =	shalt  }
0x43: {  	_ =	shalt  }
0x44: {  	_ =	shalt  }
0x45: {  	_ =	shalt  }
0x46: {  	_ =	shalt  }
0x47: {  	_ =	shalt  }
0x48: {  	_ =	shalt  }
0x49: {  	_ =	shalt  }
0x4a: {  	_ =	shalt  }
0x4b: {  	_ =	shalt  }
0x4c: {  	_ =	shalt  }
0x4d: {  	_ =	shalt  }
0x4e: {  	_ =	shalt  }
0x4f: {  	_ =	shalt  }
0x50: {  	_ =	shalt  }
0x51: {  	_ =	shalt  }
0x52: {  	_ =	shalt  }
0x53: {  	_ =	shalt  }
0x54: {  	_ =	shalt  }
0x55: {  	_ =	shalt  }
0x56: {  	_ =	shalt  }
0x57: {  	_ =	shalt  }
0x58: {  	_ =	shalt  }
0x59: {  	_ =	shalt  }
0x5a: {  	_ =	shalt  }
0x5b: {  	_ =	shalt  }
0x5c: {  	_ =	shalt  }
0x5d: {  	_ =	shalt  }
0x5e: {  	_ =	shalt  }
0x5f: {  	_ =	shalt  }
0x60: {  	_ =	shalt  }
0x61: {  	_ =	shalt  }
0x62: {  	_ =	shalt  }
0x63: {  	_ =	shalt  }
0x64: {  	_ =	shalt  }
0x65: {  	_ =	shalt  }
0x66: {  	_ =	shalt  }
0x67: {  	_ =	shalt  }
0x68: {  	_ =	shalt  }
0x69: {  	_ =	shalt  }
0x6a: {  	_ =	shalt  }
0x6b: {  	_ =	shalt  }
0x6c: {  	_ =	shalt  }
0x6d: {  	_ =	shalt  }
0x6e: {  	_ =	shalt  }
0x6f: {  	_ =	shalt  }
0x70: {  	_ =	shalt  }
0x71: {  	_ =	shalt  }
0x72: {  	_ =	shalt  }
0x73: {  	_ =	shalt  }
0x74: {  	_ =	shalt  }
0x75: {  	_ =	shalt  }
0x76: {  	_ =	shalt  }
0x77: {  	_ =	shalt  }
0x78: {  	_ =	shalt  }
0x79: {  	_ =	shalt  }
0x7a: {  	_ =	shalt  }
0x7b: {  	_ =	shalt  }
0x7c: {  	_ =	shalt  }
0x7d: {  	_ =	shalt  }
0x7e: {  	_ =	shalt  }
0x7f: {  	_ =	shalt  }
0x80: {  	_ =	shalt  }
0x81: {  	_ =	shalt  }
0x82: {  	_ =	shalt  }
0x83: {  	_ =	shalt  }
0x84: {  	_ =	shalt  }
0x85: {  	_ =	shalt  }
0x86: {  	_ =	shalt  }
0x87: {  	_ =	shalt  }
.Lfunc_end0:
.L_simem_size_0:
called_computation_lowered:
.L_overlay_start_0:
0x88: {  	s2 =	sld [smem:$0x3FD9]  }
0x89: {  	s3 =	sld [smem:$0x3FFE];
	_ =	sdelay $0x1  }
0x8a: {  	s1 =	srdreg.scid  }
0x8b: {  	s0 =	sand.u32 $0x1, s1  }
0x8c: {  	s17 =	sshll.u32 s0, $0xA;
	s2 =	sadd.s32 s3, s2  }
0x8d: {  	s2 =	sadd.s32 s2, s17  }
0x8e: {  	[smem:$0x3FC2] =	sst s2  }
0x8f: {  	_ = 	snop  }
0x90: {  	s2 =	sld [smem:$0x3FD0];
	(tm) =	ssettm $0x1  }
0x91: {  	s18 =	sld [smem:$0x3FFB];
	_ =	sdelay $0x3  }
0x92: {  	_ =	strace s18  }
0x93: {  	s3 =	sld [smem:$0x3FFC];
	_ =	sdelay $0x3  }
0x94: {  	_ =	strace s3  }
0x95: {  	s3 =	sld [smem:$0x3FFD];
	_ =	sdelay $0x3  }
0x96: {  	_ =	strace s3  }
0x97: {  	_ =	strace $0x8FFFFFFF  }
0x98: {  	s19 =	sld [smem:$0x3FDB];
	_ =	sdelay $0x1  }
0x99: {  	s4 =	simm.s32 $_scs_section_size  }
0x9a: {  	s5 =	simm.s32 $_size__tile_overlayer_lowered;
	s6 =	simm.s32 $_tile_overlayer_lowered  }
0x9b: {  	s22 =	simm.s32 $0x1BFF;
	s21 =	sshll.u32 s6, $0x1;
	s3 =	sadd.s32 s4, s19  }
0x9c: {  	s7 =	simm.s32 $0x0;
	s20 =	sshll.u32 s5, $0x1;
	s5 =	sadd.s32 s21, s3  }
0x9d: {  	[timem:s7], [sflag:s22] =	dma.local [hbm:s5], s20  }
0x9e: {  	_ =	swait.ge [sflag:s22], s20  }
0x9f: {  	s4 =	ssub.s32 $0x0, s20;
	[sflag:s22] =	ssyncset.done $0x0  }
0xa0: {  	[sflag:s22] =	ssyncadd.s32 s4;
	_ =	sdelay $0x1  }
0xa1: {  	s23 =	simm.s32 $0x1B8B  }
0xa2: {  	_ =	swait.ge [sflag:s23], $0x1  }
0xa3: {  	[sflag:s23] =	ssyncset.done $0x0  }
0xa4: {  	s25 =	simm.s32 $0x1B8E;
	s24 =	sld [smem:$0x3FFE];
	[sflag:s23] =	ssyncadd.s32 $0xFFFFFFFF  }
0xa5: {  	s26 =	simm.s32 $execute0_lowered;
	[smem:$0x3FD2] =	sst s25  }
0xa6: {  	s5 =	sshll.u32 s26, $0x1;
	_ =	strace $0x80000046;
	[dreg:$0x1] =	wrdreg $0xFFFFFFFF  }
0xa7: {  	s28 =	simm.s32 $_size_execute0_lowered;
	s3 =	sadd.s32 s3, s5;
	[dreg:$0x0] =	wrdreg $0x0  }
0xa8: {  	s5 =	sshll.u32 s28, $0x1;
	[dreg:$0x2] =	wrdreg s3  }
0xa9: {  	[dreg:$0x3] =	wrdreg s5  }
0xaa: {  	[dreg:$0x4] =	wrdreg $0xC0  }
0xab: {  	_ =	task [dreg:s7], $0x5FFFF  }
0xac: {  	[dreg:$0x1] =	wrdreg $0xFFFFFFFF  }
0xad: {  	[dreg:$0x0] =	wrdreg $0x60  }
0xae: {  	[dreg:$0x2] =	wrdreg s24  }
0xaf: {  	[dreg:$0x3] =	wrdreg s2  }
0xb0: {  	[dreg:$0x4] =	wrdreg $0x9  }
0xb1: {  	_ =	task.clear_ibuf [dreg:s7], $0x5FFFF;
	_ =	strace $0x90000046  }
0xb2: {  	s29 =	simm.s32 $0x9;
	_ =	strace $0x80000048  }
0xb3: {  	_ =	swait.ge [sflag:s29], $0x1  }
0xb4: {  	[sflag:s29] =	ssyncadd.s32 $0xFFFFFFFF  }
0xb5: {  	_ =	strace $0x90000048  }
0xb6: {  	_ =	sfence  }
0xb7: {  	s30 =	sld [smem:$0x0];
	_ =	sdelay $0x2  }
0xb8: {  	s31 =	sshll.u32 s1, $0xD;
	s1 =	sshrl.u32 s1, $0x2  }
0xb9: {  	s3 =	sand.u32 $0x4000, s31;
	s1 =	sadd.s32 s1, s30  }
0xba: {  	s0 =	sor.u32 s3, s0;
	s1 =	sshll.u32 s1, $0x11  }
0xbb: {  	s0 =	sor.u32 s1, s0  }
0xbc: {  	s0 =	sadd.s32 $0x8F2B, s0  }
0xbd: {  	[sflag:s0] =	ssyncadd.remote.s32 $0x1  }
0xbe: {  	_ =	sfence.sel $0xFFFF  }
0xbf: {  	[dreg:$0x0] =	wrdreg $0xFFFFFFFF;
	(pc) =	sbr.abs _section_cstart, $3  }
0xc0: {  	[dreg:$0x1] =	wrdreg $0xFFFFFFFF  }
0xc1: {  	_ =	task.clear_ibuf [dreg:s7], $0x2FFFF;
	_ =	strace $0x9FFFFFFF  }
0xc2: {  	(tm) =	ssettm $0x7FFFFFFF  }
0xc3: {  	_ =	shalt  }
tec
execute0_lowered:
.L_overlay_start_1:
0x0: {  	(tag) =	ssettag $0x1  }
0x1: {  	s0 =	srdreg.scid;
	s3 =	rddreg [dreg:$0x0]  }
0x2: {  	s5 =	rddreg [dreg:$0x1];
	s1 =	stileid.u32;
	s4 =	sand.u32 $0x1, s0  }
0x3: {  	s9 =	simm.s32 $0x400;
	s0 =	rddreg [dreg:$0x2];
	s2 =	sshll.u32 s4, $0x4  }
0x4: {  	s8 =	sshll.u32 s1, $0x7;
	s4 =	ssub.s32 $0x2, s4;
	s6 =	sor.u32 s1, s2  }
0x5: {  	s2 =	simm.s32 $0x0;
	s7 =	smul.u32 $0x271, s6;
	s6 =	sshrl.u32 s6, $0x3  }
0x6: {  	s8 =	sand.u32 $0x380, s8;
	[smem:$0x7FF] =	sst s2;
	s6 =	smul.u32 $0x14000, s6  }
0x7: {  	s30 =	sshrl.u32 s4, $0x1;
	_ =	strace $0x80000047;
	s3 =	sadd.s32 s7, s3  }
0x8: {  	s7 =	ssub.s32 s4, s30;
	s6 =	sor.u32 s8, s6;
	s3 =	sadd.s32 $0x6200, s3  }
0x9: {  	s8 =	simm.s32 $0x80;
	s31 =	sshrl.u32 s6, $0x3;
	s6 =	simm.s32 $0x1  }
0xa: {  	v0 =	vimm.f32 $0.0e+00;
	v1 =	vimm.s32 $0x0;
	v2 =	vimm.f32 $1.000000000e+00;
	s4 =	sadd.s32 s5, s31;
	s5 =	smax.u32 s7, $0x1;
	s7 =	simm.s32 $0x1400  }
.LBB2_1:
0xb: {  	s10 =	simm.s32 $0x40;
	s11 =	simm.s32 $0x0  }
.LBB2_2:
0xc: {  	p0 =	sne.s32 s10, $0x9FC0;
	[tilespmem:s11+$0x1400] =	vst v0;
	s11 =	smov.u32 s10;
	s10 =	sadd.s32 $0x40, s10  }
.Ltmp0:
0xd: {  	(pc) =	sbr.rel @p0 .LBB2_2-.Ltmp0, $2  }
0xe: {  	_ =	sdelay $0x2  }
0xf: {  	s11 =	sshra.s32 s11, $0x2  }
0x10: {  	[tilespmem:s11+$0x1400] =	vst v0  }
0x11: {  	s10 =	simm.s32 $0x0;
	[tilespmem:$0x1380] =	vst v1  }
0x12: {  	[tilespmem:s10], [sflag:$0x1] =	stream.linear.gather [hbm4b:s3+s10], $0x1388, $0x38;
	[tilespmem:$0x3C00] =	vst v63  }
0x13: {  	_ =	swait.ge [sflag:s6], $0x1388  }
0x14: {  	[sflag:s6] =	ssyncset.done $0x0  }
0x15: {  	s11 =	simm.s32 $0x0;
	s10 =	simm.s32 $0x40;
	[sflag:s6] =	ssyncadd.s32 $0xFFFFEC78  }
.LBB2_4:
0x16: {  	p0 =	sne.s32 s10, $0x4DC0;
	v3 =	vld [tilespmem:s11+$0x0];
	_ =	sdelay $0x3  }
.Ltmp1:
0x17: {  	(pc) =	sbr.rel @p0 .LBB2_4-.Ltmp1, $2  }
0x18: {  	_ =	sdelay $0x2  }
0x19: {  	s11 =	sshra.s32 s10, $0x2;
	s10 =	sadd.s32 $0x40, s10;
	[tilespmem:v3+s7+$0x0] =	vst.idx.add.f32.msk $0xffff, v2  }
0x1a: {  	v3 =	vld [tilespmem:s11+$0x0];
	_ =	sdelay $0x7  }
0x1b: {  	[tilespmem:v3+s7+$0x0] =	vst.idx.add.f32.msk $0xffff, v2  }
0x1c: {  	v3 =	vld [tilespmem:$0x1380];
	_ =	sdelay $0x5  }
0x1d: {  	s2 =	sadd.s32 $0x1, s2  }
0x1e: {  	p0 =	sne.s32 s2, s5  }
.Ltmp2:
0x1f: {  	[tilespmem:v3+s7+$0x0] =	vst.idx.add.f32.msk $0xff, v2;
	(pc) =	sbr.rel @p0 .LBB2_1-.Ltmp2, $4  }
0x20: {  	[hbm4b:s4+s8] =	stream.strided.scatter [tilespmem:s7], [sflag:$0x1], $0x2800, s9, s8, $0x38;
	[tilespmem:$0x3C00] =	vst v63  }
0x21: {  	_ =	swait.ge [sflag:s6], $0x2800  }
0x22: {  	[sflag:s6] =	ssyncset.done $0x0  }
0x23: {  	[sflag:s6] =	ssyncadd.s32 $0xFFFFD800  }
0x24: {  	_ =	sfence.sel $0x180000  }
0x25: {  	[bflag:$0x0] =	sbarrier.arrive $0xFFFF  }
0x26: {  	p0 =	sne.s32 s1, $0x0;
	_ =	strace $0x90000047  }
0x27: {  	s0 =	sadd.s32 @!p0 $0x100000, s0;
	[bflag:$0x2] =	sbarrier.arrive $0xFFFF  }
0x28: {  	[sflag:s0] =	ssyncadd.tile.s32 @!p0 $0x1;
	_ =	shalt  }
.Lfunc_end2:
_tile_overlayer_lowered:
.L_overlay_start_2:
0x29: {  	(tag) =	ssettag $0x2  }
0x2a: {  	s0 =	rddreg [dreg:$0x0];
	s2 =	stileid.u32  }
0x2b: {  	s1 =	rddreg [dreg:$0x1];
	p0 =	sne.s32 s2, $0x0  }
0x2c: {  	s3 =	rddreg [dreg:$0x2];
	[bflag:$0x3] =	sbarrier.arrive $0xFFFF;
	s2 =	simm.s32 @!p0 $0x1C01  }
0x2d: {  	[timem:s3], [sflag:s2] =	dma.local @!p0 [hbm:s0], s1  }
0x2e: {  	s0 =	simm.s32 @!p0 $0x1  }
0x2f: {  	_ =	swait.ge @!p0 [sflag:s0], s1  }
0x30: {  	s1 =	ssub.s32 @!p0 $0x0, s1;
	[sflag:s0] =	ssyncset.done @!p0 $0x0  }
0x31: {  	[sflag:s0] =	ssyncadd.s32 @!p0 s1  }
0x32: {  	[bflag:$0x3] =	sbarrier.arrive $0xFFFF  }
0x33: {  	_ =	shalt  }

</sc_bundles>
